<compile_context>
chip_gen: v7x
topology: tpu7x:2x2x1
jax: 0.10.2.dev20260603
libtpu: 0.0.44.dev20260713+nightly
codegen_flags: <defaults>
</compile_context>

<pallas_src>
import jax
import jax.numpy as jnp
from jax import lax
from jax.experimental import pallas as pl
from jax.experimental.pallas import tpu as pltpu
from jax.experimental.pallas import tpu_sc as plsc

_N = 10000
_R = 3
_D = 128
_K = 32
_NSUB = 16
_NCORE = 2
_NHALF = _N // _NCORE
_SREL = _NHALF + 8
_ACC_RAW = _R * _SREL
_ACC_ROWS = _ACC_RAW + 32
_ROWS_PER_TILE = 944


def _seg_chunk(ebuf, segbuf, lo, lane):
    for g in range(_K // 16):
        d = ebuf[1, pl.ds(g * 16, 16)]
        t = ebuf[2, pl.ds(g * 16, 16)]
        dl = d - lo
        inrange = (dl >= 0) & (dl < _NHALF)
        trash = _ACC_RAW + ((lane + g * 16) & 31)
        segbuf[0, pl.ds(g * 16, 16)] = jnp.where(inrange, t * _SREL + dl,
                                                 trash)


def _zero_rows(rows, n, width=_D):
    def zrow(i, _):
        for l in range(width // 16):
            rows[i, pl.ds(l * 16, 16)] = jnp.zeros((16,), jnp.float32)
        return 0
    lax.fori_loop(0, n, zrow, 0)


def _tile_base(s):
    return jnp.minimum(s * _ROWS_PER_TILE, _ACC_ROWS - _ROWS_PER_TILE)


def _init_acc(rows, acc, s):
    tb = _tile_base(s)
    for k in range(_ROWS_PER_TILE // _K):
        pltpu.sync_copy(rows, acc.at[pl.ds(tb + k * _K, _K)])
    rem = _ROWS_PER_TILE % _K
    if rem:
        pltpu.sync_copy(
            rows.at[pl.ds(0, rem)],
            acc.at[pl.ds(tb + (_ROWS_PER_TILE // _K) * _K, rem)])


def _make_sc_sums(n_chunks_per_tile):
    n2 = n_chunks_per_tile // 2
    assert n_chunks_per_tile % 2 == 0 and n_chunks_per_tile >= 4

    scratch = [
        pltpu.VMEM((3, _K), jnp.int32),
        pltpu.VMEM((3, _K), jnp.int32),
        pltpu.VMEM((1, _K), jnp.int32),
        pltpu.VMEM((1, _K), jnp.int32),
        pltpu.VMEM((_K, _D), jnp.float32),
        pltpu.VMEM((_K, _D), jnp.float32),
        pltpu.SemaphoreType.DMA,
        pltpu.SemaphoreType.DMA,
        pltpu.VMEM_SHARED((_ACC_ROWS, _D), jnp.float32),
    ]

    def body(edges_hbm, table_hbm, sum_out,
             eb0, eb1, sg0, sg1, rw0, rw1, sem0, sem1, acc):
        c = lax.axis_index("c")
        s = lax.axis_index("s")
        lo = c * _NHALF
        lane = lax.iota(jnp.int32, 16)
        eb = (eb0, eb1)
        sg = (sg0, sg1)
        rw = (rw0, rw1)
        sem = (sem0, sem1)

        _zero_rows(rw0, _K)
        _init_acc(rw0, acc, s)
        plsc.subcore_barrier()

        def issue(slot, ch):
            pltpu.sync_copy(edges_hbm.at[ch], eb[slot])
            _seg_chunk(eb[slot], sg[slot], lo, lane)
            return pltpu.async_copy(table_hbm.at[eb[slot].at[0]], rw[slot],
                                    sem[slot])

        def drain(slot):
            pltpu.make_async_copy(table_hbm.at[eb[slot].at[0]], rw[slot],
                                  sem[slot]).wait()

        def scatter(slot):
            pltpu.sync_copy(rw[slot], acc.at[sg[slot].at[0]], add=True)

        issue(0, s)

        def pair_body(i2, _):
            b = 2 * i2 + 1
            issue(1, s + b * _NSUB)
            drain(0)
            scatter(0)
            nxt = jnp.minimum(b + 1, n_chunks_per_tile - 1)
            issue(0, s + nxt * _NSUB)
            drain(1)
            scatter(1)
            return 0

        lax.fori_loop(0, n2, pair_body, 0)
        drain(0)
        plsc.subcore_barrier()

        tb = _tile_base(s)
        pltpu.sync_copy(
            acc.at[pl.ds(tb, _ROWS_PER_TILE)],
            sum_out.at[c, pl.ds(tb, _ROWS_PER_TILE)])

    mesh = plsc.VectorSubcoreMesh(core_axis_name="c", subcore_axis_name="s")
    return pl.kernel(
        body,
        out_type=jax.ShapeDtypeStruct((_NCORE, _ACC_ROWS, _D), jnp.float32),
        mesh=mesh, scratch_types=scratch)


_CW = 32


def _make_sc_counts(n_chunks_per_tile):
    scratch = [
        pltpu.VMEM((3, _K), jnp.int32),
        pltpu.VMEM((3, _K), jnp.int32),
        pltpu.VMEM((1, _K), jnp.int32),
        pltpu.VMEM((1, _K), jnp.int32),
        pltpu.VMEM((_K, _CW), jnp.float32),
        pltpu.SemaphoreType.DMA,
        pltpu.SemaphoreType.DMA,
        pltpu.VMEM_SHARED((_ACC_ROWS, _CW), jnp.float32),
    ]

    def body(edges_hbm, cnt_out, eb0, eb1, sg0, sg1, rows, sem0, sem1,
             cntacc):
        c = lax.axis_index("c")
        s = lax.axis_index("s")
        lo = c * _NHALF
        lane = lax.iota(jnp.int32, 16)
        eb = (eb0, eb1)
        sg = (sg0, sg1)
        sem = (sem0, sem1)

        _zero_rows(rows, _K, _CW)
        _init_acc(rows, cntacc, s)

        def orow(i, _):
            for l in range(_CW // 16):
                rows[i, pl.ds(l * 16, 16)] = jnp.ones((16,), jnp.float32)
            return 0
        lax.fori_loop(0, _K, orow, 0)
        plsc.subcore_barrier()

        def load(slot, ch):
            return pltpu.async_copy(edges_hbm.at[ch], eb[slot], sem[slot])

        def drain(slot, ch):
            pltpu.make_async_copy(edges_hbm.at[ch], eb[slot],
                                  sem[slot]).wait()

        def scatter(slot):
            _seg_chunk(eb[slot], sg[slot], lo, lane)
            pltpu.sync_copy(rows, cntacc.at[sg[slot].at[0]], add=True)

        load(0, s)

        def pair_body(i2, _):
            a = 2 * i2
            b = a + 1
            load(1, s + b * _NSUB)
            drain(0, s)
            scatter(0)
            nxt = jnp.minimum(b + 1, n_chunks_per_tile - 1)
            load(0, s + nxt * _NSUB)
            drain(1, s)
            scatter(1)
            return 0

        lax.fori_loop(0, n_chunks_per_tile // 2, pair_body, 0)
        drain(0, s)
        plsc.subcore_barrier()

        tb = _tile_base(s)
        pltpu.sync_copy(
            cntacc.at[pl.ds(tb, _ROWS_PER_TILE)],
            cnt_out.at[c, pl.ds(tb, _ROWS_PER_TILE)])

    mesh = plsc.VectorSubcoreMesh(core_axis_name="c", subcore_axis_name="s")
    return pl.kernel(
        body,
        out_type=jax.ShapeDtypeStruct((_NCORE, _ACC_ROWS, _CW), jnp.float32),
        mesh=mesh, scratch_types=scratch)


def _make_dense(relu, n, block):
    grid = (n // block,)

    def body(xb, s0, s1, s2, c0, c1, c2, w0, w1, w2, rt, bb, ob):
        acc = jnp.dot(xb[...], rt[...], preferred_element_type=jnp.float32)
        acc = acc + jnp.dot(s0[...] / jnp.maximum(c0[...], 1.0), w0[...],
                            preferred_element_type=jnp.float32)
        acc = acc + jnp.dot(s1[...] / jnp.maximum(c1[...], 1.0), w1[...],
                            preferred_element_type=jnp.float32)
        acc = acc + jnp.dot(s2[...] / jnp.maximum(c2[...], 1.0), w2[...],
                            preferred_element_type=jnp.float32)
        acc = acc + bb[...]
        if relu:
            acc = jnp.maximum(acc, 0.0)
        ob[...] = acc

    node_spec = pl.BlockSpec((block, _D), lambda i: (i, 0))
    cnt_spec = pl.BlockSpec((block, 1), lambda i: (i, 0))
    w_spec = pl.BlockSpec((_D, _D), lambda i: (0, 0))
    b_spec = pl.BlockSpec((1, _D), lambda i: (0, 0))
    return pl.pallas_call(
        body,
        grid=grid,
        in_specs=[node_spec, node_spec, node_spec, node_spec,
                  cnt_spec, cnt_spec, cnt_spec,
                  w_spec, w_spec, w_spec, w_spec, b_spec],
        out_specs=node_spec,
        out_shape=jax.ShapeDtypeStruct((n, _D), jnp.float32),
    )


def kernel(x, edge_index, edge_type, W1, root1, b1, W2, root2, b2):
    e = edge_index.shape[1]
    chunks_total = -(-e // _K)
    n_chunks_per_tile = -(-chunks_total // _NSUB)
    n_chunks_per_tile = -(-n_chunks_per_tile // 2) * 2
    e_pad = n_chunks_per_tile * _NSUB * _K
    pad = e_pad - e

    src = edge_index[0]
    dst = edge_index[1]
    typ = edge_type
    if pad:
        src = jnp.concatenate([src, jnp.zeros((pad,), jnp.int32)])
        dst = jnp.concatenate([dst, jnp.full((pad,), -1, jnp.int32)])
        typ = jnp.concatenate([typ, jnp.zeros((pad,), jnp.int32)])

    edges3 = (jnp.stack([src, dst, typ], axis=0)
              .reshape(3, e_pad // _K, _K).transpose(1, 0, 2))

    sc_sums = _make_sc_sums(n_chunks_per_tile)
    sc_counts = _make_sc_counts(n_chunks_per_tile)
    dense_relu = _make_dense(True, _N, 1000)
    dense = _make_dense(False, _N, 1000)

    def split_sums(sums):
        return [sums[:, r * _SREL:r * _SREL + _NHALF, :].reshape(_N, _D)
                for r in range(_R)]

    cnt_raw = sc_counts(edges3)
    cnts = [cnt_raw[:, r * _SREL:r * _SREL + _NHALF, 0].reshape(_N, 1)
            for r in range(_R)]
    edges3 = edges3 + (cnt_raw[0, 0, :1].astype(jnp.int32) * 0)

    sum1 = sc_sums(edges3, x)
    s1 = split_sums(sum1)
    h1 = dense_relu(x, s1[0], s1[1], s1[2], cnts[0], cnts[1], cnts[2],
                    W1[0], W1[1], W1[2], root1, b1.reshape(1, _D))

    sum2 = sc_sums(edges3, h1)
    s2 = split_sums(sum2)
    out = dense(h1, s2[0], s2[1], s2[2], cnts[0], cnts[1], cnts[2],
                W2[0], W2[1], W2[2], root2, b2.reshape(1, _D))
    return out

# --- scband reference (transcript-rebuilt; emitter-appended) ---
"""Pipeline reference for scband-rgcn-2113123910282 (READ-ONLY COPY).

The authoritative reference and input builder live on the scoring server;
editing this copy changes nothing except your own understanding.
"""

import jax, jax.numpy as jnp
import numpy as np

N = 10000
E = 320000
R = 3
D_IN = 128
D_H = 128
D_OUT = 128


def setup_inputs(seed: int = 0) -> dict:
    key = jax.random.key(seed)
    ks = jax.random.split(key, 10)
    x = jax.random.normal(ks[0], (N, D_IN), dtype=jnp.float32)
    edge_index = jax.random.randint(ks[1], (2, E), 0, N, dtype=jnp.int32)
    edge_type = jax.random.randint(ks[2], (E,), 0, R, dtype=jnp.int32)
    W1 = jax.random.normal(ks[3], (R, D_IN, D_H), dtype=jnp.float32) * 0.05
    root1 = jax.random.normal(ks[4], (D_IN, D_H), dtype=jnp.float32) * 0.05
    b1 = jnp.zeros((D_H,), dtype=jnp.float32)
    W2 = jax.random.normal(ks[5], (R, D_H, D_OUT), dtype=jnp.float32) * 0.05
    root2 = jax.random.normal(ks[6], (D_H, D_OUT), dtype=jnp.float32) * 0.05
    b2 = jnp.zeros((D_OUT,), dtype=jnp.float32)
    return {"x": x, "edge_index": edge_index, "edge_type": edge_type,
            "W1": W1, "root1": root1, "b1": b1,
            "W2": W2, "root2": root2, "b2": b2}


def _rgcn_conv(x, W, root, bias, src, dst, edge_type, num_nodes):
    # per-relation transform: [R, N, D_out]
    h = jnp.einsum('ni,rio->rno', x, W)
    # gather message per edge with its relation's weight
    msg = h[edge_type, src]  # [E, D_out]
    # mean aggregation per (dst node, relation), as in PyG RGCNConv (aggr='mean')
    seg = dst * R + edge_type
    sums = jax.ops.segment_sum(msg, seg, num_segments=num_nodes * R)
    cnt = jax.ops.segment_sum(jnp.ones((msg.shape[0], 1), msg.dtype), seg,
                              num_segments=num_nodes * R)
    mean = sums / jnp.maximum(cnt, 1.0)
    agg = mean.reshape(num_nodes, R, -1).sum(axis=1)
    return agg + x @ root + bias


def reference(x, edge_index, edge_type, W1, root1, b1, W2, root2, b2):
    src = edge_index[0]
    dst = edge_index[1]
    h = _rgcn_conv(x, W1, root1, b1, src, dst, edge_type, N)
    h = jax.nn.relu(h)
    # dropout p=0.1 is identity in eval mode (training=False)
    out = _rgcn_conv(h, W2, root2, b2, src, dst, edge_type, N)
    return out

if __name__ == "__main__":
    import jax
    _d = setup_inputs()
    print(jax.jit(kernel)(*tuple(_d.values())))

</pallas_src>

<mosaic_0001>
#map = affine_map<(d0, d1) -> (0, 0, 0)>
module attributes {stable_mosaic.version = 14 : i64} {
  func.func @body(%arg0: i32, %arg1: i32, %arg2: memref<10016x3x32xi32, #tpu.memory_space<hbm>>, %arg3: memref<2x15056x32xf32, #tpu.memory_space<hbm>>, %arg4: memref<3x32xi32, #tpu.memory_space<vmem>>, %arg5: memref<3x32xi32, #tpu.memory_space<vmem>>, %arg6: memref<1x32xi32, #tpu.memory_space<vmem>>, %arg7: memref<1x32xi32, #tpu.memory_space<vmem>>, %arg8: memref<32x32xf32, #tpu.memory_space<vmem>>, %arg9: memref<!tpu.dma_semaphore, #tpu.memory_space<semaphore_mem>>, %arg10: memref<!tpu.dma_semaphore, #tpu.memory_space<semaphore_mem>>, %arg11: memref<15056x32xf32, #tpu.memory_space<vmem_shared>>) attributes {dimension_semantics = [#tpu.dimension_semantics<core_parallel>, #tpu.dimension_semantics<subcore_parallel>], iteration_bounds = array<i64: 2, 16>, scalar_prefetch = 0 : i64, scratch_operands = 8 : i64, tpu.core_type = #tpu.core_type<sc_vector_subcore>, window_params = [{transform_indices = #map}, {transform_indices = #map}]} {
    %mul3A = arith.constant 5000 : i32
    %mul3A_0 = arith.muli %arg0, %mul3A : i32
    %iota3A = tpu.iota {dimensions = array<i32: 0>} : vector<16xi32>
    %scan3A = arith.constant 0 : i32
    %scan3A_1 = arith.constant 0 : i32
    %scan3A_2 = arith.constant 32 : i32
    %scan3A_3 = arith.addi %scan3A_1, %scan3A_2 : i32
    %scan3A_4 = arith.constant 1 : i32
    %scan3A_5 = scf.for %scan3A_102 = %scan3A_1 to %scan3A_3 step %scan3A_4 iter_args(%scan3A_103 = %scan3A) -> (i32)  : i32 {
      %broadcast_in_dim3A = arith.constant 0.000000e+00 : f32
      %broadcast_in_dim3A_104 = vector.broadcast %broadcast_in_dim3A : f32 to vector<16xf32>
      %swap3A = arith.index_cast %scan3A_102 : i32 to index
      %swap3A_105 = arith.constant 0 : index
      %swap3A_106 = tpu.vector_load %arg8[%swap3A, %swap3A_105] {strides = array<i32>} : memref<32x32xf32, #tpu.memory_space<vmem>>, vector<1x16xf32>,
      %swap3A_107 = vector.shape_cast %swap3A_106 : vector<1x16xf32> to vector<16xf32>
      %swap3A_108 = vector.shape_cast %broadcast_in_dim3A_104 : vector<16xf32> to vector<1x16xf32>
      tpu.vector_store %arg8[%swap3A, %swap3A_105], %swap3A_108 {strides = array<i32>} : memref<32x32xf32, #tpu.memory_space<vmem>>, vector<1x16xf32>,
      %broadcast_in_dim3A_109 = arith.constant 0.000000e+00 : f32
      %broadcast_in_dim3A_110 = vector.broadcast %broadcast_in_dim3A_109 : f32 to vector<16xf32>
      %swap3A_111 = arith.index_cast %scan3A_102 : i32 to index
      %swap3A_112 = arith.constant 16 : index
      %swap3A_113 = tpu.vector_load %arg8[%swap3A_111, %swap3A_112] {strides = array<i32>} : memref<32x32xf32, #tpu.memory_space<vmem>>, vector<1x16xf32>,
      %swap3A_114 = vector.shape_cast %swap3A_113 : vector<1x16xf32> to vector<16xf32>
      %swap3A_115 = vector.shape_cast %broadcast_in_dim3A_110 : vector<16xf32> to vector<1x16xf32>
      tpu.vector_store %arg8[%swap3A_111, %swap3A_112], %swap3A_115 {strides = array<i32>} : memref<32x32xf32, #tpu.memory_space<vmem>>, vector<1x16xf32>,
      %scan3A_116 = arith.constant 0 : i32
      scf.yield %scan3A_116 : i32
    }
    %scan3A_6 = arith.constant 32 : i32
    %mul3A_7 = arith.constant 944 : i32
    %mul3A_8 = arith.muli %arg1, %mul3A_7 : i32
    %min3A = arith.constant 14112 : i32
    %min3A_9 = arith.minsi %mul3A_8, %min3A : i32
    %add3A = arith.constant 0 : i32
    %add3A_10 = arith.addi %min3A_9, %add3A : i32
    "tpu.region"() ({
      %run_scoped3A = tpu.sem_alloc : memref<!tpu.dma_semaphore, #tpu.memory_space<semaphore_mem>>
      %dma_start3A_102 = arith.constant 0 : i32
      %dma_start3A_103 = tpu.memref_slice %arg11[%add3A_10, %dma_start3A_102] : memref<15056x32xf32, #tpu.memory_space<vmem_shared>> -> memref<32x32xf32, #tpu.memory_space<vmem_shared>>
      %dma_start3A_104 = arith.constant 0 : i32
      %dma_start3A_105 = tpu.memref_slice %arg11[%add3A_10, %dma_start3A_104] : memref<15056x32xf32, #tpu.memory_space<vmem_shared>> -> memref<32x32xf32, #tpu.memory_space<vmem_shared>>
      tpu.enqueue_dma source(%arg8 : memref<32x32xf32, #tpu.memory_space<vmem>>) target(%dma_start3A_105 : memref<32x32xf32, #tpu.memory_space<vmem_shared>>) target_semaphore(%run_scoped3A : memref<!tpu.dma_semaphore, #tpu.memory_space<semaphore_mem>>)
      %dma_wait3A_106 = arith.constant 0 : i32
      %dma_wait3A_107 = tpu.memref_slice %arg11[%add3A_10, %dma_wait3A_106] : memref<15056x32xf32, #tpu.memory_space<vmem_shared>> -> memref<32x32xf32, #tpu.memory_space<vmem_shared>>
      %dma_wait3A_108 = arith.constant 0 : i32
      %dma_wait3A_109 = tpu.memref_slice %arg11[%add3A_10, %dma_wait3A_108] : memref<15056x32xf32, #tpu.memory_space<vmem_shared>> -> memref<32x32xf32, #tpu.memory_space<vmem_shared>>
      tpu.wait_dma2 semaphore(%run_scoped3A : memref<!tpu.dma_semaphore, #tpu.memory_space<semaphore_mem>>) src(%arg8 : memref<32x32xf32, #tpu.memory_space<vmem>>) dst(%dma_wait3A_109 : memref<32x32xf32, #tpu.memory_space<vmem_shared>>)
      tpu.yield
    }) : () -> ()
    %add3A_11 = arith.constant 32 : i32
    %add3A_12 = arith.addi %min3A_9, %add3A_11 : i32
    "tpu.region"() ({
      %run_scoped3A = tpu.sem_alloc : memref<!tpu.dma_semaphore, #tpu.memory_space<semaphore_mem>>
      %dma_start3A_102 = arith.constant 0 : i32
      %dma_start3A_103 = tpu.memref_slice %arg11[%add3A_12, %dma_start3A_102] : memref<15056x32xf32, #tpu.memory_space<vmem_shared>> -> memref<32x32xf32, #tpu.memory_space<vmem_shared>>
      %dma_start3A_104 = arith.constant 0 : i32
      %dma_start3A_105 = tpu.memref_slice %arg11[%add3A_12, %dma_start3A_104] : memref<15056x32xf32, #tpu.memory_space<vmem_shared>> -> memref<32x32xf32, #tpu.memory_space<vmem_shared>>
      tpu.enqueue_dma source(%arg8 : memref<32x32xf32, #tpu.memory_space<vmem>>) target(%dma_start3A_105 : memref<32x32xf32, #tpu.memory_space<vmem_shared>>) target_semaphore(%run_scoped3A : memref<!tpu.dma_semaphore, #tpu.memory_space<semaphore_mem>>)
      %dma_wait3A_106 = arith.constant 0 : i32
      %dma_wait3A_107 = tpu.memref_slice %arg11[%add3A_12, %dma_wait3A_106] : memref<15056x32xf32, #tpu.memory_space<vmem_shared>> -> memref<32x32xf32, #tpu.memory_space<vmem_shared>>
      %dma_wait3A_108 = arith.constant 0 : i32
      %dma_wait3A_109 = tpu.memref_slice %arg11[%add3A_12, %dma_wait3A_108] : memref<15056x32xf32, #tpu.memory_space<vmem_shared>> -> memref<32x32xf32, #tpu.memory_space<vmem_shared>>
      tpu.wait_dma2 semaphore(%run_scoped3A : memref<!tpu.dma_semaphore, #tpu.memory_space<semaphore_mem>>) src(%arg8 : memref<32x32xf32, #tpu.memory_space<vmem>>) dst(%dma_wait3A_109 : memref<32x32xf32, #tpu.memory_space<vmem_shared>>)
      tpu.yield
    }) : () -> ()
    %add3A_13 = arith.constant 64 : i32
    %add3A_14 = arith.addi %min3A_9, %add3A_13 : i32
    "tpu.region"() ({
      %run_scoped3A = tpu.sem_alloc : memref<!tpu.dma_semaphore, #tpu.memory_space<semaphore_mem>>
      %dma_start3A_102 = arith.constant 0 : i32
      %dma_start3A_103 = tpu.memref_slice %arg11[%add3A_14, %dma_start3A_102] : memref<15056x32xf32, #tpu.memory_space<vmem_shared>> -> memref<32x32xf32, #tpu.memory_space<vmem_shared>>
      %dma_start3A_104 = arith.constant 0 : i32
      %dma_start3A_105 = tpu.memref_slice %arg11[%add3A_14, %dma_start3A_104] : memref<15056x32xf32, #tpu.memory_space<vmem_shared>> -> memref<32x32xf32, #tpu.memory_space<vmem_shared>>
      tpu.enqueue_dma source(%arg8 : memref<32x32xf32, #tpu.memory_space<vmem>>) target(%dma_start3A_105 : memref<32x32xf32, #tpu.memory_space<vmem_shared>>) target_semaphore(%run_scoped3A : memref<!tpu.dma_semaphore, #tpu.memory_space<semaphore_mem>>)
      %dma_wait3A_106 = arith.constant 0 : i32
      %dma_wait3A_107 = tpu.memref_slice %arg11[%add3A_14, %dma_wait3A_106] : memref<15056x32xf32, #tpu.memory_space<vmem_shared>> -> memref<32x32xf32, #tpu.memory_space<vmem_shared>>
      %dma_wait3A_108 = arith.constant 0 : i32
      %dma_wait3A_109 = tpu.memref_slice %arg11[%add3A_14, %dma_wait3A_108] : memref<15056x32xf32, #tpu.memory_space<vmem_shared>> -> memref<32x32xf32, #tpu.memory_space<vmem_shared>>
      tpu.wait_dma2 semaphore(%run_scoped3A : memref<!tpu.dma_semaphore, #tpu.memory_space<semaphore_mem>>) src(%arg8 : memref<32x32xf32, #tpu.memory_space<vmem>>) dst(%dma_wait3A_109 : memref<32x32xf32, #tpu.memory_space<vmem_shared>>)
      tpu.yield
    }) : () -> ()
    %add3A_15 = arith.constant 96 : i32
    %add3A_16 = arith.addi %min3A_9, %add3A_15 : i32
    "tpu.region"() ({
      %run_scoped3A = tpu.sem_alloc : memref<!tpu.dma_semaphore, #tpu.memory_space<semaphore_mem>>
      %dma_start3A_102 = arith.constant 0 : i32
      %dma_start3A_103 = tpu.memref_slice %arg11[%add3A_16, %dma_start3A_102] : memref<15056x32xf32, #tpu.memory_space<vmem_shared>> -> memref<32x32xf32, #tpu.memory_space<vmem_shared>>
      %dma_start3A_104 = arith.constant 0 : i32
      %dma_start3A_105 = tpu.memref_slice %arg11[%add3A_16, %dma_start3A_104] : memref<15056x32xf32, #tpu.memory_space<vmem_shared>> -> memref<32x32xf32, #tpu.memory_space<vmem_shared>>
      tpu.enqueue_dma source(%arg8 : memref<32x32xf32, #tpu.memory_space<vmem>>) target(%dma_start3A_105 : memref<32x32xf32, #tpu.memory_space<vmem_shared>>) target_semaphore(%run_scoped3A : memref<!tpu.dma_semaphore, #tpu.memory_space<semaphore_mem>>)
      %dma_wait3A_106 = arith.constant 0 : i32
      %dma_wait3A_107 = tpu.memref_slice %arg11[%add3A_16, %dma_wait3A_106] : memref<15056x32xf32, #tpu.memory_space<vmem_shared>> -> memref<32x32xf32, #tpu.memory_space<vmem_shared>>
      %dma_wait3A_108 = arith.constant 0 : i32
      %dma_wait3A_109 = tpu.memref_slice %arg11[%add3A_16, %dma_wait3A_108] : memref<15056x32xf32, #tpu.memory_space<vmem_shared>> -> memref<32x32xf32, #tpu.memory_space<vmem_shared>>
      tpu.wait_dma2 semaphore(%run_scoped3A : memref<!tpu.dma_semaphore, #tpu.memory_space<semaphore_mem>>) src(%arg8 : memref<32x32xf32, #tpu.memory_space<vmem>>) dst(%dma_wait3A_109 : memref<32x32xf32, #tpu.memory_space<vmem_shared>>)
      tpu.yield
    }) : () -> ()
    %add3A_17 = arith.constant 128 : i32
    %add3A_18 = arith.addi %min3A_9, %add3A_17 : i32
    "tpu.region"() ({
      %run_scoped3A = tpu.sem_alloc : memref<!tpu.dma_semaphore, #tpu.memory_space<semaphore_mem>>
      %dma_start3A_102 = arith.constant 0 : i32
      %dma_start3A_103 = tpu.memref_slice %arg11[%add3A_18, %dma_start3A_102] : memref<15056x32xf32, #tpu.memory_space<vmem_shared>> -> memref<32x32xf32, #tpu.memory_space<vmem_shared>>
      %dma_start3A_104 = arith.constant 0 : i32
      %dma_start3A_105 = tpu.memref_slice %arg11[%add3A_18, %dma_start3A_104] : memref<15056x32xf32, #tpu.memory_space<vmem_shared>> -> memref<32x32xf32, #tpu.memory_space<vmem_shared>>
      tpu.enqueue_dma source(%arg8 : memref<32x32xf32, #tpu.memory_space<vmem>>) target(%dma_start3A_105 : memref<32x32xf32, #tpu.memory_space<vmem_shared>>) target_semaphore(%run_scoped3A : memref<!tpu.dma_semaphore, #tpu.memory_space<semaphore_mem>>)
      %dma_wait3A_106 = arith.constant 0 : i32
      %dma_wait3A_107 = tpu.memref_slice %arg11[%add3A_18, %dma_wait3A_106] : memref<15056x32xf32, #tpu.memory_space<vmem_shared>> -> memref<32x32xf32, #tpu.memory_space<vmem_shared>>
      %dma_wait3A_108 = arith.constant 0 : i32
      %dma_wait3A_109 = tpu.memref_slice %arg11[%add3A_18, %dma_wait3A_108] : memref<15056x32xf32, #tpu.memory_space<vmem_shared>> -> memref<32x32xf32, #tpu.memory_space<vmem_shared>>
      tpu.wait_dma2 semaphore(%run_scoped3A : memref<!tpu.dma_semaphore, #tpu.memory_space<semaphore_mem>>) src(%arg8 : memref<32x32xf32, #tpu.memory_space<vmem>>) dst(%dma_wait3A_109 : memref<32x32xf32, #tpu.memory_space<vmem_shared>>)
      tpu.yield
    }) : () -> ()
    %add3A_19 = arith.constant 160 : i32
    %add3A_20 = arith.addi %min3A_9, %add3A_19 : i32
    "tpu.region"() ({
      %run_scoped3A = tpu.sem_alloc : memref<!tpu.dma_semaphore, #tpu.memory_space<semaphore_mem>>
      %dma_start3A_102 = arith.constant 0 : i32
      %dma_start3A_103 = tpu.memref_slice %arg11[%add3A_20, %dma_start3A_102] : memref<15056x32xf32, #tpu.memory_space<vmem_shared>> -> memref<32x32xf32, #tpu.memory_space<vmem_shared>>
      %dma_start3A_104 = arith.constant 0 : i32
      %dma_start3A_105 = tpu.memref_slice %arg11[%add3A_20, %dma_start3A_104] : memref<15056x32xf32, #tpu.memory_space<vmem_shared>> -> memref<32x32xf32, #tpu.memory_space<vmem_shared>>
      tpu.enqueue_dma source(%arg8 : memref<32x32xf32, #tpu.memory_space<vmem>>) target(%dma_start3A_105 : memref<32x32xf32, #tpu.memory_space<vmem_shared>>) target_semaphore(%run_scoped3A : memref<!tpu.dma_semaphore, #tpu.memory_space<semaphore_mem>>)
      %dma_wait3A_106 = arith.constant 0 : i32
      %dma_wait3A_107 = tpu.memref_slice %arg11[%add3A_20, %dma_wait3A_106] : memref<15056x32xf32, #tpu.memory_space<vmem_shared>> -> memref<32x32xf32, #tpu.memory_space<vmem_shared>>
      %dma_wait3A_108 = arith.constant 0 : i32
      %dma_wait3A_109 = tpu.memref_slice %arg11[%add3A_20, %dma_wait3A_108] : memref<15056x32xf32, #tpu.memory_space<vmem_shared>> -> memref<32x32xf32, #tpu.memory_space<vmem_shared>>
      tpu.wait_dma2 semaphore(%run_scoped3A : memref<!tpu.dma_semaphore, #tpu.memory_space<semaphore_mem>>) src(%arg8 : memref<32x32xf32, #tpu.memory_space<vmem>>) dst(%dma_wait3A_109 : memref<32x32xf32, #tpu.memory_space<vmem_shared>>)
      tpu.yield
    }) : () -> ()
    %add3A_21 = arith.constant 192 : i32
    %add3A_22 = arith.addi %min3A_9, %add3A_21 : i32
    "tpu.region"() ({
      %run_scoped3A = tpu.sem_alloc : memref<!tpu.dma_semaphore, #tpu.memory_space<semaphore_mem>>
      %dma_start3A_102 = arith.constant 0 : i32
      %dma_start3A_103 = tpu.memref_slice %arg11[%add3A_22, %dma_start3A_102] : memref<15056x32xf32, #tpu.memory_space<vmem_shared>> -> memref<32x32xf32, #tpu.memory_space<vmem_shared>>
      %dma_start3A_104 = arith.constant 0 : i32
      %dma_start3A_105 = tpu.memref_slice %arg11[%add3A_22, %dma_start3A_104] : memref<15056x32xf32, #tpu.memory_space<vmem_shared>> -> memref<32x32xf32, #tpu.memory_space<vmem_shared>>
      tpu.enqueue_dma source(%arg8 : memref<32x32xf32, #tpu.memory_space<vmem>>) target(%dma_start3A_105 : memref<32x32xf32, #tpu.memory_space<vmem_shared>>) target_semaphore(%run_scoped3A : memref<!tpu.dma_semaphore, #tpu.memory_space<semaphore_mem>>)
      %dma_wait3A_106 = arith.constant 0 : i32
      %dma_wait3A_107 = tpu.memref_slice %arg11[%add3A_22, %dma_wait3A_106] : memref<15056x32xf32, #tpu.memory_space<vmem_shared>> -> memref<32x32xf32, #tpu.memory_space<vmem_shared>>
      %dma_wait3A_108 = arith.constant 0 : i32
      %dma_wait3A_109 = tpu.memref_slice %arg11[%add3A_22, %dma_wait3A_108] : memref<15056x32xf32, #tpu.memory_space<vmem_shared>> -> memref<32x32xf32, #tpu.memory_space<vmem_shared>>
      tpu.wait_dma2 semaphore(%run_scoped3A : memref<!tpu.dma_semaphore, #tpu.memory_space<semaphore_mem>>) src(%arg8 : memref<32x32xf32, #tpu.memory_space<vmem>>) dst(%dma_wait3A_109 : memref<32x32xf32, #tpu.memory_space<vmem_shared>>)
      tpu.yield
    }) : () -> ()
    %add3A_23 = arith.constant 224 : i32
    %add3A_24 = arith.addi %min3A_9, %add3A_23 : i32
    "tpu.region"() ({
      %run_scoped3A = tpu.sem_alloc : memref<!tpu.dma_semaphore, #tpu.memory_space<semaphore_mem>>
      %dma_start3A_102 = arith.constant 0 : i32
      %dma_start3A_103 = tpu.memref_slice %arg11[%add3A_24, %dma_start3A_102] : memref<15056x32xf32, #tpu.memory_space<vmem_shared>> -> memref<32x32xf32, #tpu.memory_space<vmem_shared>>
      %dma_start3A_104 = arith.constant 0 : i32
      %dma_start3A_105 = tpu.memref_slice %arg11[%add3A_24, %dma_start3A_104] : memref<15056x32xf32, #tpu.memory_space<vmem_shared>> -> memref<32x32xf32, #tpu.memory_space<vmem_shared>>
      tpu.enqueue_dma source(%arg8 : memref<32x32xf32, #tpu.memory_space<vmem>>) target(%dma_start3A_105 : memref<32x32xf32, #tpu.memory_space<vmem_shared>>) target_semaphore(%run_scoped3A : memref<!tpu.dma_semaphore, #tpu.memory_space<semaphore_mem>>)
      %dma_wait3A_106 = arith.constant 0 : i32
      %dma_wait3A_107 = tpu.memref_slice %arg11[%add3A_24, %dma_wait3A_106] : memref<15056x32xf32, #tpu.memory_space<vmem_shared>> -> memref<32x32xf32, #tpu.memory_space<vmem_shared>>
      %dma_wait3A_108 = arith.constant 0 : i32
      %dma_wait3A_109 = tpu.memref_slice %arg11[%add3A_24, %dma_wait3A_108] : memref<15056x32xf32, #tpu.memory_space<vmem_shared>> -> memref<32x32xf32, #tpu.memory_space<vmem_shared>>
      tpu.wait_dma2 semaphore(%run_scoped3A : memref<!tpu.dma_semaphore, #tpu.memory_space<semaphore_mem>>) src(%arg8 : memref<32x32xf32, #tpu.memory_space<vmem>>) dst(%dma_wait3A_109 : memref<32x32xf32, #tpu.memory_space<vmem_shared>>)
      tpu.yield
    }) : () -> ()
    %add3A_25 = arith.constant 256 : i32
    %add3A_26 = arith.addi %min3A_9, %add3A_25 : i32
    "tpu.region"() ({
      %run_scoped3A = tpu.sem_alloc : memref<!tpu.dma_semaphore, #tpu.memory_space<semaphore_mem>>
      %dma_start3A_102 = arith.constant 0 : i32
      %dma_start3A_103 = tpu.memref_slice %arg11[%add3A_26, %dma_start3A_102] : memref<15056x32xf32, #tpu.memory_space<vmem_shared>> -> memref<32x32xf32, #tpu.memory_space<vmem_shared>>
      %dma_start3A_104 = arith.constant 0 : i32
      %dma_start3A_105 = tpu.memref_slice %arg11[%add3A_26, %dma_start3A_104] : memref<15056x32xf32, #tpu.memory_space<vmem_shared>> -> memref<32x32xf32, #tpu.memory_space<vmem_shared>>
      tpu.enqueue_dma source(%arg8 : memref<32x32xf32, #tpu.memory_space<vmem>>) target(%dma_start3A_105 : memref<32x32xf32, #tpu.memory_space<vmem_shared>>) target_semaphore(%run_scoped3A : memref<!tpu.dma_semaphore, #tpu.memory_space<semaphore_mem>>)
      %dma_wait3A_106 = arith.constant 0 : i32
      %dma_wait3A_107 = tpu.memref_slice %arg11[%add3A_26, %dma_wait3A_106] : memref<15056x32xf32, #tpu.memory_space<vmem_shared>> -> memref<32x32xf32, #tpu.memory_space<vmem_shared>>
      %dma_wait3A_108 = arith.constant 0 : i32
      %dma_wait3A_109 = tpu.memref_slice %arg11[%add3A_26, %dma_wait3A_108] : memref<15056x32xf32, #tpu.memory_space<vmem_shared>> -> memref<32x32xf32, #tpu.memory_space<vmem_shared>>
      tpu.wait_dma2 semaphore(%run_scoped3A : memref<!tpu.dma_semaphore, #tpu.memory_space<semaphore_mem>>) src(%arg8 : memref<32x32xf32, #tpu.memory_space<vmem>>) dst(%dma_wait3A_109 : memref<32x32xf32, #tpu.memory_space<vmem_shared>>)
      tpu.yield
    }) : () -> ()
    %add3A_27 = arith.constant 288 : i32
    %add3A_28 = arith.addi %min3A_9, %add3A_27 : i32
    "tpu.region"() ({
      %run_scoped3A = tpu.sem_alloc : memref<!tpu.dma_semaphore, #tpu.memory_space<semaphore_mem>>
      %dma_start3A_102 = arith.constant 0 : i32
      %dma_start3A_103 = tpu.memref_slice %arg11[%add3A_28, %dma_start3A_102] : memref<15056x32xf32, #tpu.memory_space<vmem_shared>> -> memref<32x32xf32, #tpu.memory_space<vmem_shared>>
      %dma_start3A_104 = arith.constant 0 : i32
      %dma_start3A_105 = tpu.memref_slice %arg11[%add3A_28, %dma_start3A_104] : memref<15056x32xf32, #tpu.memory_space<vmem_shared>> -> memref<32x32xf32, #tpu.memory_space<vmem_shared>>
      tpu.enqueue_dma source(%arg8 : memref<32x32xf32, #tpu.memory_space<vmem>>) target(%dma_start3A_105 : memref<32x32xf32, #tpu.memory_space<vmem_shared>>) target_semaphore(%run_scoped3A : memref<!tpu.dma_semaphore, #tpu.memory_space<semaphore_mem>>)
      %dma_wait3A_106 = arith.constant 0 : i32
      %dma_wait3A_107 = tpu.memref_slice %arg11[%add3A_28, %dma_wait3A_106] : memref<15056x32xf32, #tpu.memory_space<vmem_shared>> -> memref<32x32xf32, #tpu.memory_space<vmem_shared>>
      %dma_wait3A_108 = arith.constant 0 : i32
      %dma_wait3A_109 = tpu.memref_slice %arg11[%add3A_28, %dma_wait3A_108] : memref<15056x32xf32, #tpu.memory_space<vmem_shared>> -> memref<32x32xf32, #tpu.memory_space<vmem_shared>>
      tpu.wait_dma2 semaphore(%run_scoped3A : memref<!tpu.dma_semaphore, #tpu.memory_space<semaphore_mem>>) src(%arg8 : memref<32x32xf32, #tpu.memory_space<vmem>>) dst(%dma_wait3A_109 : memref<32x32xf32, #tpu.memory_space<vmem_shared>>)
      tpu.yield
    }) : () -> ()
    %add3A_29 = arith.constant 320 : i32
    %add3A_30 = arith.addi %min3A_9, %add3A_29 : i32
    "tpu.region"() ({
      %run_scoped3A = tpu.sem_alloc : memref<!tpu.dma_semaphore, #tpu.memory_space<semaphore_mem>>
      %dma_start3A_102 = arith.constant 0 : i32
      %dma_start3A_103 = tpu.memref_slice %arg11[%add3A_30, %dma_start3A_102] : memref<15056x32xf32, #tpu.memory_space<vmem_shared>> -> memref<32x32xf32, #tpu.memory_space<vmem_shared>>
      %dma_start3A_104 = arith.constant 0 : i32
      %dma_start3A_105 = tpu.memref_slice %arg11[%add3A_30, %dma_start3A_104] : memref<15056x32xf32, #tpu.memory_space<vmem_shared>> -> memref<32x32xf32, #tpu.memory_space<vmem_shared>>
      tpu.enqueue_dma source(%arg8 : memref<32x32xf32, #tpu.memory_space<vmem>>) target(%dma_start3A_105 : memref<32x32xf32, #tpu.memory_space<vmem_shared>>) target_semaphore(%run_scoped3A : memref<!tpu.dma_semaphore, #tpu.memory_space<semaphore_mem>>)
      %dma_wait3A_106 = arith.constant 0 : i32
      %dma_wait3A_107 = tpu.memref_slice %arg11[%add3A_30, %dma_wait3A_106] : memref<15056x32xf32, #tpu.memory_space<vmem_shared>> -> memref<32x32xf32, #tpu.memory_space<vmem_shared>>
      %dma_wait3A_108 = arith.constant 0 : i32
      %dma_wait3A_109 = tpu.memref_slice %arg11[%add3A_30, %dma_wait3A_108] : memref<15056x32xf32, #tpu.memory_space<vmem_shared>> -> memref<32x32xf32, #tpu.memory_space<vmem_shared>>
      tpu.wait_dma2 semaphore(%run_scoped3A : memref<!tpu.dma_semaphore, #tpu.memory_space<semaphore_mem>>) src(%arg8 : memref<32x32xf32, #tpu.memory_space<vmem>>) dst(%dma_wait3A_109 : memref<32x32xf32, #tpu.memory_space<vmem_shared>>)
      tpu.yield
    }) : () -> ()
    %add3A_31 = arith.constant 352 : i32
    %add3A_32 = arith.addi %min3A_9, %add3A_31 : i32
    "tpu.region"() ({
      %run_scoped3A = tpu.sem_alloc : memref<!tpu.dma_semaphore, #tpu.memory_space<semaphore_mem>>
      %dma_start3A_102 = arith.constant 0 : i32
      %dma_start3A_103 = tpu.memref_slice %arg11[%add3A_32, %dma_start3A_102] : memref<15056x32xf32, #tpu.memory_space<vmem_shared>> -> memref<32x32xf32, #tpu.memory_space<vmem_shared>>
      %dma_start3A_104 = arith.constant 0 : i32
      %dma_start3A_105 = tpu.memref_slice %arg11[%add3A_32, %dma_start3A_104] : memref<15056x32xf32, #tpu.memory_space<vmem_shared>> -> memref<32x32xf32, #tpu.memory_space<vmem_shared>>
      tpu.enqueue_dma source(%arg8 : memref<32x32xf32, #tpu.memory_space<vmem>>) target(%dma_start3A_105 : memref<32x32xf32, #tpu.memory_space<vmem_shared>>) target_semaphore(%run_scoped3A : memref<!tpu.dma_semaphore, #tpu.memory_space<semaphore_mem>>)
      %dma_wait3A_106 = arith.constant 0 : i32
      %dma_wait3A_107 = tpu.memref_slice %arg11[%add3A_32, %dma_wait3A_106] : memref<15056x32xf32, #tpu.memory_space<vmem_shared>> -> memref<32x32xf32, #tpu.memory_space<vmem_shared>>
      %dma_wait3A_108 = arith.constant 0 : i32
      %dma_wait3A_109 = tpu.memref_slice %arg11[%add3A_32, %dma_wait3A_108] : memref<15056x32xf32, #tpu.memory_space<vmem_shared>> -> memref<32x32xf32, #tpu.memory_space<vmem_shared>>
      tpu.wait_dma2 semaphore(%run_scoped3A : memref<!tpu.dma_semaphore, #tpu.memory_space<semaphore_mem>>) src(%arg8 : memref<32x32xf32, #tpu.memory_space<vmem>>) dst(%dma_wait3A_109 : memref<32x32xf32, #tpu.memory_space<vmem_shared>>)
      tpu.yield
    }) : () -> ()
    %add3A_33 = arith.constant 384 : i32
    %add3A_34 = arith.addi %min3A_9, %add3A_33 : i32
    "tpu.region"() ({
      %run_scoped3A = tpu.sem_alloc : memref<!tpu.dma_semaphore, #tpu.memory_space<semaphore_mem>>
      %dma_start3A_102 = arith.constant 0 : i32
      %dma_start3A_103 = tpu.memref_slice %arg11[%add3A_34, %dma_start3A_102] : memref<15056x32xf32, #tpu.memory_space<vmem_shared>> -> memref<32x32xf32, #tpu.memory_space<vmem_shared>>
      %dma_start3A_104 = arith.constant 0 : i32
      %dma_start3A_105 = tpu.memref_slice %arg11[%add3A_34, %dma_start3A_104] : memref<15056x32xf32, #tpu.memory_space<vmem_shared>> -> memref<32x32xf32, #tpu.memory_space<vmem_shared>>
      tpu.enqueue_dma source(%arg8 : memref<32x32xf32, #tpu.memory_space<vmem>>) target(%dma_start3A_105 : memref<32x32xf32, #tpu.memory_space<vmem_shared>>) target_semaphore(%run_scoped3A : memref<!tpu.dma_semaphore, #tpu.memory_space<semaphore_mem>>)
      %dma_wait3A_106 = arith.constant 0 : i32
      %dma_wait3A_107 = tpu.memref_slice %arg11[%add3A_34, %dma_wait3A_106] : memref<15056x32xf32, #tpu.memory_space<vmem_shared>> -> memref<32x32xf32, #tpu.memory_space<vmem_shared>>
      %dma_wait3A_108 = arith.constant 0 : i32
      %dma_wait3A_109 = tpu.memref_slice %arg11[%add3A_34, %dma_wait3A_108] : memref<15056x32xf32, #tpu.memory_space<vmem_shared>> -> memref<32x32xf32, #tpu.memory_space<vmem_shared>>
      tpu.wait_dma2 semaphore(%run_scoped3A : memref<!tpu.dma_semaphore, #tpu.memory_space<semaphore_mem>>) src(%arg8 : memref<32x32xf32, #tpu.memory_space<vmem>>) dst(%dma_wait3A_109 : memref<32x32xf32, #tpu.memory_space<vmem_shared>>)
      tpu.yield
    }) : () -> ()
    %add3A_35 = arith.constant 416 : i32
    %add3A_36 = arith.addi %min3A_9, %add3A_35 : i32
    "tpu.region"() ({
      %run_scoped3A = tpu.sem_alloc : memref<!tpu.dma_semaphore, #tpu.memory_space<semaphore_mem>>
      %dma_start3A_102 = arith.constant 0 : i32
      %dma_start3A_103 = tpu.memref_slice %arg11[%add3A_36, %dma_start3A_102] : memref<15056x32xf32, #tpu.memory_space<vmem_shared>> -> memref<32x32xf32, #tpu.memory_space<vmem_shared>>
      %dma_start3A_104 = arith.constant 0 : i32
      %dma_start3A_105 = tpu.memref_slice %arg11[%add3A_36, %dma_start3A_104] : memref<15056x32xf32, #tpu.memory_space<vmem_shared>> -> memref<32x32xf32, #tpu.memory_space<vmem_shared>>
      tpu.enqueue_dma source(%arg8 : memref<32x32xf32, #tpu.memory_space<vmem>>) target(%dma_start3A_105 : memref<32x32xf32, #tpu.memory_space<vmem_shared>>) target_semaphore(%run_scoped3A : memref<!tpu.dma_semaphore, #tpu.memory_space<semaphore_mem>>)
      %dma_wait3A_106 = arith.constant 0 : i32
      %dma_wait3A_107 = tpu.memref_slice %arg11[%add3A_36, %dma_wait3A_106] : memref<15056x32xf32, #tpu.memory_space<vmem_shared>> -> memref<32x32xf32, #tpu.memory_space<vmem_shared>>
      %dma_wait3A_108 = arith.constant 0 : i32
      %dma_wait3A_109 = tpu.memref_slice %arg11[%add3A_36, %dma_wait3A_108] : memref<15056x32xf32, #tpu.memory_space<vmem_shared>> -> memref<32x32xf32, #tpu.memory_space<vmem_shared>>
      tpu.wait_dma2 semaphore(%run_scoped3A : memref<!tpu.dma_semaphore, #tpu.memory_space<semaphore_mem>>) src(%arg8 : memref<32x32xf32, #tpu.memory_space<vmem>>) dst(%dma_wait3A_109 : memref<32x32xf32, #tpu.memory_space<vmem_shared>>)
      tpu.yield
    }) : () -> ()
    %add3A_37 = arith.constant 448 : i32
    %add3A_38 = arith.addi %min3A_9, %add3A_37 : i32
    "tpu.region"() ({
      %run_scoped3A = tpu.sem_alloc : memref<!tpu.dma_semaphore, #tpu.memory_space<semaphore_mem>>
      %dma_start3A_102 = arith.constant 0 : i32
      %dma_start3A_103 = tpu.memref_slice %arg11[%add3A_38, %dma_start3A_102] : memref<15056x32xf32, #tpu.memory_space<vmem_shared>> -> memref<32x32xf32, #tpu.memory_space<vmem_shared>>
      %dma_start3A_104 = arith.constant 0 : i32
      %dma_start3A_105 = tpu.memref_slice %arg11[%add3A_38, %dma_start3A_104] : memref<15056x32xf32, #tpu.memory_space<vmem_shared>> -> memref<32x32xf32, #tpu.memory_space<vmem_shared>>
      tpu.enqueue_dma source(%arg8 : memref<32x32xf32, #tpu.memory_space<vmem>>) target(%dma_start3A_105 : memref<32x32xf32, #tpu.memory_space<vmem_shared>>) target_semaphore(%run_scoped3A : memref<!tpu.dma_semaphore, #tpu.memory_space<semaphore_mem>>)
      %dma_wait3A_106 = arith.constant 0 : i32
      %dma_wait3A_107 = tpu.memref_slice %arg11[%add3A_38, %dma_wait3A_106] : memref<15056x32xf32, #tpu.memory_space<vmem_shared>> -> memref<32x32xf32, #tpu.memory_space<vmem_shared>>
      %dma_wait3A_108 = arith.constant 0 : i32
      %dma_wait3A_109 = tpu.memref_slice %arg11[%add3A_38, %dma_wait3A_108] : memref<15056x32xf32, #tpu.memory_space<vmem_shared>> -> memref<32x32xf32, #tpu.memory_space<vmem_shared>>
      tpu.wait_dma2 semaphore(%run_scoped3A : memref<!tpu.dma_semaphore, #tpu.memory_space<semaphore_mem>>) src(%arg8 : memref<32x32xf32, #tpu.memory_space<vmem>>) dst(%dma_wait3A_109 : memref<32x32xf32, #tpu.memory_space<vmem_shared>>)
      tpu.yield
    }) : () -> ()
    %add3A_39 = arith.constant 480 : i32
    %add3A_40 = arith.addi %min3A_9, %add3A_39 : i32
    "tpu.region"() ({
      %run_scoped3A = tpu.sem_alloc : memref<!tpu.dma_semaphore, #tpu.memory_space<semaphore_mem>>
      %dma_start3A_102 = arith.constant 0 : i32
      %dma_start3A_103 = tpu.memref_slice %arg11[%add3A_40, %dma_start3A_102] : memref<15056x32xf32, #tpu.memory_space<vmem_shared>> -> memref<32x32xf32, #tpu.memory_space<vmem_shared>>
      %dma_start3A_104 = arith.constant 0 : i32
      %dma_start3A_105 = tpu.memref_slice %arg11[%add3A_40, %dma_start3A_104] : memref<15056x32xf32, #tpu.memory_space<vmem_shared>> -> memref<32x32xf32, #tpu.memory_space<vmem_shared>>
      tpu.enqueue_dma source(%arg8 : memref<32x32xf32, #tpu.memory_space<vmem>>) target(%dma_start3A_105 : memref<32x32xf32, #tpu.memory_space<vmem_shared>>) target_semaphore(%run_scoped3A : memref<!tpu.dma_semaphore, #tpu.memory_space<semaphore_mem>>)
      %dma_wait3A_106 = arith.constant 0 : i32
      %dma_wait3A_107 = tpu.memref_slice %arg11[%add3A_40, %dma_wait3A_106] : memref<15056x32xf32, #tpu.memory_space<vmem_shared>> -> memref<32x32xf32, #tpu.memory_space<vmem_shared>>
      %dma_wait3A_108 = arith.constant 0 : i32
      %dma_wait3A_109 = tpu.memref_slice %arg11[%add3A_40, %dma_wait3A_108] : memref<15056x32xf32, #tpu.memory_space<vmem_shared>> -> memref<32x32xf32, #tpu.memory_space<vmem_shared>>
      tpu.wait_dma2 semaphore(%run_scoped3A : memref<!tpu.dma_semaphore, #tpu.memory_space<semaphore_mem>>) src(%arg8 : memref<32x32xf32, #tpu.memory_space<vmem>>) dst(%dma_wait3A_109 : memref<32x32xf32, #tpu.memory_space<vmem_shared>>)
      tpu.yield
    }) : () -> ()
    %add3A_41 = arith.constant 512 : i32
    %add3A_42 = arith.addi %min3A_9, %add3A_41 : i32
    "tpu.region"() ({
      %run_scoped3A = tpu.sem_alloc : memref<!tpu.dma_semaphore, #tpu.memory_space<semaphore_mem>>
      %dma_start3A_102 = arith.constant 0 : i32
      %dma_start3A_103 = tpu.memref_slice %arg11[%add3A_42, %dma_start3A_102] : memref<15056x32xf32, #tpu.memory_space<vmem_shared>> -> memref<32x32xf32, #tpu.memory_space<vmem_shared>>
      %dma_start3A_104 = arith.constant 0 : i32
      %dma_start3A_105 = tpu.memref_slice %arg11[%add3A_42, %dma_start3A_104] : memref<15056x32xf32, #tpu.memory_space<vmem_shared>> -> memref<32x32xf32, #tpu.memory_space<vmem_shared>>
      tpu.enqueue_dma source(%arg8 : memref<32x32xf32, #tpu.memory_space<vmem>>) target(%dma_start3A_105 : memref<32x32xf32, #tpu.memory_space<vmem_shared>>) target_semaphore(%run_scoped3A : memref<!tpu.dma_semaphore, #tpu.memory_space<semaphore_mem>>)
      %dma_wait3A_106 = arith.constant 0 : i32
      %dma_wait3A_107 = tpu.memref_slice %arg11[%add3A_42, %dma_wait3A_106] : memref<15056x32xf32, #tpu.memory_space<vmem_shared>> -> memref<32x32xf32, #tpu.memory_space<vmem_shared>>
      %dma_wait3A_108 = arith.constant 0 : i32
      %dma_wait3A_109 = tpu.memref_slice %arg11[%add3A_42, %dma_wait3A_108] : memref<15056x32xf32, #tpu.memory_space<vmem_shared>> -> memref<32x32xf32, #tpu.memory_space<vmem_shared>>
      tpu.wait_dma2 semaphore(%run_scoped3A : memref<!tpu.dma_semaphore, #tpu.memory_space<semaphore_mem>>) src(%arg8 : memref<32x32xf32, #tpu.memory_space<vmem>>) dst(%dma_wait3A_109 : memref<32x32xf32, #tpu.memory_space<vmem_shared>>)
      tpu.yield
    }) : () -> ()
    %add3A_43 = arith.constant 544 : i32
    %add3A_44 = arith.addi %min3A_9, %add3A_43 : i32
    "tpu.region"() ({
      %run_scoped3A = tpu.sem_alloc : memref<!tpu.dma_semaphore, #tpu.memory_space<semaphore_mem>>
      %dma_start3A_102 = arith.constant 0 : i32
      %dma_start3A_103 = tpu.memref_slice %arg11[%add3A_44, %dma_start3A_102] : memref<15056x32xf32, #tpu.memory_space<vmem_shared>> -> memref<32x32xf32, #tpu.memory_space<vmem_shared>>
      %dma_start3A_104 = arith.constant 0 : i32
      %dma_start3A_105 = tpu.memref_slice %arg11[%add3A_44, %dma_start3A_104] : memref<15056x32xf32, #tpu.memory_space<vmem_shared>> -> memref<32x32xf32, #tpu.memory_space<vmem_shared>>
      tpu.enqueue_dma source(%arg8 : memref<32x32xf32, #tpu.memory_space<vmem>>) target(%dma_start3A_105 : memref<32x32xf32, #tpu.memory_space<vmem_shared>>) target_semaphore(%run_scoped3A : memref<!tpu.dma_semaphore, #tpu.memory_space<semaphore_mem>>)
      %dma_wait3A_106 = arith.constant 0 : i32
      %dma_wait3A_107 = tpu.memref_slice %arg11[%add3A_44, %dma_wait3A_106] : memref<15056x32xf32, #tpu.memory_space<vmem_shared>> -> memref<32x32xf32, #tpu.memory_space<vmem_shared>>
      %dma_wait3A_108 = arith.constant 0 : i32
      %dma_wait3A_109 = tpu.memref_slice %arg11[%add3A_44, %dma_wait3A_108] : memref<15056x32xf32, #tpu.memory_space<vmem_shared>> -> memref<32x32xf32, #tpu.memory_space<vmem_shared>>
      tpu.wait_dma2 semaphore(%run_scoped3A : memref<!tpu.dma_semaphore, #tpu.memory_space<semaphore_mem>>) src(%arg8 : memref<32x32xf32, #tpu.memory_space<vmem>>) dst(%dma_wait3A_109 : memref<32x32xf32, #tpu.memory_space<vmem_shared>>)
      tpu.yield
    }) : () -> ()
    %add3A_45 = arith.constant 576 : i32
    %add3A_46 = arith.addi %min3A_9, %add3A_45 : i32
    "tpu.region"() ({
      %run_scoped3A = tpu.sem_alloc : memref<!tpu.dma_semaphore, #tpu.memory_space<semaphore_mem>>
      %dma_start3A_102 = arith.constant 0 : i32
      %dma_start3A_103 = tpu.memref_slice %arg11[%add3A_46, %dma_start3A_102] : memref<15056x32xf32, #tpu.memory_space<vmem_shared>> -> memref<32x32xf32, #tpu.memory_space<vmem_shared>>
      %dma_start3A_104 = arith.constant 0 : i32
      %dma_start3A_105 = tpu.memref_slice %arg11[%add3A_46, %dma_start3A_104] : memref<15056x32xf32, #tpu.memory_space<vmem_shared>> -> memref<32x32xf32, #tpu.memory_space<vmem_shared>>
      tpu.enqueue_dma source(%arg8 : memref<32x32xf32, #tpu.memory_space<vmem>>) target(%dma_start3A_105 : memref<32x32xf32, #tpu.memory_space<vmem_shared>>) target_semaphore(%run_scoped3A : memref<!tpu.dma_semaphore, #tpu.memory_space<semaphore_mem>>)
      %dma_wait3A_106 = arith.constant 0 : i32
      %dma_wait3A_107 = tpu.memref_slice %arg11[%add3A_46, %dma_wait3A_106] : memref<15056x32xf32, #tpu.memory_space<vmem_shared>> -> memref<32x32xf32, #tpu.memory_space<vmem_shared>>
      %dma_wait3A_108 = arith.constant 0 : i32
      %dma_wait3A_109 = tpu.memref_slice %arg11[%add3A_46, %dma_wait3A_108] : memref<15056x32xf32, #tpu.memory_space<vmem_shared>> -> memref<32x32xf32, #tpu.memory_space<vmem_shared>>
      tpu.wait_dma2 semaphore(%run_scoped3A : memref<!tpu.dma_semaphore, #tpu.memory_space<semaphore_mem>>) src(%arg8 : memref<32x32xf32, #tpu.memory_space<vmem>>) dst(%dma_wait3A_109 : memref<32x32xf32, #tpu.memory_space<vmem_shared>>)
      tpu.yield
    }) : () -> ()
    %add3A_47 = arith.constant 608 : i32
    %add3A_48 = arith.addi %min3A_9, %add3A_47 : i32
    "tpu.region"() ({
      %run_scoped3A = tpu.sem_alloc : memref<!tpu.dma_semaphore, #tpu.memory_space<semaphore_mem>>
      %dma_start3A_102 = arith.constant 0 : i32
      %dma_start3A_103 = tpu.memref_slice %arg11[%add3A_48, %dma_start3A_102] : memref<15056x32xf32, #tpu.memory_space<vmem_shared>> -> memref<32x32xf32, #tpu.memory_space<vmem_shared>>
      %dma_start3A_104 = arith.constant 0 : i32
      %dma_start3A_105 = tpu.memref_slice %arg11[%add3A_48, %dma_start3A_104] : memref<15056x32xf32, #tpu.memory_space<vmem_shared>> -> memref<32x32xf32, #tpu.memory_space<vmem_shared>>
      tpu.enqueue_dma source(%arg8 : memref<32x32xf32, #tpu.memory_space<vmem>>) target(%dma_start3A_105 : memref<32x32xf32, #tpu.memory_space<vmem_shared>>) target_semaphore(%run_scoped3A : memref<!tpu.dma_semaphore, #tpu.memory_space<semaphore_mem>>)
      %dma_wait3A_106 = arith.constant 0 : i32
      %dma_wait3A_107 = tpu.memref_slice %arg11[%add3A_48, %dma_wait3A_106] : memref<15056x32xf32, #tpu.memory_space<vmem_shared>> -> memref<32x32xf32, #tpu.memory_space<vmem_shared>>
      %dma_wait3A_108 = arith.constant 0 : i32
      %dma_wait3A_109 = tpu.memref_slice %arg11[%add3A_48, %dma_wait3A_108] : memref<15056x32xf32, #tpu.memory_space<vmem_shared>> -> memref<32x32xf32, #tpu.memory_space<vmem_shared>>
      tpu.wait_dma2 semaphore(%run_scoped3A : memref<!tpu.dma_semaphore, #tpu.memory_space<semaphore_mem>>) src(%arg8 : memref<32x32xf32, #tpu.memory_space<vmem>>) dst(%dma_wait3A_109 : memref<32x32xf32, #tpu.memory_space<vmem_shared>>)
      tpu.yield
    }) : () -> ()
    %add3A_49 = arith.constant 640 : i32
    %add3A_50 = arith.addi %min3A_9, %add3A_49 : i32
    "tpu.region"() ({
      %run_scoped3A = tpu.sem_alloc : memref<!tpu.dma_semaphore, #tpu.memory_space<semaphore_mem>>
      %dma_start3A_102 = arith.constant 0 : i32
      %dma_start3A_103 = tpu.memref_slice %arg11[%add3A_50, %dma_start3A_102] : memref<15056x32xf32, #tpu.memory_space<vmem_shared>> -> memref<32x32xf32, #tpu.memory_space<vmem_shared>>
      %dma_start3A_104 = arith.constant 0 : i32
      %dma_start3A_105 = tpu.memref_slice %arg11[%add3A_50, %dma_start3A_104] : memref<15056x32xf32, #tpu.memory_space<vmem_shared>> -> memref<32x32xf32, #tpu.memory_space<vmem_shared>>
      tpu.enqueue_dma source(%arg8 : memref<32x32xf32, #tpu.memory_space<vmem>>) target(%dma_start3A_105 : memref<32x32xf32, #tpu.memory_space<vmem_shared>>) target_semaphore(%run_scoped3A : memref<!tpu.dma_semaphore, #tpu.memory_space<semaphore_mem>>)
      %dma_wait3A_106 = arith.constant 0 : i32
      %dma_wait3A_107 = tpu.memref_slice %arg11[%add3A_50, %dma_wait3A_106] : memref<15056x32xf32, #tpu.memory_space<vmem_shared>> -> memref<32x32xf32, #tpu.memory_space<vmem_shared>>
      %dma_wait3A_108 = arith.constant 0 : i32
      %dma_wait3A_109 = tpu.memref_slice %arg11[%add3A_50, %dma_wait3A_108] : memref<15056x32xf32, #tpu.memory_space<vmem_shared>> -> memref<32x32xf32, #tpu.memory_space<vmem_shared>>
      tpu.wait_dma2 semaphore(%run_scoped3A : memref<!tpu.dma_semaphore, #tpu.memory_space<semaphore_mem>>) src(%arg8 : memref<32x32xf32, #tpu.memory_space<vmem>>) dst(%dma_wait3A_109 : memref<32x32xf32, #tpu.memory_space<vmem_shared>>)
      tpu.yield
    }) : () -> ()
    %add3A_51 = arith.constant 672 : i32
    %add3A_52 = arith.addi %min3A_9, %add3A_51 : i32
    "tpu.region"() ({
      %run_scoped3A = tpu.sem_alloc : memref<!tpu.dma_semaphore, #tpu.memory_space<semaphore_mem>>
      %dma_start3A_102 = arith.constant 0 : i32
      %dma_start3A_103 = tpu.memref_slice %arg11[%add3A_52, %dma_start3A_102] : memref<15056x32xf32, #tpu.memory_space<vmem_shared>> -> memref<32x32xf32, #tpu.memory_space<vmem_shared>>
      %dma_start3A_104 = arith.constant 0 : i32
      %dma_start3A_105 = tpu.memref_slice %arg11[%add3A_52, %dma_start3A_104] : memref<15056x32xf32, #tpu.memory_space<vmem_shared>> -> memref<32x32xf32, #tpu.memory_space<vmem_shared>>
      tpu.enqueue_dma source(%arg8 : memref<32x32xf32, #tpu.memory_space<vmem>>) target(%dma_start3A_105 : memref<32x32xf32, #tpu.memory_space<vmem_shared>>) target_semaphore(%run_scoped3A : memref<!tpu.dma_semaphore, #tpu.memory_space<semaphore_mem>>)
      %dma_wait3A_106 = arith.constant 0 : i32
      %dma_wait3A_107 = tpu.memref_slice %arg11[%add3A_52, %dma_wait3A_106] : memref<15056x32xf32, #tpu.memory_space<vmem_shared>> -> memref<32x32xf32, #tpu.memory_space<vmem_shared>>
      %dma_wait3A_108 = arith.constant 0 : i32
      %dma_wait3A_109 = tpu.memref_slice %arg11[%add3A_52, %dma_wait3A_108] : memref<15056x32xf32, #tpu.memory_space<vmem_shared>> -> memref<32x32xf32, #tpu.memory_space<vmem_shared>>
      tpu.wait_dma2 semaphore(%run_scoped3A : memref<!tpu.dma_semaphore, #tpu.memory_space<semaphore_mem>>) src(%arg8 : memref<32x32xf32, #tpu.memory_space<vmem>>) dst(%dma_wait3A_109 : memref<32x32xf32, #tpu.memory_space<vmem_shared>>)
      tpu.yield
    }) : () -> ()
    %add3A_53 = arith.constant 704 : i32
    %add3A_54 = arith.addi %min3A_9, %add3A_53 : i32
    "tpu.region"() ({
      %run_scoped3A = tpu.sem_alloc : memref<!tpu.dma_semaphore, #tpu.memory_space<semaphore_mem>>
      %dma_start3A_102 = arith.constant 0 : i32
      %dma_start3A_103 = tpu.memref_slice %arg11[%add3A_54, %dma_start3A_102] : memref<15056x32xf32, #tpu.memory_space<vmem_shared>> -> memref<32x32xf32, #tpu.memory_space<vmem_shared>>
      %dma_start3A_104 = arith.constant 0 : i32
      %dma_start3A_105 = tpu.memref_slice %arg11[%add3A_54, %dma_start3A_104] : memref<15056x32xf32, #tpu.memory_space<vmem_shared>> -> memref<32x32xf32, #tpu.memory_space<vmem_shared>>
      tpu.enqueue_dma source(%arg8 : memref<32x32xf32, #tpu.memory_space<vmem>>) target(%dma_start3A_105 : memref<32x32xf32, #tpu.memory_space<vmem_shared>>) target_semaphore(%run_scoped3A : memref<!tpu.dma_semaphore, #tpu.memory_space<semaphore_mem>>)
      %dma_wait3A_106 = arith.constant 0 : i32
      %dma_wait3A_107 = tpu.memref_slice %arg11[%add3A_54, %dma_wait3A_106] : memref<15056x32xf32, #tpu.memory_space<vmem_shared>> -> memref<32x32xf32, #tpu.memory_space<vmem_shared>>
      %dma_wait3A_108 = arith.constant 0 : i32
      %dma_wait3A_109 = tpu.memref_slice %arg11[%add3A_54, %dma_wait3A_108] : memref<15056x32xf32, #tpu.memory_space<vmem_shared>> -> memref<32x32xf32, #tpu.memory_space<vmem_shared>>
      tpu.wait_dma2 semaphore(%run_scoped3A : memref<!tpu.dma_semaphore, #tpu.memory_space<semaphore_mem>>) src(%arg8 : memref<32x32xf32, #tpu.memory_space<vmem>>) dst(%dma_wait3A_109 : memref<32x32xf32, #tpu.memory_space<vmem_shared>>)
      tpu.yield
    }) : () -> ()
    %add3A_55 = arith.constant 736 : i32
    %add3A_56 = arith.addi %min3A_9, %add3A_55 : i32
    "tpu.region"() ({
      %run_scoped3A = tpu.sem_alloc : memref<!tpu.dma_semaphore, #tpu.memory_space<semaphore_mem>>
      %dma_start3A_102 = arith.constant 0 : i32
      %dma_start3A_103 = tpu.memref_slice %arg11[%add3A_56, %dma_start3A_102] : memref<15056x32xf32, #tpu.memory_space<vmem_shared>> -> memref<32x32xf32, #tpu.memory_space<vmem_shared>>
      %dma_start3A_104 = arith.constant 0 : i32
      %dma_start3A_105 = tpu.memref_slice %arg11[%add3A_56, %dma_start3A_104] : memref<15056x32xf32, #tpu.memory_space<vmem_shared>> -> memref<32x32xf32, #tpu.memory_space<vmem_shared>>
      tpu.enqueue_dma source(%arg8 : memref<32x32xf32, #tpu.memory_space<vmem>>) target(%dma_start3A_105 : memref<32x32xf32, #tpu.memory_space<vmem_shared>>) target_semaphore(%run_scoped3A : memref<!tpu.dma_semaphore, #tpu.memory_space<semaphore_mem>>)
      %dma_wait3A_106 = arith.constant 0 : i32
      %dma_wait3A_107 = tpu.memref_slice %arg11[%add3A_56, %dma_wait3A_106] : memref<15056x32xf32, #tpu.memory_space<vmem_shared>> -> memref<32x32xf32, #tpu.memory_space<vmem_shared>>
      %dma_wait3A_108 = arith.constant 0 : i32
      %dma_wait3A_109 = tpu.memref_slice %arg11[%add3A_56, %dma_wait3A_108] : memref<15056x32xf32, #tpu.memory_space<vmem_shared>> -> memref<32x32xf32, #tpu.memory_space<vmem_shared>>
      tpu.wait_dma2 semaphore(%run_scoped3A : memref<!tpu.dma_semaphore, #tpu.memory_space<semaphore_mem>>) src(%arg8 : memref<32x32xf32, #tpu.memory_space<vmem>>) dst(%dma_wait3A_109 : memref<32x32xf32, #tpu.memory_space<vmem_shared>>)
      tpu.yield
    }) : () -> ()
    %add3A_57 = arith.constant 768 : i32
    %add3A_58 = arith.addi %min3A_9, %add3A_57 : i32
    "tpu.region"() ({
      %run_scoped3A = tpu.sem_alloc : memref<!tpu.dma_semaphore, #tpu.memory_space<semaphore_mem>>
      %dma_start3A_102 = arith.constant 0 : i32
      %dma_start3A_103 = tpu.memref_slice %arg11[%add3A_58, %dma_start3A_102] : memref<15056x32xf32, #tpu.memory_space<vmem_shared>> -> memref<32x32xf32, #tpu.memory_space<vmem_shared>>
      %dma_start3A_104 = arith.constant 0 : i32
      %dma_start3A_105 = tpu.memref_slice %arg11[%add3A_58, %dma_start3A_104] : memref<15056x32xf32, #tpu.memory_space<vmem_shared>> -> memref<32x32xf32, #tpu.memory_space<vmem_shared>>
      tpu.enqueue_dma source(%arg8 : memref<32x32xf32, #tpu.memory_space<vmem>>) target(%dma_start3A_105 : memref<32x32xf32, #tpu.memory_space<vmem_shared>>) target_semaphore(%run_scoped3A : memref<!tpu.dma_semaphore, #tpu.memory_space<semaphore_mem>>)
      %dma_wait3A_106 = arith.constant 0 : i32
      %dma_wait3A_107 = tpu.memref_slice %arg11[%add3A_58, %dma_wait3A_106] : memref<15056x32xf32, #tpu.memory_space<vmem_shared>> -> memref<32x32xf32, #tpu.memory_space<vmem_shared>>
      %dma_wait3A_108 = arith.constant 0 : i32
      %dma_wait3A_109 = tpu.memref_slice %arg11[%add3A_58, %dma_wait3A_108] : memref<15056x32xf32, #tpu.memory_space<vmem_shared>> -> memref<32x32xf32, #tpu.memory_space<vmem_shared>>
      tpu.wait_dma2 semaphore(%run_scoped3A : memref<!tpu.dma_semaphore, #tpu.memory_space<semaphore_mem>>) src(%arg8 : memref<32x32xf32, #tpu.memory_space<vmem>>) dst(%dma_wait3A_109 : memref<32x32xf32, #tpu.memory_space<vmem_shared>>)
      tpu.yield
    }) : () -> ()
    %add3A_59 = arith.constant 800 : i32
    %add3A_60 = arith.addi %min3A_9, %add3A_59 : i32
    "tpu.region"() ({
      %run_scoped3A = tpu.sem_alloc : memref<!tpu.dma_semaphore, #tpu.memory_space<semaphore_mem>>
      %dma_start3A_102 = arith.constant 0 : i32
      %dma_start3A_103 = tpu.memref_slice %arg11[%add3A_60, %dma_start3A_102] : memref<15056x32xf32, #tpu.memory_space<vmem_shared>> -> memref<32x32xf32, #tpu.memory_space<vmem_shared>>
      %dma_start3A_104 = arith.constant 0 : i32
      %dma_start3A_105 = tpu.memref_slice %arg11[%add3A_60, %dma_start3A_104] : memref<15056x32xf32, #tpu.memory_space<vmem_shared>> -> memref<32x32xf32, #tpu.memory_space<vmem_shared>>
      tpu.enqueue_dma source(%arg8 : memref<32x32xf32, #tpu.memory_space<vmem>>) target(%dma_start3A_105 : memref<32x32xf32, #tpu.memory_space<vmem_shared>>) target_semaphore(%run_scoped3A : memref<!tpu.dma_semaphore, #tpu.memory_space<semaphore_mem>>)
      %dma_wait3A_106 = arith.constant 0 : i32
      %dma_wait3A_107 = tpu.memref_slice %arg11[%add3A_60, %dma_wait3A_106] : memref<15056x32xf32, #tpu.memory_space<vmem_shared>> -> memref<32x32xf32, #tpu.memory_space<vmem_shared>>
      %dma_wait3A_108 = arith.constant 0 : i32
      %dma_wait3A_109 = tpu.memref_slice %arg11[%add3A_60, %dma_wait3A_108] : memref<15056x32xf32, #tpu.memory_space<vmem_shared>> -> memref<32x32xf32, #tpu.memory_space<vmem_shared>>
      tpu.wait_dma2 semaphore(%run_scoped3A : memref<!tpu.dma_semaphore, #tpu.memory_space<semaphore_mem>>) src(%arg8 : memref<32x32xf32, #tpu.memory_space<vmem>>) dst(%dma_wait3A_109 : memref<32x32xf32, #tpu.memory_space<vmem_shared>>)
      tpu.yield
    }) : () -> ()
    %add3A_61 = arith.constant 832 : i32
    %add3A_62 = arith.addi %min3A_9, %add3A_61 : i32
    "tpu.region"() ({
      %run_scoped3A = tpu.sem_alloc : memref<!tpu.dma_semaphore, #tpu.memory_space<semaphore_mem>>
      %dma_start3A_102 = arith.constant 0 : i32
      %dma_start3A_103 = tpu.memref_slice %arg11[%add3A_62, %dma_start3A_102] : memref<15056x32xf32, #tpu.memory_space<vmem_shared>> -> memref<32x32xf32, #tpu.memory_space<vmem_shared>>
      %dma_start3A_104 = arith.constant 0 : i32
      %dma_start3A_105 = tpu.memref_slice %arg11[%add3A_62, %dma_start3A_104] : memref<15056x32xf32, #tpu.memory_space<vmem_shared>> -> memref<32x32xf32, #tpu.memory_space<vmem_shared>>
      tpu.enqueue_dma source(%arg8 : memref<32x32xf32, #tpu.memory_space<vmem>>) target(%dma_start3A_105 : memref<32x32xf32, #tpu.memory_space<vmem_shared>>) target_semaphore(%run_scoped3A : memref<!tpu.dma_semaphore, #tpu.memory_space<semaphore_mem>>)
      %dma_wait3A_106 = arith.constant 0 : i32
      %dma_wait3A_107 = tpu.memref_slice %arg11[%add3A_62, %dma_wait3A_106] : memref<15056x32xf32, #tpu.memory_space<vmem_shared>> -> memref<32x32xf32, #tpu.memory_space<vmem_shared>>
      %dma_wait3A_108 = arith.constant 0 : i32
      %dma_wait3A_109 = tpu.memref_slice %arg11[%add3A_62, %dma_wait3A_108] : memref<15056x32xf32, #tpu.memory_space<vmem_shared>> -> memref<32x32xf32, #tpu.memory_space<vmem_shared>>
      tpu.wait_dma2 semaphore(%run_scoped3A : memref<!tpu.dma_semaphore, #tpu.memory_space<semaphore_mem>>) src(%arg8 : memref<32x32xf32, #tpu.memory_space<vmem>>) dst(%dma_wait3A_109 : memref<32x32xf32, #tpu.memory_space<vmem_shared>>)
      tpu.yield
    }) : () -> ()
    %add3A_63 = arith.constant 864 : i32
    %add3A_64 = arith.addi %min3A_9, %add3A_63 : i32
    "tpu.region"() ({
      %run_scoped3A = tpu.sem_alloc : memref<!tpu.dma_semaphore, #tpu.memory_space<semaphore_mem>>
      %dma_start3A_102 = arith.constant 0 : i32
      %dma_start3A_103 = tpu.memref_slice %arg11[%add3A_64, %dma_start3A_102] : memref<15056x32xf32, #tpu.memory_space<vmem_shared>> -> memref<32x32xf32, #tpu.memory_space<vmem_shared>>
      %dma_start3A_104 = arith.constant 0 : i32
      %dma_start3A_105 = tpu.memref_slice %arg11[%add3A_64, %dma_start3A_104] : memref<15056x32xf32, #tpu.memory_space<vmem_shared>> -> memref<32x32xf32, #tpu.memory_space<vmem_shared>>
      tpu.enqueue_dma source(%arg8 : memref<32x32xf32, #tpu.memory_space<vmem>>) target(%dma_start3A_105 : memref<32x32xf32, #tpu.memory_space<vmem_shared>>) target_semaphore(%run_scoped3A : memref<!tpu.dma_semaphore, #tpu.memory_space<semaphore_mem>>)
      %dma_wait3A_106 = arith.constant 0 : i32
      %dma_wait3A_107 = tpu.memref_slice %arg11[%add3A_64, %dma_wait3A_106] : memref<15056x32xf32, #tpu.memory_space<vmem_shared>> -> memref<32x32xf32, #tpu.memory_space<vmem_shared>>
      %dma_wait3A_108 = arith.constant 0 : i32
      %dma_wait3A_109 = tpu.memref_slice %arg11[%add3A_64, %dma_wait3A_108] : memref<15056x32xf32, #tpu.memory_space<vmem_shared>> -> memref<32x32xf32, #tpu.memory_space<vmem_shared>>
      tpu.wait_dma2 semaphore(%run_scoped3A : memref<!tpu.dma_semaphore, #tpu.memory_space<semaphore_mem>>) src(%arg8 : memref<32x32xf32, #tpu.memory_space<vmem>>) dst(%dma_wait3A_109 : memref<32x32xf32, #tpu.memory_space<vmem_shared>>)
      tpu.yield
    }) : () -> ()
    %add3A_65 = arith.constant 896 : i32
    %add3A_66 = arith.addi %min3A_9, %add3A_65 : i32
    "tpu.region"() ({
      %run_scoped3A = tpu.sem_alloc : memref<!tpu.dma_semaphore, #tpu.memory_space<semaphore_mem>>
      %dma_start3A_102 = arith.constant 0 : i32
      %dma_start3A_103 = tpu.memref_slice %arg11[%add3A_66, %dma_start3A_102] : memref<15056x32xf32, #tpu.memory_space<vmem_shared>> -> memref<32x32xf32, #tpu.memory_space<vmem_shared>>
      %dma_start3A_104 = arith.constant 0 : i32
      %dma_start3A_105 = tpu.memref_slice %arg11[%add3A_66, %dma_start3A_104] : memref<15056x32xf32, #tpu.memory_space<vmem_shared>> -> memref<32x32xf32, #tpu.memory_space<vmem_shared>>
      tpu.enqueue_dma source(%arg8 : memref<32x32xf32, #tpu.memory_space<vmem>>) target(%dma_start3A_105 : memref<32x32xf32, #tpu.memory_space<vmem_shared>>) target_semaphore(%run_scoped3A : memref<!tpu.dma_semaphore, #tpu.memory_space<semaphore_mem>>)
      %dma_wait3A_106 = arith.constant 0 : i32
      %dma_wait3A_107 = tpu.memref_slice %arg11[%add3A_66, %dma_wait3A_106] : memref<15056x32xf32, #tpu.memory_space<vmem_shared>> -> memref<32x32xf32, #tpu.memory_space<vmem_shared>>
      %dma_wait3A_108 = arith.constant 0 : i32
      %dma_wait3A_109 = tpu.memref_slice %arg11[%add3A_66, %dma_wait3A_108] : memref<15056x32xf32, #tpu.memory_space<vmem_shared>> -> memref<32x32xf32, #tpu.memory_space<vmem_shared>>
      tpu.wait_dma2 semaphore(%run_scoped3A : memref<!tpu.dma_semaphore, #tpu.memory_space<semaphore_mem>>) src(%arg8 : memref<32x32xf32, #tpu.memory_space<vmem>>) dst(%dma_wait3A_109 : memref<32x32xf32, #tpu.memory_space<vmem_shared>>)
      tpu.yield
    }) : () -> ()
    %add3A_67 = arith.constant 928 : i32
    %add3A_68 = arith.addi %min3A_9, %add3A_67 : i32
    "tpu.region"() ({
      %run_scoped3A = tpu.sem_alloc : memref<!tpu.dma_semaphore, #tpu.memory_space<semaphore_mem>>
      %dma_start3A_102 = arith.constant 0 : i32
      %dma_start3A_103 = arith.constant 0 : i32
      %dma_start3A_104 = tpu.memref_slice %arg8[%dma_start3A_102, %dma_start3A_103] : memref<32x32xf32, #tpu.memory_space<vmem>> -> memref<16x32xf32, #tpu.memory_space<vmem>>
      %dma_start3A_105 = arith.constant 0 : i32
      %dma_start3A_106 = tpu.memref_slice %arg11[%add3A_68, %dma_start3A_105] : memref<15056x32xf32, #tpu.memory_space<vmem_shared>> -> memref<16x32xf32, #tpu.memory_space<vmem_shared>>
      %dma_start3A_107 = arith.constant 0 : i32
      %dma_start3A_108 = tpu.memref_slice %arg11[%add3A_68, %dma_start3A_107] : memref<15056x32xf32, #tpu.memory_space<vmem_shared>> -> memref<16x32xf32, #tpu.memory_space<vmem_shared>>
      %dma_start3A_109 = arith.constant 0 : i32
      %dma_start3A_110 = arith.constant 0 : i32
      %dma_start3A_111 = tpu.memref_slice %arg8[%dma_start3A_109, %dma_start3A_110] : memref<32x32xf32, #tpu.memory_space<vmem>> -> memref<16x32xf32, #tpu.memory_space<vmem>>
      tpu.enqueue_dma source(%dma_start3A_111 : memref<16x32xf32, #tpu.memory_space<vmem>>) target(%dma_start3A_108 : memref<16x32xf32, #tpu.memory_space<vmem_shared>>) target_semaphore(%run_scoped3A : memref<!tpu.dma_semaphore, #tpu.memory_space<semaphore_mem>>)
      %dma_wait3A_112 = arith.constant 0 : i32
      %dma_wait3A_113 = arith.constant 0 : i32
      %dma_wait3A_114 = tpu.memref_slice %arg8[%dma_wait3A_112, %dma_wait3A_113] : memref<32x32xf32, #tpu.memory_space<vmem>> -> memref<16x32xf32, #tpu.memory_space<vmem>>
      %dma_wait3A_115 = arith.constant 0 : i32
      %dma_wait3A_116 = tpu.memref_slice %arg11[%add3A_68, %dma_wait3A_115] : memref<15056x32xf32, #tpu.memory_space<vmem_shared>> -> memref<16x32xf32, #tpu.memory_space<vmem_shared>>
      %dma_wait3A_117 = arith.constant 0 : i32
      %dma_wait3A_118 = tpu.memref_slice %arg11[%add3A_68, %dma_wait3A_117] : memref<15056x32xf32, #tpu.memory_space<vmem_shared>> -> memref<16x32xf32, #tpu.memory_space<vmem_shared>>
      %dma_wait3A_119 = arith.constant 0 : i32
      %dma_wait3A_120 = arith.constant 0 : i32
      %dma_wait3A_121 = tpu.memref_slice %arg8[%dma_wait3A_119, %dma_wait3A_120] : memref<32x32xf32, #tpu.memory_space<vmem>> -> memref<16x32xf32, #tpu.memory_space<vmem>>
      tpu.wait_dma2 semaphore(%run_scoped3A : memref<!tpu.dma_semaphore, #tpu.memory_space<semaphore_mem>>) src(%dma_wait3A_121 : memref<16x32xf32, #tpu.memory_space<vmem>>) dst(%dma_wait3A_118 : memref<16x32xf32, #tpu.memory_space<vmem_shared>>)
      tpu.yield
    }) : () -> ()
    %scan3A_69 = arith.constant 0 : i32
    %scan3A_70 = arith.constant 0 : i32
    %scan3A_71 = arith.constant 32 : i32
    %scan3A_72 = arith.addi %scan3A_70, %scan3A_71 : i32
    %scan3A_73 = arith.constant 1 : i32
    %scan3A_74 = scf.for %scan3A_102 = %scan3A_70 to %scan3A_72 step %scan3A_73 iter_args(%scan3A_103 = %scan3A_69) -> (i32)  : i32 {
      %broadcast_in_dim3A = arith.constant 1.000000e+00 : f32
      %broadcast_in_dim3A_104 = vector.broadcast %broadcast_in_dim3A : f32 to vector<16xf32>
      %swap3A = arith.index_cast %scan3A_102 : i32 to index
      %swap3A_105 = arith.constant 0 : index
      %swap3A_106 = tpu.vector_load %arg8[%swap3A, %swap3A_105] {strides = array<i32>} : memref<32x32xf32, #tpu.memory_space<vmem>>, vector<1x16xf32>,
      %swap3A_107 = vector.shape_cast %swap3A_106 : vector<1x16xf32> to vector<16xf32>
      %swap3A_108 = vector.shape_cast %broadcast_in_dim3A_104 : vector<16xf32> to vector<1x16xf32>
      tpu.vector_store %arg8[%swap3A, %swap3A_105], %swap3A_108 {strides = array<i32>} : memref<32x32xf32, #tpu.memory_space<vmem>>, vector<1x16xf32>,
      %broadcast_in_dim3A_109 = arith.constant 1.000000e+00 : f32
      %broadcast_in_dim3A_110 = vector.broadcast %broadcast_in_dim3A_109 : f32 to vector<16xf32>
      %swap3A_111 = arith.index_cast %scan3A_102 : i32 to index
      %swap3A_112 = arith.constant 16 : index
      %swap3A_113 = tpu.vector_load %arg8[%swap3A_111, %swap3A_112] {strides = array<i32>} : memref<32x32xf32, #tpu.memory_space<vmem>>, vector<1x16xf32>,
      %swap3A_114 = vector.shape_cast %swap3A_113 : vector<1x16xf32> to vector<16xf32>
      %swap3A_115 = vector.shape_cast %broadcast_in_dim3A_110 : vector<16xf32> to vector<1x16xf32>
      tpu.vector_store %arg8[%swap3A_111, %swap3A_112], %swap3A_115 {strides = array<i32>} : memref<32x32xf32, #tpu.memory_space<vmem>>, vector<1x16xf32>,
      %scan3A_116 = arith.constant 0 : i32
      scf.yield %scan3A_116 : i32
    }
    %scan3A_75 = arith.constant 32 : i32
    %barrier3A = arith.constant 0 : index
    tpu.barrier barrier_id(%barrier3A)
    %dma_start3A = arith.constant 0 : i32
    %dma_start3A_76 = arith.constant 0 : i32
    %dma_start3A_77 = tpu.memref_slice %arg2[%arg1, %dma_start3A, %dma_start3A_76] : memref<10016x3x32xi32, #tpu.memory_space<hbm>> -> memref<1x3x32xi32, #tpu.memory_space<hbm>>
    %dma_start3A_78 = tpu.memref_squeeze %dma_start3A_77 : memref<1x3x32xi32, #tpu.memory_space<hbm>> -> memref<3x32xi32, #tpu.memory_space<hbm>>
    %dma_start3A_79 = arith.constant 0 : i32
    %dma_start3A_80 = arith.constant 0 : i32
    %dma_start3A_81 = tpu.memref_slice %arg2[%arg1, %dma_start3A_79, %dma_start3A_80] : memref<10016x3x32xi32, #tpu.memory_space<hbm>> -> memref<1x3x32xi32, #tpu.memory_space<hbm>>
    %dma_start3A_82 = tpu.memref_squeeze %dma_start3A_81 : memref<1x3x32xi32, #tpu.memory_space<hbm>> -> memref<3x32xi32, #tpu.memory_space<hbm>>
    tpu.enqueue_dma source(%dma_start3A_82 : memref<3x32xi32, #tpu.memory_space<hbm>>) target(%arg4 : memref<3x32xi32, #tpu.memory_space<vmem>>) target_semaphore(%arg9 : memref<!tpu.dma_semaphore, #tpu.memory_space<semaphore_mem>>)
    %scan3A_83 = arith.constant 0 : i32
    %scan3A_84 = arith.constant 0 : i32
    %scan3A_85 = arith.constant 313 : i32
    %scan3A_86 = arith.addi %scan3A_84, %scan3A_85 : i32
    %scan3A_87 = arith.constant 1 : i32
    %scan3A_88 = scf.for %scan3A_102 = %scan3A_84 to %scan3A_86 step %scan3A_87 iter_args(%scan3A_103 = %scan3A_83) -> (i32)  : i32 {
      %mul3A_104 = arith.constant 2 : i32
      %mul3A_105 = arith.muli %mul3A_104, %scan3A_102 : i32
      %add3A_106 = arith.constant 1 : i32
      %add3A_107 = arith.addi %mul3A_105, %add3A_106 : i32
      %mul3A_108 = arith.constant 16 : i32
      %mul3A_109 = arith.muli %add3A_107, %mul3A_108 : i32
      %add3A_110 = arith.addi %arg1, %mul3A_109 : i32
      %dma_start3A_111 = arith.constant 0 : i32
      %dma_start3A_112 = arith.constant 0 : i32
      %dma_start3A_113 = tpu.memref_slice %arg2[%add3A_110, %dma_start3A_111, %dma_start3A_112] : memref<10016x3x32xi32, #tpu.memory_space<hbm>> -> memref<1x3x32xi32, #tpu.memory_space<hbm>>
      %dma_start3A_114 = tpu.memref_squeeze %dma_start3A_113 : memref<1x3x32xi32, #tpu.memory_space<hbm>> -> memref<3x32xi32, #tpu.memory_space<hbm>>
      %dma_start3A_115 = arith.constant 0 : i32
      %dma_start3A_116 = arith.constant 0 : i32
      %dma_start3A_117 = tpu.memref_slice %arg2[%add3A_110, %dma_start3A_115, %dma_start3A_116] : memref<10016x3x32xi32, #tpu.memory_space<hbm>> -> memref<1x3x32xi32, #tpu.memory_space<hbm>>
      %dma_start3A_118 = tpu.memref_squeeze %dma_start3A_117 : memref<1x3x32xi32, #tpu.memory_space<hbm>> -> memref<3x32xi32, #tpu.memory_space<hbm>>
      tpu.enqueue_dma source(%dma_start3A_118 : memref<3x32xi32, #tpu.memory_space<hbm>>) target(%arg5 : memref<3x32xi32, #tpu.memory_space<vmem>>) target_semaphore(%arg10 : memref<!tpu.dma_semaphore, #tpu.memory_space<semaphore_mem>>)
      %dma_wait3A_119 = arith.constant 0 : i32
      %dma_wait3A_120 = arith.constant 0 : i32
      %dma_wait3A_121 = tpu.memref_slice %arg2[%arg1, %dma_wait3A_119, %dma_wait3A_120] : memref<10016x3x32xi32, #tpu.memory_space<hbm>> -> memref<1x3x32xi32, #tpu.memory_space<hbm>>
      %dma_wait3A_122 = tpu.memref_squeeze %dma_wait3A_121 : memref<1x3x32xi32, #tpu.memory_space<hbm>> -> memref<3x32xi32, #tpu.memory_space<hbm>>
      %dma_wait3A_123 = arith.constant 0 : i32
      %dma_wait3A_124 = arith.constant 0 : i32
      %dma_wait3A_125 = tpu.memref_slice %arg2[%arg1, %dma_wait3A_123, %dma_wait3A_124] : memref<10016x3x32xi32, #tpu.memory_space<hbm>> -> memref<1x3x32xi32, #tpu.memory_space<hbm>>
      %dma_wait3A_126 = tpu.memref_squeeze %dma_wait3A_125 : memref<1x3x32xi32, #tpu.memory_space<hbm>> -> memref<3x32xi32, #tpu.memory_space<hbm>>
      tpu.wait_dma2 semaphore(%arg9 : memref<!tpu.dma_semaphore, #tpu.memory_space<semaphore_mem>>) src(%dma_wait3A_126 : memref<3x32xi32, #tpu.memory_space<hbm>>) dst(%arg4 : memref<3x32xi32, #tpu.memory_space<vmem>>)
      %get3A = arith.constant 1 : i32
      %get3A_127 = arith.index_cast %get3A : i32 to index
      %get3A_128 = arith.constant 0 : index
      %get3A_129 = tpu.vector_load %arg4[%get3A_127, %get3A_128] {strides = array<i32>} : memref<3x32xi32, #tpu.memory_space<vmem>>, vector<1x16xi32>,
      %get3A_130 = vector.shape_cast %get3A_129 : vector<1x16xi32> to vector<16xi32>
      %get3A_131 = arith.constant 2 : i32
      %get3A_132 = arith.index_cast %get3A_131 : i32 to index
      %get3A_133 = arith.constant 0 : index
      %get3A_134 = tpu.vector_load %arg4[%get3A_132, %get3A_133] {strides = array<i32>} : memref<3x32xi32, #tpu.memory_space<vmem>>, vector<1x16xi32>,
      %get3A_135 = vector.shape_cast %get3A_134 : vector<1x16xi32> to vector<16xi32>
      %sub3A = vector.broadcast %mul3A_0 : i32 to vector<16xi32>
      %sub3A_136 = arith.subi %get3A_130, %sub3A : vector<16xi32>
      %ge3A = arith.constant 0 : i32
      %ge3A_137 = vector.broadcast %ge3A : i32 to vector<16xi32>
      %ge3A_138 = arith.cmpi sge, %sub3A_136, %ge3A_137 : vector<16xi32>
      %lt3A = arith.constant 5000 : i32
      %lt3A_139 = vector.broadcast %lt3A : i32 to vector<16xi32>
      %lt3A_140 = arith.cmpi slt, %sub3A_136, %lt3A_139 : vector<16xi32>
      %and3A = arith.andi %ge3A_138, %lt3A_140 : vector<16xi1>
      %add3A_141 = arith.constant 0 : i32
      %add3A_142 = vector.broadcast %add3A_141 : i32 to vector<16xi32>
      %add3A_143 = arith.addi %iota3A, %add3A_142 : vector<16xi32>
      %and3A_144 = arith.constant 31 : i32
      %and3A_145 = vector.broadcast %and3A_144 : i32 to vector<16xi32>
      %and3A_146 = arith.andi %add3A_143, %and3A_145 : vector<16xi32>
      %add3A_147 = arith.constant 15024 : i32
      %add3A_148 = vector.broadcast %add3A_147 : i32 to vector<16xi32>
      %add3A_149 = arith.addi %add3A_148, %and3A_146 : vector<16xi32>
      %mul3A_150 = arith.constant 5008 : i32
      %mul3A_151 = vector.broadcast %mul3A_150 : i32 to vector<16xi32>
      %mul3A_152 = arith.muli %get3A_135, %mul3A_151 : vector<16xi32>
      %add3A_153 = arith.addi %mul3A_152, %sub3A_136 : vector<16xi32>
      %select_n3A = arith.select %and3A, %add3A_153, %add3A_149 : vector<16xi1>, vector<16xi32>
      %swap3A = arith.constant 0 : i32
      %swap3A_154 = arith.index_cast %swap3A : i32 to index
      %swap3A_155 = arith.constant 0 : index
      %swap3A_156 = tpu.vector_load %arg6[%swap3A_154, %swap3A_155] {strides = array<i32>} : memref<1x32xi32, #tpu.memory_space<vmem>>, vector<1x16xi32>,
      %swap3A_157 = vector.shape_cast %swap3A_156 : vector<1x16xi32> to vector<16xi32>
      %swap3A_158 = vector.shape_cast %select_n3A : vector<16xi32> to vector<1x16xi32>
      tpu.vector_store %arg6[%swap3A_154, %swap3A_155], %swap3A_158 {strides = array<i32>} : memref<1x32xi32, #tpu.memory_space<vmem>>, vector<1x16xi32>,
      %get3A_159 = arith.constant 1 : i32
      %get3A_160 = arith.index_cast %get3A_159 : i32 to index
      %get3A_161 = arith.constant 16 : index
      %get3A_162 = tpu.vector_load %arg4[%get3A_160, %get3A_161] {strides = array<i32>} : memref<3x32xi32, #tpu.memory_space<vmem>>, vector<1x16xi32>,
      %get3A_163 = vector.shape_cast %get3A_162 : vector<1x16xi32> to vector<16xi32>
      %get3A_164 = arith.constant 2 : i32
      %get3A_165 = arith.index_cast %get3A_164 : i32 to index
      %get3A_166 = arith.constant 16 : index
      %get3A_167 = tpu.vector_load %arg4[%get3A_165, %get3A_166] {strides = array<i32>} : memref<3x32xi32, #tpu.memory_space<vmem>>, vector<1x16xi32>,
      %get3A_168 = vector.shape_cast %get3A_167 : vector<1x16xi32> to vector<16xi32>
      %sub3A_169 = vector.broadcast %mul3A_0 : i32 to vector<16xi32>
      %sub3A_170 = arith.subi %get3A_163, %sub3A_169 : vector<16xi32>
      %ge3A_171 = arith.constant 0 : i32
      %ge3A_172 = vector.broadcast %ge3A_171 : i32 to vector<16xi32>
      %ge3A_173 = arith.cmpi sge, %sub3A_170, %ge3A_172 : vector<16xi32>
      %lt3A_174 = arith.constant 5000 : i32
      %lt3A_175 = vector.broadcast %lt3A_174 : i32 to vector<16xi32>
      %lt3A_176 = arith.cmpi slt, %sub3A_170, %lt3A_175 : vector<16xi32>
      %and3A_177 = arith.andi %ge3A_173, %lt3A_176 : vector<16xi1>
      %add3A_178 = arith.constant 16 : i32
      %add3A_179 = vector.broadcast %add3A_178 : i32 to vector<16xi32>
      %add3A_180 = arith.addi %iota3A, %add3A_179 : vector<16xi32>
      %and3A_181 = arith.constant 31 : i32
      %and3A_182 = vector.broadcast %and3A_181 : i32 to vector<16xi32>
      %and3A_183 = arith.andi %add3A_180, %and3A_182 : vector<16xi32>
      %add3A_184 = arith.constant 15024 : i32
      %add3A_185 = vector.broadcast %add3A_184 : i32 to vector<16xi32>
      %add3A_186 = arith.addi %add3A_185, %and3A_183 : vector<16xi32>
      %mul3A_187 = arith.constant 5008 : i32
      %mul3A_188 = vector.broadcast %mul3A_187 : i32 to vector<16xi32>
      %mul3A_189 = arith.muli %get3A_168, %mul3A_188 : vector<16xi32>
      %add3A_190 = arith.addi %mul3A_189, %sub3A_170 : vector<16xi32>
      %select_n3A_191 = arith.select %and3A_177, %add3A_190, %add3A_186 : vector<16xi1>, vector<16xi32>
      %swap3A_192 = arith.constant 0 : i32
      %swap3A_193 = arith.index_cast %swap3A_192 : i32 to index
      %swap3A_194 = arith.constant 16 : index
      %swap3A_195 = tpu.vector_load %arg6[%swap3A_193, %swap3A_194] {strides = array<i32>} : memref<1x32xi32, #tpu.memory_space<vmem>>, vector<1x16xi32>,
      %swap3A_196 = vector.shape_cast %swap3A_195 : vector<1x16xi32> to vector<16xi32>
      %swap3A_197 = vector.shape_cast %select_n3A_191 : vector<16xi32> to vector<1x16xi32>
      tpu.vector_store %arg6[%swap3A_193, %swap3A_194], %swap3A_197 {strides = array<i32>} : memref<1x32xi32, #tpu.memory_space<vmem>>, vector<1x16xi32>,
      %run_scoped3A = arith.constant 0 : i32
      "tpu.region"() ({
        %run_scoped3A_301 = tpu.sem_alloc : memref<!tpu.dma_semaphore, #tpu.memory_space<semaphore_mem>>
        %dma_start3A_302 = arith.constant 0 : i32
        %dma_start3A_303 = tpu.memref_slice %arg6[%run_scoped3A, %dma_start3A_302] : memref<1x32xi32, #tpu.memory_space<vmem>> -> memref<1x32xi32, #tpu.memory_space<vmem>>
        %dma_start3A_304 = tpu.memref_squeeze %dma_start3A_303 : memref<1x32xi32, #tpu.memory_space<vmem>> -> memref<32xi32, #tpu.memory_space<vmem>>
        %dma_start3A_305 = arith.constant 0 : i32
        %dma_start3A_306 = arith.constant 0 : i32
        %dma_start3A_307 = tpu.memref_slice %arg11[%dma_start3A_305, %dma_start3A_306] : memref<15056x32xf32, #tpu.memory_space<vmem_shared>> -> memref<15056x32xf32, #tpu.memory_space<vmem_shared>>
        tpu.enqueue_indirect_dma source(%arg8 : memref<32x32xf32, #tpu.memory_space<vmem>>) target(%dma_start3A_307 : memref<15056x32xf32, #tpu.memory_space<vmem_shared>>) offsets(%dma_start3A_304 : memref<32xi32, #tpu.memory_space<vmem>>) semaphore(%run_scoped3A_301 : memref<!tpu.dma_semaphore, #tpu.memory_space<semaphore_mem>>) {add = true}
        %dma_wait3A_308 = arith.constant 0 : i32
        %dma_wait3A_309 = tpu.memref_slice %arg6[%run_scoped3A, %dma_wait3A_308] : memref<1x32xi32, #tpu.memory_space<vmem>> -> memref<1x32xi32, #tpu.memory_space<vmem>>
        %dma_wait3A_310 = tpu.memref_squeeze %dma_wait3A_309 : memref<1x32xi32, #tpu.memory_space<vmem>> -> memref<32xi32, #tpu.memory_space<vmem>>
        %dma_wait3A_311 = arith.constant 0 : i32
        %dma_wait3A_312 = arith.constant 0 : i32
        %dma_wait3A_313 = tpu.memref_slice %arg11[%dma_wait3A_311, %dma_wait3A_312] : memref<15056x32xf32, #tpu.memory_space<vmem_shared>> -> memref<15056x32xf32, #tpu.memory_space<vmem_shared>>
        tpu.wait_indirect_dma semaphore(%run_scoped3A_301 : memref<!tpu.dma_semaphore, #tpu.memory_space<semaphore_mem>>) src(%arg8 : memref<32x32xf32, #tpu.memory_space<vmem>>) dst(%dma_wait3A_313 : memref<15056x32xf32, #tpu.memory_space<vmem_shared>>)
        tpu.yield
      }) : () -> ()
      %add3A_198 = arith.constant 1 : i32
      %add3A_199 = arith.addi %add3A_107, %add3A_198 : i32
      %min3A_200 = arith.constant 625 : i32
      %min3A_201 = arith.minsi %add3A_199, %min3A_200 : i32
      %mul3A_202 = arith.constant 16 : i32
      %mul3A_203 = arith.muli %min3A_201, %mul3A_202 : i32
      %add3A_204 = arith.addi %arg1, %mul3A_203 : i32
      %dma_start3A_205 = arith.constant 0 : i32
      %dma_start3A_206 = arith.constant 0 : i32
      %dma_start3A_207 = tpu.memref_slice %arg2[%add3A_204, %dma_start3A_205, %dma_start3A_206] : memref<10016x3x32xi32, #tpu.memory_space<hbm>> -> memref<1x3x32xi32, #tpu.memory_space<hbm>>
      %dma_start3A_208 = tpu.memref_squeeze %dma_start3A_207 : memref<1x3x32xi32, #tpu.memory_space<hbm>> -> memref<3x32xi32, #tpu.memory_space<hbm>>
      %dma_start3A_209 = arith.constant 0 : i32
      %dma_start3A_210 = arith.constant 0 : i32
      %dma_start3A_211 = tpu.memref_slice %arg2[%add3A_204, %dma_start3A_209, %dma_start3A_210] : memref<10016x3x32xi32, #tpu.memory_space<hbm>> -> memref<1x3x32xi32, #tpu.memory_space<hbm>>
      %dma_start3A_212 = tpu.memref_squeeze %dma_start3A_211 : memref<1x3x32xi32, #tpu.memory_space<hbm>> -> memref<3x32xi32, #tpu.memory_space<hbm>>
      tpu.enqueue_dma source(%dma_start3A_212 : memref<3x32xi32, #tpu.memory_space<hbm>>) target(%arg4 : memref<3x32xi32, #tpu.memory_space<vmem>>) target_semaphore(%arg9 : memref<!tpu.dma_semaphore, #tpu.memory_space<semaphore_mem>>)
      %dma_wait3A_213 = arith.constant 0 : i32
      %dma_wait3A_214 = arith.constant 0 : i32
      %dma_wait3A_215 = tpu.memref_slice %arg2[%arg1, %dma_wait3A_213, %dma_wait3A_214] : memref<10016x3x32xi32, #tpu.memory_space<hbm>> -> memref<1x3x32xi32, #tpu.memory_space<hbm>>
      %dma_wait3A_216 = tpu.memref_squeeze %dma_wait3A_215 : memref<1x3x32xi32, #tpu.memory_space<hbm>> -> memref<3x32xi32, #tpu.memory_space<hbm>>
      %dma_wait3A_217 = arith.constant 0 : i32
      %dma_wait3A_218 = arith.constant 0 : i32
      %dma_wait3A_219 = tpu.memref_slice %arg2[%arg1, %dma_wait3A_217, %dma_wait3A_218] : memref<10016x3x32xi32, #tpu.memory_space<hbm>> -> memref<1x3x32xi32, #tpu.memory_space<hbm>>
      %dma_wait3A_220 = tpu.memref_squeeze %dma_wait3A_219 : memref<1x3x32xi32, #tpu.memory_space<hbm>> -> memref<3x32xi32, #tpu.memory_space<hbm>>
      tpu.wait_dma2 semaphore(%arg10 : memref<!tpu.dma_semaphore, #tpu.memory_space<semaphore_mem>>) src(%dma_wait3A_220 : memref<3x32xi32, #tpu.memory_space<hbm>>) dst(%arg5 : memref<3x32xi32, #tpu.memory_space<vmem>>)
      %get3A_221 = arith.constant 1 : i32
      %get3A_222 = arith.index_cast %get3A_221 : i32 to index
      %get3A_223 = arith.constant 0 : index
      %get3A_224 = tpu.vector_load %arg5[%get3A_222, %get3A_223] {strides = array<i32>} : memref<3x32xi32, #tpu.memory_space<vmem>>, vector<1x16xi32>,
      %get3A_225 = vector.shape_cast %get3A_224 : vector<1x16xi32> to vector<16xi32>
      %get3A_226 = arith.constant 2 : i32
      %get3A_227 = arith.index_cast %get3A_226 : i32 to index
      %get3A_228 = arith.constant 0 : index
      %get3A_229 = tpu.vector_load %arg5[%get3A_227, %get3A_228] {strides = array<i32>} : memref<3x32xi32, #tpu.memory_space<vmem>>, vector<1x16xi32>,
      %get3A_230 = vector.shape_cast %get3A_229 : vector<1x16xi32> to vector<16xi32>
      %sub3A_231 = vector.broadcast %mul3A_0 : i32 to vector<16xi32>
      %sub3A_232 = arith.subi %get3A_225, %sub3A_231 : vector<16xi32>
      %ge3A_233 = arith.constant 0 : i32
      %ge3A_234 = vector.broadcast %ge3A_233 : i32 to vector<16xi32>
      %ge3A_235 = arith.cmpi sge, %sub3A_232, %ge3A_234 : vector<16xi32>
      %lt3A_236 = arith.constant 5000 : i32
      %lt3A_237 = vector.broadcast %lt3A_236 : i32 to vector<16xi32>
      %lt3A_238 = arith.cmpi slt, %sub3A_232, %lt3A_237 : vector<16xi32>
      %and3A_239 = arith.andi %ge3A_235, %lt3A_238 : vector<16xi1>
      %add3A_240 = arith.constant 0 : i32
      %add3A_241 = vector.broadcast %add3A_240 : i32 to vector<16xi32>
      %add3A_242 = arith.addi %iota3A, %add3A_241 : vector<16xi32>
      %and3A_243 = arith.constant 31 : i32
      %and3A_244 = vector.broadcast %and3A_243 : i32 to vector<16xi32>
      %and3A_245 = arith.andi %add3A_242, %and3A_244 : vector<16xi32>
      %add3A_246 = arith.constant 15024 : i32
      %add3A_247 = vector.broadcast %add3A_246 : i32 to vector<16xi32>
      %add3A_248 = arith.addi %add3A_247, %and3A_245 : vector<16xi32>
      %mul3A_249 = arith.constant 5008 : i32
      %mul3A_250 = vector.broadcast %mul3A_249 : i32 to vector<16xi32>
      %mul3A_251 = arith.muli %get3A_230, %mul3A_250 : vector<16xi32>
      %add3A_252 = arith.addi %mul3A_251, %sub3A_232 : vector<16xi32>
      %select_n3A_253 = arith.select %and3A_239, %add3A_252, %add3A_248 : vector<16xi1>, vector<16xi32>
      %swap3A_254 = arith.constant 0 : i32
      %swap3A_255 = arith.index_cast %swap3A_254 : i32 to index
      %swap3A_256 = arith.constant 0 : index
      %swap3A_257 = tpu.vector_load %arg7[%swap3A_255, %swap3A_256] {strides = array<i32>} : memref<1x32xi32, #tpu.memory_space<vmem>>, vector<1x16xi32>,
      %swap3A_258 = vector.shape_cast %swap3A_257 : vector<1x16xi32> to vector<16xi32>
      %swap3A_259 = vector.shape_cast %select_n3A_253 : vector<16xi32> to vector<1x16xi32>
      tpu.vector_store %arg7[%swap3A_255, %swap3A_256], %swap3A_259 {strides = array<i32>} : memref<1x32xi32, #tpu.memory_space<vmem>>, vector<1x16xi32>,
      %get3A_260 = arith.constant 1 : i32
      %get3A_261 = arith.index_cast %get3A_260 : i32 to index
      %get3A_262 = arith.constant 16 : index
      %get3A_263 = tpu.vector_load %arg5[%get3A_261, %get3A_262] {strides = array<i32>} : memref<3x32xi32, #tpu.memory_space<vmem>>, vector<1x16xi32>,
      %get3A_264 = vector.shape_cast %get3A_263 : vector<1x16xi32> to vector<16xi32>
      %get3A_265 = arith.constant 2 : i32
      %get3A_266 = arith.index_cast %get3A_265 : i32 to index
      %get3A_267 = arith.constant 16 : index
      %get3A_268 = tpu.vector_load %arg5[%get3A_266, %get3A_267] {strides = array<i32>} : memref<3x32xi32, #tpu.memory_space<vmem>>, vector<1x16xi32>,
      %get3A_269 = vector.shape_cast %get3A_268 : vector<1x16xi32> to vector<16xi32>
      %sub3A_270 = vector.broadcast %mul3A_0 : i32 to vector<16xi32>
      %sub3A_271 = arith.subi %get3A_264, %sub3A_270 : vector<16xi32>
      %ge3A_272 = arith.constant 0 : i32
      %ge3A_273 = vector.broadcast %ge3A_272 : i32 to vector<16xi32>
      %ge3A_274 = arith.cmpi sge, %sub3A_271, %ge3A_273 : vector<16xi32>
      %lt3A_275 = arith.constant 5000 : i32
      %lt3A_276 = vector.broadcast %lt3A_275 : i32 to vector<16xi32>
      %lt3A_277 = arith.cmpi slt, %sub3A_271, %lt3A_276 : vector<16xi32>
      %and3A_278 = arith.andi %ge3A_274, %lt3A_277 : vector<16xi1>
      %add3A_279 = arith.constant 16 : i32
      %add3A_280 = vector.broadcast %add3A_279 : i32 to vector<16xi32>
      %add3A_281 = arith.addi %iota3A, %add3A_280 : vector<16xi32>
      %and3A_282 = arith.constant 31 : i32
      %and3A_283 = vector.broadcast %and3A_282 : i32 to vector<16xi32>
      %and3A_284 = arith.andi %add3A_281, %and3A_283 : vector<16xi32>
      %add3A_285 = arith.constant 15024 : i32
      %add3A_286 = vector.broadcast %add3A_285 : i32 to vector<16xi32>
      %add3A_287 = arith.addi %add3A_286, %and3A_284 : vector<16xi32>
      %mul3A_288 = arith.constant 5008 : i32
      %mul3A_289 = vector.broadcast %mul3A_288 : i32 to vector<16xi32>
      %mul3A_290 = arith.muli %get3A_269, %mul3A_289 : vector<16xi32>
      %add3A_291 = arith.addi %mul3A_290, %sub3A_271 : vector<16xi32>
      %select_n3A_292 = arith.select %and3A_278, %add3A_291, %add3A_287 : vector<16xi1>, vector<16xi32>
      %swap3A_293 = arith.constant 0 : i32
      %swap3A_294 = arith.index_cast %swap3A_293 : i32 to index
      %swap3A_295 = arith.constant 16 : index
      %swap3A_296 = tpu.vector_load %arg7[%swap3A_294, %swap3A_295] {strides = array<i32>} : memref<1x32xi32, #tpu.memory_space<vmem>>, vector<1x16xi32>,
      %swap3A_297 = vector.shape_cast %swap3A_296 : vector<1x16xi32> to vector<16xi32>
      %swap3A_298 = vector.shape_cast %select_n3A_292 : vector<16xi32> to vector<1x16xi32>
      tpu.vector_store %arg7[%swap3A_294, %swap3A_295], %swap3A_298 {strides = array<i32>} : memref<1x32xi32, #tpu.memory_space<vmem>>, vector<1x16xi32>,
      %run_scoped3A_299 = arith.constant 0 : i32
      "tpu.region"() ({
        %run_scoped3A_301 = tpu.sem_alloc : memref<!tpu.dma_semaphore, #tpu.memory_space<semaphore_mem>>
        %dma_start3A_302 = arith.constant 0 : i32
        %dma_start3A_303 = tpu.memref_slice %arg7[%run_scoped3A_299, %dma_start3A_302] : memref<1x32xi32, #tpu.memory_space<vmem>> -> memref<1x32xi32, #tpu.memory_space<vmem>>
        %dma_start3A_304 = tpu.memref_squeeze %dma_start3A_303 : memref<1x32xi32, #tpu.memory_space<vmem>> -> memref<32xi32, #tpu.memory_space<vmem>>
        %dma_start3A_305 = arith.constant 0 : i32
        %dma_start3A_306 = arith.constant 0 : i32
        %dma_start3A_307 = tpu.memref_slice %arg11[%dma_start3A_305, %dma_start3A_306] : memref<15056x32xf32, #tpu.memory_space<vmem_shared>> -> memref<15056x32xf32, #tpu.memory_space<vmem_shared>>
        tpu.enqueue_indirect_dma source(%arg8 : memref<32x32xf32, #tpu.memory_space<vmem>>) target(%dma_start3A_307 : memref<15056x32xf32, #tpu.memory_space<vmem_shared>>) offsets(%dma_start3A_304 : memref<32xi32, #tpu.memory_space<vmem>>) semaphore(%run_scoped3A_301 : memref<!tpu.dma_semaphore, #tpu.memory_space<semaphore_mem>>) {add = true}
        %dma_wait3A_308 = arith.constant 0 : i32
        %dma_wait3A_309 = tpu.memref_slice %arg7[%run_scoped3A_299, %dma_wait3A_308] : memref<1x32xi32, #tpu.memory_space<vmem>> -> memref<1x32xi32, #tpu.memory_space<vmem>>
        %dma_wait3A_310 = tpu.memref_squeeze %dma_wait3A_309 : memref<1x32xi32, #tpu.memory_space<vmem>> -> memref<32xi32, #tpu.memory_space<vmem>>
        %dma_wait3A_311 = arith.constant 0 : i32
        %dma_wait3A_312 = arith.constant 0 : i32
        %dma_wait3A_313 = tpu.memref_slice %arg11[%dma_wait3A_311, %dma_wait3A_312] : memref<15056x32xf32, #tpu.memory_space<vmem_shared>> -> memref<15056x32xf32, #tpu.memory_space<vmem_shared>>
        tpu.wait_indirect_dma semaphore(%run_scoped3A_301 : memref<!tpu.dma_semaphore, #tpu.memory_space<semaphore_mem>>) src(%arg8 : memref<32x32xf32, #tpu.memory_space<vmem>>) dst(%dma_wait3A_313 : memref<15056x32xf32, #tpu.memory_space<vmem_shared>>)
        tpu.yield
      }) : () -> ()
      %scan3A_300 = arith.constant 0 : i32
      scf.yield %scan3A_300 : i32
    }
    %scan3A_89 = arith.constant 313 : i32
    %dma_wait3A = arith.constant 0 : i32
    %dma_wait3A_90 = arith.constant 0 : i32
    %dma_wait3A_91 = tpu.memref_slice %arg2[%arg1, %dma_wait3A, %dma_wait3A_90] : memref<10016x3x32xi32, #tpu.memory_space<hbm>> -> memref<1x3x32xi32, #tpu.memory_space<hbm>>
    %dma_wait3A_92 = tpu.memref_squeeze %dma_wait3A_91 : memref<1x3x32xi32, #tpu.memory_space<hbm>> -> memref<3x32xi32, #tpu.memory_space<hbm>>
    %dma_wait3A_93 = arith.constant 0 : i32
    %dma_wait3A_94 = arith.constant 0 : i32
    %dma_wait3A_95 = tpu.memref_slice %arg2[%arg1, %dma_wait3A_93, %dma_wait3A_94] : memref<10016x3x32xi32, #tpu.memory_space<hbm>> -> memref<1x3x32xi32, #tpu.memory_space<hbm>>
    %dma_wait3A_96 = tpu.memref_squeeze %dma_wait3A_95 : memref<1x3x32xi32, #tpu.memory_space<hbm>> -> memref<3x32xi32, #tpu.memory_space<hbm>>
    tpu.wait_dma2 semaphore(%arg9 : memref<!tpu.dma_semaphore, #tpu.memory_space<semaphore_mem>>) src(%dma_wait3A_96 : memref<3x32xi32, #tpu.memory_space<hbm>>) dst(%arg4 : memref<3x32xi32, #tpu.memory_space<vmem>>)
    %barrier3A_97 = arith.constant 0 : index
    tpu.barrier barrier_id(%barrier3A_97)
    %mul3A_98 = arith.constant 944 : i32
    %mul3A_99 = arith.muli %arg1, %mul3A_98 : i32
    %min3A_100 = arith.constant 14112 : i32
    %min3A_101 = arith.minsi %mul3A_99, %min3A_100 : i32
    "tpu.region"() ({
      %run_scoped3A = tpu.sem_alloc : memref<!tpu.dma_semaphore, #tpu.memory_space<semaphore_mem>>
      %dma_start3A_102 = arith.constant 0 : i32
      %dma_start3A_103 = tpu.memref_slice %arg3[%arg0, %min3A_101, %dma_start3A_102] : memref<2x15056x32xf32, #tpu.memory_space<hbm>> -> memref<1x944x32xf32, #tpu.memory_space<hbm>>
      %dma_start3A_104 = tpu.memref_squeeze %dma_start3A_103 : memref<1x944x32xf32, #tpu.memory_space<hbm>> -> memref<944x32xf32, #tpu.memory_space<hbm>>
      %dma_start3A_105 = arith.constant 0 : i32
      %dma_start3A_106 = tpu.memref_slice %arg11[%min3A_101, %dma_start3A_105] : memref<15056x32xf32, #tpu.memory_space<vmem_shared>> -> memref<944x32xf32, #tpu.memory_space<vmem_shared>>
      tpu.enqueue_dma source(%dma_start3A_106 : memref<944x32xf32, #tpu.memory_space<vmem_shared>>) target(%dma_start3A_104 : memref<944x32xf32, #tpu.memory_space<hbm>>) target_semaphore(%run_scoped3A : memref<!tpu.dma_semaphore, #tpu.memory_space<semaphore_mem>>)
      %dma_wait3A_107 = arith.constant 0 : i32
      %dma_wait3A_108 = tpu.memref_slice %arg3[%arg0, %min3A_101, %dma_wait3A_107] : memref<2x15056x32xf32, #tpu.memory_space<hbm>> -> memref<1x944x32xf32, #tpu.memory_space<hbm>>
      %dma_wait3A_109 = tpu.memref_squeeze %dma_wait3A_108 : memref<1x944x32xf32, #tpu.memory_space<hbm>> -> memref<944x32xf32, #tpu.memory_space<hbm>>
      %dma_wait3A_110 = arith.constant 0 : i32
      %dma_wait3A_111 = tpu.memref_slice %arg11[%min3A_101, %dma_wait3A_110] : memref<15056x32xf32, #tpu.memory_space<vmem_shared>> -> memref<944x32xf32, #tpu.memory_space<vmem_shared>>
      tpu.wait_dma2 semaphore(%run_scoped3A : memref<!tpu.dma_semaphore, #tpu.memory_space<semaphore_mem>>) src(%dma_wait3A_111 : memref<944x32xf32, #tpu.memory_space<vmem_shared>>) dst(%dma_wait3A_109 : memref<944x32xf32, #tpu.memory_space<hbm>>)
      tpu.yield
    }) : () -> ()
    return
  }
}

#map = affine_map<(d0, d1) -> (0, 0, 0)>
#map1 = affine_map<(d0, d1) -> (0, 0)>
module attributes {stable_mosaic.version = 14 : i64} {
  func.func @body(%arg0: i32, %arg1: i32, %arg2: memref<10016x3x32xi32, #tpu.memory_space<hbm>>, %arg3: memref<10000x128xf32, #tpu.memory_space<hbm>>, %arg4: memref<2x15056x128xf32, #tpu.memory_space<hbm>>, %arg5: memref<3x32xi32, #tpu.memory_space<vmem>>, %arg6: memref<3x32xi32, #tpu.memory_space<vmem>>, %arg7: memref<1x32xi32, #tpu.memory_space<vmem>>, %arg8: memref<1x32xi32, #tpu.memory_space<vmem>>, %arg9: memref<32x128xf32, #tpu.memory_space<vmem>>, %arg10: memref<32x128xf32, #tpu.memory_space<vmem>>, %arg11: memref<!tpu.dma_semaphore, #tpu.memory_space<semaphore_mem>>, %arg12: memref<!tpu.dma_semaphore, #tpu.memory_space<semaphore_mem>>, %arg13: memref<15056x128xf32, #tpu.memory_space<vmem_shared>>) attributes {dimension_semantics = [#tpu.dimension_semantics<core_parallel>, #tpu.dimension_semantics<subcore_parallel>], iteration_bounds = array<i64: 2, 16>, scalar_prefetch = 0 : i64, scratch_operands = 9 : i64, tpu.core_type = #tpu.core_type<sc_vector_subcore>, window_params = [{transform_indices = #map}, {transform_indices = #map1}, {transform_indices = #map}]} {
    %mul3A = arith.constant 5000 : i32
    %mul3A_0 = arith.muli %arg0, %mul3A : i32
    %iota3A = tpu.iota {dimensions = array<i32: 0>} : vector<16xi32>
    %scan3A = arith.constant 0 : i32
    %scan3A_1 = arith.constant 0 : i32
    %scan3A_2 = arith.constant 32 : i32
    %scan3A_3 = arith.addi %scan3A_1, %scan3A_2 : i32
    %scan3A_4 = arith.constant 1 : i32
    %scan3A_5 = scf.for %scan3A_164 = %scan3A_1 to %scan3A_3 step %scan3A_4 iter_args(%scan3A_165 = %scan3A) -> (i32)  : i32 {
      %broadcast_in_dim3A = arith.constant 0.000000e+00 : f32
      %broadcast_in_dim3A_166 = vector.broadcast %broadcast_in_dim3A : f32 to vector<16xf32>
      %swap3A_167 = arith.index_cast %scan3A_164 : i32 to index
      %swap3A_168 = arith.constant 0 : index
      %swap3A_169 = tpu.vector_load %arg9[%swap3A_167, %swap3A_168] {strides = array<i32>} : memref<32x128xf32, #tpu.memory_space<vmem>>, vector<1x16xf32>,
      %swap3A_170 = vector.shape_cast %swap3A_169 : vector<1x16xf32> to vector<16xf32>
      %swap3A_171 = vector.shape_cast %broadcast_in_dim3A_166 : vector<16xf32> to vector<1x16xf32>
      tpu.vector_store %arg9[%swap3A_167, %swap3A_168], %swap3A_171 {strides = array<i32>} : memref<32x128xf32, #tpu.memory_space<vmem>>, vector<1x16xf32>,
      %broadcast_in_dim3A_172 = arith.constant 0.000000e+00 : f32
      %broadcast_in_dim3A_173 = vector.broadcast %broadcast_in_dim3A_172 : f32 to vector<16xf32>
      %swap3A_174 = arith.index_cast %scan3A_164 : i32 to index
      %swap3A_175 = arith.constant 16 : index
      %swap3A_176 = tpu.vector_load %arg9[%swap3A_174, %swap3A_175] {strides = array<i32>} : memref<32x128xf32, #tpu.memory_space<vmem>>, vector<1x16xf32>,
      %swap3A_177 = vector.shape_cast %swap3A_176 : vector<1x16xf32> to vector<16xf32>
      %swap3A_178 = vector.shape_cast %broadcast_in_dim3A_173 : vector<16xf32> to vector<1x16xf32>
      tpu.vector_store %arg9[%swap3A_174, %swap3A_175], %swap3A_178 {strides = array<i32>} : memref<32x128xf32, #tpu.memory_space<vmem>>, vector<1x16xf32>,
      %broadcast_in_dim3A_179 = arith.constant 0.000000e+00 : f32
      %broadcast_in_dim3A_180 = vector.broadcast %broadcast_in_dim3A_179 : f32 to vector<16xf32>
      %swap3A_181 = arith.index_cast %scan3A_164 : i32 to index
      %swap3A_182 = arith.constant 32 : index
      %swap3A_183 = tpu.vector_load %arg9[%swap3A_181, %swap3A_182] {strides = array<i32>} : memref<32x128xf32, #tpu.memory_space<vmem>>, vector<1x16xf32>,
      %swap3A_184 = vector.shape_cast %swap3A_183 : vector<1x16xf32> to vector<16xf32>
      %swap3A_185 = vector.shape_cast %broadcast_in_dim3A_180 : vector<16xf32> to vector<1x16xf32>
      tpu.vector_store %arg9[%swap3A_181, %swap3A_182], %swap3A_185 {strides = array<i32>} : memref<32x128xf32, #tpu.memory_space<vmem>>, vector<1x16xf32>,
      %broadcast_in_dim3A_186 = arith.constant 0.000000e+00 : f32
      %broadcast_in_dim3A_187 = vector.broadcast %broadcast_in_dim3A_186 : f32 to vector<16xf32>
      %swap3A_188 = arith.index_cast %scan3A_164 : i32 to index
      %swap3A_189 = arith.constant 48 : index
      %swap3A_190 = tpu.vector_load %arg9[%swap3A_188, %swap3A_189] {strides = array<i32>} : memref<32x128xf32, #tpu.memory_space<vmem>>, vector<1x16xf32>,
      %swap3A_191 = vector.shape_cast %swap3A_190 : vector<1x16xf32> to vector<16xf32>
      %swap3A_192 = vector.shape_cast %broadcast_in_dim3A_187 : vector<16xf32> to vector<1x16xf32>
      tpu.vector_store %arg9[%swap3A_188, %swap3A_189], %swap3A_192 {strides = array<i32>} : memref<32x128xf32, #tpu.memory_space<vmem>>, vector<1x16xf32>,
      %broadcast_in_dim3A_193 = arith.constant 0.000000e+00 : f32
      %broadcast_in_dim3A_194 = vector.broadcast %broadcast_in_dim3A_193 : f32 to vector<16xf32>
      %swap3A_195 = arith.index_cast %scan3A_164 : i32 to index
      %swap3A_196 = arith.constant 64 : index
      %swap3A_197 = tpu.vector_load %arg9[%swap3A_195, %swap3A_196] {strides = array<i32>} : memref<32x128xf32, #tpu.memory_space<vmem>>, vector<1x16xf32>,
      %swap3A_198 = vector.shape_cast %swap3A_197 : vector<1x16xf32> to vector<16xf32>
      %swap3A_199 = vector.shape_cast %broadcast_in_dim3A_194 : vector<16xf32> to vector<1x16xf32>
      tpu.vector_store %arg9[%swap3A_195, %swap3A_196], %swap3A_199 {strides = array<i32>} : memref<32x128xf32, #tpu.memory_space<vmem>>, vector<1x16xf32>,
      %broadcast_in_dim3A_200 = arith.constant 0.000000e+00 : f32
      %broadcast_in_dim3A_201 = vector.broadcast %broadcast_in_dim3A_200 : f32 to vector<16xf32>
      %swap3A_202 = arith.index_cast %scan3A_164 : i32 to index
      %swap3A_203 = arith.constant 80 : index
      %swap3A_204 = tpu.vector_load %arg9[%swap3A_202, %swap3A_203] {strides = array<i32>} : memref<32x128xf32, #tpu.memory_space<vmem>>, vector<1x16xf32>,
      %swap3A_205 = vector.shape_cast %swap3A_204 : vector<1x16xf32> to vector<16xf32>
      %swap3A_206 = vector.shape_cast %broadcast_in_dim3A_201 : vector<16xf32> to vector<1x16xf32>
      tpu.vector_store %arg9[%swap3A_202, %swap3A_203], %swap3A_206 {strides = array<i32>} : memref<32x128xf32, #tpu.memory_space<vmem>>, vector<1x16xf32>,
      %broadcast_in_dim3A_207 = arith.constant 0.000000e+00 : f32
      %broadcast_in_dim3A_208 = vector.broadcast %broadcast_in_dim3A_207 : f32 to vector<16xf32>
      %swap3A_209 = arith.index_cast %scan3A_164 : i32 to index
      %swap3A_210 = arith.constant 96 : index
      %swap3A_211 = tpu.vector_load %arg9[%swap3A_209, %swap3A_210] {strides = array<i32>} : memref<32x128xf32, #tpu.memory_space<vmem>>, vector<1x16xf32>,
      %swap3A_212 = vector.shape_cast %swap3A_211 : vector<1x16xf32> to vector<16xf32>
      %swap3A_213 = vector.shape_cast %broadcast_in_dim3A_208 : vector<16xf32> to vector<1x16xf32>
      tpu.vector_store %arg9[%swap3A_209, %swap3A_210], %swap3A_213 {strides = array<i32>} : memref<32x128xf32, #tpu.memory_space<vmem>>, vector<1x16xf32>,
      %broadcast_in_dim3A_214 = arith.constant 0.000000e+00 : f32
      %broadcast_in_dim3A_215 = vector.broadcast %broadcast_in_dim3A_214 : f32 to vector<16xf32>
      %swap3A_216 = arith.index_cast %scan3A_164 : i32 to index
      %swap3A_217 = arith.constant 112 : index
      %swap3A_218 = tpu.vector_load %arg9[%swap3A_216, %swap3A_217] {strides = array<i32>} : memref<32x128xf32, #tpu.memory_space<vmem>>, vector<1x16xf32>,
      %swap3A_219 = vector.shape_cast %swap3A_218 : vector<1x16xf32> to vector<16xf32>
      %swap3A_220 = vector.shape_cast %broadcast_in_dim3A_215 : vector<16xf32> to vector<1x16xf32>
      tpu.vector_store %arg9[%swap3A_216, %swap3A_217], %swap3A_220 {strides = array<i32>} : memref<32x128xf32, #tpu.memory_space<vmem>>, vector<1x16xf32>,
      %scan3A_221 = arith.constant 0 : i32
      scf.yield %scan3A_221 : i32
    }
    %scan3A_6 = arith.constant 32 : i32
    %mul3A_7 = arith.constant 944 : i32
    %mul3A_8 = arith.muli %arg1, %mul3A_7 : i32
    %min3A = arith.constant 14112 : i32
    %min3A_9 = arith.minsi %mul3A_8, %min3A : i32
    %add3A = arith.constant 0 : i32
    %add3A_10 = arith.addi %min3A_9, %add3A : i32
    "tpu.region"() ({
      %run_scoped3A = tpu.sem_alloc : memref<!tpu.dma_semaphore, #tpu.memory_space<semaphore_mem>>
      %dma_start3A_164 = arith.constant 0 : i32
      %dma_start3A_165 = tpu.memref_slice %arg13[%add3A_10, %dma_start3A_164] : memref<15056x128xf32, #tpu.memory_space<vmem_shared>> -> memref<32x128xf32, #tpu.memory_space<vmem_shared>>
      %dma_start3A_166 = arith.constant 0 : i32
      %dma_start3A_167 = tpu.memref_slice %arg13[%add3A_10, %dma_start3A_166] : memref<15056x128xf32, #tpu.memory_space<vmem_shared>> -> memref<32x128xf32, #tpu.memory_space<vmem_shared>>
      tpu.enqueue_dma source(%arg9 : memref<32x128xf32, #tpu.memory_space<vmem>>) target(%dma_start3A_167 : memref<32x128xf32, #tpu.memory_space<vmem_shared>>) target_semaphore(%run_scoped3A : memref<!tpu.dma_semaphore, #tpu.memory_space<semaphore_mem>>)
      %dma_wait3A_168 = arith.constant 0 : i32
      %dma_wait3A_169 = tpu.memref_slice %arg13[%add3A_10, %dma_wait3A_168] : memref<15056x128xf32, #tpu.memory_space<vmem_shared>> -> memref<32x128xf32, #tpu.memory_space<vmem_shared>>
      %dma_wait3A_170 = arith.constant 0 : i32
      %dma_wait3A_171 = tpu.memref_slice %arg13[%add3A_10, %dma_wait3A_170] : memref<15056x128xf32, #tpu.memory_space<vmem_shared>> -> memref<32x128xf32, #tpu.memory_space<vmem_shared>>
      tpu.wait_dma2 semaphore(%run_scoped3A : memref<!tpu.dma_semaphore, #tpu.memory_space<semaphore_mem>>) src(%arg9 : memref<32x128xf32, #tpu.memory_space<vmem>>) dst(%dma_wait3A_171 : memref<32x128xf32, #tpu.memory_space<vmem_shared>>)
      tpu.yield
    }) : () -> ()
    %add3A_11 = arith.constant 32 : i32
    %add3A_12 = arith.addi %min3A_9, %add3A_11 : i32
    "tpu.region"() ({
      %run_scoped3A = tpu.sem_alloc : memref<!tpu.dma_semaphore, #tpu.memory_space<semaphore_mem>>
      %dma_start3A_164 = arith.constant 0 : i32
      %dma_start3A_165 = tpu.memref_slice %arg13[%add3A_12, %dma_start3A_164] : memref<15056x128xf32, #tpu.memory_space<vmem_shared>> -> memref<32x128xf32, #tpu.memory_space<vmem_shared>>
      %dma_start3A_166 = arith.constant 0 : i32
      %dma_start3A_167 = tpu.memref_slice %arg13[%add3A_12, %dma_start3A_166] : memref<15056x128xf32, #tpu.memory_space<vmem_shared>> -> memref<32x128xf32, #tpu.memory_space<vmem_shared>>
      tpu.enqueue_dma source(%arg9 : memref<32x128xf32, #tpu.memory_space<vmem>>) target(%dma_start3A_167 : memref<32x128xf32, #tpu.memory_space<vmem_shared>>) target_semaphore(%run_scoped3A : memref<!tpu.dma_semaphore, #tpu.memory_space<semaphore_mem>>)
      %dma_wait3A_168 = arith.constant 0 : i32
      %dma_wait3A_169 = tpu.memref_slice %arg13[%add3A_12, %dma_wait3A_168] : memref<15056x128xf32, #tpu.memory_space<vmem_shared>> -> memref<32x128xf32, #tpu.memory_space<vmem_shared>>
      %dma_wait3A_170 = arith.constant 0 : i32
      %dma_wait3A_171 = tpu.memref_slice %arg13[%add3A_12, %dma_wait3A_170] : memref<15056x128xf32, #tpu.memory_space<vmem_shared>> -> memref<32x128xf32, #tpu.memory_space<vmem_shared>>
      tpu.wait_dma2 semaphore(%run_scoped3A : memref<!tpu.dma_semaphore, #tpu.memory_space<semaphore_mem>>) src(%arg9 : memref<32x128xf32, #tpu.memory_space<vmem>>) dst(%dma_wait3A_171 : memref<32x128xf32, #tpu.memory_space<vmem_shared>>)
      tpu.yield
    }) : () -> ()
    %add3A_13 = arith.constant 64 : i32
    %add3A_14 = arith.addi %min3A_9, %add3A_13 : i32
    "tpu.region"() ({
      %run_scoped3A = tpu.sem_alloc : memref<!tpu.dma_semaphore, #tpu.memory_space<semaphore_mem>>
      %dma_start3A_164 = arith.constant 0 : i32
      %dma_start3A_165 = tpu.memref_slice %arg13[%add3A_14, %dma_start3A_164] : memref<15056x128xf32, #tpu.memory_space<vmem_shared>> -> memref<32x128xf32, #tpu.memory_space<vmem_shared>>
      %dma_start3A_166 = arith.constant 0 : i32
      %dma_start3A_167 = tpu.memref_slice %arg13[%add3A_14, %dma_start3A_166] : memref<15056x128xf32, #tpu.memory_space<vmem_shared>> -> memref<32x128xf32, #tpu.memory_space<vmem_shared>>
      tpu.enqueue_dma source(%arg9 : memref<32x128xf32, #tpu.memory_space<vmem>>) target(%dma_start3A_167 : memref<32x128xf32, #tpu.memory_space<vmem_shared>>) target_semaphore(%run_scoped3A : memref<!tpu.dma_semaphore, #tpu.memory_space<semaphore_mem>>)
      %dma_wait3A_168 = arith.constant 0 : i32
      %dma_wait3A_169 = tpu.memref_slice %arg13[%add3A_14, %dma_wait3A_168] : memref<15056x128xf32, #tpu.memory_space<vmem_shared>> -> memref<32x128xf32, #tpu.memory_space<vmem_shared>>
      %dma_wait3A_170 = arith.constant 0 : i32
      %dma_wait3A_171 = tpu.memref_slice %arg13[%add3A_14, %dma_wait3A_170] : memref<15056x128xf32, #tpu.memory_space<vmem_shared>> -> memref<32x128xf32, #tpu.memory_space<vmem_shared>>
      tpu.wait_dma2 semaphore(%run_scoped3A : memref<!tpu.dma_semaphore, #tpu.memory_space<semaphore_mem>>) src(%arg9 : memref<32x128xf32, #tpu.memory_space<vmem>>) dst(%dma_wait3A_171 : memref<32x128xf32, #tpu.memory_space<vmem_shared>>)
      tpu.yield
    }) : () -> ()
    %add3A_15 = arith.constant 96 : i32
    %add3A_16 = arith.addi %min3A_9, %add3A_15 : i32
    "tpu.region"() ({
      %run_scoped3A = tpu.sem_alloc : memref<!tpu.dma_semaphore, #tpu.memory_space<semaphore_mem>>
      %dma_start3A_164 = arith.constant 0 : i32
      %dma_start3A_165 = tpu.memref_slice %arg13[%add3A_16, %dma_start3A_164] : memref<15056x128xf32, #tpu.memory_space<vmem_shared>> -> memref<32x128xf32, #tpu.memory_space<vmem_shared>>
      %dma_start3A_166 = arith.constant 0 : i32
      %dma_start3A_167 = tpu.memref_slice %arg13[%add3A_16, %dma_start3A_166] : memref<15056x128xf32, #tpu.memory_space<vmem_shared>> -> memref<32x128xf32, #tpu.memory_space<vmem_shared>>
      tpu.enqueue_dma source(%arg9 : memref<32x128xf32, #tpu.memory_space<vmem>>) target(%dma_start3A_167 : memref<32x128xf32, #tpu.memory_space<vmem_shared>>) target_semaphore(%run_scoped3A : memref<!tpu.dma_semaphore, #tpu.memory_space<semaphore_mem>>)
      %dma_wait3A_168 = arith.constant 0 : i32
      %dma_wait3A_169 = tpu.memref_slice %arg13[%add3A_16, %dma_wait3A_168] : memref<15056x128xf32, #tpu.memory_space<vmem_shared>> -> memref<32x128xf32, #tpu.memory_space<vmem_shared>>
      %dma_wait3A_170 = arith.constant 0 : i32
      %dma_wait3A_171 = tpu.memref_slice %arg13[%add3A_16, %dma_wait3A_170] : memref<15056x128xf32, #tpu.memory_space<vmem_shared>> -> memref<32x128xf32, #tpu.memory_space<vmem_shared>>
      tpu.wait_dma2 semaphore(%run_scoped3A : memref<!tpu.dma_semaphore, #tpu.memory_space<semaphore_mem>>) src(%arg9 : memref<32x128xf32, #tpu.memory_space<vmem>>) dst(%dma_wait3A_171 : memref<32x128xf32, #tpu.memory_space<vmem_shared>>)
      tpu.yield
    }) : () -> ()
    %add3A_17 = arith.constant 128 : i32
    %add3A_18 = arith.addi %min3A_9, %add3A_17 : i32
    "tpu.region"() ({
      %run_scoped3A = tpu.sem_alloc : memref<!tpu.dma_semaphore, #tpu.memory_space<semaphore_mem>>
      %dma_start3A_164 = arith.constant 0 : i32
      %dma_start3A_165 = tpu.memref_slice %arg13[%add3A_18, %dma_start3A_164] : memref<15056x128xf32, #tpu.memory_space<vmem_shared>> -> memref<32x128xf32, #tpu.memory_space<vmem_shared>>
      %dma_start3A_166 = arith.constant 0 : i32
      %dma_start3A_167 = tpu.memref_slice %arg13[%add3A_18, %dma_start3A_166] : memref<15056x128xf32, #tpu.memory_space<vmem_shared>> -> memref<32x128xf32, #tpu.memory_space<vmem_shared>>
      tpu.enqueue_dma source(%arg9 : memref<32x128xf32, #tpu.memory_space<vmem>>) target(%dma_start3A_167 : memref<32x128xf32, #tpu.memory_space<vmem_shared>>) target_semaphore(%run_scoped3A : memref<!tpu.dma_semaphore, #tpu.memory_space<semaphore_mem>>)
      %dma_wait3A_168 = arith.constant 0 : i32
      %dma_wait3A_169 = tpu.memref_slice %arg13[%add3A_18, %dma_wait3A_168] : memref<15056x128xf32, #tpu.memory_space<vmem_shared>> -> memref<32x128xf32, #tpu.memory_space<vmem_shared>>
      %dma_wait3A_170 = arith.constant 0 : i32
      %dma_wait3A_171 = tpu.memref_slice %arg13[%add3A_18, %dma_wait3A_170] : memref<15056x128xf32, #tpu.memory_space<vmem_shared>> -> memref<32x128xf32, #tpu.memory_space<vmem_shared>>
      tpu.wait_dma2 semaphore(%run_scoped3A : memref<!tpu.dma_semaphore, #tpu.memory_space<semaphore_mem>>) src(%arg9 : memref<32x128xf32, #tpu.memory_space<vmem>>) dst(%dma_wait3A_171 : memref<32x128xf32, #tpu.memory_space<vmem_shared>>)
      tpu.yield
    }) : () -> ()
    %add3A_19 = arith.constant 160 : i32
    %add3A_20 = arith.addi %min3A_9, %add3A_19 : i32
    "tpu.region"() ({
      %run_scoped3A = tpu.sem_alloc : memref<!tpu.dma_semaphore, #tpu.memory_space<semaphore_mem>>
      %dma_start3A_164 = arith.constant 0 : i32
      %dma_start3A_165 = tpu.memref_slice %arg13[%add3A_20, %dma_start3A_164] : memref<15056x128xf32, #tpu.memory_space<vmem_shared>> -> memref<32x128xf32, #tpu.memory_space<vmem_shared>>
      %dma_start3A_166 = arith.constant 0 : i32
      %dma_start3A_167 = tpu.memref_slice %arg13[%add3A_20, %dma_start3A_166] : memref<15056x128xf32, #tpu.memory_space<vmem_shared>> -> memref<32x128xf32, #tpu.memory_space<vmem_shared>>
      tpu.enqueue_dma source(%arg9 : memref<32x128xf32, #tpu.memory_space<vmem>>) target(%dma_start3A_167 : memref<32x128xf32, #tpu.memory_space<vmem_shared>>) target_semaphore(%run_scoped3A : memref<!tpu.dma_semaphore, #tpu.memory_space<semaphore_mem>>)
      %dma_wait3A_168 = arith.constant 0 : i32
      %dma_wait3A_169 = tpu.memref_slice %arg13[%add3A_20, %dma_wait3A_168] : memref<15056x128xf32, #tpu.memory_space<vmem_shared>> -> memref<32x128xf32, #tpu.memory_space<vmem_shared>>
      %dma_wait3A_170 = arith.constant 0 : i32
      %dma_wait3A_171 = tpu.memref_slice %arg13[%add3A_20, %dma_wait3A_170] : memref<15056x128xf32, #tpu.memory_space<vmem_shared>> -> memref<32x128xf32, #tpu.memory_space<vmem_shared>>
      tpu.wait_dma2 semaphore(%run_scoped3A : memref<!tpu.dma_semaphore, #tpu.memory_space<semaphore_mem>>) src(%arg9 : memref<32x128xf32, #tpu.memory_space<vmem>>) dst(%dma_wait3A_171 : memref<32x128xf32, #tpu.memory_space<vmem_shared>>)
      tpu.yield
    }) : () -> ()
    %add3A_21 = arith.constant 192 : i32
    %add3A_22 = arith.addi %min3A_9, %add3A_21 : i32
    "tpu.region"() ({
      %run_scoped3A = tpu.sem_alloc : memref<!tpu.dma_semaphore, #tpu.memory_space<semaphore_mem>>
      %dma_start3A_164 = arith.constant 0 : i32
      %dma_start3A_165 = tpu.memref_slice %arg13[%add3A_22, %dma_start3A_164] : memref<15056x128xf32, #tpu.memory_space<vmem_shared>> -> memref<32x128xf32, #tpu.memory_space<vmem_shared>>
      %dma_start3A_166 = arith.constant 0 : i32
      %dma_start3A_167 = tpu.memref_slice %arg13[%add3A_22, %dma_start3A_166] : memref<15056x128xf32, #tpu.memory_space<vmem_shared>> -> memref<32x128xf32, #tpu.memory_space<vmem_shared>>
      tpu.enqueue_dma source(%arg9 : memref<32x128xf32, #tpu.memory_space<vmem>>) target(%dma_start3A_167 : memref<32x128xf32, #tpu.memory_space<vmem_shared>>) target_semaphore(%run_scoped3A : memref<!tpu.dma_semaphore, #tpu.memory_space<semaphore_mem>>)
      %dma_wait3A_168 = arith.constant 0 : i32
      %dma_wait3A_169 = tpu.memref_slice %arg13[%add3A_22, %dma_wait3A_168] : memref<15056x128xf32, #tpu.memory_space<vmem_shared>> -> memref<32x128xf32, #tpu.memory_space<vmem_shared>>
      %dma_wait3A_170 = arith.constant 0 : i32
      %dma_wait3A_171 = tpu.memref_slice %arg13[%add3A_22, %dma_wait3A_170] : memref<15056x128xf32, #tpu.memory_space<vmem_shared>> -> memref<32x128xf32, #tpu.memory_space<vmem_shared>>
      tpu.wait_dma2 semaphore(%run_scoped3A : memref<!tpu.dma_semaphore, #tpu.memory_space<semaphore_mem>>) src(%arg9 : memref<32x128xf32, #tpu.memory_space<vmem>>) dst(%dma_wait3A_171 : memref<32x128xf32, #tpu.memory_space<vmem_shared>>)
      tpu.yield
    }) : () -> ()
    %add3A_23 = arith.constant 224 : i32
    %add3A_24 = arith.addi %min3A_9, %add3A_23 : i32
    "tpu.region"() ({
      %run_scoped3A = tpu.sem_alloc : memref<!tpu.dma_semaphore, #tpu.memory_space<semaphore_mem>>
      %dma_start3A_164 = arith.constant 0 : i32
      %dma_start3A_165 = tpu.memref_slice %arg13[%add3A_24, %dma_start3A_164] : memref<15056x128xf32, #tpu.memory_space<vmem_shared>> -> memref<32x128xf32, #tpu.memory_space<vmem_shared>>
      %dma_start3A_166 = arith.constant 0 : i32
      %dma_start3A_167 = tpu.memref_slice %arg13[%add3A_24, %dma_start3A_166] : memref<15056x128xf32, #tpu.memory_space<vmem_shared>> -> memref<32x128xf32, #tpu.memory_space<vmem_shared>>
      tpu.enqueue_dma source(%arg9 : memref<32x128xf32, #tpu.memory_space<vmem>>) target(%dma_start3A_167 : memref<32x128xf32, #tpu.memory_space<vmem_shared>>) target_semaphore(%run_scoped3A : memref<!tpu.dma_semaphore, #tpu.memory_space<semaphore_mem>>)
      %dma_wait3A_168 = arith.constant 0 : i32
      %dma_wait3A_169 = tpu.memref_slice %arg13[%add3A_24, %dma_wait3A_168] : memref<15056x128xf32, #tpu.memory_space<vmem_shared>> -> memref<32x128xf32, #tpu.memory_space<vmem_shared>>
      %dma_wait3A_170 = arith.constant 0 : i32
      %dma_wait3A_171 = tpu.memref_slice %arg13[%add3A_24, %dma_wait3A_170] : memref<15056x128xf32, #tpu.memory_space<vmem_shared>> -> memref<32x128xf32, #tpu.memory_space<vmem_shared>>
      tpu.wait_dma2 semaphore(%run_scoped3A : memref<!tpu.dma_semaphore, #tpu.memory_space<semaphore_mem>>) src(%arg9 : memref<32x128xf32, #tpu.memory_space<vmem>>) dst(%dma_wait3A_171 : memref<32x128xf32, #tpu.memory_space<vmem_shared>>)
      tpu.yield
    }) : () -> ()
    %add3A_25 = arith.constant 256 : i32
    %add3A_26 = arith.addi %min3A_9, %add3A_25 : i32
    "tpu.region"() ({
      %run_scoped3A = tpu.sem_alloc : memref<!tpu.dma_semaphore, #tpu.memory_space<semaphore_mem>>
      %dma_start3A_164 = arith.constant 0 : i32
      %dma_start3A_165 = tpu.memref_slice %arg13[%add3A_26, %dma_start3A_164] : memref<15056x128xf32, #tpu.memory_space<vmem_shared>> -> memref<32x128xf32, #tpu.memory_space<vmem_shared>>
      %dma_start3A_166 = arith.constant 0 : i32
      %dma_start3A_167 = tpu.memref_slice %arg13[%add3A_26, %dma_start3A_166] : memref<15056x128xf32, #tpu.memory_space<vmem_shared>> -> memref<32x128xf32, #tpu.memory_space<vmem_shared>>
      tpu.enqueue_dma source(%arg9 : memref<32x128xf32, #tpu.memory_space<vmem>>) target(%dma_start3A_167 : memref<32x128xf32, #tpu.memory_space<vmem_shared>>) target_semaphore(%run_scoped3A : memref<!tpu.dma_semaphore, #tpu.memory_space<semaphore_mem>>)
      %dma_wait3A_168 = arith.constant 0 : i32
      %dma_wait3A_169 = tpu.memref_slice %arg13[%add3A_26, %dma_wait3A_168] : memref<15056x128xf32, #tpu.memory_space<vmem_shared>> -> memref<32x128xf32, #tpu.memory_space<vmem_shared>>
      %dma_wait3A_170 = arith.constant 0 : i32
      %dma_wait3A_171 = tpu.memref_slice %arg13[%add3A_26, %dma_wait3A_170] : memref<15056x128xf32, #tpu.memory_space<vmem_shared>> -> memref<32x128xf32, #tpu.memory_space<vmem_shared>>
      tpu.wait_dma2 semaphore(%run_scoped3A : memref<!tpu.dma_semaphore, #tpu.memory_space<semaphore_mem>>) src(%arg9 : memref<32x128xf32, #tpu.memory_space<vmem>>) dst(%dma_wait3A_171 : memref<32x128xf32, #tpu.memory_space<vmem_shared>>)
      tpu.yield
    }) : () -> ()
    %add3A_27 = arith.constant 288 : i32
    %add3A_28 = arith.addi %min3A_9, %add3A_27 : i32
    "tpu.region"() ({
      %run_scoped3A = tpu.sem_alloc : memref<!tpu.dma_semaphore, #tpu.memory_space<semaphore_mem>>
      %dma_start3A_164 = arith.constant 0 : i32
      %dma_start3A_165 = tpu.memref_slice %arg13[%add3A_28, %dma_start3A_164] : memref<15056x128xf32, #tpu.memory_space<vmem_shared>> -> memref<32x128xf32, #tpu.memory_space<vmem_shared>>
      %dma_start3A_166 = arith.constant 0 : i32
      %dma_start3A_167 = tpu.memref_slice %arg13[%add3A_28, %dma_start3A_166] : memref<15056x128xf32, #tpu.memory_space<vmem_shared>> -> memref<32x128xf32, #tpu.memory_space<vmem_shared>>
      tpu.enqueue_dma source(%arg9 : memref<32x128xf32, #tpu.memory_space<vmem>>) target(%dma_start3A_167 : memref<32x128xf32, #tpu.memory_space<vmem_shared>>) target_semaphore(%run_scoped3A : memref<!tpu.dma_semaphore, #tpu.memory_space<semaphore_mem>>)
      %dma_wait3A_168 = arith.constant 0 : i32
      %dma_wait3A_169 = tpu.memref_slice %arg13[%add3A_28, %dma_wait3A_168] : memref<15056x128xf32, #tpu.memory_space<vmem_shared>> -> memref<32x128xf32, #tpu.memory_space<vmem_shared>>
      %dma_wait3A_170 = arith.constant 0 : i32
      %dma_wait3A_171 = tpu.memref_slice %arg13[%add3A_28, %dma_wait3A_170] : memref<15056x128xf32, #tpu.memory_space<vmem_shared>> -> memref<32x128xf32, #tpu.memory_space<vmem_shared>>
      tpu.wait_dma2 semaphore(%run_scoped3A : memref<!tpu.dma_semaphore, #tpu.memory_space<semaphore_mem>>) src(%arg9 : memref<32x128xf32, #tpu.memory_space<vmem>>) dst(%dma_wait3A_171 : memref<32x128xf32, #tpu.memory_space<vmem_shared>>)
      tpu.yield
    }) : () -> ()
    %add3A_29 = arith.constant 320 : i32
    %add3A_30 = arith.addi %min3A_9, %add3A_29 : i32
    "tpu.region"() ({
      %run_scoped3A = tpu.sem_alloc : memref<!tpu.dma_semaphore, #tpu.memory_space<semaphore_mem>>
      %dma_start3A_164 = arith.constant 0 : i32
      %dma_start3A_165 = tpu.memref_slice %arg13[%add3A_30, %dma_start3A_164] : memref<15056x128xf32, #tpu.memory_space<vmem_shared>> -> memref<32x128xf32, #tpu.memory_space<vmem_shared>>
      %dma_start3A_166 = arith.constant 0 : i32
      %dma_start3A_167 = tpu.memref_slice %arg13[%add3A_30, %dma_start3A_166] : memref<15056x128xf32, #tpu.memory_space<vmem_shared>> -> memref<32x128xf32, #tpu.memory_space<vmem_shared>>
      tpu.enqueue_dma source(%arg9 : memref<32x128xf32, #tpu.memory_space<vmem>>) target(%dma_start3A_167 : memref<32x128xf32, #tpu.memory_space<vmem_shared>>) target_semaphore(%run_scoped3A : memref<!tpu.dma_semaphore, #tpu.memory_space<semaphore_mem>>)
      %dma_wait3A_168 = arith.constant 0 : i32
      %dma_wait3A_169 = tpu.memref_slice %arg13[%add3A_30, %dma_wait3A_168] : memref<15056x128xf32, #tpu.memory_space<vmem_shared>> -> memref<32x128xf32, #tpu.memory_space<vmem_shared>>
      %dma_wait3A_170 = arith.constant 0 : i32
      %dma_wait3A_171 = tpu.memref_slice %arg13[%add3A_30, %dma_wait3A_170] : memref<15056x128xf32, #tpu.memory_space<vmem_shared>> -> memref<32x128xf32, #tpu.memory_space<vmem_shared>>
      tpu.wait_dma2 semaphore(%run_scoped3A : memref<!tpu.dma_semaphore, #tpu.memory_space<semaphore_mem>>) src(%arg9 : memref<32x128xf32, #tpu.memory_space<vmem>>) dst(%dma_wait3A_171 : memref<32x128xf32, #tpu.memory_space<vmem_shared>>)
      tpu.yield
    }) : () -> ()
    %add3A_31 = arith.constant 352 : i32
    %add3A_32 = arith.addi %min3A_9, %add3A_31 : i32
    "tpu.region"() ({
      %run_scoped3A = tpu.sem_alloc : memref<!tpu.dma_semaphore, #tpu.memory_space<semaphore_mem>>
      %dma_start3A_164 = arith.constant 0 : i32
      %dma_start3A_165 = tpu.memref_slice %arg13[%add3A_32, %dma_start3A_164] : memref<15056x128xf32, #tpu.memory_space<vmem_shared>> -> memref<32x128xf32, #tpu.memory_space<vmem_shared>>
      %dma_start3A_166 = arith.constant 0 : i32
      %dma_start3A_167 = tpu.memref_slice %arg13[%add3A_32, %dma_start3A_166] : memref<15056x128xf32, #tpu.memory_space<vmem_shared>> -> memref<32x128xf32, #tpu.memory_space<vmem_shared>>
      tpu.enqueue_dma source(%arg9 : memref<32x128xf32, #tpu.memory_space<vmem>>) target(%dma_start3A_167 : memref<32x128xf32, #tpu.memory_space<vmem_shared>>) target_semaphore(%run_scoped3A : memref<!tpu.dma_semaphore, #tpu.memory_space<semaphore_mem>>)
      %dma_wait3A_168 = arith.constant 0 : i32
      %dma_wait3A_169 = tpu.memref_slice %arg13[%add3A_32, %dma_wait3A_168] : memref<15056x128xf32, #tpu.memory_space<vmem_shared>> -> memref<32x128xf32, #tpu.memory_space<vmem_shared>>
      %dma_wait3A_170 = arith.constant 0 : i32
      %dma_wait3A_171 = tpu.memref_slice %arg13[%add3A_32, %dma_wait3A_170] : memref<15056x128xf32, #tpu.memory_space<vmem_shared>> -> memref<32x128xf32, #tpu.memory_space<vmem_shared>>
      tpu.wait_dma2 semaphore(%run_scoped3A : memref<!tpu.dma_semaphore, #tpu.memory_space<semaphore_mem>>) src(%arg9 : memref<32x128xf32, #tpu.memory_space<vmem>>) dst(%dma_wait3A_171 : memref<32x128xf32, #tpu.memory_space<vmem_shared>>)
      tpu.yield
    }) : () -> ()
    %add3A_33 = arith.constant 384 : i32
    %add3A_34 = arith.addi %min3A_9, %add3A_33 : i32
    "tpu.region"() ({
      %run_scoped3A = tpu.sem_alloc : memref<!tpu.dma_semaphore, #tpu.memory_space<semaphore_mem>>
      %dma_start3A_164 = arith.constant 0 : i32
      %dma_start3A_165 = tpu.memref_slice %arg13[%add3A_34, %dma_start3A_164] : memref<15056x128xf32, #tpu.memory_space<vmem_shared>> -> memref<32x128xf32, #tpu.memory_space<vmem_shared>>
      %dma_start3A_166 = arith.constant 0 : i32
      %dma_start3A_167 = tpu.memref_slice %arg13[%add3A_34, %dma_start3A_166] : memref<15056x128xf32, #tpu.memory_space<vmem_shared>> -> memref<32x128xf32, #tpu.memory_space<vmem_shared>>
      tpu.enqueue_dma source(%arg9 : memref<32x128xf32, #tpu.memory_space<vmem>>) target(%dma_start3A_167 : memref<32x128xf32, #tpu.memory_space<vmem_shared>>) target_semaphore(%run_scoped3A : memref<!tpu.dma_semaphore, #tpu.memory_space<semaphore_mem>>)
      %dma_wait3A_168 = arith.constant 0 : i32
      %dma_wait3A_169 = tpu.memref_slice %arg13[%add3A_34, %dma_wait3A_168] : memref<15056x128xf32, #tpu.memory_space<vmem_shared>> -> memref<32x128xf32, #tpu.memory_space<vmem_shared>>
      %dma_wait3A_170 = arith.constant 0 : i32
      %dma_wait3A_171 = tpu.memref_slice %arg13[%add3A_34, %dma_wait3A_170] : memref<15056x128xf32, #tpu.memory_space<vmem_shared>> -> memref<32x128xf32, #tpu.memory_space<vmem_shared>>
      tpu.wait_dma2 semaphore(%run_scoped3A : memref<!tpu.dma_semaphore, #tpu.memory_space<semaphore_mem>>) src(%arg9 : memref<32x128xf32, #tpu.memory_space<vmem>>) dst(%dma_wait3A_171 : memref<32x128xf32, #tpu.memory_space<vmem_shared>>)
      tpu.yield
    }) : () -> ()
    %add3A_35 = arith.constant 416 : i32
    %add3A_36 = arith.addi %min3A_9, %add3A_35 : i32
    "tpu.region"() ({
      %run_scoped3A = tpu.sem_alloc : memref<!tpu.dma_semaphore, #tpu.memory_space<semaphore_mem>>
      %dma_start3A_164 = arith.constant 0 : i32
      %dma_start3A_165 = tpu.memref_slice %arg13[%add3A_36, %dma_start3A_164] : memref<15056x128xf32, #tpu.memory_space<vmem_shared>> -> memref<32x128xf32, #tpu.memory_space<vmem_shared>>
      %dma_start3A_166 = arith.constant 0 : i32
      %dma_start3A_167 = tpu.memref_slice %arg13[%add3A_36, %dma_start3A_166] : memref<15056x128xf32, #tpu.memory_space<vmem_shared>> -> memref<32x128xf32, #tpu.memory_space<vmem_shared>>
      tpu.enqueue_dma source(%arg9 : memref<32x128xf32, #tpu.memory_space<vmem>>) target(%dma_start3A_167 : memref<32x128xf32, #tpu.memory_space<vmem_shared>>) target_semaphore(%run_scoped3A : memref<!tpu.dma_semaphore, #tpu.memory_space<semaphore_mem>>)
      %dma_wait3A_168 = arith.constant 0 : i32
      %dma_wait3A_169 = tpu.memref_slice %arg13[%add3A_36, %dma_wait3A_168] : memref<15056x128xf32, #tpu.memory_space<vmem_shared>> -> memref<32x128xf32, #tpu.memory_space<vmem_shared>>
      %dma_wait3A_170 = arith.constant 0 : i32
      %dma_wait3A_171 = tpu.memref_slice %arg13[%add3A_36, %dma_wait3A_170] : memref<15056x128xf32, #tpu.memory_space<vmem_shared>> -> memref<32x128xf32, #tpu.memory_space<vmem_shared>>
      tpu.wait_dma2 semaphore(%run_scoped3A : memref<!tpu.dma_semaphore, #tpu.memory_space<semaphore_mem>>) src(%arg9 : memref<32x128xf32, #tpu.memory_space<vmem>>) dst(%dma_wait3A_171 : memref<32x128xf32, #tpu.memory_space<vmem_shared>>)
      tpu.yield
    }) : () -> ()
    %add3A_37 = arith.constant 448 : i32
    %add3A_38 = arith.addi %min3A_9, %add3A_37 : i32
    "tpu.region"() ({
      %run_scoped3A = tpu.sem_alloc : memref<!tpu.dma_semaphore, #tpu.memory_space<semaphore_mem>>
      %dma_start3A_164 = arith.constant 0 : i32
      %dma_start3A_165 = tpu.memref_slice %arg13[%add3A_38, %dma_start3A_164] : memref<15056x128xf32, #tpu.memory_space<vmem_shared>> -> memref<32x128xf32, #tpu.memory_space<vmem_shared>>
      %dma_start3A_166 = arith.constant 0 : i32
      %dma_start3A_167 = tpu.memref_slice %arg13[%add3A_38, %dma_start3A_166] : memref<15056x128xf32, #tpu.memory_space<vmem_shared>> -> memref<32x128xf32, #tpu.memory_space<vmem_shared>>
      tpu.enqueue_dma source(%arg9 : memref<32x128xf32, #tpu.memory_space<vmem>>) target(%dma_start3A_167 : memref<32x128xf32, #tpu.memory_space<vmem_shared>>) target_semaphore(%run_scoped3A : memref<!tpu.dma_semaphore, #tpu.memory_space<semaphore_mem>>)
      %dma_wait3A_168 = arith.constant 0 : i32
      %dma_wait3A_169 = tpu.memref_slice %arg13[%add3A_38, %dma_wait3A_168] : memref<15056x128xf32, #tpu.memory_space<vmem_shared>> -> memref<32x128xf32, #tpu.memory_space<vmem_shared>>
      %dma_wait3A_170 = arith.constant 0 : i32
      %dma_wait3A_171 = tpu.memref_slice %arg13[%add3A_38, %dma_wait3A_170] : memref<15056x128xf32, #tpu.memory_space<vmem_shared>> -> memref<32x128xf32, #tpu.memory_space<vmem_shared>>
      tpu.wait_dma2 semaphore(%run_scoped3A : memref<!tpu.dma_semaphore, #tpu.memory_space<semaphore_mem>>) src(%arg9 : memref<32x128xf32, #tpu.memory_space<vmem>>) dst(%dma_wait3A_171 : memref<32x128xf32, #tpu.memory_space<vmem_shared>>)
      tpu.yield
    }) : () -> ()
    %add3A_39 = arith.constant 480 : i32
    %add3A_40 = arith.addi %min3A_9, %add3A_39 : i32
    "tpu.region"() ({
      %run_scoped3A = tpu.sem_alloc : memref<!tpu.dma_semaphore, #tpu.memory_space<semaphore_mem>>
      %dma_start3A_164 = arith.constant 0 : i32
      %dma_start3A_165 = tpu.memref_slice %arg13[%add3A_40, %dma_start3A_164] : memref<15056x128xf32, #tpu.memory_space<vmem_shared>> -> memref<32x128xf32, #tpu.memory_space<vmem_shared>>
      %dma_start3A_166 = arith.constant 0 : i32
      %dma_start3A_167 = tpu.memref_slice %arg13[%add3A_40, %dma_start3A_166] : memref<15056x128xf32, #tpu.memory_space<vmem_shared>> -> memref<32x128xf32, #tpu.memory_space<vmem_shared>>
      tpu.enqueue_dma source(%arg9 : memref<32x128xf32, #tpu.memory_space<vmem>>) target(%dma_start3A_167 : memref<32x128xf32, #tpu.memory_space<vmem_shared>>) target_semaphore(%run_scoped3A : memref<!tpu.dma_semaphore, #tpu.memory_space<semaphore_mem>>)
      %dma_wait3A_168 = arith.constant 0 : i32
      %dma_wait3A_169 = tpu.memref_slice %arg13[%add3A_40, %dma_wait3A_168] : memref<15056x128xf32, #tpu.memory_space<vmem_shared>> -> memref<32x128xf32, #tpu.memory_space<vmem_shared>>
      %dma_wait3A_170 = arith.constant 0 : i32
      %dma_wait3A_171 = tpu.memref_slice %arg13[%add3A_40, %dma_wait3A_170] : memref<15056x128xf32, #tpu.memory_space<vmem_shared>> -> memref<32x128xf32, #tpu.memory_space<vmem_shared>>
      tpu.wait_dma2 semaphore(%run_scoped3A : memref<!tpu.dma_semaphore, #tpu.memory_space<semaphore_mem>>) src(%arg9 : memref<32x128xf32, #tpu.memory_space<vmem>>) dst(%dma_wait3A_171 : memref<32x128xf32, #tpu.memory_space<vmem_shared>>)
      tpu.yield
    }) : () -> ()
    %add3A_41 = arith.constant 512 : i32
    %add3A_42 = arith.addi %min3A_9, %add3A_41 : i32
    "tpu.region"() ({
      %run_scoped3A = tpu.sem_alloc : memref<!tpu.dma_semaphore, #tpu.memory_space<semaphore_mem>>
      %dma_start3A_164 = arith.constant 0 : i32
      %dma_start3A_165 = tpu.memref_slice %arg13[%add3A_42, %dma_start3A_164] : memref<15056x128xf32, #tpu.memory_space<vmem_shared>> -> memref<32x128xf32, #tpu.memory_space<vmem_shared>>
      %dma_start3A_166 = arith.constant 0 : i32
      %dma_start3A_167 = tpu.memref_slice %arg13[%add3A_42, %dma_start3A_166] : memref<15056x128xf32, #tpu.memory_space<vmem_shared>> -> memref<32x128xf32, #tpu.memory_space<vmem_shared>>
      tpu.enqueue_dma source(%arg9 : memref<32x128xf32, #tpu.memory_space<vmem>>) target(%dma_start3A_167 : memref<32x128xf32, #tpu.memory_space<vmem_shared>>) target_semaphore(%run_scoped3A : memref<!tpu.dma_semaphore, #tpu.memory_space<semaphore_mem>>)
      %dma_wait3A_168 = arith.constant 0 : i32
      %dma_wait3A_169 = tpu.memref_slice %arg13[%add3A_42, %dma_wait3A_168] : memref<15056x128xf32, #tpu.memory_space<vmem_shared>> -> memref<32x128xf32, #tpu.memory_space<vmem_shared>>
      %dma_wait3A_170 = arith.constant 0 : i32
      %dma_wait3A_171 = tpu.memref_slice %arg13[%add3A_42, %dma_wait3A_170] : memref<15056x128xf32, #tpu.memory_space<vmem_shared>> -> memref<32x128xf32, #tpu.memory_space<vmem_shared>>
      tpu.wait_dma2 semaphore(%run_scoped3A : memref<!tpu.dma_semaphore, #tpu.memory_space<semaphore_mem>>) src(%arg9 : memref<32x128xf32, #tpu.memory_space<vmem>>) dst(%dma_wait3A_171 : memref<32x128xf32, #tpu.memory_space<vmem_shared>>)
      tpu.yield
    }) : () -> ()
    %add3A_43 = arith.constant 544 : i32
    %add3A_44 = arith.addi %min3A_9, %add3A_43 : i32
    "tpu.region"() ({
      %run_scoped3A = tpu.sem_alloc : memref<!tpu.dma_semaphore, #tpu.memory_space<semaphore_mem>>
      %dma_start3A_164 = arith.constant 0 : i32
      %dma_start3A_165 = tpu.memref_slice %arg13[%add3A_44, %dma_start3A_164] : memref<15056x128xf32, #tpu.memory_space<vmem_shared>> -> memref<32x128xf32, #tpu.memory_space<vmem_shared>>
      %dma_start3A_166 = arith.constant 0 : i32
      %dma_start3A_167 = tpu.memref_slice %arg13[%add3A_44, %dma_start3A_166] : memref<15056x128xf32, #tpu.memory_space<vmem_shared>> -> memref<32x128xf32, #tpu.memory_space<vmem_shared>>
      tpu.enqueue_dma source(%arg9 : memref<32x128xf32, #tpu.memory_space<vmem>>) target(%dma_start3A_167 : memref<32x128xf32, #tpu.memory_space<vmem_shared>>) target_semaphore(%run_scoped3A : memref<!tpu.dma_semaphore, #tpu.memory_space<semaphore_mem>>)
      %dma_wait3A_168 = arith.constant 0 : i32
      %dma_wait3A_169 = tpu.memref_slice %arg13[%add3A_44, %dma_wait3A_168] : memref<15056x128xf32, #tpu.memory_space<vmem_shared>> -> memref<32x128xf32, #tpu.memory_space<vmem_shared>>
      %dma_wait3A_170 = arith.constant 0 : i32
      %dma_wait3A_171 = tpu.memref_slice %arg13[%add3A_44, %dma_wait3A_170] : memref<15056x128xf32, #tpu.memory_space<vmem_shared>> -> memref<32x128xf32, #tpu.memory_space<vmem_shared>>
      tpu.wait_dma2 semaphore(%run_scoped3A : memref<!tpu.dma_semaphore, #tpu.memory_space<semaphore_mem>>) src(%arg9 : memref<32x128xf32, #tpu.memory_space<vmem>>) dst(%dma_wait3A_171 : memref<32x128xf32, #tpu.memory_space<vmem_shared>>)
      tpu.yield
    }) : () -> ()
    %add3A_45 = arith.constant 576 : i32
    %add3A_46 = arith.addi %min3A_9, %add3A_45 : i32
    "tpu.region"() ({
      %run_scoped3A = tpu.sem_alloc : memref<!tpu.dma_semaphore, #tpu.memory_space<semaphore_mem>>
      %dma_start3A_164 = arith.constant 0 : i32
      %dma_start3A_165 = tpu.memref_slice %arg13[%add3A_46, %dma_start3A_164] : memref<15056x128xf32, #tpu.memory_space<vmem_shared>> -> memref<32x128xf32, #tpu.memory_space<vmem_shared>>
      %dma_start3A_166 = arith.constant 0 : i32
      %dma_start3A_167 = tpu.memref_slice %arg13[%add3A_46, %dma_start3A_166] : memref<15056x128xf32, #tpu.memory_space<vmem_shared>> -> memref<32x128xf32, #tpu.memory_space<vmem_shared>>
      tpu.enqueue_dma source(%arg9 : memref<32x128xf32, #tpu.memory_space<vmem>>) target(%dma_start3A_167 : memref<32x128xf32, #tpu.memory_space<vmem_shared>>) target_semaphore(%run_scoped3A : memref<!tpu.dma_semaphore, #tpu.memory_space<semaphore_mem>>)
      %dma_wait3A_168 = arith.constant 0 : i32
      %dma_wait3A_169 = tpu.memref_slice %arg13[%add3A_46, %dma_wait3A_168] : memref<15056x128xf32, #tpu.memory_space<vmem_shared>> -> memref<32x128xf32, #tpu.memory_space<vmem_shared>>
      %dma_wait3A_170 = arith.constant 0 : i32
      %dma_wait3A_171 = tpu.memref_slice %arg13[%add3A_46, %dma_wait3A_170] : memref<15056x128xf32, #tpu.memory_space<vmem_shared>> -> memref<32x128xf32, #tpu.memory_space<vmem_shared>>
      tpu.wait_dma2 semaphore(%run_scoped3A : memref<!tpu.dma_semaphore, #tpu.memory_space<semaphore_mem>>) src(%arg9 : memref<32x128xf32, #tpu.memory_space<vmem>>) dst(%dma_wait3A_171 : memref<32x128xf32, #tpu.memory_space<vmem_shared>>)
      tpu.yield
    }) : () -> ()
    %add3A_47 = arith.constant 608 : i32
    %add3A_48 = arith.addi %min3A_9, %add3A_47 : i32
    "tpu.region"() ({
      %run_scoped3A = tpu.sem_alloc : memref<!tpu.dma_semaphore, #tpu.memory_space<semaphore_mem>>
      %dma_start3A_164 = arith.constant 0 : i32
      %dma_start3A_165 = tpu.memref_slice %arg13[%add3A_48, %dma_start3A_164] : memref<15056x128xf32, #tpu.memory_space<vmem_shared>> -> memref<32x128xf32, #tpu.memory_space<vmem_shared>>
      %dma_start3A_166 = arith.constant 0 : i32
      %dma_start3A_167 = tpu.memref_slice %arg13[%add3A_48, %dma_start3A_166] : memref<15056x128xf32, #tpu.memory_space<vmem_shared>> -> memref<32x128xf32, #tpu.memory_space<vmem_shared>>
      tpu.enqueue_dma source(%arg9 : memref<32x128xf32, #tpu.memory_space<vmem>>) target(%dma_start3A_167 : memref<32x128xf32, #tpu.memory_space<vmem_shared>>) target_semaphore(%run_scoped3A : memref<!tpu.dma_semaphore, #tpu.memory_space<semaphore_mem>>)
      %dma_wait3A_168 = arith.constant 0 : i32
      %dma_wait3A_169 = tpu.memref_slice %arg13[%add3A_48, %dma_wait3A_168] : memref<15056x128xf32, #tpu.memory_space<vmem_shared>> -> memref<32x128xf32, #tpu.memory_space<vmem_shared>>
      %dma_wait3A_170 = arith.constant 0 : i32
      %dma_wait3A_171 = tpu.memref_slice %arg13[%add3A_48, %dma_wait3A_170] : memref<15056x128xf32, #tpu.memory_space<vmem_shared>> -> memref<32x128xf32, #tpu.memory_space<vmem_shared>>
      tpu.wait_dma2 semaphore(%run_scoped3A : memref<!tpu.dma_semaphore, #tpu.memory_space<semaphore_mem>>) src(%arg9 : memref<32x128xf32, #tpu.memory_space<vmem>>) dst(%dma_wait3A_171 : memref<32x128xf32, #tpu.memory_space<vmem_shared>>)
      tpu.yield
    }) : () -> ()
    %add3A_49 = arith.constant 640 : i32
    %add3A_50 = arith.addi %min3A_9, %add3A_49 : i32
    "tpu.region"() ({
      %run_scoped3A = tpu.sem_alloc : memref<!tpu.dma_semaphore, #tpu.memory_space<semaphore_mem>>
      %dma_start3A_164 = arith.constant 0 : i32
      %dma_start3A_165 = tpu.memref_slice %arg13[%add3A_50, %dma_start3A_164] : memref<15056x128xf32, #tpu.memory_space<vmem_shared>> -> memref<32x128xf32, #tpu.memory_space<vmem_shared>>
      %dma_start3A_166 = arith.constant 0 : i32
      %dma_start3A_167 = tpu.memref_slice %arg13[%add3A_50, %dma_start3A_166] : memref<15056x128xf32, #tpu.memory_space<vmem_shared>> -> memref<32x128xf32, #tpu.memory_space<vmem_shared>>
      tpu.enqueue_dma source(%arg9 : memref<32x128xf32, #tpu.memory_space<vmem>>) target(%dma_start3A_167 : memref<32x128xf32, #tpu.memory_space<vmem_shared>>) target_semaphore(%run_scoped3A : memref<!tpu.dma_semaphore, #tpu.memory_space<semaphore_mem>>)
      %dma_wait3A_168 = arith.constant 0 : i32
      %dma_wait3A_169 = tpu.memref_slice %arg13[%add3A_50, %dma_wait3A_168] : memref<15056x128xf32, #tpu.memory_space<vmem_shared>> -> memref<32x128xf32, #tpu.memory_space<vmem_shared>>
      %dma_wait3A_170 = arith.constant 0 : i32
      %dma_wait3A_171 = tpu.memref_slice %arg13[%add3A_50, %dma_wait3A_170] : memref<15056x128xf32, #tpu.memory_space<vmem_shared>> -> memref<32x128xf32, #tpu.memory_space<vmem_shared>>
      tpu.wait_dma2 semaphore(%run_scoped3A : memref<!tpu.dma_semaphore, #tpu.memory_space<semaphore_mem>>) src(%arg9 : memref<32x128xf32, #tpu.memory_space<vmem>>) dst(%dma_wait3A_171 : memref<32x128xf32, #tpu.memory_space<vmem_shared>>)
      tpu.yield
    }) : () -> ()
    %add3A_51 = arith.constant 672 : i32
    %add3A_52 = arith.addi %min3A_9, %add3A_51 : i32
    "tpu.region"() ({
      %run_scoped3A = tpu.sem_alloc : memref<!tpu.dma_semaphore, #tpu.memory_space<semaphore_mem>>
      %dma_start3A_164 = arith.constant 0 : i32
      %dma_start3A_165 = tpu.memref_slice %arg13[%add3A_52, %dma_start3A_164] : memref<15056x128xf32, #tpu.memory_space<vmem_shared>> -> memref<32x128xf32, #tpu.memory_space<vmem_shared>>
      %dma_start3A_166 = arith.constant 0 : i32
      %dma_start3A_167 = tpu.memref_slice %arg13[%add3A_52, %dma_start3A_166] : memref<15056x128xf32, #tpu.memory_space<vmem_shared>> -> memref<32x128xf32, #tpu.memory_space<vmem_shared>>
      tpu.enqueue_dma source(%arg9 : memref<32x128xf32, #tpu.memory_space<vmem>>) target(%dma_start3A_167 : memref<32x128xf32, #tpu.memory_space<vmem_shared>>) target_semaphore(%run_scoped3A : memref<!tpu.dma_semaphore, #tpu.memory_space<semaphore_mem>>)
      %dma_wait3A_168 = arith.constant 0 : i32
      %dma_wait3A_169 = tpu.memref_slice %arg13[%add3A_52, %dma_wait3A_168] : memref<15056x128xf32, #tpu.memory_space<vmem_shared>> -> memref<32x128xf32, #tpu.memory_space<vmem_shared>>
      %dma_wait3A_170 = arith.constant 0 : i32
      %dma_wait3A_171 = tpu.memref_slice %arg13[%add3A_52, %dma_wait3A_170] : memref<15056x128xf32, #tpu.memory_space<vmem_shared>> -> memref<32x128xf32, #tpu.memory_space<vmem_shared>>
      tpu.wait_dma2 semaphore(%run_scoped3A : memref<!tpu.dma_semaphore, #tpu.memory_space<semaphore_mem>>) src(%arg9 : memref<32x128xf32, #tpu.memory_space<vmem>>) dst(%dma_wait3A_171 : memref<32x128xf32, #tpu.memory_space<vmem_shared>>)
      tpu.yield
    }) : () -> ()
    %add3A_53 = arith.constant 704 : i32
    %add3A_54 = arith.addi %min3A_9, %add3A_53 : i32
    "tpu.region"() ({
      %run_scoped3A = tpu.sem_alloc : memref<!tpu.dma_semaphore, #tpu.memory_space<semaphore_mem>>
      %dma_start3A_164 = arith.constant 0 : i32
      %dma_start3A_165 = tpu.memref_slice %arg13[%add3A_54, %dma_start3A_164] : memref<15056x128xf32, #tpu.memory_space<vmem_shared>> -> memref<32x128xf32, #tpu.memory_space<vmem_shared>>
      %dma_start3A_166 = arith.constant 0 : i32
      %dma_start3A_167 = tpu.memref_slice %arg13[%add3A_54, %dma_start3A_166] : memref<15056x128xf32, #tpu.memory_space<vmem_shared>> -> memref<32x128xf32, #tpu.memory_space<vmem_shared>>
      tpu.enqueue_dma source(%arg9 : memref<32x128xf32, #tpu.memory_space<vmem>>) target(%dma_start3A_167 : memref<32x128xf32, #tpu.memory_space<vmem_shared>>) target_semaphore(%run_scoped3A : memref<!tpu.dma_semaphore, #tpu.memory_space<semaphore_mem>>)
      %dma_wait3A_168 = arith.constant 0 : i32
      %dma_wait3A_169 = tpu.memref_slice %arg13[%add3A_54, %dma_wait3A_168] : memref<15056x128xf32, #tpu.memory_space<vmem_shared>> -> memref<32x128xf32, #tpu.memory_space<vmem_shared>>
      %dma_wait3A_170 = arith.constant 0 : i32
      %dma_wait3A_171 = tpu.memref_slice %arg13[%add3A_54, %dma_wait3A_170] : memref<15056x128xf32, #tpu.memory_space<vmem_shared>> -> memref<32x128xf32, #tpu.memory_space<vmem_shared>>
      tpu.wait_dma2 semaphore(%run_scoped3A : memref<!tpu.dma_semaphore, #tpu.memory_space<semaphore_mem>>) src(%arg9 : memref<32x128xf32, #tpu.memory_space<vmem>>) dst(%dma_wait3A_171 : memref<32x128xf32, #tpu.memory_space<vmem_shared>>)
      tpu.yield
    }) : () -> ()
    %add3A_55 = arith.constant 736 : i32
    %add3A_56 = arith.addi %min3A_9, %add3A_55 : i32
    "tpu.region"() ({
      %run_scoped3A = tpu.sem_alloc : memref<!tpu.dma_semaphore, #tpu.memory_space<semaphore_mem>>
      %dma_start3A_164 = arith.constant 0 : i32
      %dma_start3A_165 = tpu.memref_slice %arg13[%add3A_56, %dma_start3A_164] : memref<15056x128xf32, #tpu.memory_space<vmem_shared>> -> memref<32x128xf32, #tpu.memory_space<vmem_shared>>
      %dma_start3A_166 = arith.constant 0 : i32
      %dma_start3A_167 = tpu.memref_slice %arg13[%add3A_56, %dma_start3A_166] : memref<15056x128xf32, #tpu.memory_space<vmem_shared>> -> memref<32x128xf32, #tpu.memory_space<vmem_shared>>
      tpu.enqueue_dma source(%arg9 : memref<32x128xf32, #tpu.memory_space<vmem>>) target(%dma_start3A_167 : memref<32x128xf32, #tpu.memory_space<vmem_shared>>) target_semaphore(%run_scoped3A : memref<!tpu.dma_semaphore, #tpu.memory_space<semaphore_mem>>)
      %dma_wait3A_168 = arith.constant 0 : i32
      %dma_wait3A_169 = tpu.memref_slice %arg13[%add3A_56, %dma_wait3A_168] : memref<15056x128xf32, #tpu.memory_space<vmem_shared>> -> memref<32x128xf32, #tpu.memory_space<vmem_shared>>
      %dma_wait3A_170 = arith.constant 0 : i32
      %dma_wait3A_171 = tpu.memref_slice %arg13[%add3A_56, %dma_wait3A_170] : memref<15056x128xf32, #tpu.memory_space<vmem_shared>> -> memref<32x128xf32, #tpu.memory_space<vmem_shared>>
      tpu.wait_dma2 semaphore(%run_scoped3A : memref<!tpu.dma_semaphore, #tpu.memory_space<semaphore_mem>>) src(%arg9 : memref<32x128xf32, #tpu.memory_space<vmem>>) dst(%dma_wait3A_171 : memref<32x128xf32, #tpu.memory_space<vmem_shared>>)
      tpu.yield
    }) : () -> ()
    %add3A_57 = arith.constant 768 : i32
    %add3A_58 = arith.addi %min3A_9, %add3A_57 : i32
    "tpu.region"() ({
      %run_scoped3A = tpu.sem_alloc : memref<!tpu.dma_semaphore, #tpu.memory_space<semaphore_mem>>
      %dma_start3A_164 = arith.constant 0 : i32
      %dma_start3A_165 = tpu.memref_slice %arg13[%add3A_58, %dma_start3A_164] : memref<15056x128xf32, #tpu.memory_space<vmem_shared>> -> memref<32x128xf32, #tpu.memory_space<vmem_shared>>
      %dma_start3A_166 = arith.constant 0 : i32
      %dma_start3A_167 = tpu.memref_slice %arg13[%add3A_58, %dma_start3A_166] : memref<15056x128xf32, #tpu.memory_space<vmem_shared>> -> memref<32x128xf32, #tpu.memory_space<vmem_shared>>
      tpu.enqueue_dma source(%arg9 : memref<32x128xf32, #tpu.memory_space<vmem>>) target(%dma_start3A_167 : memref<32x128xf32, #tpu.memory_space<vmem_shared>>) target_semaphore(%run_scoped3A : memref<!tpu.dma_semaphore, #tpu.memory_space<semaphore_mem>>)
      %dma_wait3A_168 = arith.constant 0 : i32
      %dma_wait3A_169 = tpu.memref_slice %arg13[%add3A_58, %dma_wait3A_168] : memref<15056x128xf32, #tpu.memory_space<vmem_shared>> -> memref<32x128xf32, #tpu.memory_space<vmem_shared>>
      %dma_wait3A_170 = arith.constant 0 : i32
      %dma_wait3A_171 = tpu.memref_slice %arg13[%add3A_58, %dma_wait3A_170] : memref<15056x128xf32, #tpu.memory_space<vmem_shared>> -> memref<32x128xf32, #tpu.memory_space<vmem_shared>>
      tpu.wait_dma2 semaphore(%run_scoped3A : memref<!tpu.dma_semaphore, #tpu.memory_space<semaphore_mem>>) src(%arg9 : memref<32x128xf32, #tpu.memory_space<vmem>>) dst(%dma_wait3A_171 : memref<32x128xf32, #tpu.memory_space<vmem_shared>>)
      tpu.yield
    }) : () -> ()
    %add3A_59 = arith.constant 800 : i32
    %add3A_60 = arith.addi %min3A_9, %add3A_59 : i32
    "tpu.region"() ({
      %run_scoped3A = tpu.sem_alloc : memref<!tpu.dma_semaphore, #tpu.memory_space<semaphore_mem>>
      %dma_start3A_164 = arith.constant 0 : i32
      %dma_start3A_165 = tpu.memref_slice %arg13[%add3A_60, %dma_start3A_164] : memref<15056x128xf32, #tpu.memory_space<vmem_shared>> -> memref<32x128xf32, #tpu.memory_space<vmem_shared>>
      %dma_start3A_166 = arith.constant 0 : i32
      %dma_start3A_167 = tpu.memref_slice %arg13[%add3A_60, %dma_start3A_166] : memref<15056x128xf32, #tpu.memory_space<vmem_shared>> -> memref<32x128xf32, #tpu.memory_space<vmem_shared>>
      tpu.enqueue_dma source(%arg9 : memref<32x128xf32, #tpu.memory_space<vmem>>) target(%dma_start3A_167 : memref<32x128xf32, #tpu.memory_space<vmem_shared>>) target_semaphore(%run_scoped3A : memref<!tpu.dma_semaphore, #tpu.memory_space<semaphore_mem>>)
      %dma_wait3A_168 = arith.constant 0 : i32
      %dma_wait3A_169 = tpu.memref_slice %arg13[%add3A_60, %dma_wait3A_168] : memref<15056x128xf32, #tpu.memory_space<vmem_shared>> -> memref<32x128xf32, #tpu.memory_space<vmem_shared>>
      %dma_wait3A_170 = arith.constant 0 : i32
      %dma_wait3A_171 = tpu.memref_slice %arg13[%add3A_60, %dma_wait3A_170] : memref<15056x128xf32, #tpu.memory_space<vmem_shared>> -> memref<32x128xf32, #tpu.memory_space<vmem_shared>>
      tpu.wait_dma2 semaphore(%run_scoped3A : memref<!tpu.dma_semaphore, #tpu.memory_space<semaphore_mem>>) src(%arg9 : memref<32x128xf32, #tpu.memory_space<vmem>>) dst(%dma_wait3A_171 : memref<32x128xf32, #tpu.memory_space<vmem_shared>>)
      tpu.yield
    }) : () -> ()
    %add3A_61 = arith.constant 832 : i32
    %add3A_62 = arith.addi %min3A_9, %add3A_61 : i32
    "tpu.region"() ({
      %run_scoped3A = tpu.sem_alloc : memref<!tpu.dma_semaphore, #tpu.memory_space<semaphore_mem>>
      %dma_start3A_164 = arith.constant 0 : i32
      %dma_start3A_165 = tpu.memref_slice %arg13[%add3A_62, %dma_start3A_164] : memref<15056x128xf32, #tpu.memory_space<vmem_shared>> -> memref<32x128xf32, #tpu.memory_space<vmem_shared>>
      %dma_start3A_166 = arith.constant 0 : i32
      %dma_start3A_167 = tpu.memref_slice %arg13[%add3A_62, %dma_start3A_166] : memref<15056x128xf32, #tpu.memory_space<vmem_shared>> -> memref<32x128xf32, #tpu.memory_space<vmem_shared>>
      tpu.enqueue_dma source(%arg9 : memref<32x128xf32, #tpu.memory_space<vmem>>) target(%dma_start3A_167 : memref<32x128xf32, #tpu.memory_space<vmem_shared>>) target_semaphore(%run_scoped3A : memref<!tpu.dma_semaphore, #tpu.memory_space<semaphore_mem>>)
      %dma_wait3A_168 = arith.constant 0 : i32
      %dma_wait3A_169 = tpu.memref_slice %arg13[%add3A_62, %dma_wait3A_168] : memref<15056x128xf32, #tpu.memory_space<vmem_shared>> -> memref<32x128xf32, #tpu.memory_space<vmem_shared>>
      %dma_wait3A_170 = arith.constant 0 : i32
      %dma_wait3A_171 = tpu.memref_slice %arg13[%add3A_62, %dma_wait3A_170] : memref<15056x128xf32, #tpu.memory_space<vmem_shared>> -> memref<32x128xf32, #tpu.memory_space<vmem_shared>>
      tpu.wait_dma2 semaphore(%run_scoped3A : memref<!tpu.dma_semaphore, #tpu.memory_space<semaphore_mem>>) src(%arg9 : memref<32x128xf32, #tpu.memory_space<vmem>>) dst(%dma_wait3A_171 : memref<32x128xf32, #tpu.memory_space<vmem_shared>>)
      tpu.yield
    }) : () -> ()
    %add3A_63 = arith.constant 864 : i32
    %add3A_64 = arith.addi %min3A_9, %add3A_63 : i32
    "tpu.region"() ({
      %run_scoped3A = tpu.sem_alloc : memref<!tpu.dma_semaphore, #tpu.memory_space<semaphore_mem>>
      %dma_start3A_164 = arith.constant 0 : i32
      %dma_start3A_165 = tpu.memref_slice %arg13[%add3A_64, %dma_start3A_164] : memref<15056x128xf32, #tpu.memory_space<vmem_shared>> -> memref<32x128xf32, #tpu.memory_space<vmem_shared>>
      %dma_start3A_166 = arith.constant 0 : i32
      %dma_start3A_167 = tpu.memref_slice %arg13[%add3A_64, %dma_start3A_166] : memref<15056x128xf32, #tpu.memory_space<vmem_shared>> -> memref<32x128xf32, #tpu.memory_space<vmem_shared>>
      tpu.enqueue_dma source(%arg9 : memref<32x128xf32, #tpu.memory_space<vmem>>) target(%dma_start3A_167 : memref<32x128xf32, #tpu.memory_space<vmem_shared>>) target_semaphore(%run_scoped3A : memref<!tpu.dma_semaphore, #tpu.memory_space<semaphore_mem>>)
      %dma_wait3A_168 = arith.constant 0 : i32
      %dma_wait3A_169 = tpu.memref_slice %arg13[%add3A_64, %dma_wait3A_168] : memref<15056x128xf32, #tpu.memory_space<vmem_shared>> -> memref<32x128xf32, #tpu.memory_space<vmem_shared>>
      %dma_wait3A_170 = arith.constant 0 : i32
      %dma_wait3A_171 = tpu.memref_slice %arg13[%add3A_64, %dma_wait3A_170] : memref<15056x128xf32, #tpu.memory_space<vmem_shared>> -> memref<32x128xf32, #tpu.memory_space<vmem_shared>>
      tpu.wait_dma2 semaphore(%run_scoped3A : memref<!tpu.dma_semaphore, #tpu.memory_space<semaphore_mem>>) src(%arg9 : memref<32x128xf32, #tpu.memory_space<vmem>>) dst(%dma_wait3A_171 : memref<32x128xf32, #tpu.memory_space<vmem_shared>>)
      tpu.yield
    }) : () -> ()
    %add3A_65 = arith.constant 896 : i32
    %add3A_66 = arith.addi %min3A_9, %add3A_65 : i32
    "tpu.region"() ({
      %run_scoped3A = tpu.sem_alloc : memref<!tpu.dma_semaphore, #tpu.memory_space<semaphore_mem>>
      %dma_start3A_164 = arith.constant 0 : i32
      %dma_start3A_165 = tpu.memref_slice %arg13[%add3A_66, %dma_start3A_164] : memref<15056x128xf32, #tpu.memory_space<vmem_shared>> -> memref<32x128xf32, #tpu.memory_space<vmem_shared>>
      %dma_start3A_166 = arith.constant 0 : i32
      %dma_start3A_167 = tpu.memref_slice %arg13[%add3A_66, %dma_start3A_166] : memref<15056x128xf32, #tpu.memory_space<vmem_shared>> -> memref<32x128xf32, #tpu.memory_space<vmem_shared>>
      tpu.enqueue_dma source(%arg9 : memref<32x128xf32, #tpu.memory_space<vmem>>) target(%dma_start3A_167 : memref<32x128xf32, #tpu.memory_space<vmem_shared>>) target_semaphore(%run_scoped3A : memref<!tpu.dma_semaphore, #tpu.memory_space<semaphore_mem>>)
      %dma_wait3A_168 = arith.constant 0 : i32
      %dma_wait3A_169 = tpu.memref_slice %arg13[%add3A_66, %dma_wait3A_168] : memref<15056x128xf32, #tpu.memory_space<vmem_shared>> -> memref<32x128xf32, #tpu.memory_space<vmem_shared>>
      %dma_wait3A_170 = arith.constant 0 : i32
      %dma_wait3A_171 = tpu.memref_slice %arg13[%add3A_66, %dma_wait3A_170] : memref<15056x128xf32, #tpu.memory_space<vmem_shared>> -> memref<32x128xf32, #tpu.memory_space<vmem_shared>>
      tpu.wait_dma2 semaphore(%run_scoped3A : memref<!tpu.dma_semaphore, #tpu.memory_space<semaphore_mem>>) src(%arg9 : memref<32x128xf32, #tpu.memory_space<vmem>>) dst(%dma_wait3A_171 : memref<32x128xf32, #tpu.memory_space<vmem_shared>>)
      tpu.yield
    }) : () -> ()
    %add3A_67 = arith.constant 928 : i32
    %add3A_68 = arith.addi %min3A_9, %add3A_67 : i32
    "tpu.region"() ({
      %run_scoped3A = tpu.sem_alloc : memref<!tpu.dma_semaphore, #tpu.memory_space<semaphore_mem>>
      %dma_start3A_164 = arith.constant 0 : i32
      %dma_start3A_165 = arith.constant 0 : i32
      %dma_start3A_166 = tpu.memref_slice %arg9[%dma_start3A_164, %dma_start3A_165] : memref<32x128xf32, #tpu.memory_space<vmem>> -> memref<16x128xf32, #tpu.memory_space<vmem>>
      %dma_start3A_167 = arith.constant 0 : i32
      %dma_start3A_168 = tpu.memref_slice %arg13[%add3A_68, %dma_start3A_167] : memref<15056x128xf32, #tpu.memory_space<vmem_shared>> -> memref<16x128xf32, #tpu.memory_space<vmem_shared>>
      %dma_start3A_169 = arith.constant 0 : i32
      %dma_start3A_170 = tpu.memref_slice %arg13[%add3A_68, %dma_start3A_169] : memref<15056x128xf32, #tpu.memory_space<vmem_shared>> -> memref<16x128xf32, #tpu.memory_space<vmem_shared>>
      %dma_start3A_171 = arith.constant 0 : i32
      %dma_start3A_172 = arith.constant 0 : i32
      %dma_start3A_173 = tpu.memref_slice %arg9[%dma_start3A_171, %dma_start3A_172] : memref<32x128xf32, #tpu.memory_space<vmem>> -> memref<16x128xf32, #tpu.memory_space<vmem>>
      tpu.enqueue_dma source(%dma_start3A_173 : memref<16x128xf32, #tpu.memory_space<vmem>>) target(%dma_start3A_170 : memref<16x128xf32, #tpu.memory_space<vmem_shared>>) target_semaphore(%run_scoped3A : memref<!tpu.dma_semaphore, #tpu.memory_space<semaphore_mem>>)
      %dma_wait3A_174 = arith.constant 0 : i32
      %dma_wait3A_175 = arith.constant 0 : i32
      %dma_wait3A_176 = tpu.memref_slice %arg9[%dma_wait3A_174, %dma_wait3A_175] : memref<32x128xf32, #tpu.memory_space<vmem>> -> memref<16x128xf32, #tpu.memory_space<vmem>>
      %dma_wait3A_177 = arith.constant 0 : i32
      %dma_wait3A_178 = tpu.memref_slice %arg13[%add3A_68, %dma_wait3A_177] : memref<15056x128xf32, #tpu.memory_space<vmem_shared>> -> memref<16x128xf32, #tpu.memory_space<vmem_shared>>
      %dma_wait3A_179 = arith.constant 0 : i32
      %dma_wait3A_180 = tpu.memref_slice %arg13[%add3A_68, %dma_wait3A_179] : memref<15056x128xf32, #tpu.memory_space<vmem_shared>> -> memref<16x128xf32, #tpu.memory_space<vmem_shared>>
      %dma_wait3A_181 = arith.constant 0 : i32
      %dma_wait3A_182 = arith.constant 0 : i32
      %dma_wait3A_183 = tpu.memref_slice %arg9[%dma_wait3A_181, %dma_wait3A_182] : memref<32x128xf32, #tpu.memory_space<vmem>> -> memref<16x128xf32, #tpu.memory_space<vmem>>
      tpu.wait_dma2 semaphore(%run_scoped3A : memref<!tpu.dma_semaphore, #tpu.memory_space<semaphore_mem>>) src(%dma_wait3A_183 : memref<16x128xf32, #tpu.memory_space<vmem>>) dst(%dma_wait3A_180 : memref<16x128xf32, #tpu.memory_space<vmem_shared>>)
      tpu.yield
    }) : () -> ()
    %barrier3A = arith.constant 0 : index
    tpu.barrier barrier_id(%barrier3A)
    "tpu.region"() ({
      %run_scoped3A = tpu.sem_alloc : memref<!tpu.dma_semaphore, #tpu.memory_space<semaphore_mem>>
      %dma_start3A_164 = arith.constant 0 : i32
      %dma_start3A_165 = arith.constant 0 : i32
      %dma_start3A_166 = tpu.memref_slice %arg2[%arg1, %dma_start3A_164, %dma_start3A_165] : memref<10016x3x32xi32, #tpu.memory_space<hbm>> -> memref<1x3x32xi32, #tpu.memory_space<hbm>>
      %dma_start3A_167 = tpu.memref_squeeze %dma_start3A_166 : memref<1x3x32xi32, #tpu.memory_space<hbm>> -> memref<3x32xi32, #tpu.memory_space<hbm>>
      %dma_start3A_168 = arith.constant 0 : i32
      %dma_start3A_169 = arith.constant 0 : i32
      %dma_start3A_170 = tpu.memref_slice %arg2[%arg1, %dma_start3A_168, %dma_start3A_169] : memref<10016x3x32xi32, #tpu.memory_space<hbm>> -> memref<1x3x32xi32, #tpu.memory_space<hbm>>
      %dma_start3A_171 = tpu.memref_squeeze %dma_start3A_170 : memref<1x3x32xi32, #tpu.memory_space<hbm>> -> memref<3x32xi32, #tpu.memory_space<hbm>>
      tpu.enqueue_dma source(%dma_start3A_171 : memref<3x32xi32, #tpu.memory_space<hbm>>) target(%arg5 : memref<3x32xi32, #tpu.memory_space<vmem>>) target_semaphore(%run_scoped3A : memref<!tpu.dma_semaphore, #tpu.memory_space<semaphore_mem>>)
      %dma_wait3A_172 = arith.constant 0 : i32
      %dma_wait3A_173 = arith.constant 0 : i32
      %dma_wait3A_174 = tpu.memref_slice %arg2[%arg1, %dma_wait3A_172, %dma_wait3A_173] : memref<10016x3x32xi32, #tpu.memory_space<hbm>> -> memref<1x3x32xi32, #tpu.memory_space<hbm>>
      %dma_wait3A_175 = tpu.memref_squeeze %dma_wait3A_174 : memref<1x3x32xi32, #tpu.memory_space<hbm>> -> memref<3x32xi32, #tpu.memory_space<hbm>>
      %dma_wait3A_176 = arith.constant 0 : i32
      %dma_wait3A_177 = arith.constant 0 : i32
      %dma_wait3A_178 = tpu.memref_slice %arg2[%arg1, %dma_wait3A_176, %dma_wait3A_177] : memref<10016x3x32xi32, #tpu.memory_space<hbm>> -> memref<1x3x32xi32, #tpu.memory_space<hbm>>
      %dma_wait3A_179 = tpu.memref_squeeze %dma_wait3A_178 : memref<1x3x32xi32, #tpu.memory_space<hbm>> -> memref<3x32xi32, #tpu.memory_space<hbm>>
      tpu.wait_dma2 semaphore(%run_scoped3A : memref<!tpu.dma_semaphore, #tpu.memory_space<semaphore_mem>>) src(%dma_wait3A_179 : memref<3x32xi32, #tpu.memory_space<hbm>>) dst(%arg5 : memref<3x32xi32, #tpu.memory_space<vmem>>)
      tpu.yield
    }) : () -> ()
    %get3A = arith.constant 1 : i32
    %get3A_69 = arith.index_cast %get3A : i32 to index
    %get3A_70 = arith.constant 0 : index
    %get3A_71 = tpu.vector_load %arg5[%get3A_69, %get3A_70] {strides = array<i32>} : memref<3x32xi32, #tpu.memory_space<vmem>>, vector<1x16xi32>,
    %get3A_72 = vector.shape_cast %get3A_71 : vector<1x16xi32> to vector<16xi32>
    %get3A_73 = arith.constant 2 : i32
    %get3A_74 = arith.index_cast %get3A_73 : i32 to index
    %get3A_75 = arith.constant 0 : index
    %get3A_76 = tpu.vector_load %arg5[%get3A_74, %get3A_75] {strides = array<i32>} : memref<3x32xi32, #tpu.memory_space<vmem>>, vector<1x16xi32>,
    %get3A_77 = vector.shape_cast %get3A_76 : vector<1x16xi32> to vector<16xi32>
    %sub3A = vector.broadcast %mul3A_0 : i32 to vector<16xi32>
    %sub3A_78 = arith.subi %get3A_72, %sub3A : vector<16xi32>
    %ge3A = arith.constant 0 : i32
    %ge3A_79 = vector.broadcast %ge3A : i32 to vector<16xi32>
    %ge3A_80 = arith.cmpi sge, %sub3A_78, %ge3A_79 : vector<16xi32>
    %lt3A = arith.constant 5000 : i32
    %lt3A_81 = vector.broadcast %lt3A : i32 to vector<16xi32>
    %lt3A_82 = arith.cmpi slt, %sub3A_78, %lt3A_81 : vector<16xi32>
    %and3A = arith.andi %ge3A_80, %lt3A_82 : vector<16xi1>
    %add3A_83 = arith.constant 0 : i32
    %add3A_84 = vector.broadcast %add3A_83 : i32 to vector<16xi32>
    %add3A_85 = arith.addi %iota3A, %add3A_84 : vector<16xi32>
    %and3A_86 = arith.constant 31 : i32
    %and3A_87 = vector.broadcast %and3A_86 : i32 to vector<16xi32>
    %and3A_88 = arith.andi %add3A_85, %and3A_87 : vector<16xi32>
    %add3A_89 = arith.constant 15024 : i32
    %add3A_90 = vector.broadcast %add3A_89 : i32 to vector<16xi32>
    %add3A_91 = arith.addi %add3A_90, %and3A_88 : vector<16xi32>
    %mul3A_92 = arith.constant 5008 : i32
    %mul3A_93 = vector.broadcast %mul3A_92 : i32 to vector<16xi32>
    %mul3A_94 = arith.muli %get3A_77, %mul3A_93 : vector<16xi32>
    %add3A_95 = arith.addi %mul3A_94, %sub3A_78 : vector<16xi32>
    %select_n3A = arith.select %and3A, %add3A_95, %add3A_91 : vector<16xi1>, vector<16xi32>
    %swap3A = arith.constant 0 : i32
    %swap3A_96 = arith.index_cast %swap3A : i32 to index
    %swap3A_97 = arith.constant 0 : index
    %swap3A_98 = tpu.vector_load %arg7[%swap3A_96, %swap3A_97] {strides = array<i32>} : memref<1x32xi32, #tpu.memory_space<vmem>>, vector<1x16xi32>,
    %swap3A_99 = vector.shape_cast %swap3A_98 : vector<1x16xi32> to vector<16xi32>
    %swap3A_100 = vector.shape_cast %select_n3A : vector<16xi32> to vector<1x16xi32>
    tpu.vector_store %arg7[%swap3A_96, %swap3A_97], %swap3A_100 {strides = array<i32>} : memref<1x32xi32, #tpu.memory_space<vmem>>, vector<1x16xi32>,
    %get3A_101 = arith.constant 1 : i32
    %get3A_102 = arith.index_cast %get3A_101 : i32 to index
    %get3A_103 = arith.constant 16 : index
    %get3A_104 = tpu.vector_load %arg5[%get3A_102, %get3A_103] {strides = array<i32>} : memref<3x32xi32, #tpu.memory_space<vmem>>, vector<1x16xi32>,
    %get3A_105 = vector.shape_cast %get3A_104 : vector<1x16xi32> to vector<16xi32>
    %get3A_106 = arith.constant 2 : i32
    %get3A_107 = arith.index_cast %get3A_106 : i32 to index
    %get3A_108 = arith.constant 16 : index
    %get3A_109 = tpu.vector_load %arg5[%get3A_107, %get3A_108] {strides = array<i32>} : memref<3x32xi32, #tpu.memory_space<vmem>>, vector<1x16xi32>,
    %get3A_110 = vector.shape_cast %get3A_109 : vector<1x16xi32> to vector<16xi32>
    %sub3A_111 = vector.broadcast %mul3A_0 : i32 to vector<16xi32>
    %sub3A_112 = arith.subi %get3A_105, %sub3A_111 : vector<16xi32>
    %ge3A_113 = arith.constant 0 : i32
    %ge3A_114 = vector.broadcast %ge3A_113 : i32 to vector<16xi32>
    %ge3A_115 = arith.cmpi sge, %sub3A_112, %ge3A_114 : vector<16xi32>
    %lt3A_116 = arith.constant 5000 : i32
    %lt3A_117 = vector.broadcast %lt3A_116 : i32 to vector<16xi32>
    %lt3A_118 = arith.cmpi slt, %sub3A_112, %lt3A_117 : vector<16xi32>
    %and3A_119 = arith.andi %ge3A_115, %lt3A_118 : vector<16xi1>
    %add3A_120 = arith.constant 16 : i32
    %add3A_121 = vector.broadcast %add3A_120 : i32 to vector<16xi32>
    %add3A_122 = arith.addi %iota3A, %add3A_121 : vector<16xi32>
    %and3A_123 = arith.constant 31 : i32
    %and3A_124 = vector.broadcast %and3A_123 : i32 to vector<16xi32>
    %and3A_125 = arith.andi %add3A_122, %and3A_124 : vector<16xi32>
    %add3A_126 = arith.constant 15024 : i32
    %add3A_127 = vector.broadcast %add3A_126 : i32 to vector<16xi32>
    %add3A_128 = arith.addi %add3A_127, %and3A_125 : vector<16xi32>
    %mul3A_129 = arith.constant 5008 : i32
    %mul3A_130 = vector.broadcast %mul3A_129 : i32 to vector<16xi32>
    %mul3A_131 = arith.muli %get3A_110, %mul3A_130 : vector<16xi32>
    %add3A_132 = arith.addi %mul3A_131, %sub3A_112 : vector<16xi32>
    %select_n3A_133 = arith.select %and3A_119, %add3A_132, %add3A_128 : vector<16xi1>, vector<16xi32>
    %swap3A_134 = arith.constant 0 : i32
    %swap3A_135 = arith.index_cast %swap3A_134 : i32 to index
    %swap3A_136 = arith.constant 16 : index
    %swap3A_137 = tpu.vector_load %arg7[%swap3A_135, %swap3A_136] {strides = array<i32>} : memref<1x32xi32, #tpu.memory_space<vmem>>, vector<1x16xi32>,
    %swap3A_138 = vector.shape_cast %swap3A_137 : vector<1x16xi32> to vector<16xi32>
    %swap3A_139 = vector.shape_cast %select_n3A_133 : vector<16xi32> to vector<1x16xi32>
    tpu.vector_store %arg7[%swap3A_135, %swap3A_136], %swap3A_139 {strides = array<i32>} : memref<1x32xi32, #tpu.memory_space<vmem>>, vector<1x16xi32>,
    %dma_start3A = arith.constant 0 : i32
    %dma_start3A_140 = arith.constant 0 : i32
    %dma_start3A_141 = tpu.memref_slice %arg5[%dma_start3A, %dma_start3A_140] : memref<3x32xi32, #tpu.memory_space<vmem>> -> memref<1x32xi32, #tpu.memory_space<vmem>>
    %dma_start3A_142 = tpu.memref_squeeze %dma_start3A_141 : memref<1x32xi32, #tpu.memory_space<vmem>> -> memref<32xi32, #tpu.memory_space<vmem>>
    %dma_start3A_143 = arith.constant 0 : i32
    %dma_start3A_144 = arith.constant 0 : i32
    %dma_start3A_145 = tpu.memref_slice %arg3[%dma_start3A_143, %dma_start3A_144] : memref<10000x128xf32, #tpu.memory_space<hbm>> -> memref<10000x128xf32, #tpu.memory_space<hbm>>
    tpu.enqueue_indirect_dma source(%dma_start3A_145 : memref<10000x128xf32, #tpu.memory_space<hbm>>) target(%arg9 : memref<32x128xf32, #tpu.memory_space<vmem>>) offsets(%dma_start3A_142 : memref<32xi32, #tpu.memory_space<vmem>>) semaphore(%arg11 : memref<!tpu.dma_semaphore, #tpu.memory_space<semaphore_mem>>)
    %scan3A_146 = arith.constant 0 : i32
    %scan3A_147 = arith.constant 0 : i32
    %scan3A_148 = arith.constant 313 : i32
    %scan3A_149 = arith.addi %scan3A_147, %scan3A_148 : i32
    %scan3A_150 = arith.constant 1 : i32
    %scan3A_151 = scf.for %scan3A_164 = %scan3A_147 to %scan3A_149 step %scan3A_150 iter_args(%scan3A_165 = %scan3A_146) -> (i32)  : i32 {
      %mul3A_166 = arith.constant 2 : i32
      %mul3A_167 = arith.muli %mul3A_166, %scan3A_164 : i32
      %add3A_168 = arith.constant 1 : i32
      %add3A_169 = arith.addi %mul3A_167, %add3A_168 : i32
      %mul3A_170 = arith.constant 16 : i32
      %mul3A_171 = arith.muli %add3A_169, %mul3A_170 : i32
      %add3A_172 = arith.addi %arg1, %mul3A_171 : i32
      "tpu.region"() ({
        %run_scoped3A_366 = tpu.sem_alloc : memref<!tpu.dma_semaphore, #tpu.memory_space<semaphore_mem>>
        %dma_start3A_367 = arith.constant 0 : i32
        %dma_start3A_368 = arith.constant 0 : i32
        %dma_start3A_369 = tpu.memref_slice %arg2[%add3A_172, %dma_start3A_367, %dma_start3A_368] : memref<10016x3x32xi32, #tpu.memory_space<hbm>> -> memref<1x3x32xi32, #tpu.memory_space<hbm>>
        %dma_start3A_370 = tpu.memref_squeeze %dma_start3A_369 : memref<1x3x32xi32, #tpu.memory_space<hbm>> -> memref<3x32xi32, #tpu.memory_space<hbm>>
        %dma_start3A_371 = arith.constant 0 : i32
        %dma_start3A_372 = arith.constant 0 : i32
        %dma_start3A_373 = tpu.memref_slice %arg2[%add3A_172, %dma_start3A_371, %dma_start3A_372] : memref<10016x3x32xi32, #tpu.memory_space<hbm>> -> memref<1x3x32xi32, #tpu.memory_space<hbm>>
        %dma_start3A_374 = tpu.memref_squeeze %dma_start3A_373 : memref<1x3x32xi32, #tpu.memory_space<hbm>> -> memref<3x32xi32, #tpu.memory_space<hbm>>
        tpu.enqueue_dma source(%dma_start3A_374 : memref<3x32xi32, #tpu.memory_space<hbm>>) target(%arg6 : memref<3x32xi32, #tpu.memory_space<vmem>>) target_semaphore(%run_scoped3A_366 : memref<!tpu.dma_semaphore, #tpu.memory_space<semaphore_mem>>)
        %dma_wait3A_375 = arith.constant 0 : i32
        %dma_wait3A_376 = arith.constant 0 : i32
        %dma_wait3A_377 = tpu.memref_slice %arg2[%add3A_172, %dma_wait3A_375, %dma_wait3A_376] : memref<10016x3x32xi32, #tpu.memory_space<hbm>> -> memref<1x3x32xi32, #tpu.memory_space<hbm>>
        %dma_wait3A_378 = tpu.memref_squeeze %dma_wait3A_377 : memref<1x3x32xi32, #tpu.memory_space<hbm>> -> memref<3x32xi32, #tpu.memory_space<hbm>>
        %dma_wait3A_379 = arith.constant 0 : i32
        %dma_wait3A_380 = arith.constant 0 : i32
        %dma_wait3A_381 = tpu.memref_slice %arg2[%add3A_172, %dma_wait3A_379, %dma_wait3A_380] : memref<10016x3x32xi32, #tpu.memory_space<hbm>> -> memref<1x3x32xi32, #tpu.memory_space<hbm>>
        %dma_wait3A_382 = tpu.memref_squeeze %dma_wait3A_381 : memref<1x3x32xi32, #tpu.memory_space<hbm>> -> memref<3x32xi32, #tpu.memory_space<hbm>>
        tpu.wait_dma2 semaphore(%run_scoped3A_366 : memref<!tpu.dma_semaphore, #tpu.memory_space<semaphore_mem>>) src(%dma_wait3A_382 : memref<3x32xi32, #tpu.memory_space<hbm>>) dst(%arg6 : memref<3x32xi32, #tpu.memory_space<vmem>>)
        tpu.yield
      }) : () -> ()
      %get3A_173 = arith.constant 1 : i32
      %get3A_174 = arith.index_cast %get3A_173 : i32 to index
      %get3A_175 = arith.constant 0 : index
      %get3A_176 = tpu.vector_load %arg6[%get3A_174, %get3A_175] {strides = array<i32>} : memref<3x32xi32, #tpu.memory_space<vmem>>, vector<1x16xi32>,
      %get3A_177 = vector.shape_cast %get3A_176 : vector<1x16xi32> to vector<16xi32>
      %get3A_178 = arith.constant 2 : i32
      %get3A_179 = arith.index_cast %get3A_178 : i32 to index
      %get3A_180 = arith.constant 0 : index
      %get3A_181 = tpu.vector_load %arg6[%get3A_179, %get3A_180] {strides = array<i32>} : memref<3x32xi32, #tpu.memory_space<vmem>>, vector<1x16xi32>,
      %get3A_182 = vector.shape_cast %get3A_181 : vector<1x16xi32> to vector<16xi32>
      %sub3A_183 = vector.broadcast %mul3A_0 : i32 to vector<16xi32>
      %sub3A_184 = arith.subi %get3A_177, %sub3A_183 : vector<16xi32>
      %ge3A_185 = arith.constant 0 : i32
      %ge3A_186 = vector.broadcast %ge3A_185 : i32 to vector<16xi32>
      %ge3A_187 = arith.cmpi sge, %sub3A_184, %ge3A_186 : vector<16xi32>
      %lt3A_188 = arith.constant 5000 : i32
      %lt3A_189 = vector.broadcast %lt3A_188 : i32 to vector<16xi32>
      %lt3A_190 = arith.cmpi slt, %sub3A_184, %lt3A_189 : vector<16xi32>
      %and3A_191 = arith.andi %ge3A_187, %lt3A_190 : vector<16xi1>
      %add3A_192 = arith.constant 0 : i32
      %add3A_193 = vector.broadcast %add3A_192 : i32 to vector<16xi32>
      %add3A_194 = arith.addi %iota3A, %add3A_193 : vector<16xi32>
      %and3A_195 = arith.constant 31 : i32
      %and3A_196 = vector.broadcast %and3A_195 : i32 to vector<16xi32>
      %and3A_197 = arith.andi %add3A_194, %and3A_196 : vector<16xi32>
      %add3A_198 = arith.constant 15024 : i32
      %add3A_199 = vector.broadcast %add3A_198 : i32 to vector<16xi32>
      %add3A_200 = arith.addi %add3A_199, %and3A_197 : vector<16xi32>
      %mul3A_201 = arith.constant 5008 : i32
      %mul3A_202 = vector.broadcast %mul3A_201 : i32 to vector<16xi32>
      %mul3A_203 = arith.muli %get3A_182, %mul3A_202 : vector<16xi32>
      %add3A_204 = arith.addi %mul3A_203, %sub3A_184 : vector<16xi32>
      %select_n3A_205 = arith.select %and3A_191, %add3A_204, %add3A_200 : vector<16xi1>, vector<16xi32>
      %swap3A_206 = arith.constant 0 : i32
      %swap3A_207 = arith.index_cast %swap3A_206 : i32 to index
      %swap3A_208 = arith.constant 0 : index
      %swap3A_209 = tpu.vector_load %arg8[%swap3A_207, %swap3A_208] {strides = array<i32>} : memref<1x32xi32, #tpu.memory_space<vmem>>, vector<1x16xi32>,
      %swap3A_210 = vector.shape_cast %swap3A_209 : vector<1x16xi32> to vector<16xi32>
      %swap3A_211 = vector.shape_cast %select_n3A_205 : vector<16xi32> to vector<1x16xi32>
      tpu.vector_store %arg8[%swap3A_207, %swap3A_208], %swap3A_211 {strides = array<i32>} : memref<1x32xi32, #tpu.memory_space<vmem>>, vector<1x16xi32>,
      %get3A_212 = arith.constant 1 : i32
      %get3A_213 = arith.index_cast %get3A_212 : i32 to index
      %get3A_214 = arith.constant 16 : index
      %get3A_215 = tpu.vector_load %arg6[%get3A_213, %get3A_214] {strides = array<i32>} : memref<3x32xi32, #tpu.memory_space<vmem>>, vector<1x16xi32>,
      %get3A_216 = vector.shape_cast %get3A_215 : vector<1x16xi32> to vector<16xi32>
      %get3A_217 = arith.constant 2 : i32
      %get3A_218 = arith.index_cast %get3A_217 : i32 to index
      %get3A_219 = arith.constant 16 : index
      %get3A_220 = tpu.vector_load %arg6[%get3A_218, %get3A_219] {strides = array<i32>} : memref<3x32xi32, #tpu.memory_space<vmem>>, vector<1x16xi32>,
      %get3A_221 = vector.shape_cast %get3A_220 : vector<1x16xi32> to vector<16xi32>
      %sub3A_222 = vector.broadcast %mul3A_0 : i32 to vector<16xi32>
      %sub3A_223 = arith.subi %get3A_216, %sub3A_222 : vector<16xi32>
      %ge3A_224 = arith.constant 0 : i32
      %ge3A_225 = vector.broadcast %ge3A_224 : i32 to vector<16xi32>
      %ge3A_226 = arith.cmpi sge, %sub3A_223, %ge3A_225 : vector<16xi32>
      %lt3A_227 = arith.constant 5000 : i32
      %lt3A_228 = vector.broadcast %lt3A_227 : i32 to vector<16xi32>
      %lt3A_229 = arith.cmpi slt, %sub3A_223, %lt3A_228 : vector<16xi32>
      %and3A_230 = arith.andi %ge3A_226, %lt3A_229 : vector<16xi1>
      %add3A_231 = arith.constant 16 : i32
      %add3A_232 = vector.broadcast %add3A_231 : i32 to vector<16xi32>
      %add3A_233 = arith.addi %iota3A, %add3A_232 : vector<16xi32>
      %and3A_234 = arith.constant 31 : i32
      %and3A_235 = vector.broadcast %and3A_234 : i32 to vector<16xi32>
      %and3A_236 = arith.andi %add3A_233, %and3A_235 : vector<16xi32>
      %add3A_237 = arith.constant 15024 : i32
      %add3A_238 = vector.broadcast %add3A_237 : i32 to vector<16xi32>
      %add3A_239 = arith.addi %add3A_238, %and3A_236 : vector<16xi32>
      %mul3A_240 = arith.constant 5008 : i32
      %mul3A_241 = vector.broadcast %mul3A_240 : i32 to vector<16xi32>
      %mul3A_242 = arith.muli %get3A_221, %mul3A_241 : vector<16xi32>
      %add3A_243 = arith.addi %mul3A_242, %sub3A_223 : vector<16xi32>
      %select_n3A_244 = arith.select %and3A_230, %add3A_243, %add3A_239 : vector<16xi1>, vector<16xi32>
      %swap3A_245 = arith.constant 0 : i32
      %swap3A_246 = arith.index_cast %swap3A_245 : i32 to index
      %swap3A_247 = arith.constant 16 : index
      %swap3A_248 = tpu.vector_load %arg8[%swap3A_246, %swap3A_247] {strides = array<i32>} : memref<1x32xi32, #tpu.memory_space<vmem>>, vector<1x16xi32>,
      %swap3A_249 = vector.shape_cast %swap3A_248 : vector<1x16xi32> to vector<16xi32>
      %swap3A_250 = vector.shape_cast %select_n3A_244 : vector<16xi32> to vector<1x16xi32>
      tpu.vector_store %arg8[%swap3A_246, %swap3A_247], %swap3A_250 {strides = array<i32>} : memref<1x32xi32, #tpu.memory_space<vmem>>, vector<1x16xi32>,
      %dma_start3A_251 = arith.constant 0 : i32
      %dma_start3A_252 = arith.constant 0 : i32
      %dma_start3A_253 = tpu.memref_slice %arg6[%dma_start3A_251, %dma_start3A_252] : memref<3x32xi32, #tpu.memory_space<vmem>> -> memref<1x32xi32, #tpu.memory_space<vmem>>
      %dma_start3A_254 = tpu.memref_squeeze %dma_start3A_253 : memref<1x32xi32, #tpu.memory_space<vmem>> -> memref<32xi32, #tpu.memory_space<vmem>>
      %dma_start3A_255 = arith.constant 0 : i32
      %dma_start3A_256 = arith.constant 0 : i32
      %dma_start3A_257 = tpu.memref_slice %arg3[%dma_start3A_255, %dma_start3A_256] : memref<10000x128xf32, #tpu.memory_space<hbm>> -> memref<10000x128xf32, #tpu.memory_space<hbm>>
      tpu.enqueue_indirect_dma source(%dma_start3A_257 : memref<10000x128xf32, #tpu.memory_space<hbm>>) target(%arg10 : memref<32x128xf32, #tpu.memory_space<vmem>>) offsets(%dma_start3A_254 : memref<32xi32, #tpu.memory_space<vmem>>) semaphore(%arg12 : memref<!tpu.dma_semaphore, #tpu.memory_space<semaphore_mem>>)
      %dma_wait3A_258 = arith.constant 0 : i32
      %dma_wait3A_259 = arith.constant 0 : i32
      %dma_wait3A_260 = tpu.memref_slice %arg5[%dma_wait3A_258, %dma_wait3A_259] : memref<3x32xi32, #tpu.memory_space<vmem>> -> memref<1x32xi32, #tpu.memory_space<vmem>>
      %dma_wait3A_261 = tpu.memref_squeeze %dma_wait3A_260 : memref<1x32xi32, #tpu.memory_space<vmem>> -> memref<32xi32, #tpu.memory_space<vmem>>
      %dma_wait3A_262 = arith.constant 0 : i32
      %dma_wait3A_263 = arith.constant 0 : i32
      %dma_wait3A_264 = tpu.memref_slice %arg3[%dma_wait3A_262, %dma_wait3A_263] : memref<10000x128xf32, #tpu.memory_space<hbm>> -> memref<10000x128xf32, #tpu.memory_space<hbm>>
      tpu.wait_indirect_dma semaphore(%arg11 : memref<!tpu.dma_semaphore, #tpu.memory_space<semaphore_mem>>) src(%dma_wait3A_264 : memref<10000x128xf32, #tpu.memory_space<hbm>>) dst(%arg9 : memref<32x128xf32, #tpu.memory_space<vmem>>)
      %run_scoped3A = arith.constant 0 : i32
      "tpu.region"() ({
        %run_scoped3A_366 = tpu.sem_alloc : memref<!tpu.dma_semaphore, #tpu.memory_space<semaphore_mem>>
        %dma_start3A_367 = arith.constant 0 : i32
        %dma_start3A_368 = tpu.memref_slice %arg7[%run_scoped3A, %dma_start3A_367] : memref<1x32xi32, #tpu.memory_space<vmem>> -> memref<1x32xi32, #tpu.memory_space<vmem>>
        %dma_start3A_369 = tpu.memref_squeeze %dma_start3A_368 : memref<1x32xi32, #tpu.memory_space<vmem>> -> memref<32xi32, #tpu.memory_space<vmem>>
        %dma_start3A_370 = arith.constant 0 : i32
        %dma_start3A_371 = arith.constant 0 : i32
        %dma_start3A_372 = tpu.memref_slice %arg13[%dma_start3A_370, %dma_start3A_371] : memref<15056x128xf32, #tpu.memory_space<vmem_shared>> -> memref<15056x128xf32, #tpu.memory_space<vmem_shared>>
        tpu.enqueue_indirect_dma source(%arg9 : memref<32x128xf32, #tpu.memory_space<vmem>>) target(%dma_start3A_372 : memref<15056x128xf32, #tpu.memory_space<vmem_shared>>) offsets(%dma_start3A_369 : memref<32xi32, #tpu.memory_space<vmem>>) semaphore(%run_scoped3A_366 : memref<!tpu.dma_semaphore, #tpu.memory_space<semaphore_mem>>) {add = true}
        %dma_wait3A_373 = arith.constant 0 : i32
        %dma_wait3A_374 = tpu.memref_slice %arg7[%run_scoped3A, %dma_wait3A_373] : memref<1x32xi32, #tpu.memory_space<vmem>> -> memref<1x32xi32, #tpu.memory_space<vmem>>
        %dma_wait3A_375 = tpu.memref_squeeze %dma_wait3A_374 : memref<1x32xi32, #tpu.memory_space<vmem>> -> memref<32xi32, #tpu.memory_space<vmem>>
        %dma_wait3A_376 = arith.constant 0 : i32
        %dma_wait3A_377 = arith.constant 0 : i32
        %dma_wait3A_378 = tpu.memref_slice %arg13[%dma_wait3A_376, %dma_wait3A_377] : memref<15056x128xf32, #tpu.memory_space<vmem_shared>> -> memref<15056x128xf32, #tpu.memory_space<vmem_shared>>
        tpu.wait_indirect_dma semaphore(%run_scoped3A_366 : memref<!tpu.dma_semaphore, #tpu.memory_space<semaphore_mem>>) src(%arg9 : memref<32x128xf32, #tpu.memory_space<vmem>>) dst(%dma_wait3A_378 : memref<15056x128xf32, #tpu.memory_space<vmem_shared>>)
        tpu.yield
      }) : () -> ()
      %add3A_265 = arith.constant 1 : i32
      %add3A_266 = arith.addi %add3A_169, %add3A_265 : i32
      %min3A_267 = arith.constant 625 : i32
      %min3A_268 = arith.minsi %add3A_266, %min3A_267 : i32
      %mul3A_269 = arith.constant 16 : i32
      %mul3A_270 = arith.muli %min3A_268, %mul3A_269 : i32
      %add3A_271 = arith.addi %arg1, %mul3A_270 : i32
      "tpu.region"() ({
        %run_scoped3A_366 = tpu.sem_alloc : memref<!tpu.dma_semaphore, #tpu.memory_space<semaphore_mem>>
        %dma_start3A_367 = arith.constant 0 : i32
        %dma_start3A_368 = arith.constant 0 : i32
        %dma_start3A_369 = tpu.memref_slice %arg2[%add3A_271, %dma_start3A_367, %dma_start3A_368] : memref<10016x3x32xi32, #tpu.memory_space<hbm>> -> memref<1x3x32xi32, #tpu.memory_space<hbm>>
        %dma_start3A_370 = tpu.memref_squeeze %dma_start3A_369 : memref<1x3x32xi32, #tpu.memory_space<hbm>> -> memref<3x32xi32, #tpu.memory_space<hbm>>
        %dma_start3A_371 = arith.constant 0 : i32
        %dma_start3A_372 = arith.constant 0 : i32
        %dma_start3A_373 = tpu.memref_slice %arg2[%add3A_271, %dma_start3A_371, %dma_start3A_372] : memref<10016x3x32xi32, #tpu.memory_space<hbm>> -> memref<1x3x32xi32, #tpu.memory_space<hbm>>
        %dma_start3A_374 = tpu.memref_squeeze %dma_start3A_373 : memref<1x3x32xi32, #tpu.memory_space<hbm>> -> memref<3x32xi32, #tpu.memory_space<hbm>>
        tpu.enqueue_dma source(%dma_start3A_374 : memref<3x32xi32, #tpu.memory_space<hbm>>) target(%arg5 : memref<3x32xi32, #tpu.memory_space<vmem>>) target_semaphore(%run_scoped3A_366 : memref<!tpu.dma_semaphore, #tpu.memory_space<semaphore_mem>>)
        %dma_wait3A_375 = arith.constant 0 : i32
        %dma_wait3A_376 = arith.constant 0 : i32
        %dma_wait3A_377 = tpu.memref_slice %arg2[%add3A_271, %dma_wait3A_375, %dma_wait3A_376] : memref<10016x3x32xi32, #tpu.memory_space<hbm>> -> memref<1x3x32xi32, #tpu.memory_space<hbm>>
        %dma_wait3A_378 = tpu.memref_squeeze %dma_wait3A_377 : memref<1x3x32xi32, #tpu.memory_space<hbm>> -> memref<3x32xi32, #tpu.memory_space<hbm>>
        %dma_wait3A_379 = arith.constant 0 : i32
        %dma_wait3A_380 = arith.constant 0 : i32
        %dma_wait3A_381 = tpu.memref_slice %arg2[%add3A_271, %dma_wait3A_379, %dma_wait3A_380] : memref<10016x3x32xi32, #tpu.memory_space<hbm>> -> memref<1x3x32xi32, #tpu.memory_space<hbm>>
        %dma_wait3A_382 = tpu.memref_squeeze %dma_wait3A_381 : memref<1x3x32xi32, #tpu.memory_space<hbm>> -> memref<3x32xi32, #tpu.memory_space<hbm>>
        tpu.wait_dma2 semaphore(%run_scoped3A_366 : memref<!tpu.dma_semaphore, #tpu.memory_space<semaphore_mem>>) src(%dma_wait3A_382 : memref<3x32xi32, #tpu.memory_space<hbm>>) dst(%arg5 : memref<3x32xi32, #tpu.memory_space<vmem>>)
        tpu.yield
      }) : () -> ()
      %get3A_272 = arith.constant 1 : i32
      %get3A_273 = arith.index_cast %get3A_272 : i32 to index
      %get3A_274 = arith.constant 0 : index
      %get3A_275 = tpu.vector_load %arg5[%get3A_273, %get3A_274] {strides = array<i32>} : memref<3x32xi32, #tpu.memory_space<vmem>>, vector<1x16xi32>,
      %get3A_276 = vector.shape_cast %get3A_275 : vector<1x16xi32> to vector<16xi32>
      %get3A_277 = arith.constant 2 : i32
      %get3A_278 = arith.index_cast %get3A_277 : i32 to index
      %get3A_279 = arith.constant 0 : index
      %get3A_280 = tpu.vector_load %arg5[%get3A_278, %get3A_279] {strides = array<i32>} : memref<3x32xi32, #tpu.memory_space<vmem>>, vector<1x16xi32>,
      %get3A_281 = vector.shape_cast %get3A_280 : vector<1x16xi32> to vector<16xi32>
      %sub3A_282 = vector.broadcast %mul3A_0 : i32 to vector<16xi32>
      %sub3A_283 = arith.subi %get3A_276, %sub3A_282 : vector<16xi32>
      %ge3A_284 = arith.constant 0 : i32
      %ge3A_285 = vector.broadcast %ge3A_284 : i32 to vector<16xi32>
      %ge3A_286 = arith.cmpi sge, %sub3A_283, %ge3A_285 : vector<16xi32>
      %lt3A_287 = arith.constant 5000 : i32
      %lt3A_288 = vector.broadcast %lt3A_287 : i32 to vector<16xi32>
      %lt3A_289 = arith.cmpi slt, %sub3A_283, %lt3A_288 : vector<16xi32>
      %and3A_290 = arith.andi %ge3A_286, %lt3A_289 : vector<16xi1>
      %add3A_291 = arith.constant 0 : i32
      %add3A_292 = vector.broadcast %add3A_291 : i32 to vector<16xi32>
      %add3A_293 = arith.addi %iota3A, %add3A_292 : vector<16xi32>
      %and3A_294 = arith.constant 31 : i32
      %and3A_295 = vector.broadcast %and3A_294 : i32 to vector<16xi32>
      %and3A_296 = arith.andi %add3A_293, %and3A_295 : vector<16xi32>
      %add3A_297 = arith.constant 15024 : i32
      %add3A_298 = vector.broadcast %add3A_297 : i32 to vector<16xi32>
      %add3A_299 = arith.addi %add3A_298, %and3A_296 : vector<16xi32>
      %mul3A_300 = arith.constant 5008 : i32
      %mul3A_301 = vector.broadcast %mul3A_300 : i32 to vector<16xi32>
      %mul3A_302 = arith.muli %get3A_281, %mul3A_301 : vector<16xi32>
      %add3A_303 = arith.addi %mul3A_302, %sub3A_283 : vector<16xi32>
      %select_n3A_304 = arith.select %and3A_290, %add3A_303, %add3A_299 : vector<16xi1>, vector<16xi32>
      %swap3A_305 = arith.constant 0 : i32
      %swap3A_306 = arith.index_cast %swap3A_305 : i32 to index
      %swap3A_307 = arith.constant 0 : index
      %swap3A_308 = tpu.vector_load %arg7[%swap3A_306, %swap3A_307] {strides = array<i32>} : memref<1x32xi32, #tpu.memory_space<vmem>>, vector<1x16xi32>,
      %swap3A_309 = vector.shape_cast %swap3A_308 : vector<1x16xi32> to vector<16xi32>
      %swap3A_310 = vector.shape_cast %select_n3A_304 : vector<16xi32> to vector<1x16xi32>
      tpu.vector_store %arg7[%swap3A_306, %swap3A_307], %swap3A_310 {strides = array<i32>} : memref<1x32xi32, #tpu.memory_space<vmem>>, vector<1x16xi32>,
      %get3A_311 = arith.constant 1 : i32
      %get3A_312 = arith.index_cast %get3A_311 : i32 to index
      %get3A_313 = arith.constant 16 : index
      %get3A_314 = tpu.vector_load %arg5[%get3A_312, %get3A_313] {strides = array<i32>} : memref<3x32xi32, #tpu.memory_space<vmem>>, vector<1x16xi32>,
      %get3A_315 = vector.shape_cast %get3A_314 : vector<1x16xi32> to vector<16xi32>
      %get3A_316 = arith.constant 2 : i32
      %get3A_317 = arith.index_cast %get3A_316 : i32 to index
      %get3A_318 = arith.constant 16 : index
      %get3A_319 = tpu.vector_load %arg5[%get3A_317, %get3A_318] {strides = array<i32>} : memref<3x32xi32, #tpu.memory_space<vmem>>, vector<1x16xi32>,
      %get3A_320 = vector.shape_cast %get3A_319 : vector<1x16xi32> to vector<16xi32>
      %sub3A_321 = vector.broadcast %mul3A_0 : i32 to vector<16xi32>
      %sub3A_322 = arith.subi %get3A_315, %sub3A_321 : vector<16xi32>
      %ge3A_323 = arith.constant 0 : i32
      %ge3A_324 = vector.broadcast %ge3A_323 : i32 to vector<16xi32>
      %ge3A_325 = arith.cmpi sge, %sub3A_322, %ge3A_324 : vector<16xi32>
      %lt3A_326 = arith.constant 5000 : i32
      %lt3A_327 = vector.broadcast %lt3A_326 : i32 to vector<16xi32>
      %lt3A_328 = arith.cmpi slt, %sub3A_322, %lt3A_327 : vector<16xi32>
      %and3A_329 = arith.andi %ge3A_325, %lt3A_328 : vector<16xi1>
      %add3A_330 = arith.constant 16 : i32
      %add3A_331 = vector.broadcast %add3A_330 : i32 to vector<16xi32>
      %add3A_332 = arith.addi %iota3A, %add3A_331 : vector<16xi32>
      %and3A_333 = arith.constant 31 : i32
      %and3A_334 = vector.broadcast %and3A_333 : i32 to vector<16xi32>
      %and3A_335 = arith.andi %add3A_332, %and3A_334 : vector<16xi32>
      %add3A_336 = arith.constant 15024 : i32
      %add3A_337 = vector.broadcast %add3A_336 : i32 to vector<16xi32>
      %add3A_338 = arith.addi %add3A_337, %and3A_335 : vector<16xi32>
      %mul3A_339 = arith.constant 5008 : i32
      %mul3A_340 = vector.broadcast %mul3A_339 : i32 to vector<16xi32>
      %mul3A_341 = arith.muli %get3A_320, %mul3A_340 : vector<16xi32>
      %add3A_342 = arith.addi %mul3A_341, %sub3A_322 : vector<16xi32>
      %select_n3A_343 = arith.select %and3A_329, %add3A_342, %add3A_338 : vector<16xi1>, vector<16xi32>
      %swap3A_344 = arith.constant 0 : i32
      %swap3A_345 = arith.index_cast %swap3A_344 : i32 to index
      %swap3A_346 = arith.constant 16 : index
      %swap3A_347 = tpu.vector_load %arg7[%swap3A_345, %swap3A_346] {strides = array<i32>} : memref<1x32xi32, #tpu.memory_space<vmem>>, vector<1x16xi32>,
      %swap3A_348 = vector.shape_cast %swap3A_347 : vector<1x16xi32> to vector<16xi32>
      %swap3A_349 = vector.shape_cast %select_n3A_343 : vector<16xi32> to vector<1x16xi32>
      tpu.vector_store %arg7[%swap3A_345, %swap3A_346], %swap3A_349 {strides = array<i32>} : memref<1x32xi32, #tpu.memory_space<vmem>>, vector<1x16xi32>,
      %dma_start3A_350 = arith.constant 0 : i32
      %dma_start3A_351 = arith.constant 0 : i32
      %dma_start3A_352 = tpu.memref_slice %arg5[%dma_start3A_350, %dma_start3A_351] : memref<3x32xi32, #tpu.memory_space<vmem>> -> memref<1x32xi32, #tpu.memory_space<vmem>>
      %dma_start3A_353 = tpu.memref_squeeze %dma_start3A_352 : memref<1x32xi32, #tpu.memory_space<vmem>> -> memref<32xi32, #tpu.memory_space<vmem>>
      %dma_start3A_354 = arith.constant 0 : i32
      %dma_start3A_355 = arith.constant 0 : i32
      %dma_start3A_356 = tpu.memref_slice %arg3[%dma_start3A_354, %dma_start3A_355] : memref<10000x128xf32, #tpu.memory_space<hbm>> -> memref<10000x128xf32, #tpu.memory_space<hbm>>
      tpu.enqueue_indirect_dma source(%dma_start3A_356 : memref<10000x128xf32, #tpu.memory_space<hbm>>) target(%arg9 : memref<32x128xf32, #tpu.memory_space<vmem>>) offsets(%dma_start3A_353 : memref<32xi32, #tpu.memory_space<vmem>>) semaphore(%arg11 : memref<!tpu.dma_semaphore, #tpu.memory_space<semaphore_mem>>)
      %dma_wait3A_357 = arith.constant 0 : i32
      %dma_wait3A_358 = arith.constant 0 : i32
      %dma_wait3A_359 = tpu.memref_slice %arg6[%dma_wait3A_357, %dma_wait3A_358] : memref<3x32xi32, #tpu.memory_space<vmem>> -> memref<1x32xi32, #tpu.memory_space<vmem>>
      %dma_wait3A_360 = tpu.memref_squeeze %dma_wait3A_359 : memref<1x32xi32, #tpu.memory_space<vmem>> -> memref<32xi32, #tpu.memory_space<vmem>>
      %dma_wait3A_361 = arith.constant 0 : i32
      %dma_wait3A_362 = arith.constant 0 : i32
      %dma_wait3A_363 = tpu.memref_slice %arg3[%dma_wait3A_361, %dma_wait3A_362] : memref<10000x128xf32, #tpu.memory_space<hbm>> -> memref<10000x128xf32, #tpu.memory_space<hbm>>
      tpu.wait_indirect_dma semaphore(%arg12 : memref<!tpu.dma_semaphore, #tpu.memory_space<semaphore_mem>>) src(%dma_wait3A_363 : memref<10000x128xf32, #tpu.memory_space<hbm>>) dst(%arg10 : memref<32x128xf32, #tpu.memory_space<vmem>>)
      %run_scoped3A_364 = arith.constant 0 : i32
      "tpu.region"() ({
        %run_scoped3A_366 = tpu.sem_alloc : memref<!tpu.dma_semaphore, #tpu.memory_space<semaphore_mem>>
        %dma_start3A_367 = arith.constant 0 : i32
        %dma_start3A_368 = tpu.memref_slice %arg8[%run_scoped3A_364, %dma_start3A_367] : memref<1x32xi32, #tpu.memory_space<vmem>> -> memref<1x32xi32, #tpu.memory_space<vmem>>
        %dma_start3A_369 = tpu.memref_squeeze %dma_start3A_368 : memref<1x32xi32, #tpu.memory_space<vmem>> -> memref<32xi32, #tpu.memory_space<vmem>>
        %dma_start3A_370 = arith.constant 0 : i32
        %dma_start3A_371 = arith.constant 0 : i32
        %dma_start3A_372 = tpu.memref_slice %arg13[%dma_start3A_370, %dma_start3A_371] : memref<15056x128xf32, #tpu.memory_space<vmem_shared>> -> memref<15056x128xf32, #tpu.memory_space<vmem_shared>>
        tpu.enqueue_indirect_dma source(%arg10 : memref<32x128xf32, #tpu.memory_space<vmem>>) target(%dma_start3A_372 : memref<15056x128xf32, #tpu.memory_space<vmem_shared>>) offsets(%dma_start3A_369 : memref<32xi32, #tpu.memory_space<vmem>>) semaphore(%run_scoped3A_366 : memref<!tpu.dma_semaphore, #tpu.memory_space<semaphore_mem>>) {add = true}
        %dma_wait3A_373 = arith.constant 0 : i32
        %dma_wait3A_374 = tpu.memref_slice %arg8[%run_scoped3A_364, %dma_wait3A_373] : memref<1x32xi32, #tpu.memory_space<vmem>> -> memref<1x32xi32, #tpu.memory_space<vmem>>
        %dma_wait3A_375 = tpu.memref_squeeze %dma_wait3A_374 : memref<1x32xi32, #tpu.memory_space<vmem>> -> memref<32xi32, #tpu.memory_space<vmem>>
        %dma_wait3A_376 = arith.constant 0 : i32
        %dma_wait3A_377 = arith.constant 0 : i32
        %dma_wait3A_378 = tpu.memref_slice %arg13[%dma_wait3A_376, %dma_wait3A_377] : memref<15056x128xf32, #tpu.memory_space<vmem_shared>> -> memref<15056x128xf32, #tpu.memory_space<vmem_shared>>
        tpu.wait_indirect_dma semaphore(%run_scoped3A_366 : memref<!tpu.dma_semaphore, #tpu.memory_space<semaphore_mem>>) src(%arg10 : memref<32x128xf32, #tpu.memory_space<vmem>>) dst(%dma_wait3A_378 : memref<15056x128xf32, #tpu.memory_space<vmem_shared>>)
        tpu.yield
      }) : () -> ()
      %scan3A_365 = arith.constant 0 : i32
      scf.yield %scan3A_365 : i32
    }
    %scan3A_152 = arith.constant 313 : i32
    %dma_wait3A = arith.constant 0 : i32
    %dma_wait3A_153 = arith.constant 0 : i32
    %dma_wait3A_154 = tpu.memref_slice %arg5[%dma_wait3A, %dma_wait3A_153] : memref<3x32xi32, #tpu.memory_space<vmem>> -> memref<1x32xi32, #tpu.memory_space<vmem>>
    %dma_wait3A_155 = tpu.memref_squeeze %dma_wait3A_154 : memref<1x32xi32, #tpu.memory_space<vmem>> -> memref<32xi32, #tpu.memory_space<vmem>>
    %dma_wait3A_156 = arith.constant 0 : i32
    %dma_wait3A_157 = arith.constant 0 : i32
    %dma_wait3A_158 = tpu.memref_slice %arg3[%dma_wait3A_156, %dma_wait3A_157] : memref<10000x128xf32, #tpu.memory_space<hbm>> -> memref<10000x128xf32, #tpu.memory_space<hbm>>
    tpu.wait_indirect_dma semaphore(%arg11 : memref<!tpu.dma_semaphore, #tpu.memory_space<semaphore_mem>>) src(%dma_wait3A_158 : memref<10000x128xf32, #tpu.memory_space<hbm>>) dst(%arg9 : memref<32x128xf32, #tpu.memory_space<vmem>>)
    %barrier3A_159 = arith.constant 0 : index
    tpu.barrier barrier_id(%barrier3A_159)
    %mul3A_160 = arith.constant 944 : i32
    %mul3A_161 = arith.muli %arg1, %mul3A_160 : i32
    %min3A_162 = arith.constant 14112 : i32
    %min3A_163 = arith.minsi %mul3A_161, %min3A_162 : i32
    "tpu.region"() ({
      %run_scoped3A = tpu.sem_alloc : memref<!tpu.dma_semaphore, #tpu.memory_space<semaphore_mem>>
      %dma_start3A_164 = arith.constant 0 : i32
      %dma_start3A_165 = tpu.memref_slice %arg4[%arg0, %min3A_163, %dma_start3A_164] : memref<2x15056x128xf32, #tpu.memory_space<hbm>> -> memref<1x944x128xf32, #tpu.memory_space<hbm>>
      %dma_start3A_166 = tpu.memref_squeeze %dma_start3A_165 : memref<1x944x128xf32, #tpu.memory_space<hbm>> -> memref<944x128xf32, #tpu.memory_space<hbm>>
      %dma_start3A_167 = arith.constant 0 : i32
      %dma_start3A_168 = tpu.memref_slice %arg13[%min3A_163, %dma_start3A_167] : memref<15056x128xf32, #tpu.memory_space<vmem_shared>> -> memref<944x128xf32, #tpu.memory_space<vmem_shared>>
      tpu.enqueue_dma source(%dma_start3A_168 : memref<944x128xf32, #tpu.memory_space<vmem_shared>>) target(%dma_start3A_166 : memref<944x128xf32, #tpu.memory_space<hbm>>) target_semaphore(%run_scoped3A : memref<!tpu.dma_semaphore, #tpu.memory_space<semaphore_mem>>)
      %dma_wait3A_169 = arith.constant 0 : i32
      %dma_wait3A_170 = tpu.memref_slice %arg4[%arg0, %min3A_163, %dma_wait3A_169] : memref<2x15056x128xf32, #tpu.memory_space<hbm>> -> memref<1x944x128xf32, #tpu.memory_space<hbm>>
      %dma_wait3A_171 = tpu.memref_squeeze %dma_wait3A_170 : memref<1x944x128xf32, #tpu.memory_space<hbm>> -> memref<944x128xf32, #tpu.memory_space<hbm>>
      %dma_wait3A_172 = arith.constant 0 : i32
      %dma_wait3A_173 = tpu.memref_slice %arg13[%min3A_163, %dma_wait3A_172] : memref<15056x128xf32, #tpu.memory_space<vmem_shared>> -> memref<944x128xf32, #tpu.memory_space<vmem_shared>>
      tpu.wait_dma2 semaphore(%run_scoped3A : memref<!tpu.dma_semaphore, #tpu.memory_space<semaphore_mem>>) src(%dma_wait3A_173 : memref<944x128xf32, #tpu.memory_space<vmem_shared>>) dst(%dma_wait3A_171 : memref<944x128xf32, #tpu.memory_space<hbm>>)
      tpu.yield
    }) : () -> ()
    return
  }
}

#map = affine_map<(d0, d1) -> (0, 0, 0)>
#map1 = affine_map<(d0, d1) -> (0, 0)>
module attributes {stable_mosaic.version = 14 : i64} {
  func.func @body(%arg0: i32, %arg1: i32, %arg2: memref<10016x3x32xi32, #tpu.memory_space<hbm>>, %arg3: memref<10000x128xf32, #tpu.memory_space<hbm>>, %arg4: memref<2x15056x128xf32, #tpu.memory_space<hbm>>, %arg5: memref<3x32xi32, #tpu.memory_space<vmem>>, %arg6: memref<3x32xi32, #tpu.memory_space<vmem>>, %arg7: memref<1x32xi32, #tpu.memory_space<vmem>>, %arg8: memref<1x32xi32, #tpu.memory_space<vmem>>, %arg9: memref<32x128xf32, #tpu.memory_space<vmem>>, %arg10: memref<32x128xf32, #tpu.memory_space<vmem>>, %arg11: memref<!tpu.dma_semaphore, #tpu.memory_space<semaphore_mem>>, %arg12: memref<!tpu.dma_semaphore, #tpu.memory_space<semaphore_mem>>, %arg13: memref<15056x128xf32, #tpu.memory_space<vmem_shared>>) attributes {dimension_semantics = [#tpu.dimension_semantics<core_parallel>, #tpu.dimension_semantics<subcore_parallel>], iteration_bounds = array<i64: 2, 16>, scalar_prefetch = 0 : i64, scratch_operands = 9 : i64, tpu.core_type = #tpu.core_type<sc_vector_subcore>, window_params = [{transform_indices = #map}, {transform_indices = #map1}, {transform_indices = #map}]} {
    %mul3A = arith.constant 5000 : i32
    %mul3A_0 = arith.muli %arg0, %mul3A : i32
    %iota3A = tpu.iota {dimensions = array<i32: 0>} : vector<16xi32>
    %scan3A = arith.constant 0 : i32
    %scan3A_1 = arith.constant 0 : i32
    %scan3A_2 = arith.constant 32 : i32
    %scan3A_3 = arith.addi %scan3A_1, %scan3A_2 : i32
    %scan3A_4 = arith.constant 1 : i32
    %scan3A_5 = scf.for %scan3A_164 = %scan3A_1 to %scan3A_3 step %scan3A_4 iter_args(%scan3A_165 = %scan3A) -> (i32)  : i32 {
      %broadcast_in_dim3A = arith.constant 0.000000e+00 : f32
      %broadcast_in_dim3A_166 = vector.broadcast %broadcast_in_dim3A : f32 to vector<16xf32>
      %swap3A_167 = arith.index_cast %scan3A_164 : i32 to index
      %swap3A_168 = arith.constant 0 : index
      %swap3A_169 = tpu.vector_load %arg9[%swap3A_167, %swap3A_168] {strides = array<i32>} : memref<32x128xf32, #tpu.memory_space<vmem>>, vector<1x16xf32>,
      %swap3A_170 = vector.shape_cast %swap3A_169 : vector<1x16xf32> to vector<16xf32>
      %swap3A_171 = vector.shape_cast %broadcast_in_dim3A_166 : vector<16xf32> to vector<1x16xf32>
      tpu.vector_store %arg9[%swap3A_167, %swap3A_168], %swap3A_171 {strides = array<i32>} : memref<32x128xf32, #tpu.memory_space<vmem>>, vector<1x16xf32>,
      %broadcast_in_dim3A_172 = arith.constant 0.000000e+00 : f32
      %broadcast_in_dim3A_173 = vector.broadcast %broadcast_in_dim3A_172 : f32 to vector<16xf32>
      %swap3A_174 = arith.index_cast %scan3A_164 : i32 to index
      %swap3A_175 = arith.constant 16 : index
      %swap3A_176 = tpu.vector_load %arg9[%swap3A_174, %swap3A_175] {strides = array<i32>} : memref<32x128xf32, #tpu.memory_space<vmem>>, vector<1x16xf32>,
      %swap3A_177 = vector.shape_cast %swap3A_176 : vector<1x16xf32> to vector<16xf32>
      %swap3A_178 = vector.shape_cast %broadcast_in_dim3A_173 : vector<16xf32> to vector<1x16xf32>
      tpu.vector_store %arg9[%swap3A_174, %swap3A_175], %swap3A_178 {strides = array<i32>} : memref<32x128xf32, #tpu.memory_space<vmem>>, vector<1x16xf32>,
      %broadcast_in_dim3A_179 = arith.constant 0.000000e+00 : f32
      %broadcast_in_dim3A_180 = vector.broadcast %broadcast_in_dim3A_179 : f32 to vector<16xf32>
      %swap3A_181 = arith.index_cast %scan3A_164 : i32 to index
      %swap3A_182 = arith.constant 32 : index
      %swap3A_183 = tpu.vector_load %arg9[%swap3A_181, %swap3A_182] {strides = array<i32>} : memref<32x128xf32, #tpu.memory_space<vmem>>, vector<1x16xf32>,
      %swap3A_184 = vector.shape_cast %swap3A_183 : vector<1x16xf32> to vector<16xf32>
      %swap3A_185 = vector.shape_cast %broadcast_in_dim3A_180 : vector<16xf32> to vector<1x16xf32>
      tpu.vector_store %arg9[%swap3A_181, %swap3A_182], %swap3A_185 {strides = array<i32>} : memref<32x128xf32, #tpu.memory_space<vmem>>, vector<1x16xf32>,
      %broadcast_in_dim3A_186 = arith.constant 0.000000e+00 : f32
      %broadcast_in_dim3A_187 = vector.broadcast %broadcast_in_dim3A_186 : f32 to vector<16xf32>
      %swap3A_188 = arith.index_cast %scan3A_164 : i32 to index
      %swap3A_189 = arith.constant 48 : index
      %swap3A_190 = tpu.vector_load %arg9[%swap3A_188, %swap3A_189] {strides = array<i32>} : memref<32x128xf32, #tpu.memory_space<vmem>>, vector<1x16xf32>,
      %swap3A_191 = vector.shape_cast %swap3A_190 : vector<1x16xf32> to vector<16xf32>
      %swap3A_192 = vector.shape_cast %broadcast_in_dim3A_187 : vector<16xf32> to vector<1x16xf32>
      tpu.vector_store %arg9[%swap3A_188, %swap3A_189], %swap3A_192 {strides = array<i32>} : memref<32x128xf32, #tpu.memory_space<vmem>>, vector<1x16xf32>,
      %broadcast_in_dim3A_193 = arith.constant 0.000000e+00 : f32
      %broadcast_in_dim3A_194 = vector.broadcast %broadcast_in_dim3A_193 : f32 to vector<16xf32>
      %swap3A_195 = arith.index_cast %scan3A_164 : i32 to index
      %swap3A_196 = arith.constant 64 : index
      %swap3A_197 = tpu.vector_load %arg9[%swap3A_195, %swap3A_196] {strides = array<i32>} : memref<32x128xf32, #tpu.memory_space<vmem>>, vector<1x16xf32>,
      %swap3A_198 = vector.shape_cast %swap3A_197 : vector<1x16xf32> to vector<16xf32>
      %swap3A_199 = vector.shape_cast %broadcast_in_dim3A_194 : vector<16xf32> to vector<1x16xf32>
      tpu.vector_store %arg9[%swap3A_195, %swap3A_196], %swap3A_199 {strides = array<i32>} : memref<32x128xf32, #tpu.memory_space<vmem>>, vector<1x16xf32>,
      %broadcast_in_dim3A_200 = arith.constant 0.000000e+00 : f32
      %broadcast_in_dim3A_201 = vector.broadcast %broadcast_in_dim3A_200 : f32 to vector<16xf32>
      %swap3A_202 = arith.index_cast %scan3A_164 : i32 to index
      %swap3A_203 = arith.constant 80 : index
      %swap3A_204 = tpu.vector_load %arg9[%swap3A_202, %swap3A_203] {strides = array<i32>} : memref<32x128xf32, #tpu.memory_space<vmem>>, vector<1x16xf32>,
      %swap3A_205 = vector.shape_cast %swap3A_204 : vector<1x16xf32> to vector<16xf32>
      %swap3A_206 = vector.shape_cast %broadcast_in_dim3A_201 : vector<16xf32> to vector<1x16xf32>
      tpu.vector_store %arg9[%swap3A_202, %swap3A_203], %swap3A_206 {strides = array<i32>} : memref<32x128xf32, #tpu.memory_space<vmem>>, vector<1x16xf32>,
      %broadcast_in_dim3A_207 = arith.constant 0.000000e+00 : f32
      %broadcast_in_dim3A_208 = vector.broadcast %broadcast_in_dim3A_207 : f32 to vector<16xf32>
      %swap3A_209 = arith.index_cast %scan3A_164 : i32 to index
      %swap3A_210 = arith.constant 96 : index
      %swap3A_211 = tpu.vector_load %arg9[%swap3A_209, %swap3A_210] {strides = array<i32>} : memref<32x128xf32, #tpu.memory_space<vmem>>, vector<1x16xf32>,
      %swap3A_212 = vector.shape_cast %swap3A_211 : vector<1x16xf32> to vector<16xf32>
      %swap3A_213 = vector.shape_cast %broadcast_in_dim3A_208 : vector<16xf32> to vector<1x16xf32>
      tpu.vector_store %arg9[%swap3A_209, %swap3A_210], %swap3A_213 {strides = array<i32>} : memref<32x128xf32, #tpu.memory_space<vmem>>, vector<1x16xf32>,
      %broadcast_in_dim3A_214 = arith.constant 0.000000e+00 : f32
      %broadcast_in_dim3A_215 = vector.broadcast %broadcast_in_dim3A_214 : f32 to vector<16xf32>
      %swap3A_216 = arith.index_cast %scan3A_164 : i32 to index
      %swap3A_217 = arith.constant 112 : index
      %swap3A_218 = tpu.vector_load %arg9[%swap3A_216, %swap3A_217] {strides = array<i32>} : memref<32x128xf32, #tpu.memory_space<vmem>>, vector<1x16xf32>,
      %swap3A_219 = vector.shape_cast %swap3A_218 : vector<1x16xf32> to vector<16xf32>
      %swap3A_220 = vector.shape_cast %broadcast_in_dim3A_215 : vector<16xf32> to vector<1x16xf32>
      tpu.vector_store %arg9[%swap3A_216, %swap3A_217], %swap3A_220 {strides = array<i32>} : memref<32x128xf32, #tpu.memory_space<vmem>>, vector<1x16xf32>,
      %scan3A_221 = arith.constant 0 : i32
      scf.yield %scan3A_221 : i32
    }
    %scan3A_6 = arith.constant 32 : i32
    %mul3A_7 = arith.constant 944 : i32
    %mul3A_8 = arith.muli %arg1, %mul3A_7 : i32
    %min3A = arith.constant 14112 : i32
    %min3A_9 = arith.minsi %mul3A_8, %min3A : i32
    %add3A = arith.constant 0 : i32
    %add3A_10 = arith.addi %min3A_9, %add3A : i32
    "tpu.region"() ({
      %run_scoped3A = tpu.sem_alloc : memref<!tpu.dma_semaphore, #tpu.memory_space<semaphore_mem>>
      %dma_start3A_164 = arith.constant 0 : i32
      %dma_start3A_165 = tpu.memref_slice %arg13[%add3A_10, %dma_start3A_164] : memref<15056x128xf32, #tpu.memory_space<vmem_shared>> -> memref<32x128xf32, #tpu.memory_space<vmem_shared>>
      %dma_start3A_166 = arith.constant 0 : i32
      %dma_start3A_167 = tpu.memref_slice %arg13[%add3A_10, %dma_start3A_166] : memref<15056x128xf32, #tpu.memory_space<vmem_shared>> -> memref<32x128xf32, #tpu.memory_space<vmem_shared>>
      tpu.enqueue_dma source(%arg9 : memref<32x128xf32, #tpu.memory_space<vmem>>) target(%dma_start3A_167 : memref<32x128xf32, #tpu.memory_space<vmem_shared>>) target_semaphore(%run_scoped3A : memref<!tpu.dma_semaphore, #tpu.memory_space<semaphore_mem>>)
      %dma_wait3A_168 = arith.constant 0 : i32
      %dma_wait3A_169 = tpu.memref_slice %arg13[%add3A_10, %dma_wait3A_168] : memref<15056x128xf32, #tpu.memory_space<vmem_shared>> -> memref<32x128xf32, #tpu.memory_space<vmem_shared>>
      %dma_wait3A_170 = arith.constant 0 : i32
      %dma_wait3A_171 = tpu.memref_slice %arg13[%add3A_10, %dma_wait3A_170] : memref<15056x128xf32, #tpu.memory_space<vmem_shared>> -> memref<32x128xf32, #tpu.memory_space<vmem_shared>>
      tpu.wait_dma2 semaphore(%run_scoped3A : memref<!tpu.dma_semaphore, #tpu.memory_space<semaphore_mem>>) src(%arg9 : memref<32x128xf32, #tpu.memory_space<vmem>>) dst(%dma_wait3A_171 : memref<32x128xf32, #tpu.memory_space<vmem_shared>>)
      tpu.yield
    }) : () -> ()
    %add3A_11 = arith.constant 32 : i32
    %add3A_12 = arith.addi %min3A_9, %add3A_11 : i32
    "tpu.region"() ({
      %run_scoped3A = tpu.sem_alloc : memref<!tpu.dma_semaphore, #tpu.memory_space<semaphore_mem>>
      %dma_start3A_164 = arith.constant 0 : i32
      %dma_start3A_165 = tpu.memref_slice %arg13[%add3A_12, %dma_start3A_164] : memref<15056x128xf32, #tpu.memory_space<vmem_shared>> -> memref<32x128xf32, #tpu.memory_space<vmem_shared>>
      %dma_start3A_166 = arith.constant 0 : i32
      %dma_start3A_167 = tpu.memref_slice %arg13[%add3A_12, %dma_start3A_166] : memref<15056x128xf32, #tpu.memory_space<vmem_shared>> -> memref<32x128xf32, #tpu.memory_space<vmem_shared>>
      tpu.enqueue_dma source(%arg9 : memref<32x128xf32, #tpu.memory_space<vmem>>) target(%dma_start3A_167 : memref<32x128xf32, #tpu.memory_space<vmem_shared>>) target_semaphore(%run_scoped3A : memref<!tpu.dma_semaphore, #tpu.memory_space<semaphore_mem>>)
      %dma_wait3A_168 = arith.constant 0 : i32
      %dma_wait3A_169 = tpu.memref_slice %arg13[%add3A_12, %dma_wait3A_168] : memref<15056x128xf32, #tpu.memory_space<vmem_shared>> -> memref<32x128xf32, #tpu.memory_space<vmem_shared>>
      %dma_wait3A_170 = arith.constant 0 : i32
      %dma_wait3A_171 = tpu.memref_slice %arg13[%add3A_12, %dma_wait3A_170] : memref<15056x128xf32, #tpu.memory_space<vmem_shared>> -> memref<32x128xf32, #tpu.memory_space<vmem_shared>>
      tpu.wait_dma2 semaphore(%run_scoped3A : memref<!tpu.dma_semaphore, #tpu.memory_space<semaphore_mem>>) src(%arg9 : memref<32x128xf32, #tpu.memory_space<vmem>>) dst(%dma_wait3A_171 : memref<32x128xf32, #tpu.memory_space<vmem_shared>>)
      tpu.yield
    }) : () -> ()
    %add3A_13 = arith.constant 64 : i32
    %add3A_14 = arith.addi %min3A_9, %add3A_13 : i32
    "tpu.region"() ({
      %run_scoped3A = tpu.sem_alloc : memref<!tpu.dma_semaphore, #tpu.memory_space<semaphore_mem>>
      %dma_start3A_164 = arith.constant 0 : i32
      %dma_start3A_165 = tpu.memref_slice %arg13[%add3A_14, %dma_start3A_164] : memref<15056x128xf32, #tpu.memory_space<vmem_shared>> -> memref<32x128xf32, #tpu.memory_space<vmem_shared>>
      %dma_start3A_166 = arith.constant 0 : i32
      %dma_start3A_167 = tpu.memref_slice %arg13[%add3A_14, %dma_start3A_166] : memref<15056x128xf32, #tpu.memory_space<vmem_shared>> -> memref<32x128xf32, #tpu.memory_space<vmem_shared>>
      tpu.enqueue_dma source(%arg9 : memref<32x128xf32, #tpu.memory_space<vmem>>) target(%dma_start3A_167 : memref<32x128xf32, #tpu.memory_space<vmem_shared>>) target_semaphore(%run_scoped3A : memref<!tpu.dma_semaphore, #tpu.memory_space<semaphore_mem>>)
      %dma_wait3A_168 = arith.constant 0 : i32
      %dma_wait3A_169 = tpu.memref_slice %arg13[%add3A_14, %dma_wait3A_168] : memref<15056x128xf32, #tpu.memory_space<vmem_shared>> -> memref<32x128xf32, #tpu.memory_space<vmem_shared>>
      %dma_wait3A_170 = arith.constant 0 : i32
      %dma_wait3A_171 = tpu.memref_slice %arg13[%add3A_14, %dma_wait3A_170] : memref<15056x128xf32, #tpu.memory_space<vmem_shared>> -> memref<32x128xf32, #tpu.memory_space<vmem_shared>>
      tpu.wait_dma2 semaphore(%run_scoped3A : memref<!tpu.dma_semaphore, #tpu.memory_space<semaphore_mem>>) src(%arg9 : memref<32x128xf32, #tpu.memory_space<vmem>>) dst(%dma_wait3A_171 : memref<32x128xf32, #tpu.memory_space<vmem_shared>>)
      tpu.yield
    }) : () -> ()
    %add3A_15 = arith.constant 96 : i32
    %add3A_16 = arith.addi %min3A_9, %add3A_15 : i32
    "tpu.region"() ({
      %run_scoped3A = tpu.sem_alloc : memref<!tpu.dma_semaphore, #tpu.memory_space<semaphore_mem>>
      %dma_start3A_164 = arith.constant 0 : i32
      %dma_start3A_165 = tpu.memref_slice %arg13[%add3A_16, %dma_start3A_164] : memref<15056x128xf32, #tpu.memory_space<vmem_shared>> -> memref<32x128xf32, #tpu.memory_space<vmem_shared>>
      %dma_start3A_166 = arith.constant 0 : i32
      %dma_start3A_167 = tpu.memref_slice %arg13[%add3A_16, %dma_start3A_166] : memref<15056x128xf32, #tpu.memory_space<vmem_shared>> -> memref<32x128xf32, #tpu.memory_space<vmem_shared>>
      tpu.enqueue_dma source(%arg9 : memref<32x128xf32, #tpu.memory_space<vmem>>) target(%dma_start3A_167 : memref<32x128xf32, #tpu.memory_space<vmem_shared>>) target_semaphore(%run_scoped3A : memref<!tpu.dma_semaphore, #tpu.memory_space<semaphore_mem>>)
      %dma_wait3A_168 = arith.constant 0 : i32
      %dma_wait3A_169 = tpu.memref_slice %arg13[%add3A_16, %dma_wait3A_168] : memref<15056x128xf32, #tpu.memory_space<vmem_shared>> -> memref<32x128xf32, #tpu.memory_space<vmem_shared>>
      %dma_wait3A_170 = arith.constant 0 : i32
      %dma_wait3A_171 = tpu.memref_slice %arg13[%add3A_16, %dma_wait3A_170] : memref<15056x128xf32, #tpu.memory_space<vmem_shared>> -> memref<32x128xf32, #tpu.memory_space<vmem_shared>>
      tpu.wait_dma2 semaphore(%run_scoped3A : memref<!tpu.dma_semaphore, #tpu.memory_space<semaphore_mem>>) src(%arg9 : memref<32x128xf32, #tpu.memory_space<vmem>>) dst(%dma_wait3A_171 : memref<32x128xf32, #tpu.memory_space<vmem_shared>>)
      tpu.yield
    }) : () -> ()
    %add3A_17 = arith.constant 128 : i32
    %add3A_18 = arith.addi %min3A_9, %add3A_17 : i32
    "tpu.region"() ({
      %run_scoped3A = tpu.sem_alloc : memref<!tpu.dma_semaphore, #tpu.memory_space<semaphore_mem>>
      %dma_start3A_164 = arith.constant 0 : i32
      %dma_start3A_165 = tpu.memref_slice %arg13[%add3A_18, %dma_start3A_164] : memref<15056x128xf32, #tpu.memory_space<vmem_shared>> -> memref<32x128xf32, #tpu.memory_space<vmem_shared>>
      %dma_start3A_166 = arith.constant 0 : i32
      %dma_start3A_167 = tpu.memref_slice %arg13[%add3A_18, %dma_start3A_166] : memref<15056x128xf32, #tpu.memory_space<vmem_shared>> -> memref<32x128xf32, #tpu.memory_space<vmem_shared>>
      tpu.enqueue_dma source(%arg9 : memref<32x128xf32, #tpu.memory_space<vmem>>) target(%dma_start3A_167 : memref<32x128xf32, #tpu.memory_space<vmem_shared>>) target_semaphore(%run_scoped3A : memref<!tpu.dma_semaphore, #tpu.memory_space<semaphore_mem>>)
      %dma_wait3A_168 = arith.constant 0 : i32
      %dma_wait3A_169 = tpu.memref_slice %arg13[%add3A_18, %dma_wait3A_168] : memref<15056x128xf32, #tpu.memory_space<vmem_shared>> -> memref<32x128xf32, #tpu.memory_space<vmem_shared>>
      %dma_wait3A_170 = arith.constant 0 : i32
      %dma_wait3A_171 = tpu.memref_slice %arg13[%add3A_18, %dma_wait3A_170] : memref<15056x128xf32, #tpu.memory_space<vmem_shared>> -> memref<32x128xf32, #tpu.memory_space<vmem_shared>>
      tpu.wait_dma2 semaphore(%run_scoped3A : memref<!tpu.dma_semaphore, #tpu.memory_space<semaphore_mem>>) src(%arg9 : memref<32x128xf32, #tpu.memory_space<vmem>>) dst(%dma_wait3A_171 : memref<32x128xf32, #tpu.memory_space<vmem_shared>>)
      tpu.yield
    }) : () -> ()
    %add3A_19 = arith.constant 160 : i32
    %add3A_20 = arith.addi %min3A_9, %add3A_19 : i32
    "tpu.region"() ({
      %run_scoped3A = tpu.sem_alloc : memref<!tpu.dma_semaphore, #tpu.memory_space<semaphore_mem>>
      %dma_start3A_164 = arith.constant 0 : i32
      %dma_start3A_165 = tpu.memref_slice %arg13[%add3A_20, %dma_start3A_164] : memref<15056x128xf32, #tpu.memory_space<vmem_shared>> -> memref<32x128xf32, #tpu.memory_space<vmem_shared>>
      %dma_start3A_166 = arith.constant 0 : i32
      %dma_start3A_167 = tpu.memref_slice %arg13[%add3A_20, %dma_start3A_166] : memref<15056x128xf32, #tpu.memory_space<vmem_shared>> -> memref<32x128xf32, #tpu.memory_space<vmem_shared>>
      tpu.enqueue_dma source(%arg9 : memref<32x128xf32, #tpu.memory_space<vmem>>) target(%dma_start3A_167 : memref<32x128xf32, #tpu.memory_space<vmem_shared>>) target_semaphore(%run_scoped3A : memref<!tpu.dma_semaphore, #tpu.memory_space<semaphore_mem>>)
      %dma_wait3A_168 = arith.constant 0 : i32
      %dma_wait3A_169 = tpu.memref_slice %arg13[%add3A_20, %dma_wait3A_168] : memref<15056x128xf32, #tpu.memory_space<vmem_shared>> -> memref<32x128xf32, #tpu.memory_space<vmem_shared>>
      %dma_wait3A_170 = arith.constant 0 : i32
      %dma_wait3A_171 = tpu.memref_slice %arg13[%add3A_20, %dma_wait3A_170] : memref<15056x128xf32, #tpu.memory_space<vmem_shared>> -> memref<32x128xf32, #tpu.memory_space<vmem_shared>>
      tpu.wait_dma2 semaphore(%run_scoped3A : memref<!tpu.dma_semaphore, #tpu.memory_space<semaphore_mem>>) src(%arg9 : memref<32x128xf32, #tpu.memory_space<vmem>>) dst(%dma_wait3A_171 : memref<32x128xf32, #tpu.memory_space<vmem_shared>>)
      tpu.yield
    }) : () -> ()
    %add3A_21 = arith.constant 192 : i32
    %add3A_22 = arith.addi %min3A_9, %add3A_21 : i32
    "tpu.region"() ({
      %run_scoped3A = tpu.sem_alloc : memref<!tpu.dma_semaphore, #tpu.memory_space<semaphore_mem>>
      %dma_start3A_164 = arith.constant 0 : i32
      %dma_start3A_165 = tpu.memref_slice %arg13[%add3A_22, %dma_start3A_164] : memref<15056x128xf32, #tpu.memory_space<vmem_shared>> -> memref<32x128xf32, #tpu.memory_space<vmem_shared>>
      %dma_start3A_166 = arith.constant 0 : i32
      %dma_start3A_167 = tpu.memref_slice %arg13[%add3A_22, %dma_start3A_166] : memref<15056x128xf32, #tpu.memory_space<vmem_shared>> -> memref<32x128xf32, #tpu.memory_space<vmem_shared>>
      tpu.enqueue_dma source(%arg9 : memref<32x128xf32, #tpu.memory_space<vmem>>) target(%dma_start3A_167 : memref<32x128xf32, #tpu.memory_space<vmem_shared>>) target_semaphore(%run_scoped3A : memref<!tpu.dma_semaphore, #tpu.memory_space<semaphore_mem>>)
      %dma_wait3A_168 = arith.constant 0 : i32
      %dma_wait3A_169 = tpu.memref_slice %arg13[%add3A_22, %dma_wait3A_168] : memref<15056x128xf32, #tpu.memory_space<vmem_shared>> -> memref<32x128xf32, #tpu.memory_space<vmem_shared>>
      %dma_wait3A_170 = arith.constant 0 : i32
      %dma_wait3A_171 = tpu.memref_slice %arg13[%add3A_22, %dma_wait3A_170] : memref<15056x128xf32, #tpu.memory_space<vmem_shared>> -> memref<32x128xf32, #tpu.memory_space<vmem_shared>>
      tpu.wait_dma2 semaphore(%run_scoped3A : memref<!tpu.dma_semaphore, #tpu.memory_space<semaphore_mem>>) src(%arg9 : memref<32x128xf32, #tpu.memory_space<vmem>>) dst(%dma_wait3A_171 : memref<32x128xf32, #tpu.memory_space<vmem_shared>>)
      tpu.yield
    }) : () -> ()
    %add3A_23 = arith.constant 224 : i32
    %add3A_24 = arith.addi %min3A_9, %add3A_23 : i32
    "tpu.region"() ({
      %run_scoped3A = tpu.sem_alloc : memref<!tpu.dma_semaphore, #tpu.memory_space<semaphore_mem>>
      %dma_start3A_164 = arith.constant 0 : i32
      %dma_start3A_165 = tpu.memref_slice %arg13[%add3A_24, %dma_start3A_164] : memref<15056x128xf32, #tpu.memory_space<vmem_shared>> -> memref<32x128xf32, #tpu.memory_space<vmem_shared>>
      %dma_start3A_166 = arith.constant 0 : i32
      %dma_start3A_167 = tpu.memref_slice %arg13[%add3A_24, %dma_start3A_166] : memref<15056x128xf32, #tpu.memory_space<vmem_shared>> -> memref<32x128xf32, #tpu.memory_space<vmem_shared>>
      tpu.enqueue_dma source(%arg9 : memref<32x128xf32, #tpu.memory_space<vmem>>) target(%dma_start3A_167 : memref<32x128xf32, #tpu.memory_space<vmem_shared>>) target_semaphore(%run_scoped3A : memref<!tpu.dma_semaphore, #tpu.memory_space<semaphore_mem>>)
      %dma_wait3A_168 = arith.constant 0 : i32
      %dma_wait3A_169 = tpu.memref_slice %arg13[%add3A_24, %dma_wait3A_168] : memref<15056x128xf32, #tpu.memory_space<vmem_shared>> -> memref<32x128xf32, #tpu.memory_space<vmem_shared>>
      %dma_wait3A_170 = arith.constant 0 : i32
      %dma_wait3A_171 = tpu.memref_slice %arg13[%add3A_24, %dma_wait3A_170] : memref<15056x128xf32, #tpu.memory_space<vmem_shared>> -> memref<32x128xf32, #tpu.memory_space<vmem_shared>>
      tpu.wait_dma2 semaphore(%run_scoped3A : memref<!tpu.dma_semaphore, #tpu.memory_space<semaphore_mem>>) src(%arg9 : memref<32x128xf32, #tpu.memory_space<vmem>>) dst(%dma_wait3A_171 : memref<32x128xf32, #tpu.memory_space<vmem_shared>>)
      tpu.yield
    }) : () -> ()
    %add3A_25 = arith.constant 256 : i32
    %add3A_26 = arith.addi %min3A_9, %add3A_25 : i32
    "tpu.region"() ({
      %run_scoped3A = tpu.sem_alloc : memref<!tpu.dma_semaphore, #tpu.memory_space<semaphore_mem>>
      %dma_start3A_164 = arith.constant 0 : i32
      %dma_start3A_165 = tpu.memref_slice %arg13[%add3A_26, %dma_start3A_164] : memref<15056x128xf32, #tpu.memory_space<vmem_shared>> -> memref<32x128xf32, #tpu.memory_space<vmem_shared>>
      %dma_start3A_166 = arith.constant 0 : i32
      %dma_start3A_167 = tpu.memref_slice %arg13[%add3A_26, %dma_start3A_166] : memref<15056x128xf32, #tpu.memory_space<vmem_shared>> -> memref<32x128xf32, #tpu.memory_space<vmem_shared>>
      tpu.enqueue_dma source(%arg9 : memref<32x128xf32, #tpu.memory_space<vmem>>) target(%dma_start3A_167 : memref<32x128xf32, #tpu.memory_space<vmem_shared>>) target_semaphore(%run_scoped3A : memref<!tpu.dma_semaphore, #tpu.memory_space<semaphore_mem>>)
      %dma_wait3A_168 = arith.constant 0 : i32
      %dma_wait3A_169 = tpu.memref_slice %arg13[%add3A_26, %dma_wait3A_168] : memref<15056x128xf32, #tpu.memory_space<vmem_shared>> -> memref<32x128xf32, #tpu.memory_space<vmem_shared>>
      %dma_wait3A_170 = arith.constant 0 : i32
      %dma_wait3A_171 = tpu.memref_slice %arg13[%add3A_26, %dma_wait3A_170] : memref<15056x128xf32, #tpu.memory_space<vmem_shared>> -> memref<32x128xf32, #tpu.memory_space<vmem_shared>>
      tpu.wait_dma2 semaphore(%run_scoped3A : memref<!tpu.dma_semaphore, #tpu.memory_space<semaphore_mem>>) src(%arg9 : memref<32x128xf32, #tpu.memory_space<vmem>>) dst(%dma_wait3A_171 : memref<32x128xf32, #tpu.memory_space<vmem_shared>>)
      tpu.yield
    }) : () -> ()
    %add3A_27 = arith.constant 288 : i32
    %add3A_28 = arith.addi %min3A_9, %add3A_27 : i32
    "tpu.region"() ({
      %run_scoped3A = tpu.sem_alloc : memref<!tpu.dma_semaphore, #tpu.memory_space<semaphore_mem>>
      %dma_start3A_164 = arith.constant 0 : i32
      %dma_start3A_165 = tpu.memref_slice %arg13[%add3A_28, %dma_start3A_164] : memref<15056x128xf32, #tpu.memory_space<vmem_shared>> -> memref<32x128xf32, #tpu.memory_space<vmem_shared>>
      %dma_start3A_166 = arith.constant 0 : i32
      %dma_start3A_167 = tpu.memref_slice %arg13[%add3A_28, %dma_start3A_166] : memref<15056x128xf32, #tpu.memory_space<vmem_shared>> -> memref<32x128xf32, #tpu.memory_space<vmem_shared>>
      tpu.enqueue_dma source(%arg9 : memref<32x128xf32, #tpu.memory_space<vmem>>) target(%dma_start3A_167 : memref<32x128xf32, #tpu.memory_space<vmem_shared>>) target_semaphore(%run_scoped3A : memref<!tpu.dma_semaphore, #tpu.memory_space<semaphore_mem>>)
      %dma_wait3A_168 = arith.constant 0 : i32
      %dma_wait3A_169 = tpu.memref_slice %arg13[%add3A_28, %dma_wait3A_168] : memref<15056x128xf32, #tpu.memory_space<vmem_shared>> -> memref<32x128xf32, #tpu.memory_space<vmem_shared>>
      %dma_wait3A_170 = arith.constant 0 : i32
      %dma_wait3A_171 = tpu.memref_slice %arg13[%add3A_28, %dma_wait3A_170] : memref<15056x128xf32, #tpu.memory_space<vmem_shared>> -> memref<32x128xf32, #tpu.memory_space<vmem_shared>>
      tpu.wait_dma2 semaphore(%run_scoped3A : memref<!tpu.dma_semaphore, #tpu.memory_space<semaphore_mem>>) src(%arg9 : memref<32x128xf32, #tpu.memory_space<vmem>>) dst(%dma_wait3A_171 : memref<32x128xf32, #tpu.memory_space<vmem_shared>>)
      tpu.yield
    }) : () -> ()
    %add3A_29 = arith.constant 320 : i32
    %add3A_30 = arith.addi %min3A_9, %add3A_29 : i32
    "tpu.region"() ({
      %run_scoped3A = tpu.sem_alloc : memref<!tpu.dma_semaphore, #tpu.memory_space<semaphore_mem>>
      %dma_start3A_164 = arith.constant 0 : i32
      %dma_start3A_165 = tpu.memref_slice %arg13[%add3A_30, %dma_start3A_164] : memref<15056x128xf32, #tpu.memory_space<vmem_shared>> -> memref<32x128xf32, #tpu.memory_space<vmem_shared>>
      %dma_start3A_166 = arith.constant 0 : i32
      %dma_start3A_167 = tpu.memref_slice %arg13[%add3A_30, %dma_start3A_166] : memref<15056x128xf32, #tpu.memory_space<vmem_shared>> -> memref<32x128xf32, #tpu.memory_space<vmem_shared>>
      tpu.enqueue_dma source(%arg9 : memref<32x128xf32, #tpu.memory_space<vmem>>) target(%dma_start3A_167 : memref<32x128xf32, #tpu.memory_space<vmem_shared>>) target_semaphore(%run_scoped3A : memref<!tpu.dma_semaphore, #tpu.memory_space<semaphore_mem>>)
      %dma_wait3A_168 = arith.constant 0 : i32
      %dma_wait3A_169 = tpu.memref_slice %arg13[%add3A_30, %dma_wait3A_168] : memref<15056x128xf32, #tpu.memory_space<vmem_shared>> -> memref<32x128xf32, #tpu.memory_space<vmem_shared>>
      %dma_wait3A_170 = arith.constant 0 : i32
      %dma_wait3A_171 = tpu.memref_slice %arg13[%add3A_30, %dma_wait3A_170] : memref<15056x128xf32, #tpu.memory_space<vmem_shared>> -> memref<32x128xf32, #tpu.memory_space<vmem_shared>>
      tpu.wait_dma2 semaphore(%run_scoped3A : memref<!tpu.dma_semaphore, #tpu.memory_space<semaphore_mem>>) src(%arg9 : memref<32x128xf32, #tpu.memory_space<vmem>>) dst(%dma_wait3A_171 : memref<32x128xf32, #tpu.memory_space<vmem_shared>>)
      tpu.yield
    }) : () -> ()
    %add3A_31 = arith.constant 352 : i32
    %add3A_32 = arith.addi %min3A_9, %add3A_31 : i32
    "tpu.region"() ({
      %run_scoped3A = tpu.sem_alloc : memref<!tpu.dma_semaphore, #tpu.memory_space<semaphore_mem>>
      %dma_start3A_164 = arith.constant 0 : i32
      %dma_start3A_165 = tpu.memref_slice %arg13[%add3A_32, %dma_start3A_164] : memref<15056x128xf32, #tpu.memory_space<vmem_shared>> -> memref<32x128xf32, #tpu.memory_space<vmem_shared>>
      %dma_start3A_166 = arith.constant 0 : i32
      %dma_start3A_167 = tpu.memref_slice %arg13[%add3A_32, %dma_start3A_166] : memref<15056x128xf32, #tpu.memory_space<vmem_shared>> -> memref<32x128xf32, #tpu.memory_space<vmem_shared>>
      tpu.enqueue_dma source(%arg9 : memref<32x128xf32, #tpu.memory_space<vmem>>) target(%dma_start3A_167 : memref<32x128xf32, #tpu.memory_space<vmem_shared>>) target_semaphore(%run_scoped3A : memref<!tpu.dma_semaphore, #tpu.memory_space<semaphore_mem>>)
      %dma_wait3A_168 = arith.constant 0 : i32
      %dma_wait3A_169 = tpu.memref_slice %arg13[%add3A_32, %dma_wait3A_168] : memref<15056x128xf32, #tpu.memory_space<vmem_shared>> -> memref<32x128xf32, #tpu.memory_space<vmem_shared>>
      %dma_wait3A_170 = arith.constant 0 : i32
      %dma_wait3A_171 = tpu.memref_slice %arg13[%add3A_32, %dma_wait3A_170] : memref<15056x128xf32, #tpu.memory_space<vmem_shared>> -> memref<32x128xf32, #tpu.memory_space<vmem_shared>>
      tpu.wait_dma2 semaphore(%run_scoped3A : memref<!tpu.dma_semaphore, #tpu.memory_space<semaphore_mem>>) src(%arg9 : memref<32x128xf32, #tpu.memory_space<vmem>>) dst(%dma_wait3A_171 : memref<32x128xf32, #tpu.memory_space<vmem_shared>>)
      tpu.yield
    }) : () -> ()
    %add3A_33 = arith.constant 384 : i32
    %add3A_34 = arith.addi %min3A_9, %add3A_33 : i32
    "tpu.region"() ({
      %run_scoped3A = tpu.sem_alloc : memref<!tpu.dma_semaphore, #tpu.memory_space<semaphore_mem>>
      %dma_start3A_164 = arith.constant 0 : i32
      %dma_start3A_165 = tpu.memref_slice %arg13[%add3A_34, %dma_start3A_164] : memref<15056x128xf32, #tpu.memory_space<vmem_shared>> -> memref<32x128xf32, #tpu.memory_space<vmem_shared>>
      %dma_start3A_166 = arith.constant 0 : i32
      %dma_start3A_167 = tpu.memref_slice %arg13[%add3A_34, %dma_start3A_166] : memref<15056x128xf32, #tpu.memory_space<vmem_shared>> -> memref<32x128xf32, #tpu.memory_space<vmem_shared>>
      tpu.enqueue_dma source(%arg9 : memref<32x128xf32, #tpu.memory_space<vmem>>) target(%dma_start3A_167 : memref<32x128xf32, #tpu.memory_space<vmem_shared>>) target_semaphore(%run_scoped3A : memref<!tpu.dma_semaphore, #tpu.memory_space<semaphore_mem>>)
      %dma_wait3A_168 = arith.constant 0 : i32
      %dma_wait3A_169 = tpu.memref_slice %arg13[%add3A_34, %dma_wait3A_168] : memref<15056x128xf32, #tpu.memory_space<vmem_shared>> -> memref<32x128xf32, #tpu.memory_space<vmem_shared>>
      %dma_wait3A_170 = arith.constant 0 : i32
      %dma_wait3A_171 = tpu.memref_slice %arg13[%add3A_34, %dma_wait3A_170] : memref<15056x128xf32, #tpu.memory_space<vmem_shared>> -> memref<32x128xf32, #tpu.memory_space<vmem_shared>>
      tpu.wait_dma2 semaphore(%run_scoped3A : memref<!tpu.dma_semaphore, #tpu.memory_space<semaphore_mem>>) src(%arg9 : memref<32x128xf32, #tpu.memory_space<vmem>>) dst(%dma_wait3A_171 : memref<32x128xf32, #tpu.memory_space<vmem_shared>>)
      tpu.yield
    }) : () -> ()
    %add3A_35 = arith.constant 416 : i32
    %add3A_36 = arith.addi %min3A_9, %add3A_35 : i32
    "tpu.region"() ({
      %run_scoped3A = tpu.sem_alloc : memref<!tpu.dma_semaphore, #tpu.memory_space<semaphore_mem>>
      %dma_start3A_164 = arith.constant 0 : i32
      %dma_start3A_165 = tpu.memref_slice %arg13[%add3A_36, %dma_start3A_164] : memref<15056x128xf32, #tpu.memory_space<vmem_shared>> -> memref<32x128xf32, #tpu.memory_space<vmem_shared>>
      %dma_start3A_166 = arith.constant 0 : i32
      %dma_start3A_167 = tpu.memref_slice %arg13[%add3A_36, %dma_start3A_166] : memref<15056x128xf32, #tpu.memory_space<vmem_shared>> -> memref<32x128xf32, #tpu.memory_space<vmem_shared>>
      tpu.enqueue_dma source(%arg9 : memref<32x128xf32, #tpu.memory_space<vmem>>) target(%dma_start3A_167 : memref<32x128xf32, #tpu.memory_space<vmem_shared>>) target_semaphore(%run_scoped3A : memref<!tpu.dma_semaphore, #tpu.memory_space<semaphore_mem>>)
      %dma_wait3A_168 = arith.constant 0 : i32
      %dma_wait3A_169 = tpu.memref_slice %arg13[%add3A_36, %dma_wait3A_168] : memref<15056x128xf32, #tpu.memory_space<vmem_shared>> -> memref<32x128xf32, #tpu.memory_space<vmem_shared>>
      %dma_wait3A_170 = arith.constant 0 : i32
      %dma_wait3A_171 = tpu.memref_slice %arg13[%add3A_36, %dma_wait3A_170] : memref<15056x128xf32, #tpu.memory_space<vmem_shared>> -> memref<32x128xf32, #tpu.memory_space<vmem_shared>>
      tpu.wait_dma2 semaphore(%run_scoped3A : memref<!tpu.dma_semaphore, #tpu.memory_space<semaphore_mem>>) src(%arg9 : memref<32x128xf32, #tpu.memory_space<vmem>>) dst(%dma_wait3A_171 : memref<32x128xf32, #tpu.memory_space<vmem_shared>>)
      tpu.yield
    }) : () -> ()
    %add3A_37 = arith.constant 448 : i32
    %add3A_38 = arith.addi %min3A_9, %add3A_37 : i32
    "tpu.region"() ({
      %run_scoped3A = tpu.sem_alloc : memref<!tpu.dma_semaphore, #tpu.memory_space<semaphore_mem>>
      %dma_start3A_164 = arith.constant 0 : i32
      %dma_start3A_165 = tpu.memref_slice %arg13[%add3A_38, %dma_start3A_164] : memref<15056x128xf32, #tpu.memory_space<vmem_shared>> -> memref<32x128xf32, #tpu.memory_space<vmem_shared>>
      %dma_start3A_166 = arith.constant 0 : i32
      %dma_start3A_167 = tpu.memref_slice %arg13[%add3A_38, %dma_start3A_166] : memref<15056x128xf32, #tpu.memory_space<vmem_shared>> -> memref<32x128xf32, #tpu.memory_space<vmem_shared>>
      tpu.enqueue_dma source(%arg9 : memref<32x128xf32, #tpu.memory_space<vmem>>) target(%dma_start3A_167 : memref<32x128xf32, #tpu.memory_space<vmem_shared>>) target_semaphore(%run_scoped3A : memref<!tpu.dma_semaphore, #tpu.memory_space<semaphore_mem>>)
      %dma_wait3A_168 = arith.constant 0 : i32
      %dma_wait3A_169 = tpu.memref_slice %arg13[%add3A_38, %dma_wait3A_168] : memref<15056x128xf32, #tpu.memory_space<vmem_shared>> -> memref<32x128xf32, #tpu.memory_space<vmem_shared>>
      %dma_wait3A_170 = arith.constant 0 : i32
      %dma_wait3A_171 = tpu.memref_slice %arg13[%add3A_38, %dma_wait3A_170] : memref<15056x128xf32, #tpu.memory_space<vmem_shared>> -> memref<32x128xf32, #tpu.memory_space<vmem_shared>>
      tpu.wait_dma2 semaphore(%run_scoped3A : memref<!tpu.dma_semaphore, #tpu.memory_space<semaphore_mem>>) src(%arg9 : memref<32x128xf32, #tpu.memory_space<vmem>>) dst(%dma_wait3A_171 : memref<32x128xf32, #tpu.memory_space<vmem_shared>>)
      tpu.yield
    }) : () -> ()
    %add3A_39 = arith.constant 480 : i32
    %add3A_40 = arith.addi %min3A_9, %add3A_39 : i32
    "tpu.region"() ({
      %run_scoped3A = tpu.sem_alloc : memref<!tpu.dma_semaphore, #tpu.memory_space<semaphore_mem>>
      %dma_start3A_164 = arith.constant 0 : i32
      %dma_start3A_165 = tpu.memref_slice %arg13[%add3A_40, %dma_start3A_164] : memref<15056x128xf32, #tpu.memory_space<vmem_shared>> -> memref<32x128xf32, #tpu.memory_space<vmem_shared>>
      %dma_start3A_166 = arith.constant 0 : i32
      %dma_start3A_167 = tpu.memref_slice %arg13[%add3A_40, %dma_start3A_166] : memref<15056x128xf32, #tpu.memory_space<vmem_shared>> -> memref<32x128xf32, #tpu.memory_space<vmem_shared>>
      tpu.enqueue_dma source(%arg9 : memref<32x128xf32, #tpu.memory_space<vmem>>) target(%dma_start3A_167 : memref<32x128xf32, #tpu.memory_space<vmem_shared>>) target_semaphore(%run_scoped3A : memref<!tpu.dma_semaphore, #tpu.memory_space<semaphore_mem>>)
      %dma_wait3A_168 = arith.constant 0 : i32
      %dma_wait3A_169 = tpu.memref_slice %arg13[%add3A_40, %dma_wait3A_168] : memref<15056x128xf32, #tpu.memory_space<vmem_shared>> -> memref<32x128xf32, #tpu.memory_space<vmem_shared>>
      %dma_wait3A_170 = arith.constant 0 : i32
      %dma_wait3A_171 = tpu.memref_slice %arg13[%add3A_40, %dma_wait3A_170] : memref<15056x128xf32, #tpu.memory_space<vmem_shared>> -> memref<32x128xf32, #tpu.memory_space<vmem_shared>>
      tpu.wait_dma2 semaphore(%run_scoped3A : memref<!tpu.dma_semaphore, #tpu.memory_space<semaphore_mem>>) src(%arg9 : memref<32x128xf32, #tpu.memory_space<vmem>>) dst(%dma_wait3A_171 : memref<32x128xf32, #tpu.memory_space<vmem_shared>>)
      tpu.yield
    }) : () -> ()
    %add3A_41 = arith.constant 512 : i32
    %add3A_42 = arith.addi %min3A_9, %add3A_41 : i32
    "tpu.region"() ({
      %run_scoped3A = tpu.sem_alloc : memref<!tpu.dma_semaphore, #tpu.memory_space<semaphore_mem>>
      %dma_start3A_164 = arith.constant 0 : i32
      %dma_start3A_165 = tpu.memref_slice %arg13[%add3A_42, %dma_start3A_164] : memref<15056x128xf32, #tpu.memory_space<vmem_shared>> -> memref<32x128xf32, #tpu.memory_space<vmem_shared>>
      %dma_start3A_166 = arith.constant 0 : i32
      %dma_start3A_167 = tpu.memref_slice %arg13[%add3A_42, %dma_start3A_166] : memref<15056x128xf32, #tpu.memory_space<vmem_shared>> -> memref<32x128xf32, #tpu.memory_space<vmem_shared>>
      tpu.enqueue_dma source(%arg9 : memref<32x128xf32, #tpu.memory_space<vmem>>) target(%dma_start3A_167 : memref<32x128xf32, #tpu.memory_space<vmem_shared>>) target_semaphore(%run_scoped3A : memref<!tpu.dma_semaphore, #tpu.memory_space<semaphore_mem>>)
      %dma_wait3A_168 = arith.constant 0 : i32
      %dma_wait3A_169 = tpu.memref_slice %arg13[%add3A_42, %dma_wait3A_168] : memref<15056x128xf32, #tpu.memory_space<vmem_shared>> -> memref<32x128xf32, #tpu.memory_space<vmem_shared>>
      %dma_wait3A_170 = arith.constant 0 : i32
      %dma_wait3A_171 = tpu.memref_slice %arg13[%add3A_42, %dma_wait3A_170] : memref<15056x128xf32, #tpu.memory_space<vmem_shared>> -> memref<32x128xf32, #tpu.memory_space<vmem_shared>>
      tpu.wait_dma2 semaphore(%run_scoped3A : memref<!tpu.dma_semaphore, #tpu.memory_space<semaphore_mem>>) src(%arg9 : memref<32x128xf32, #tpu.memory_space<vmem>>) dst(%dma_wait3A_171 : memref<32x128xf32, #tpu.memory_space<vmem_shared>>)
      tpu.yield
    }) : () -> ()
    %add3A_43 = arith.constant 544 : i32
    %add3A_44 = arith.addi %min3A_9, %add3A_43 : i32
    "tpu.region"() ({
      %run_scoped3A = tpu.sem_alloc : memref<!tpu.dma_semaphore, #tpu.memory_space<semaphore_mem>>
      %dma_start3A_164 = arith.constant 0 : i32
      %dma_start3A_165 = tpu.memref_slice %arg13[%add3A_44, %dma_start3A_164] : memref<15056x128xf32, #tpu.memory_space<vmem_shared>> -> memref<32x128xf32, #tpu.memory_space<vmem_shared>>
      %dma_start3A_166 = arith.constant 0 : i32
      %dma_start3A_167 = tpu.memref_slice %arg13[%add3A_44, %dma_start3A_166] : memref<15056x128xf32, #tpu.memory_space<vmem_shared>> -> memref<32x128xf32, #tpu.memory_space<vmem_shared>>
      tpu.enqueue_dma source(%arg9 : memref<32x128xf32, #tpu.memory_space<vmem>>) target(%dma_start3A_167 : memref<32x128xf32, #tpu.memory_space<vmem_shared>>) target_semaphore(%run_scoped3A : memref<!tpu.dma_semaphore, #tpu.memory_space<semaphore_mem>>)
      %dma_wait3A_168 = arith.constant 0 : i32
      %dma_wait3A_169 = tpu.memref_slice %arg13[%add3A_44, %dma_wait3A_168] : memref<15056x128xf32, #tpu.memory_space<vmem_shared>> -> memref<32x128xf32, #tpu.memory_space<vmem_shared>>
      %dma_wait3A_170 = arith.constant 0 : i32
      %dma_wait3A_171 = tpu.memref_slice %arg13[%add3A_44, %dma_wait3A_170] : memref<15056x128xf32, #tpu.memory_space<vmem_shared>> -> memref<32x128xf32, #tpu.memory_space<vmem_shared>>
      tpu.wait_dma2 semaphore(%run_scoped3A : memref<!tpu.dma_semaphore, #tpu.memory_space<semaphore_mem>>) src(%arg9 : memref<32x128xf32, #tpu.memory_space<vmem>>) dst(%dma_wait3A_171 : memref<32x128xf32, #tpu.memory_space<vmem_shared>>)
      tpu.yield
    }) : () -> ()
    %add3A_45 = arith.constant 576 : i32
    %add3A_46 = arith.addi %min3A_9, %add3A_45 : i32
    "tpu.region"() ({
      %run_scoped3A = tpu.sem_alloc : memref<!tpu.dma_semaphore, #tpu.memory_space<semaphore_mem>>
      %dma_start3A_164 = arith.constant 0 : i32
      %dma_start3A_165 = tpu.memref_slice %arg13[%add3A_46, %dma_start3A_164] : memref<15056x128xf32, #tpu.memory_space<vmem_shared>> -> memref<32x128xf32, #tpu.memory_space<vmem_shared>>
      %dma_start3A_166 = arith.constant 0 : i32
      %dma_start3A_167 = tpu.memref_slice %arg13[%add3A_46, %dma_start3A_166] : memref<15056x128xf32, #tpu.memory_space<vmem_shared>> -> memref<32x128xf32, #tpu.memory_space<vmem_shared>>
      tpu.enqueue_dma source(%arg9 : memref<32x128xf32, #tpu.memory_space<vmem>>) target(%dma_start3A_167 : memref<32x128xf32, #tpu.memory_space<vmem_shared>>) target_semaphore(%run_scoped3A : memref<!tpu.dma_semaphore, #tpu.memory_space<semaphore_mem>>)
      %dma_wait3A_168 = arith.constant 0 : i32
      %dma_wait3A_169 = tpu.memref_slice %arg13[%add3A_46, %dma_wait3A_168] : memref<15056x128xf32, #tpu.memory_space<vmem_shared>> -> memref<32x128xf32, #tpu.memory_space<vmem_shared>>
      %dma_wait3A_170 = arith.constant 0 : i32
      %dma_wait3A_171 = tpu.memref_slice %arg13[%add3A_46, %dma_wait3A_170] : memref<15056x128xf32, #tpu.memory_space<vmem_shared>> -> memref<32x128xf32, #tpu.memory_space<vmem_shared>>
      tpu.wait_dma2 semaphore(%run_scoped3A : memref<!tpu.dma_semaphore, #tpu.memory_space<semaphore_mem>>) src(%arg9 : memref<32x128xf32, #tpu.memory_space<vmem>>) dst(%dma_wait3A_171 : memref<32x128xf32, #tpu.memory_space<vmem_shared>>)
      tpu.yield
    }) : () -> ()
    %add3A_47 = arith.constant 608 : i32
    %add3A_48 = arith.addi %min3A_9, %add3A_47 : i32
    "tpu.region"() ({
      %run_scoped3A = tpu.sem_alloc : memref<!tpu.dma_semaphore, #tpu.memory_space<semaphore_mem>>
      %dma_start3A_164 = arith.constant 0 : i32
      %dma_start3A_165 = tpu.memref_slice %arg13[%add3A_48, %dma_start3A_164] : memref<15056x128xf32, #tpu.memory_space<vmem_shared>> -> memref<32x128xf32, #tpu.memory_space<vmem_shared>>
      %dma_start3A_166 = arith.constant 0 : i32
      %dma_start3A_167 = tpu.memref_slice %arg13[%add3A_48, %dma_start3A_166] : memref<15056x128xf32, #tpu.memory_space<vmem_shared>> -> memref<32x128xf32, #tpu.memory_space<vmem_shared>>
      tpu.enqueue_dma source(%arg9 : memref<32x128xf32, #tpu.memory_space<vmem>>) target(%dma_start3A_167 : memref<32x128xf32, #tpu.memory_space<vmem_shared>>) target_semaphore(%run_scoped3A : memref<!tpu.dma_semaphore, #tpu.memory_space<semaphore_mem>>)
      %dma_wait3A_168 = arith.constant 0 : i32
      %dma_wait3A_169 = tpu.memref_slice %arg13[%add3A_48, %dma_wait3A_168] : memref<15056x128xf32, #tpu.memory_space<vmem_shared>> -> memref<32x128xf32, #tpu.memory_space<vmem_shared>>
      %dma_wait3A_170 = arith.constant 0 : i32
      %dma_wait3A_171 = tpu.memref_slice %arg13[%add3A_48, %dma_wait3A_170] : memref<15056x128xf32, #tpu.memory_space<vmem_shared>> -> memref<32x128xf32, #tpu.memory_space<vmem_shared>>
      tpu.wait_dma2 semaphore(%run_scoped3A : memref<!tpu.dma_semaphore, #tpu.memory_space<semaphore_mem>>) src(%arg9 : memref<32x128xf32, #tpu.memory_space<vmem>>) dst(%dma_wait3A_171 : memref<32x128xf32, #tpu.memory_space<vmem_shared>>)
      tpu.yield
    }) : () -> ()
    %add3A_49 = arith.constant 640 : i32
    %add3A_50 = arith.addi %min3A_9, %add3A_49 : i32
    "tpu.region"() ({
      %run_scoped3A = tpu.sem_alloc : memref<!tpu.dma_semaphore, #tpu.memory_space<semaphore_mem>>
      %dma_start3A_164 = arith.constant 0 : i32
      %dma_start3A_165 = tpu.memref_slice %arg13[%add3A_50, %dma_start3A_164] : memref<15056x128xf32, #tpu.memory_space<vmem_shared>> -> memref<32x128xf32, #tpu.memory_space<vmem_shared>>
      %dma_start3A_166 = arith.constant 0 : i32
      %dma_start3A_167 = tpu.memref_slice %arg13[%add3A_50, %dma_start3A_166] : memref<15056x128xf32, #tpu.memory_space<vmem_shared>> -> memref<32x128xf32, #tpu.memory_space<vmem_shared>>
      tpu.enqueue_dma source(%arg9 : memref<32x128xf32, #tpu.memory_space<vmem>>) target(%dma_start3A_167 : memref<32x128xf32, #tpu.memory_space<vmem_shared>>) target_semaphore(%run_scoped3A : memref<!tpu.dma_semaphore, #tpu.memory_space<semaphore_mem>>)
      %dma_wait3A_168 = arith.constant 0 : i32
      %dma_wait3A_169 = tpu.memref_slice %arg13[%add3A_50, %dma_wait3A_168] : memref<15056x128xf32, #tpu.memory_space<vmem_shared>> -> memref<32x128xf32, #tpu.memory_space<vmem_shared>>
      %dma_wait3A_170 = arith.constant 0 : i32
      %dma_wait3A_171 = tpu.memref_slice %arg13[%add3A_50, %dma_wait3A_170] : memref<15056x128xf32, #tpu.memory_space<vmem_shared>> -> memref<32x128xf32, #tpu.memory_space<vmem_shared>>
      tpu.wait_dma2 semaphore(%run_scoped3A : memref<!tpu.dma_semaphore, #tpu.memory_space<semaphore_mem>>) src(%arg9 : memref<32x128xf32, #tpu.memory_space<vmem>>) dst(%dma_wait3A_171 : memref<32x128xf32, #tpu.memory_space<vmem_shared>>)
      tpu.yield
    }) : () -> ()
    %add3A_51 = arith.constant 672 : i32
    %add3A_52 = arith.addi %min3A_9, %add3A_51 : i32
    "tpu.region"() ({
      %run_scoped3A = tpu.sem_alloc : memref<!tpu.dma_semaphore, #tpu.memory_space<semaphore_mem>>
      %dma_start3A_164 = arith.constant 0 : i32
      %dma_start3A_165 = tpu.memref_slice %arg13[%add3A_52, %dma_start3A_164] : memref<15056x128xf32, #tpu.memory_space<vmem_shared>> -> memref<32x128xf32, #tpu.memory_space<vmem_shared>>
      %dma_start3A_166 = arith.constant 0 : i32
      %dma_start3A_167 = tpu.memref_slice %arg13[%add3A_52, %dma_start3A_166] : memref<15056x128xf32, #tpu.memory_space<vmem_shared>> -> memref<32x128xf32, #tpu.memory_space<vmem_shared>>
      tpu.enqueue_dma source(%arg9 : memref<32x128xf32, #tpu.memory_space<vmem>>) target(%dma_start3A_167 : memref<32x128xf32, #tpu.memory_space<vmem_shared>>) target_semaphore(%run_scoped3A : memref<!tpu.dma_semaphore, #tpu.memory_space<semaphore_mem>>)
      %dma_wait3A_168 = arith.constant 0 : i32
      %dma_wait3A_169 = tpu.memref_slice %arg13[%add3A_52, %dma_wait3A_168] : memref<15056x128xf32, #tpu.memory_space<vmem_shared>> -> memref<32x128xf32, #tpu.memory_space<vmem_shared>>
      %dma_wait3A_170 = arith.constant 0 : i32
      %dma_wait3A_171 = tpu.memref_slice %arg13[%add3A_52, %dma_wait3A_170] : memref<15056x128xf32, #tpu.memory_space<vmem_shared>> -> memref<32x128xf32, #tpu.memory_space<vmem_shared>>
      tpu.wait_dma2 semaphore(%run_scoped3A : memref<!tpu.dma_semaphore, #tpu.memory_space<semaphore_mem>>) src(%arg9 : memref<32x128xf32, #tpu.memory_space<vmem>>) dst(%dma_wait3A_171 : memref<32x128xf32, #tpu.memory_space<vmem_shared>>)
      tpu.yield
    }) : () -> ()
    %add3A_53 = arith.constant 704 : i32
    %add3A_54 = arith.addi %min3A_9, %add3A_53 : i32
    "tpu.region"() ({
      %run_scoped3A = tpu.sem_alloc : memref<!tpu.dma_semaphore, #tpu.memory_space<semaphore_mem>>
      %dma_start3A_164 = arith.constant 0 : i32
      %dma_start3A_165 = tpu.memref_slice %arg13[%add3A_54, %dma_start3A_164] : memref<15056x128xf32, #tpu.memory_space<vmem_shared>> -> memref<32x128xf32, #tpu.memory_space<vmem_shared>>
      %dma_start3A_166 = arith.constant 0 : i32
      %dma_start3A_167 = tpu.memref_slice %arg13[%add3A_54, %dma_start3A_166] : memref<15056x128xf32, #tpu.memory_space<vmem_shared>> -> memref<32x128xf32, #tpu.memory_space<vmem_shared>>
      tpu.enqueue_dma source(%arg9 : memref<32x128xf32, #tpu.memory_space<vmem>>) target(%dma_start3A_167 : memref<32x128xf32, #tpu.memory_space<vmem_shared>>) target_semaphore(%run_scoped3A : memref<!tpu.dma_semaphore, #tpu.memory_space<semaphore_mem>>)
      %dma_wait3A_168 = arith.constant 0 : i32
      %dma_wait3A_169 = tpu.memref_slice %arg13[%add3A_54, %dma_wait3A_168] : memref<15056x128xf32, #tpu.memory_space<vmem_shared>> -> memref<32x128xf32, #tpu.memory_space<vmem_shared>>
      %dma_wait3A_170 = arith.constant 0 : i32
      %dma_wait3A_171 = tpu.memref_slice %arg13[%add3A_54, %dma_wait3A_170] : memref<15056x128xf32, #tpu.memory_space<vmem_shared>> -> memref<32x128xf32, #tpu.memory_space<vmem_shared>>
      tpu.wait_dma2 semaphore(%run_scoped3A : memref<!tpu.dma_semaphore, #tpu.memory_space<semaphore_mem>>) src(%arg9 : memref<32x128xf32, #tpu.memory_space<vmem>>) dst(%dma_wait3A_171 : memref<32x128xf32, #tpu.memory_space<vmem_shared>>)
      tpu.yield
    }) : () -> ()
    %add3A_55 = arith.constant 736 : i32
    %add3A_56 = arith.addi %min3A_9, %add3A_55 : i32
    "tpu.region"() ({
      %run_scoped3A = tpu.sem_alloc : memref<!tpu.dma_semaphore, #tpu.memory_space<semaphore_mem>>
      %dma_start3A_164 = arith.constant 0 : i32
      %dma_start3A_165 = tpu.memref_slice %arg13[%add3A_56, %dma_start3A_164] : memref<15056x128xf32, #tpu.memory_space<vmem_shared>> -> memref<32x128xf32, #tpu.memory_space<vmem_shared>>
      %dma_start3A_166 = arith.constant 0 : i32
      %dma_start3A_167 = tpu.memref_slice %arg13[%add3A_56, %dma_start3A_166] : memref<15056x128xf32, #tpu.memory_space<vmem_shared>> -> memref<32x128xf32, #tpu.memory_space<vmem_shared>>
      tpu.enqueue_dma source(%arg9 : memref<32x128xf32, #tpu.memory_space<vmem>>) target(%dma_start3A_167 : memref<32x128xf32, #tpu.memory_space<vmem_shared>>) target_semaphore(%run_scoped3A : memref<!tpu.dma_semaphore, #tpu.memory_space<semaphore_mem>>)
      %dma_wait3A_168 = arith.constant 0 : i32
      %dma_wait3A_169 = tpu.memref_slice %arg13[%add3A_56, %dma_wait3A_168] : memref<15056x128xf32, #tpu.memory_space<vmem_shared>> -> memref<32x128xf32, #tpu.memory_space<vmem_shared>>
      %dma_wait3A_170 = arith.constant 0 : i32
      %dma_wait3A_171 = tpu.memref_slice %arg13[%add3A_56, %dma_wait3A_170] : memref<15056x128xf32, #tpu.memory_space<vmem_shared>> -> memref<32x128xf32, #tpu.memory_space<vmem_shared>>
      tpu.wait_dma2 semaphore(%run_scoped3A : memref<!tpu.dma_semaphore, #tpu.memory_space<semaphore_mem>>) src(%arg9 : memref<32x128xf32, #tpu.memory_space<vmem>>) dst(%dma_wait3A_171 : memref<32x128xf32, #tpu.memory_space<vmem_shared>>)
      tpu.yield
    }) : () -> ()
    %add3A_57 = arith.constant 768 : i32
    %add3A_58 = arith.addi %min3A_9, %add3A_57 : i32
    "tpu.region"() ({
      %run_scoped3A = tpu.sem_alloc : memref<!tpu.dma_semaphore, #tpu.memory_space<semaphore_mem>>
      %dma_start3A_164 = arith.constant 0 : i32
      %dma_start3A_165 = tpu.memref_slice %arg13[%add3A_58, %dma_start3A_164] : memref<15056x128xf32, #tpu.memory_space<vmem_shared>> -> memref<32x128xf32, #tpu.memory_space<vmem_shared>>
      %dma_start3A_166 = arith.constant 0 : i32
      %dma_start3A_167 = tpu.memref_slice %arg13[%add3A_58, %dma_start3A_166] : memref<15056x128xf32, #tpu.memory_space<vmem_shared>> -> memref<32x128xf32, #tpu.memory_space<vmem_shared>>
      tpu.enqueue_dma source(%arg9 : memref<32x128xf32, #tpu.memory_space<vmem>>) target(%dma_start3A_167 : memref<32x128xf32, #tpu.memory_space<vmem_shared>>) target_semaphore(%run_scoped3A : memref<!tpu.dma_semaphore, #tpu.memory_space<semaphore_mem>>)
      %dma_wait3A_168 = arith.constant 0 : i32
      %dma_wait3A_169 = tpu.memref_slice %arg13[%add3A_58, %dma_wait3A_168] : memref<15056x128xf32, #tpu.memory_space<vmem_shared>> -> memref<32x128xf32, #tpu.memory_space<vmem_shared>>
      %dma_wait3A_170 = arith.constant 0 : i32
      %dma_wait3A_171 = tpu.memref_slice %arg13[%add3A_58, %dma_wait3A_170] : memref<15056x128xf32, #tpu.memory_space<vmem_shared>> -> memref<32x128xf32, #tpu.memory_space<vmem_shared>>
      tpu.wait_dma2 semaphore(%run_scoped3A : memref<!tpu.dma_semaphore, #tpu.memory_space<semaphore_mem>>) src(%arg9 : memref<32x128xf32, #tpu.memory_space<vmem>>) dst(%dma_wait3A_171 : memref<32x128xf32, #tpu.memory_space<vmem_shared>>)
      tpu.yield
    }) : () -> ()
    %add3A_59 = arith.constant 800 : i32
    %add3A_60 = arith.addi %min3A_9, %add3A_59 : i32
    "tpu.region"() ({
      %run_scoped3A = tpu.sem_alloc : memref<!tpu.dma_semaphore, #tpu.memory_space<semaphore_mem>>
      %dma_start3A_164 = arith.constant 0 : i32
      %dma_start3A_165 = tpu.memref_slice %arg13[%add3A_60, %dma_start3A_164] : memref<15056x128xf32, #tpu.memory_space<vmem_shared>> -> memref<32x128xf32, #tpu.memory_space<vmem_shared>>
      %dma_start3A_166 = arith.constant 0 : i32
      %dma_start3A_167 = tpu.memref_slice %arg13[%add3A_60, %dma_start3A_166] : memref<15056x128xf32, #tpu.memory_space<vmem_shared>> -> memref<32x128xf32, #tpu.memory_space<vmem_shared>>
      tpu.enqueue_dma source(%arg9 : memref<32x128xf32, #tpu.memory_space<vmem>>) target(%dma_start3A_167 : memref<32x128xf32, #tpu.memory_space<vmem_shared>>) target_semaphore(%run_scoped3A : memref<!tpu.dma_semaphore, #tpu.memory_space<semaphore_mem>>)
      %dma_wait3A_168 = arith.constant 0 : i32
      %dma_wait3A_169 = tpu.memref_slice %arg13[%add3A_60, %dma_wait3A_168] : memref<15056x128xf32, #tpu.memory_space<vmem_shared>> -> memref<32x128xf32, #tpu.memory_space<vmem_shared>>
      %dma_wait3A_170 = arith.constant 0 : i32
      %dma_wait3A_171 = tpu.memref_slice %arg13[%add3A_60, %dma_wait3A_170] : memref<15056x128xf32, #tpu.memory_space<vmem_shared>> -> memref<32x128xf32, #tpu.memory_space<vmem_shared>>
      tpu.wait_dma2 semaphore(%run_scoped3A : memref<!tpu.dma_semaphore, #tpu.memory_space<semaphore_mem>>) src(%arg9 : memref<32x128xf32, #tpu.memory_space<vmem>>) dst(%dma_wait3A_171 : memref<32x128xf32, #tpu.memory_space<vmem_shared>>)
      tpu.yield
    }) : () -> ()
    %add3A_61 = arith.constant 832 : i32
    %add3A_62 = arith.addi %min3A_9, %add3A_61 : i32
    "tpu.region"() ({
      %run_scoped3A = tpu.sem_alloc : memref<!tpu.dma_semaphore, #tpu.memory_space<semaphore_mem>>
      %dma_start3A_164 = arith.constant 0 : i32
      %dma_start3A_165 = tpu.memref_slice %arg13[%add3A_62, %dma_start3A_164] : memref<15056x128xf32, #tpu.memory_space<vmem_shared>> -> memref<32x128xf32, #tpu.memory_space<vmem_shared>>
      %dma_start3A_166 = arith.constant 0 : i32
      %dma_start3A_167 = tpu.memref_slice %arg13[%add3A_62, %dma_start3A_166] : memref<15056x128xf32, #tpu.memory_space<vmem_shared>> -> memref<32x128xf32, #tpu.memory_space<vmem_shared>>
      tpu.enqueue_dma source(%arg9 : memref<32x128xf32, #tpu.memory_space<vmem>>) target(%dma_start3A_167 : memref<32x128xf32, #tpu.memory_space<vmem_shared>>) target_semaphore(%run_scoped3A : memref<!tpu.dma_semaphore, #tpu.memory_space<semaphore_mem>>)
      %dma_wait3A_168 = arith.constant 0 : i32
      %dma_wait3A_169 = tpu.memref_slice %arg13[%add3A_62, %dma_wait3A_168] : memref<15056x128xf32, #tpu.memory_space<vmem_shared>> -> memref<32x128xf32, #tpu.memory_space<vmem_shared>>
      %dma_wait3A_170 = arith.constant 0 : i32
      %dma_wait3A_171 = tpu.memref_slice %arg13[%add3A_62, %dma_wait3A_170] : memref<15056x128xf32, #tpu.memory_space<vmem_shared>> -> memref<32x128xf32, #tpu.memory_space<vmem_shared>>
      tpu.wait_dma2 semaphore(%run_scoped3A : memref<!tpu.dma_semaphore, #tpu.memory_space<semaphore_mem>>) src(%arg9 : memref<32x128xf32, #tpu.memory_space<vmem>>) dst(%dma_wait3A_171 : memref<32x128xf32, #tpu.memory_space<vmem_shared>>)
      tpu.yield
    }) : () -> ()
    %add3A_63 = arith.constant 864 : i32
    %add3A_64 = arith.addi %min3A_9, %add3A_63 : i32
    "tpu.region"() ({
      %run_scoped3A = tpu.sem_alloc : memref<!tpu.dma_semaphore, #tpu.memory_space<semaphore_mem>>
      %dma_start3A_164 = arith.constant 0 : i32
      %dma_start3A_165 = tpu.memref_slice %arg13[%add3A_64, %dma_start3A_164] : memref<15056x128xf32, #tpu.memory_space<vmem_shared>> -> memref<32x128xf32, #tpu.memory_space<vmem_shared>>
      %dma_start3A_166 = arith.constant 0 : i32
      %dma_start3A_167 = tpu.memref_slice %arg13[%add3A_64, %dma_start3A_166] : memref<15056x128xf32, #tpu.memory_space<vmem_shared>> -> memref<32x128xf32, #tpu.memory_space<vmem_shared>>
      tpu.enqueue_dma source(%arg9 : memref<32x128xf32, #tpu.memory_space<vmem>>) target(%dma_start3A_167 : memref<32x128xf32, #tpu.memory_space<vmem_shared>>) target_semaphore(%run_scoped3A : memref<!tpu.dma_semaphore, #tpu.memory_space<semaphore_mem>>)
      %dma_wait3A_168 = arith.constant 0 : i32
      %dma_wait3A_169 = tpu.memref_slice %arg13[%add3A_64, %dma_wait3A_168] : memref<15056x128xf32, #tpu.memory_space<vmem_shared>> -> memref<32x128xf32, #tpu.memory_space<vmem_shared>>
      %dma_wait3A_170 = arith.constant 0 : i32
      %dma_wait3A_171 = tpu.memref_slice %arg13[%add3A_64, %dma_wait3A_170] : memref<15056x128xf32, #tpu.memory_space<vmem_shared>> -> memref<32x128xf32, #tpu.memory_space<vmem_shared>>
      tpu.wait_dma2 semaphore(%run_scoped3A : memref<!tpu.dma_semaphore, #tpu.memory_space<semaphore_mem>>) src(%arg9 : memref<32x128xf32, #tpu.memory_space<vmem>>) dst(%dma_wait3A_171 : memref<32x128xf32, #tpu.memory_space<vmem_shared>>)
      tpu.yield
    }) : () -> ()
    %add3A_65 = arith.constant 896 : i32
    %add3A_66 = arith.addi %min3A_9, %add3A_65 : i32
    "tpu.region"() ({
      %run_scoped3A = tpu.sem_alloc : memref<!tpu.dma_semaphore, #tpu.memory_space<semaphore_mem>>
      %dma_start3A_164 = arith.constant 0 : i32
      %dma_start3A_165 = tpu.memref_slice %arg13[%add3A_66, %dma_start3A_164] : memref<15056x128xf32, #tpu.memory_space<vmem_shared>> -> memref<32x128xf32, #tpu.memory_space<vmem_shared>>
      %dma_start3A_166 = arith.constant 0 : i32
      %dma_start3A_167 = tpu.memref_slice %arg13[%add3A_66, %dma_start3A_166] : memref<15056x128xf32, #tpu.memory_space<vmem_shared>> -> memref<32x128xf32, #tpu.memory_space<vmem_shared>>
      tpu.enqueue_dma source(%arg9 : memref<32x128xf32, #tpu.memory_space<vmem>>) target(%dma_start3A_167 : memref<32x128xf32, #tpu.memory_space<vmem_shared>>) target_semaphore(%run_scoped3A : memref<!tpu.dma_semaphore, #tpu.memory_space<semaphore_mem>>)
      %dma_wait3A_168 = arith.constant 0 : i32
      %dma_wait3A_169 = tpu.memref_slice %arg13[%add3A_66, %dma_wait3A_168] : memref<15056x128xf32, #tpu.memory_space<vmem_shared>> -> memref<32x128xf32, #tpu.memory_space<vmem_shared>>
      %dma_wait3A_170 = arith.constant 0 : i32
      %dma_wait3A_171 = tpu.memref_slice %arg13[%add3A_66, %dma_wait3A_170] : memref<15056x128xf32, #tpu.memory_space<vmem_shared>> -> memref<32x128xf32, #tpu.memory_space<vmem_shared>>
      tpu.wait_dma2 semaphore(%run_scoped3A : memref<!tpu.dma_semaphore, #tpu.memory_space<semaphore_mem>>) src(%arg9 : memref<32x128xf32, #tpu.memory_space<vmem>>) dst(%dma_wait3A_171 : memref<32x128xf32, #tpu.memory_space<vmem_shared>>)
      tpu.yield
    }) : () -> ()
    %add3A_67 = arith.constant 928 : i32
    %add3A_68 = arith.addi %min3A_9, %add3A_67 : i32
    "tpu.region"() ({
      %run_scoped3A = tpu.sem_alloc : memref<!tpu.dma_semaphore, #tpu.memory_space<semaphore_mem>>
      %dma_start3A_164 = arith.constant 0 : i32
      %dma_start3A_165 = arith.constant 0 : i32
      %dma_start3A_166 = tpu.memref_slice %arg9[%dma_start3A_164, %dma_start3A_165] : memref<32x128xf32, #tpu.memory_space<vmem>> -> memref<16x128xf32, #tpu.memory_space<vmem>>
      %dma_start3A_167 = arith.constant 0 : i32
      %dma_start3A_168 = tpu.memref_slice %arg13[%add3A_68, %dma_start3A_167] : memref<15056x128xf32, #tpu.memory_space<vmem_shared>> -> memref<16x128xf32, #tpu.memory_space<vmem_shared>>
      %dma_start3A_169 = arith.constant 0 : i32
      %dma_start3A_170 = tpu.memref_slice %arg13[%add3A_68, %dma_start3A_169] : memref<15056x128xf32, #tpu.memory_space<vmem_shared>> -> memref<16x128xf32, #tpu.memory_space<vmem_shared>>
      %dma_start3A_171 = arith.constant 0 : i32
      %dma_start3A_172 = arith.constant 0 : i32
      %dma_start3A_173 = tpu.memref_slice %arg9[%dma_start3A_171, %dma_start3A_172] : memref<32x128xf32, #tpu.memory_space<vmem>> -> memref<16x128xf32, #tpu.memory_space<vmem>>
      tpu.enqueue_dma source(%dma_start3A_173 : memref<16x128xf32, #tpu.memory_space<vmem>>) target(%dma_start3A_170 : memref<16x128xf32, #tpu.memory_space<vmem_shared>>) target_semaphore(%run_scoped3A : memref<!tpu.dma_semaphore, #tpu.memory_space<semaphore_mem>>)
      %dma_wait3A_174 = arith.constant 0 : i32
      %dma_wait3A_175 = arith.constant 0 : i32
      %dma_wait3A_176 = tpu.memref_slice %arg9[%dma_wait3A_174, %dma_wait3A_175] : memref<32x128xf32, #tpu.memory_space<vmem>> -> memref<16x128xf32, #tpu.memory_space<vmem>>
      %dma_wait3A_177 = arith.constant 0 : i32
      %dma_wait3A_178 = tpu.memref_slice %arg13[%add3A_68, %dma_wait3A_177] : memref<15056x128xf32, #tpu.memory_space<vmem_shared>> -> memref<16x128xf32, #tpu.memory_space<vmem_shared>>
      %dma_wait3A_179 = arith.constant 0 : i32
      %dma_wait3A_180 = tpu.memref_slice %arg13[%add3A_68, %dma_wait3A_179] : memref<15056x128xf32, #tpu.memory_space<vmem_shared>> -> memref<16x128xf32, #tpu.memory_space<vmem_shared>>
      %dma_wait3A_181 = arith.constant 0 : i32
      %dma_wait3A_182 = arith.constant 0 : i32
      %dma_wait3A_183 = tpu.memref_slice %arg9[%dma_wait3A_181, %dma_wait3A_182] : memref<32x128xf32, #tpu.memory_space<vmem>> -> memref<16x128xf32, #tpu.memory_space<vmem>>
      tpu.wait_dma2 semaphore(%run_scoped3A : memref<!tpu.dma_semaphore, #tpu.memory_space<semaphore_mem>>) src(%dma_wait3A_183 : memref<16x128xf32, #tpu.memory_space<vmem>>) dst(%dma_wait3A_180 : memref<16x128xf32, #tpu.memory_space<vmem_shared>>)
      tpu.yield
    }) : () -> ()
    %barrier3A = arith.constant 0 : index
    tpu.barrier barrier_id(%barrier3A)
    "tpu.region"() ({
      %run_scoped3A = tpu.sem_alloc : memref<!tpu.dma_semaphore, #tpu.memory_space<semaphore_mem>>
      %dma_start3A_164 = arith.constant 0 : i32
      %dma_start3A_165 = arith.constant 0 : i32
      %dma_start3A_166 = tpu.memref_slice %arg2[%arg1, %dma_start3A_164, %dma_start3A_165] : memref<10016x3x32xi32, #tpu.memory_space<hbm>> -> memref<1x3x32xi32, #tpu.memory_space<hbm>>
      %dma_start3A_167 = tpu.memref_squeeze %dma_start3A_166 : memref<1x3x32xi32, #tpu.memory_space<hbm>> -> memref<3x32xi32, #tpu.memory_space<hbm>>
      %dma_start3A_168 = arith.constant 0 : i32
      %dma_start3A_169 = arith.constant 0 : i32
      %dma_start3A_170 = tpu.memref_slice %arg2[%arg1, %dma_start3A_168, %dma_start3A_169] : memref<10016x3x32xi32, #tpu.memory_space<hbm>> -> memref<1x3x32xi32, #tpu.memory_space<hbm>>
      %dma_start3A_171 = tpu.memref_squeeze %dma_start3A_170 : memref<1x3x32xi32, #tpu.memory_space<hbm>> -> memref<3x32xi32, #tpu.memory_space<hbm>>
      tpu.enqueue_dma source(%dma_start3A_171 : memref<3x32xi32, #tpu.memory_space<hbm>>) target(%arg5 : memref<3x32xi32, #tpu.memory_space<vmem>>) target_semaphore(%run_scoped3A : memref<!tpu.dma_semaphore, #tpu.memory_space<semaphore_mem>>)
      %dma_wait3A_172 = arith.constant 0 : i32
      %dma_wait3A_173 = arith.constant 0 : i32
      %dma_wait3A_174 = tpu.memref_slice %arg2[%arg1, %dma_wait3A_172, %dma_wait3A_173] : memref<10016x3x32xi32, #tpu.memory_space<hbm>> -> memref<1x3x32xi32, #tpu.memory_space<hbm>>
      %dma_wait3A_175 = tpu.memref_squeeze %dma_wait3A_174 : memref<1x3x32xi32, #tpu.memory_space<hbm>> -> memref<3x32xi32, #tpu.memory_space<hbm>>
      %dma_wait3A_176 = arith.constant 0 : i32
      %dma_wait3A_177 = arith.constant 0 : i32
      %dma_wait3A_178 = tpu.memref_slice %arg2[%arg1, %dma_wait3A_176, %dma_wait3A_177] : memref<10016x3x32xi32, #tpu.memory_space<hbm>> -> memref<1x3x32xi32, #tpu.memory_space<hbm>>
      %dma_wait3A_179 = tpu.memref_squeeze %dma_wait3A_178 : memref<1x3x32xi32, #tpu.memory_space<hbm>> -> memref<3x32xi32, #tpu.memory_space<hbm>>
      tpu.wait_dma2 semaphore(%run_scoped3A : memref<!tpu.dma_semaphore, #tpu.memory_space<semaphore_mem>>) src(%dma_wait3A_179 : memref<3x32xi32, #tpu.memory_space<hbm>>) dst(%arg5 : memref<3x32xi32, #tpu.memory_space<vmem>>)
      tpu.yield
    }) : () -> ()
    %get3A = arith.constant 1 : i32
    %get3A_69 = arith.index_cast %get3A : i32 to index
    %get3A_70 = arith.constant 0 : index
    %get3A_71 = tpu.vector_load %arg5[%get3A_69, %get3A_70] {strides = array<i32>} : memref<3x32xi32, #tpu.memory_space<vmem>>, vector<1x16xi32>,
    %get3A_72 = vector.shape_cast %get3A_71 : vector<1x16xi32> to vector<16xi32>
    %get3A_73 = arith.constant 2 : i32
    %get3A_74 = arith.index_cast %get3A_73 : i32 to index
    %get3A_75 = arith.constant 0 : index
    %get3A_76 = tpu.vector_load %arg5[%get3A_74, %get3A_75] {strides = array<i32>} : memref<3x32xi32, #tpu.memory_space<vmem>>, vector<1x16xi32>,
    %get3A_77 = vector.shape_cast %get3A_76 : vector<1x16xi32> to vector<16xi32>
    %sub3A = vector.broadcast %mul3A_0 : i32 to vector<16xi32>
    %sub3A_78 = arith.subi %get3A_72, %sub3A : vector<16xi32>
    %ge3A = arith.constant 0 : i32
    %ge3A_79 = vector.broadcast %ge3A : i32 to vector<16xi32>
    %ge3A_80 = arith.cmpi sge, %sub3A_78, %ge3A_79 : vector<16xi32>
    %lt3A = arith.constant 5000 : i32
    %lt3A_81 = vector.broadcast %lt3A : i32 to vector<16xi32>
    %lt3A_82 = arith.cmpi slt, %sub3A_78, %lt3A_81 : vector<16xi32>
    %and3A = arith.andi %ge3A_80, %lt3A_82 : vector<16xi1>
    %add3A_83 = arith.constant 0 : i32
    %add3A_84 = vector.broadcast %add3A_83 : i32 to vector<16xi32>
    %add3A_85 = arith.addi %iota3A, %add3A_84 : vector<16xi32>
    %and3A_86 = arith.constant 31 : i32
    %and3A_87 = vector.broadcast %and3A_86 : i32 to vector<16xi32>
    %and3A_88 = arith.andi %add3A_85, %and3A_87 : vector<16xi32>
    %add3A_89 = arith.constant 15024 : i32
    %add3A_90 = vector.broadcast %add3A_89 : i32 to vector<16xi32>
    %add3A_91 = arith.addi %add3A_90, %and3A_88 : vector<16xi32>
    %mul3A_92 = arith.constant 5008 : i32
    %mul3A_93 = vector.broadcast %mul3A_92 : i32 to vector<16xi32>
    %mul3A_94 = arith.muli %get3A_77, %mul3A_93 : vector<16xi32>
    %add3A_95 = arith.addi %mul3A_94, %sub3A_78 : vector<16xi32>
    %select_n3A = arith.select %and3A, %add3A_95, %add3A_91 : vector<16xi1>, vector<16xi32>
    %swap3A = arith.constant 0 : i32
    %swap3A_96 = arith.index_cast %swap3A : i32 to index
    %swap3A_97 = arith.constant 0 : index
    %swap3A_98 = tpu.vector_load %arg7[%swap3A_96, %swap3A_97] {strides = array<i32>} : memref<1x32xi32, #tpu.memory_space<vmem>>, vector<1x16xi32>,
    %swap3A_99 = vector.shape_cast %swap3A_98 : vector<1x16xi32> to vector<16xi32>
    %swap3A_100 = vector.shape_cast %select_n3A : vector<16xi32> to vector<1x16xi32>
    tpu.vector_store %arg7[%swap3A_96, %swap3A_97], %swap3A_100 {strides = array<i32>} : memref<1x32xi32, #tpu.memory_space<vmem>>, vector<1x16xi32>,
    %get3A_101 = arith.constant 1 : i32
    %get3A_102 = arith.index_cast %get3A_101 : i32 to index
    %get3A_103 = arith.constant 16 : index
    %get3A_104 = tpu.vector_load %arg5[%get3A_102, %get3A_103] {strides = array<i32>} : memref<3x32xi32, #tpu.memory_space<vmem>>, vector<1x16xi32>,
    %get3A_105 = vector.shape_cast %get3A_104 : vector<1x16xi32> to vector<16xi32>
    %get3A_106 = arith.constant 2 : i32
    %get3A_107 = arith.index_cast %get3A_106 : i32 to index
    %get3A_108 = arith.constant 16 : index
    %get3A_109 = tpu.vector_load %arg5[%get3A_107, %get3A_108] {strides = array<i32>} : memref<3x32xi32, #tpu.memory_space<vmem>>, vector<1x16xi32>,
    %get3A_110 = vector.shape_cast %get3A_109 : vector<1x16xi32> to vector<16xi32>
    %sub3A_111 = vector.broadcast %mul3A_0 : i32 to vector<16xi32>
    %sub3A_112 = arith.subi %get3A_105, %sub3A_111 : vector<16xi32>
    %ge3A_113 = arith.constant 0 : i32
    %ge3A_114 = vector.broadcast %ge3A_113 : i32 to vector<16xi32>
    %ge3A_115 = arith.cmpi sge, %sub3A_112, %ge3A_114 : vector<16xi32>
    %lt3A_116 = arith.constant 5000 : i32
    %lt3A_117 = vector.broadcast %lt3A_116 : i32 to vector<16xi32>
    %lt3A_118 = arith.cmpi slt, %sub3A_112, %lt3A_117 : vector<16xi32>
    %and3A_119 = arith.andi %ge3A_115, %lt3A_118 : vector<16xi1>
    %add3A_120 = arith.constant 16 : i32
    %add3A_121 = vector.broadcast %add3A_120 : i32 to vector<16xi32>
    %add3A_122 = arith.addi %iota3A, %add3A_121 : vector<16xi32>
    %and3A_123 = arith.constant 31 : i32
    %and3A_124 = vector.broadcast %and3A_123 : i32 to vector<16xi32>
    %and3A_125 = arith.andi %add3A_122, %and3A_124 : vector<16xi32>
    %add3A_126 = arith.constant 15024 : i32
    %add3A_127 = vector.broadcast %add3A_126 : i32 to vector<16xi32>
    %add3A_128 = arith.addi %add3A_127, %and3A_125 : vector<16xi32>
    %mul3A_129 = arith.constant 5008 : i32
    %mul3A_130 = vector.broadcast %mul3A_129 : i32 to vector<16xi32>
    %mul3A_131 = arith.muli %get3A_110, %mul3A_130 : vector<16xi32>
    %add3A_132 = arith.addi %mul3A_131, %sub3A_112 : vector<16xi32>
    %select_n3A_133 = arith.select %and3A_119, %add3A_132, %add3A_128 : vector<16xi1>, vector<16xi32>
    %swap3A_134 = arith.constant 0 : i32
    %swap3A_135 = arith.index_cast %swap3A_134 : i32 to index
    %swap3A_136 = arith.constant 16 : index
    %swap3A_137 = tpu.vector_load %arg7[%swap3A_135, %swap3A_136] {strides = array<i32>} : memref<1x32xi32, #tpu.memory_space<vmem>>, vector<1x16xi32>,
    %swap3A_138 = vector.shape_cast %swap3A_137 : vector<1x16xi32> to vector<16xi32>
    %swap3A_139 = vector.shape_cast %select_n3A_133 : vector<16xi32> to vector<1x16xi32>
    tpu.vector_store %arg7[%swap3A_135, %swap3A_136], %swap3A_139 {strides = array<i32>} : memref<1x32xi32, #tpu.memory_space<vmem>>, vector<1x16xi32>,
    %dma_start3A = arith.constant 0 : i32
    %dma_start3A_140 = arith.constant 0 : i32
    %dma_start3A_141 = tpu.memref_slice %arg5[%dma_start3A, %dma_start3A_140] : memref<3x32xi32, #tpu.memory_space<vmem>> -> memref<1x32xi32, #tpu.memory_space<vmem>>
    %dma_start3A_142 = tpu.memref_squeeze %dma_start3A_141 : memref<1x32xi32, #tpu.memory_space<vmem>> -> memref<32xi32, #tpu.memory_space<vmem>>
    %dma_start3A_143 = arith.constant 0 : i32
    %dma_start3A_144 = arith.constant 0 : i32
    %dma_start3A_145 = tpu.memref_slice %arg3[%dma_start3A_143, %dma_start3A_144] : memref<10000x128xf32, #tpu.memory_space<hbm>> -> memref<10000x128xf32, #tpu.memory_space<hbm>>
    tpu.enqueue_indirect_dma source(%dma_start3A_145 : memref<10000x128xf32, #tpu.memory_space<hbm>>) target(%arg9 : memref<32x128xf32, #tpu.memory_space<vmem>>) offsets(%dma_start3A_142 : memref<32xi32, #tpu.memory_space<vmem>>) semaphore(%arg11 : memref<!tpu.dma_semaphore, #tpu.memory_space<semaphore_mem>>)
    %scan3A_146 = arith.constant 0 : i32
    %scan3A_147 = arith.constant 0 : i32
    %scan3A_148 = arith.constant 313 : i32
    %scan3A_149 = arith.addi %scan3A_147, %scan3A_148 : i32
    %scan3A_150 = arith.constant 1 : i32
    %scan3A_151 = scf.for %scan3A_164 = %scan3A_147 to %scan3A_149 step %scan3A_150 iter_args(%scan3A_165 = %scan3A_146) -> (i32)  : i32 {
      %mul3A_166 = arith.constant 2 : i32
      %mul3A_167 = arith.muli %mul3A_166, %scan3A_164 : i32
      %add3A_168 = arith.constant 1 : i32
      %add3A_169 = arith.addi %mul3A_167, %add3A_168 : i32
      %mul3A_170 = arith.constant 16 : i32
      %mul3A_171 = arith.muli %add3A_169, %mul3A_170 : i32
      %add3A_172 = arith.addi %arg1, %mul3A_171 : i32
      "tpu.region"() ({
        %run_scoped3A_366 = tpu.sem_alloc : memref<!tpu.dma_semaphore, #tpu.memory_space<semaphore_mem>>
        %dma_start3A_367 = arith.constant 0 : i32
        %dma_start3A_368 = arith.constant 0 : i32
        %dma_start3A_369 = tpu.memref_slice %arg2[%add3A_172, %dma_start3A_367, %dma_start3A_368] : memref<10016x3x32xi32, #tpu.memory_space<hbm>> -> memref<1x3x32xi32, #tpu.memory_space<hbm>>
        %dma_start3A_370 = tpu.memref_squeeze %dma_start3A_369 : memref<1x3x32xi32, #tpu.memory_space<hbm>> -> memref<3x32xi32, #tpu.memory_space<hbm>>
        %dma_start3A_371 = arith.constant 0 : i32
        %dma_start3A_372 = arith.constant 0 : i32
        %dma_start3A_373 = tpu.memref_slice %arg2[%add3A_172, %dma_start3A_371, %dma_start3A_372] : memref<10016x3x32xi32, #tpu.memory_space<hbm>> -> memref<1x3x32xi32, #tpu.memory_space<hbm>>
        %dma_start3A_374 = tpu.memref_squeeze %dma_start3A_373 : memref<1x3x32xi32, #tpu.memory_space<hbm>> -> memref<3x32xi32, #tpu.memory_space<hbm>>
        tpu.enqueue_dma source(%dma_start3A_374 : memref<3x32xi32, #tpu.memory_space<hbm>>) target(%arg6 : memref<3x32xi32, #tpu.memory_space<vmem>>) target_semaphore(%run_scoped3A_366 : memref<!tpu.dma_semaphore, #tpu.memory_space<semaphore_mem>>)
        %dma_wait3A_375 = arith.constant 0 : i32
        %dma_wait3A_376 = arith.constant 0 : i32
        %dma_wait3A_377 = tpu.memref_slice %arg2[%add3A_172, %dma_wait3A_375, %dma_wait3A_376] : memref<10016x3x32xi32, #tpu.memory_space<hbm>> -> memref<1x3x32xi32, #tpu.memory_space<hbm>>
        %dma_wait3A_378 = tpu.memref_squeeze %dma_wait3A_377 : memref<1x3x32xi32, #tpu.memory_space<hbm>> -> memref<3x32xi32, #tpu.memory_space<hbm>>
        %dma_wait3A_379 = arith.constant 0 : i32
        %dma_wait3A_380 = arith.constant 0 : i32
        %dma_wait3A_381 = tpu.memref_slice %arg2[%add3A_172, %dma_wait3A_379, %dma_wait3A_380] : memref<10016x3x32xi32, #tpu.memory_space<hbm>> -> memref<1x3x32xi32, #tpu.memory_space<hbm>>
        %dma_wait3A_382 = tpu.memref_squeeze %dma_wait3A_381 : memref<1x3x32xi32, #tpu.memory_space<hbm>> -> memref<3x32xi32, #tpu.memory_space<hbm>>
        tpu.wait_dma2 semaphore(%run_scoped3A_366 : memref<!tpu.dma_semaphore, #tpu.memory_space<semaphore_mem>>) src(%dma_wait3A_382 : memref<3x32xi32, #tpu.memory_space<hbm>>) dst(%arg6 : memref<3x32xi32, #tpu.memory_space<vmem>>)
        tpu.yield
      }) : () -> ()
      %get3A_173 = arith.constant 1 : i32
      %get3A_174 = arith.index_cast %get3A_173 : i32 to index
      %get3A_175 = arith.constant 0 : index
      %get3A_176 = tpu.vector_load %arg6[%get3A_174, %get3A_175] {strides = array<i32>} : memref<3x32xi32, #tpu.memory_space<vmem>>, vector<1x16xi32>,
      %get3A_177 = vector.shape_cast %get3A_176 : vector<1x16xi32> to vector<16xi32>
      %get3A_178 = arith.constant 2 : i32
      %get3A_179 = arith.index_cast %get3A_178 : i32 to index
      %get3A_180 = arith.constant 0 : index
      %get3A_181 = tpu.vector_load %arg6[%get3A_179, %get3A_180] {strides = array<i32>} : memref<3x32xi32, #tpu.memory_space<vmem>>, vector<1x16xi32>,
      %get3A_182 = vector.shape_cast %get3A_181 : vector<1x16xi32> to vector<16xi32>
      %sub3A_183 = vector.broadcast %mul3A_0 : i32 to vector<16xi32>
      %sub3A_184 = arith.subi %get3A_177, %sub3A_183 : vector<16xi32>
      %ge3A_185 = arith.constant 0 : i32
      %ge3A_186 = vector.broadcast %ge3A_185 : i32 to vector<16xi32>
      %ge3A_187 = arith.cmpi sge, %sub3A_184, %ge3A_186 : vector<16xi32>
      %lt3A_188 = arith.constant 5000 : i32
      %lt3A_189 = vector.broadcast %lt3A_188 : i32 to vector<16xi32>
      %lt3A_190 = arith.cmpi slt, %sub3A_184, %lt3A_189 : vector<16xi32>
      %and3A_191 = arith.andi %ge3A_187, %lt3A_190 : vector<16xi1>
      %add3A_192 = arith.constant 0 : i32
      %add3A_193 = vector.broadcast %add3A_192 : i32 to vector<16xi32>
      %add3A_194 = arith.addi %iota3A, %add3A_193 : vector<16xi32>
      %and3A_195 = arith.constant 31 : i32
      %and3A_196 = vector.broadcast %and3A_195 : i32 to vector<16xi32>
      %and3A_197 = arith.andi %add3A_194, %and3A_196 : vector<16xi32>
      %add3A_198 = arith.constant 15024 : i32
      %add3A_199 = vector.broadcast %add3A_198 : i32 to vector<16xi32>
      %add3A_200 = arith.addi %add3A_199, %and3A_197 : vector<16xi32>
      %mul3A_201 = arith.constant 5008 : i32
      %mul3A_202 = vector.broadcast %mul3A_201 : i32 to vector<16xi32>
      %mul3A_203 = arith.muli %get3A_182, %mul3A_202 : vector<16xi32>
      %add3A_204 = arith.addi %mul3A_203, %sub3A_184 : vector<16xi32>
      %select_n3A_205 = arith.select %and3A_191, %add3A_204, %add3A_200 : vector<16xi1>, vector<16xi32>
      %swap3A_206 = arith.constant 0 : i32
      %swap3A_207 = arith.index_cast %swap3A_206 : i32 to index
      %swap3A_208 = arith.constant 0 : index
      %swap3A_209 = tpu.vector_load %arg8[%swap3A_207, %swap3A_208] {strides = array<i32>} : memref<1x32xi32, #tpu.memory_space<vmem>>, vector<1x16xi32>,
      %swap3A_210 = vector.shape_cast %swap3A_209 : vector<1x16xi32> to vector<16xi32>
      %swap3A_211 = vector.shape_cast %select_n3A_205 : vector<16xi32> to vector<1x16xi32>
      tpu.vector_store %arg8[%swap3A_207, %swap3A_208], %swap3A_211 {strides = array<i32>} : memref<1x32xi32, #tpu.memory_space<vmem>>, vector<1x16xi32>,
      %get3A_212 = arith.constant 1 : i32
      %get3A_213 = arith.index_cast %get3A_212 : i32 to index
      %get3A_214 = arith.constant 16 : index
      %get3A_215 = tpu.vector_load %arg6[%get3A_213, %get3A_214] {strides = array<i32>} : memref<3x32xi32, #tpu.memory_space<vmem>>, vector<1x16xi32>,
      %get3A_216 = vector.shape_cast %get3A_215 : vector<1x16xi32> to vector<16xi32>
      %get3A_217 = arith.constant 2 : i32
      %get3A_218 = arith.index_cast %get3A_217 : i32 to index
      %get3A_219 = arith.constant 16 : index
      %get3A_220 = tpu.vector_load %arg6[%get3A_218, %get3A_219] {strides = array<i32>} : memref<3x32xi32, #tpu.memory_space<vmem>>, vector<1x16xi32>,
      %get3A_221 = vector.shape_cast %get3A_220 : vector<1x16xi32> to vector<16xi32>
      %sub3A_222 = vector.broadcast %mul3A_0 : i32 to vector<16xi32>
      %sub3A_223 = arith.subi %get3A_216, %sub3A_222 : vector<16xi32>
      %ge3A_224 = arith.constant 0 : i32
      %ge3A_225 = vector.broadcast %ge3A_224 : i32 to vector<16xi32>
      %ge3A_226 = arith.cmpi sge, %sub3A_223, %ge3A_225 : vector<16xi32>
      %lt3A_227 = arith.constant 5000 : i32
      %lt3A_228 = vector.broadcast %lt3A_227 : i32 to vector<16xi32>
      %lt3A_229 = arith.cmpi slt, %sub3A_223, %lt3A_228 : vector<16xi32>
      %and3A_230 = arith.andi %ge3A_226, %lt3A_229 : vector<16xi1>
      %add3A_231 = arith.constant 16 : i32
      %add3A_232 = vector.broadcast %add3A_231 : i32 to vector<16xi32>
      %add3A_233 = arith.addi %iota3A, %add3A_232 : vector<16xi32>
      %and3A_234 = arith.constant 31 : i32
      %and3A_235 = vector.broadcast %and3A_234 : i32 to vector<16xi32>
      %and3A_236 = arith.andi %add3A_233, %and3A_235 : vector<16xi32>
      %add3A_237 = arith.constant 15024 : i32
      %add3A_238 = vector.broadcast %add3A_237 : i32 to vector<16xi32>
      %add3A_239 = arith.addi %add3A_238, %and3A_236 : vector<16xi32>
      %mul3A_240 = arith.constant 5008 : i32
      %mul3A_241 = vector.broadcast %mul3A_240 : i32 to vector<16xi32>
      %mul3A_242 = arith.muli %get3A_221, %mul3A_241 : vector<16xi32>
      %add3A_243 = arith.addi %mul3A_242, %sub3A_223 : vector<16xi32>
      %select_n3A_244 = arith.select %and3A_230, %add3A_243, %add3A_239 : vector<16xi1>, vector<16xi32>
      %swap3A_245 = arith.constant 0 : i32
      %swap3A_246 = arith.index_cast %swap3A_245 : i32 to index
      %swap3A_247 = arith.constant 16 : index
      %swap3A_248 = tpu.vector_load %arg8[%swap3A_246, %swap3A_247] {strides = array<i32>} : memref<1x32xi32, #tpu.memory_space<vmem>>, vector<1x16xi32>,
      %swap3A_249 = vector.shape_cast %swap3A_248 : vector<1x16xi32> to vector<16xi32>
      %swap3A_250 = vector.shape_cast %select_n3A_244 : vector<16xi32> to vector<1x16xi32>
      tpu.vector_store %arg8[%swap3A_246, %swap3A_247], %swap3A_250 {strides = array<i32>} : memref<1x32xi32, #tpu.memory_space<vmem>>, vector<1x16xi32>,
      %dma_start3A_251 = arith.constant 0 : i32
      %dma_start3A_252 = arith.constant 0 : i32
      %dma_start3A_253 = tpu.memref_slice %arg6[%dma_start3A_251, %dma_start3A_252] : memref<3x32xi32, #tpu.memory_space<vmem>> -> memref<1x32xi32, #tpu.memory_space<vmem>>
      %dma_start3A_254 = tpu.memref_squeeze %dma_start3A_253 : memref<1x32xi32, #tpu.memory_space<vmem>> -> memref<32xi32, #tpu.memory_space<vmem>>
      %dma_start3A_255 = arith.constant 0 : i32
      %dma_start3A_256 = arith.constant 0 : i32
      %dma_start3A_257 = tpu.memref_slice %arg3[%dma_start3A_255, %dma_start3A_256] : memref<10000x128xf32, #tpu.memory_space<hbm>> -> memref<10000x128xf32, #tpu.memory_space<hbm>>
      tpu.enqueue_indirect_dma source(%dma_start3A_257 : memref<10000x128xf32, #tpu.memory_space<hbm>>) target(%arg10 : memref<32x128xf32, #tpu.memory_space<vmem>>) offsets(%dma_start3A_254 : memref<32xi32, #tpu.memory_space<vmem>>) semaphore(%arg12 : memref<!tpu.dma_semaphore, #tpu.memory_space<semaphore_mem>>)
      %dma_wait3A_258 = arith.constant 0 : i32
      %dma_wait3A_259 = arith.constant 0 : i32
      %dma_wait3A_260 = tpu.memref_slice %arg5[%dma_wait3A_258, %dma_wait3A_259] : memref<3x32xi32, #tpu.memory_space<vmem>> -> memref<1x32xi32, #tpu.memory_space<vmem>>
      %dma_wait3A_261 = tpu.memref_squeeze %dma_wait3A_260 : memref<1x32xi32, #tpu.memory_space<vmem>> -> memref<32xi32, #tpu.memory_space<vmem>>
      %dma_wait3A_262 = arith.constant 0 : i32
      %dma_wait3A_263 = arith.constant 0 : i32
      %dma_wait3A_264 = tpu.memref_slice %arg3[%dma_wait3A_262, %dma_wait3A_263] : memref<10000x128xf32, #tpu.memory_space<hbm>> -> memref<10000x128xf32, #tpu.memory_space<hbm>>
      tpu.wait_indirect_dma semaphore(%arg11 : memref<!tpu.dma_semaphore, #tpu.memory_space<semaphore_mem>>) src(%dma_wait3A_264 : memref<10000x128xf32, #tpu.memory_space<hbm>>) dst(%arg9 : memref<32x128xf32, #tpu.memory_space<vmem>>)
      %run_scoped3A = arith.constant 0 : i32
      "tpu.region"() ({
        %run_scoped3A_366 = tpu.sem_alloc : memref<!tpu.dma_semaphore, #tpu.memory_space<semaphore_mem>>
        %dma_start3A_367 = arith.constant 0 : i32
        %dma_start3A_368 = tpu.memref_slice %arg7[%run_scoped3A, %dma_start3A_367] : memref<1x32xi32, #tpu.memory_space<vmem>> -> memref<1x32xi32, #tpu.memory_space<vmem>>
        %dma_start3A_369 = tpu.memref_squeeze %dma_start3A_368 : memref<1x32xi32, #tpu.memory_space<vmem>> -> memref<32xi32, #tpu.memory_space<vmem>>
        %dma_start3A_370 = arith.constant 0 : i32
        %dma_start3A_371 = arith.constant 0 : i32
        %dma_start3A_372 = tpu.memref_slice %arg13[%dma_start3A_370, %dma_start3A_371] : memref<15056x128xf32, #tpu.memory_space<vmem_shared>> -> memref<15056x128xf32, #tpu.memory_space<vmem_shared>>
        tpu.enqueue_indirect_dma source(%arg9 : memref<32x128xf32, #tpu.memory_space<vmem>>) target(%dma_start3A_372 : memref<15056x128xf32, #tpu.memory_space<vmem_shared>>) offsets(%dma_start3A_369 : memref<32xi32, #tpu.memory_space<vmem>>) semaphore(%run_scoped3A_366 : memref<!tpu.dma_semaphore, #tpu.memory_space<semaphore_mem>>) {add = true}
        %dma_wait3A_373 = arith.constant 0 : i32
        %dma_wait3A_374 = tpu.memref_slice %arg7[%run_scoped3A, %dma_wait3A_373] : memref<1x32xi32, #tpu.memory_space<vmem>> -> memref<1x32xi32, #tpu.memory_space<vmem>>
        %dma_wait3A_375 = tpu.memref_squeeze %dma_wait3A_374 : memref<1x32xi32, #tpu.memory_space<vmem>> -> memref<32xi32, #tpu.memory_space<vmem>>
        %dma_wait3A_376 = arith.constant 0 : i32
        %dma_wait3A_377 = arith.constant 0 : i32
        %dma_wait3A_378 = tpu.memref_slice %arg13[%dma_wait3A_376, %dma_wait3A_377] : memref<15056x128xf32, #tpu.memory_space<vmem_shared>> -> memref<15056x128xf32, #tpu.memory_space<vmem_shared>>
        tpu.wait_indirect_dma semaphore(%run_scoped3A_366 : memref<!tpu.dma_semaphore, #tpu.memory_space<semaphore_mem>>) src(%arg9 : memref<32x128xf32, #tpu.memory_space<vmem>>) dst(%dma_wait3A_378 : memref<15056x128xf32, #tpu.memory_space<vmem_shared>>)
        tpu.yield
      }) : () -> ()
      %add3A_265 = arith.constant 1 : i32
      %add3A_266 = arith.addi %add3A_169, %add3A_265 : i32
      %min3A_267 = arith.constant 625 : i32
      %min3A_268 = arith.minsi %add3A_266, %min3A_267 : i32
      %mul3A_269 = arith.constant 16 : i32
      %mul3A_270 = arith.muli %min3A_268, %mul3A_269 : i32
      %add3A_271 = arith.addi %arg1, %mul3A_270 : i32
      "tpu.region"() ({
        %run_scoped3A_366 = tpu.sem_alloc : memref<!tpu.dma_semaphore, #tpu.memory_space<semaphore_mem>>
        %dma_start3A_367 = arith.constant 0 : i32
        %dma_start3A_368 = arith.constant 0 : i32
        %dma_start3A_369 = tpu.memref_slice %arg2[%add3A_271, %dma_start3A_367, %dma_start3A_368] : memref<10016x3x32xi32, #tpu.memory_space<hbm>> -> memref<1x3x32xi32, #tpu.memory_space<hbm>>
        %dma_start3A_370 = tpu.memref_squeeze %dma_start3A_369 : memref<1x3x32xi32, #tpu.memory_space<hbm>> -> memref<3x32xi32, #tpu.memory_space<hbm>>
        %dma_start3A_371 = arith.constant 0 : i32
        %dma_start3A_372 = arith.constant 0 : i32
        %dma_start3A_373 = tpu.memref_slice %arg2[%add3A_271, %dma_start3A_371, %dma_start3A_372] : memref<10016x3x32xi32, #tpu.memory_space<hbm>> -> memref<1x3x32xi32, #tpu.memory_space<hbm>>
        %dma_start3A_374 = tpu.memref_squeeze %dma_start3A_373 : memref<1x3x32xi32, #tpu.memory_space<hbm>> -> memref<3x32xi32, #tpu.memory_space<hbm>>
        tpu.enqueue_dma source(%dma_start3A_374 : memref<3x32xi32, #tpu.memory_space<hbm>>) target(%arg5 : memref<3x32xi32, #tpu.memory_space<vmem>>) target_semaphore(%run_scoped3A_366 : memref<!tpu.dma_semaphore, #tpu.memory_space<semaphore_mem>>)
        %dma_wait3A_375 = arith.constant 0 : i32
        %dma_wait3A_376 = arith.constant 0 : i32
        %dma_wait3A_377 = tpu.memref_slice %arg2[%add3A_271, %dma_wait3A_375, %dma_wait3A_376] : memref<10016x3x32xi32, #tpu.memory_space<hbm>> -> memref<1x3x32xi32, #tpu.memory_space<hbm>>
        %dma_wait3A_378 = tpu.memref_squeeze %dma_wait3A_377 : memref<1x3x32xi32, #tpu.memory_space<hbm>> -> memref<3x32xi32, #tpu.memory_space<hbm>>
        %dma_wait3A_379 = arith.constant 0 : i32
        %dma_wait3A_380 = arith.constant 0 : i32
        %dma_wait3A_381 = tpu.memref_slice %arg2[%add3A_271, %dma_wait3A_379, %dma_wait3A_380] : memref<10016x3x32xi32, #tpu.memory_space<hbm>> -> memref<1x3x32xi32, #tpu.memory_space<hbm>>
        %dma_wait3A_382 = tpu.memref_squeeze %dma_wait3A_381 : memref<1x3x32xi32, #tpu.memory_space<hbm>> -> memref<3x32xi32, #tpu.memory_space<hbm>>
        tpu.wait_dma2 semaphore(%run_scoped3A_366 : memref<!tpu.dma_semaphore, #tpu.memory_space<semaphore_mem>>) src(%dma_wait3A_382 : memref<3x32xi32, #tpu.memory_space<hbm>>) dst(%arg5 : memref<3x32xi32, #tpu.memory_space<vmem>>)
        tpu.yield
      }) : () -> ()
      %get3A_272 = arith.constant 1 : i32
      %get3A_273 = arith.index_cast %get3A_272 : i32 to index
      %get3A_274 = arith.constant 0 : index
      %get3A_275 = tpu.vector_load %arg5[%get3A_273, %get3A_274] {strides = array<i32>} : memref<3x32xi32, #tpu.memory_space<vmem>>, vector<1x16xi32>,
      %get3A_276 = vector.shape_cast %get3A_275 : vector<1x16xi32> to vector<16xi32>
      %get3A_277 = arith.constant 2 : i32
      %get3A_278 = arith.index_cast %get3A_277 : i32 to index
      %get3A_279 = arith.constant 0 : index
      %get3A_280 = tpu.vector_load %arg5[%get3A_278, %get3A_279] {strides = array<i32>} : memref<3x32xi32, #tpu.memory_space<vmem>>, vector<1x16xi32>,
      %get3A_281 = vector.shape_cast %get3A_280 : vector<1x16xi32> to vector<16xi32>
      %sub3A_282 = vector.broadcast %mul3A_0 : i32 to vector<16xi32>
      %sub3A_283 = arith.subi %get3A_276, %sub3A_282 : vector<16xi32>
      %ge3A_284 = arith.constant 0 : i32
      %ge3A_285 = vector.broadcast %ge3A_284 : i32 to vector<16xi32>
      %ge3A_286 = arith.cmpi sge, %sub3A_283, %ge3A_285 : vector<16xi32>
      %lt3A_287 = arith.constant 5000 : i32
      %lt3A_288 = vector.broadcast %lt3A_287 : i32 to vector<16xi32>
      %lt3A_289 = arith.cmpi slt, %sub3A_283, %lt3A_288 : vector<16xi32>
      %and3A_290 = arith.andi %ge3A_286, %lt3A_289 : vector<16xi1>
      %add3A_291 = arith.constant 0 : i32
      %add3A_292 = vector.broadcast %add3A_291 : i32 to vector<16xi32>
      %add3A_293 = arith.addi %iota3A, %add3A_292 : vector<16xi32>
      %and3A_294 = arith.constant 31 : i32
      %and3A_295 = vector.broadcast %and3A_294 : i32 to vector<16xi32>
      %and3A_296 = arith.andi %add3A_293, %and3A_295 : vector<16xi32>
      %add3A_297 = arith.constant 15024 : i32
      %add3A_298 = vector.broadcast %add3A_297 : i32 to vector<16xi32>
      %add3A_299 = arith.addi %add3A_298, %and3A_296 : vector<16xi32>
      %mul3A_300 = arith.constant 5008 : i32
      %mul3A_301 = vector.broadcast %mul3A_300 : i32 to vector<16xi32>
      %mul3A_302 = arith.muli %get3A_281, %mul3A_301 : vector<16xi32>
      %add3A_303 = arith.addi %mul3A_302, %sub3A_283 : vector<16xi32>
      %select_n3A_304 = arith.select %and3A_290, %add3A_303, %add3A_299 : vector<16xi1>, vector<16xi32>
      %swap3A_305 = arith.constant 0 : i32
      %swap3A_306 = arith.index_cast %swap3A_305 : i32 to index
      %swap3A_307 = arith.constant 0 : index
      %swap3A_308 = tpu.vector_load %arg7[%swap3A_306, %swap3A_307] {strides = array<i32>} : memref<1x32xi32, #tpu.memory_space<vmem>>, vector<1x16xi32>,
      %swap3A_309 = vector.shape_cast %swap3A_308 : vector<1x16xi32> to vector<16xi32>
      %swap3A_310 = vector.shape_cast %select_n3A_304 : vector<16xi32> to vector<1x16xi32>
      tpu.vector_store %arg7[%swap3A_306, %swap3A_307], %swap3A_310 {strides = array<i32>} : memref<1x32xi32, #tpu.memory_space<vmem>>, vector<1x16xi32>,
      %get3A_311 = arith.constant 1 : i32
      %get3A_312 = arith.index_cast %get3A_311 : i32 to index
      %get3A_313 = arith.constant 16 : index
      %get3A_314 = tpu.vector_load %arg5[%get3A_312, %get3A_313] {strides = array<i32>} : memref<3x32xi32, #tpu.memory_space<vmem>>, vector<1x16xi32>,
      %get3A_315 = vector.shape_cast %get3A_314 : vector<1x16xi32> to vector<16xi32>
      %get3A_316 = arith.constant 2 : i32
      %get3A_317 = arith.index_cast %get3A_316 : i32 to index
      %get3A_318 = arith.constant 16 : index
      %get3A_319 = tpu.vector_load %arg5[%get3A_317, %get3A_318] {strides = array<i32>} : memref<3x32xi32, #tpu.memory_space<vmem>>, vector<1x16xi32>,
      %get3A_320 = vector.shape_cast %get3A_319 : vector<1x16xi32> to vector<16xi32>
      %sub3A_321 = vector.broadcast %mul3A_0 : i32 to vector<16xi32>
      %sub3A_322 = arith.subi %get3A_315, %sub3A_321 : vector<16xi32>
      %ge3A_323 = arith.constant 0 : i32
      %ge3A_324 = vector.broadcast %ge3A_323 : i32 to vector<16xi32>
      %ge3A_325 = arith.cmpi sge, %sub3A_322, %ge3A_324 : vector<16xi32>
      %lt3A_326 = arith.constant 5000 : i32
      %lt3A_327 = vector.broadcast %lt3A_326 : i32 to vector<16xi32>
      %lt3A_328 = arith.cmpi slt, %sub3A_322, %lt3A_327 : vector<16xi32>
      %and3A_329 = arith.andi %ge3A_325, %lt3A_328 : vector<16xi1>
      %add3A_330 = arith.constant 16 : i32
      %add3A_331 = vector.broadcast %add3A_330 : i32 to vector<16xi32>
      %add3A_332 = arith.addi %iota3A, %add3A_331 : vector<16xi32>
      %and3A_333 = arith.constant 31 : i32
      %and3A_334 = vector.broadcast %and3A_333 : i32 to vector<16xi32>
      %and3A_335 = arith.andi %add3A_332, %and3A_334 : vector<16xi32>
      %add3A_336 = arith.constant 15024 : i32
      %add3A_337 = vector.broadcast %add3A_336 : i32 to vector<16xi32>
      %add3A_338 = arith.addi %add3A_337, %and3A_335 : vector<16xi32>
      %mul3A_339 = arith.constant 5008 : i32
      %mul3A_340 = vector.broadcast %mul3A_339 : i32 to vector<16xi32>
      %mul3A_341 = arith.muli %get3A_320, %mul3A_340 : vector<16xi32>
      %add3A_342 = arith.addi %mul3A_341, %sub3A_322 : vector<16xi32>
      %select_n3A_343 = arith.select %and3A_329, %add3A_342, %add3A_338 : vector<16xi1>, vector<16xi32>
      %swap3A_344 = arith.constant 0 : i32
      %swap3A_345 = arith.index_cast %swap3A_344 : i32 to index
      %swap3A_346 = arith.constant 16 : index
      %swap3A_347 = tpu.vector_load %arg7[%swap3A_345, %swap3A_346] {strides = array<i32>} : memref<1x32xi32, #tpu.memory_space<vmem>>, vector<1x16xi32>,
      %swap3A_348 = vector.shape_cast %swap3A_347 : vector<1x16xi32> to vector<16xi32>
      %swap3A_349 = vector.shape_cast %select_n3A_343 : vector<16xi32> to vector<1x16xi32>
      tpu.vector_store %arg7[%swap3A_345, %swap3A_346], %swap3A_349 {strides = array<i32>} : memref<1x32xi32, #tpu.memory_space<vmem>>, vector<1x16xi32>,
      %dma_start3A_350 = arith.constant 0 : i32
      %dma_start3A_351 = arith.constant 0 : i32
      %dma_start3A_352 = tpu.memref_slice %arg5[%dma_start3A_350, %dma_start3A_351] : memref<3x32xi32, #tpu.memory_space<vmem>> -> memref<1x32xi32, #tpu.memory_space<vmem>>
      %dma_start3A_353 = tpu.memref_squeeze %dma_start3A_352 : memref<1x32xi32, #tpu.memory_space<vmem>> -> memref<32xi32, #tpu.memory_space<vmem>>
      %dma_start3A_354 = arith.constant 0 : i32
      %dma_start3A_355 = arith.constant 0 : i32
      %dma_start3A_356 = tpu.memref_slice %arg3[%dma_start3A_354, %dma_start3A_355] : memref<10000x128xf32, #tpu.memory_space<hbm>> -> memref<10000x128xf32, #tpu.memory_space<hbm>>
      tpu.enqueue_indirect_dma source(%dma_start3A_356 : memref<10000x128xf32, #tpu.memory_space<hbm>>) target(%arg9 : memref<32x128xf32, #tpu.memory_space<vmem>>) offsets(%dma_start3A_353 : memref<32xi32, #tpu.memory_space<vmem>>) semaphore(%arg11 : memref<!tpu.dma_semaphore, #tpu.memory_space<semaphore_mem>>)
      %dma_wait3A_357 = arith.constant 0 : i32
      %dma_wait3A_358 = arith.constant 0 : i32
      %dma_wait3A_359 = tpu.memref_slice %arg6[%dma_wait3A_357, %dma_wait3A_358] : memref<3x32xi32, #tpu.memory_space<vmem>> -> memref<1x32xi32, #tpu.memory_space<vmem>>
      %dma_wait3A_360 = tpu.memref_squeeze %dma_wait3A_359 : memref<1x32xi32, #tpu.memory_space<vmem>> -> memref<32xi32, #tpu.memory_space<vmem>>
      %dma_wait3A_361 = arith.constant 0 : i32
      %dma_wait3A_362 = arith.constant 0 : i32
      %dma_wait3A_363 = tpu.memref_slice %arg3[%dma_wait3A_361, %dma_wait3A_362] : memref<10000x128xf32, #tpu.memory_space<hbm>> -> memref<10000x128xf32, #tpu.memory_space<hbm>>
      tpu.wait_indirect_dma semaphore(%arg12 : memref<!tpu.dma_semaphore, #tpu.memory_space<semaphore_mem>>) src(%dma_wait3A_363 : memref<10000x128xf32, #tpu.memory_space<hbm>>) dst(%arg10 : memref<32x128xf32, #tpu.memory_space<vmem>>)
      %run_scoped3A_364 = arith.constant 0 : i32
      "tpu.region"() ({
        %run_scoped3A_366 = tpu.sem_alloc : memref<!tpu.dma_semaphore, #tpu.memory_space<semaphore_mem>>
        %dma_start3A_367 = arith.constant 0 : i32
        %dma_start3A_368 = tpu.memref_slice %arg8[%run_scoped3A_364, %dma_start3A_367] : memref<1x32xi32, #tpu.memory_space<vmem>> -> memref<1x32xi32, #tpu.memory_space<vmem>>
        %dma_start3A_369 = tpu.memref_squeeze %dma_start3A_368 : memref<1x32xi32, #tpu.memory_space<vmem>> -> memref<32xi32, #tpu.memory_space<vmem>>
        %dma_start3A_370 = arith.constant 0 : i32
        %dma_start3A_371 = arith.constant 0 : i32
        %dma_start3A_372 = tpu.memref_slice %arg13[%dma_start3A_370, %dma_start3A_371] : memref<15056x128xf32, #tpu.memory_space<vmem_shared>> -> memref<15056x128xf32, #tpu.memory_space<vmem_shared>>
        tpu.enqueue_indirect_dma source(%arg10 : memref<32x128xf32, #tpu.memory_space<vmem>>) target(%dma_start3A_372 : memref<15056x128xf32, #tpu.memory_space<vmem_shared>>) offsets(%dma_start3A_369 : memref<32xi32, #tpu.memory_space<vmem>>) semaphore(%run_scoped3A_366 : memref<!tpu.dma_semaphore, #tpu.memory_space<semaphore_mem>>) {add = true}
        %dma_wait3A_373 = arith.constant 0 : i32
        %dma_wait3A_374 = tpu.memref_slice %arg8[%run_scoped3A_364, %dma_wait3A_373] : memref<1x32xi32, #tpu.memory_space<vmem>> -> memref<1x32xi32, #tpu.memory_space<vmem>>
        %dma_wait3A_375 = tpu.memref_squeeze %dma_wait3A_374 : memref<1x32xi32, #tpu.memory_space<vmem>> -> memref<32xi32, #tpu.memory_space<vmem>>
        %dma_wait3A_376 = arith.constant 0 : i32
        %dma_wait3A_377 = arith.constant 0 : i32
        %dma_wait3A_378 = tpu.memref_slice %arg13[%dma_wait3A_376, %dma_wait3A_377] : memref<15056x128xf32, #tpu.memory_space<vmem_shared>> -> memref<15056x128xf32, #tpu.memory_space<vmem_shared>>
        tpu.wait_indirect_dma semaphore(%run_scoped3A_366 : memref<!tpu.dma_semaphore, #tpu.memory_space<semaphore_mem>>) src(%arg10 : memref<32x128xf32, #tpu.memory_space<vmem>>) dst(%dma_wait3A_378 : memref<15056x128xf32, #tpu.memory_space<vmem_shared>>)
        tpu.yield
      }) : () -> ()
      %scan3A_365 = arith.constant 0 : i32
      scf.yield %scan3A_365 : i32
    }
    %scan3A_152 = arith.constant 313 : i32
    %dma_wait3A = arith.constant 0 : i32
    %dma_wait3A_153 = arith.constant 0 : i32
    %dma_wait3A_154 = tpu.memref_slice %arg5[%dma_wait3A, %dma_wait3A_153] : memref<3x32xi32, #tpu.memory_space<vmem>> -> memref<1x32xi32, #tpu.memory_space<vmem>>
    %dma_wait3A_155 = tpu.memref_squeeze %dma_wait3A_154 : memref<1x32xi32, #tpu.memory_space<vmem>> -> memref<32xi32, #tpu.memory_space<vmem>>
    %dma_wait3A_156 = arith.constant 0 : i32
    %dma_wait3A_157 = arith.constant 0 : i32
    %dma_wait3A_158 = tpu.memref_slice %arg3[%dma_wait3A_156, %dma_wait3A_157] : memref<10000x128xf32, #tpu.memory_space<hbm>> -> memref<10000x128xf32, #tpu.memory_space<hbm>>
    tpu.wait_indirect_dma semaphore(%arg11 : memref<!tpu.dma_semaphore, #tpu.memory_space<semaphore_mem>>) src(%dma_wait3A_158 : memref<10000x128xf32, #tpu.memory_space<hbm>>) dst(%arg9 : memref<32x128xf32, #tpu.memory_space<vmem>>)
    %barrier3A_159 = arith.constant 0 : index
    tpu.barrier barrier_id(%barrier3A_159)
    %mul3A_160 = arith.constant 944 : i32
    %mul3A_161 = arith.muli %arg1, %mul3A_160 : i32
    %min3A_162 = arith.constant 14112 : i32
    %min3A_163 = arith.minsi %mul3A_161, %min3A_162 : i32
    "tpu.region"() ({
      %run_scoped3A = tpu.sem_alloc : memref<!tpu.dma_semaphore, #tpu.memory_space<semaphore_mem>>
      %dma_start3A_164 = arith.constant 0 : i32
      %dma_start3A_165 = tpu.memref_slice %arg4[%arg0, %min3A_163, %dma_start3A_164] : memref<2x15056x128xf32, #tpu.memory_space<hbm>> -> memref<1x944x128xf32, #tpu.memory_space<hbm>>
      %dma_start3A_166 = tpu.memref_squeeze %dma_start3A_165 : memref<1x944x128xf32, #tpu.memory_space<hbm>> -> memref<944x128xf32, #tpu.memory_space<hbm>>
      %dma_start3A_167 = arith.constant 0 : i32
      %dma_start3A_168 = tpu.memref_slice %arg13[%min3A_163, %dma_start3A_167] : memref<15056x128xf32, #tpu.memory_space<vmem_shared>> -> memref<944x128xf32, #tpu.memory_space<vmem_shared>>
      tpu.enqueue_dma source(%dma_start3A_168 : memref<944x128xf32, #tpu.memory_space<vmem_shared>>) target(%dma_start3A_166 : memref<944x128xf32, #tpu.memory_space<hbm>>) target_semaphore(%run_scoped3A : memref<!tpu.dma_semaphore, #tpu.memory_space<semaphore_mem>>)
      %dma_wait3A_169 = arith.constant 0 : i32
      %dma_wait3A_170 = tpu.memref_slice %arg4[%arg0, %min3A_163, %dma_wait3A_169] : memref<2x15056x128xf32, #tpu.memory_space<hbm>> -> memref<1x944x128xf32, #tpu.memory_space<hbm>>
      %dma_wait3A_171 = tpu.memref_squeeze %dma_wait3A_170 : memref<1x944x128xf32, #tpu.memory_space<hbm>> -> memref<944x128xf32, #tpu.memory_space<hbm>>
      %dma_wait3A_172 = arith.constant 0 : i32
      %dma_wait3A_173 = tpu.memref_slice %arg13[%min3A_163, %dma_wait3A_172] : memref<15056x128xf32, #tpu.memory_space<vmem_shared>> -> memref<944x128xf32, #tpu.memory_space<vmem_shared>>
      tpu.wait_dma2 semaphore(%run_scoped3A : memref<!tpu.dma_semaphore, #tpu.memory_space<semaphore_mem>>) src(%dma_wait3A_173 : memref<944x128xf32, #tpu.memory_space<vmem_shared>>) dst(%dma_wait3A_171 : memref<944x128xf32, #tpu.memory_space<hbm>>)
      tpu.yield
    }) : () -> ()
    return
  }
}

module attributes {stable_mosaic.version = 14 : i64} {
  func.func @body(%arg0: i32, %arg1: memref<1000x128xf32, #tpu.memory_space<vmem>>, %arg2: memref<1000x128xf32, #tpu.memory_space<vmem>>, %arg3: memref<1000x128xf32, #tpu.memory_space<vmem>>, %arg4: memref<1000x128xf32, #tpu.memory_space<vmem>>, %arg5: memref<1000x1xf32, #tpu.memory_space<vmem>>, %arg6: memref<1000x1xf32, #tpu.memory_space<vmem>>, %arg7: memref<1000x1xf32, #tpu.memory_space<vmem>>, %arg8: memref<128x128xf32, #tpu.memory_space<vmem>>, %arg9: memref<128x128xf32, #tpu.memory_space<vmem>>, %arg10: memref<128x128xf32, #tpu.memory_space<vmem>>, %arg11: memref<128x128xf32, #tpu.memory_space<vmem>>, %arg12: memref<1x128xf32, #tpu.memory_space<vmem>>, %arg13: memref<1000x128xf32, #tpu.memory_space<vmem>>) attributes {dimension_semantics = [#tpu.dimension_semantics<arbitrary>], iteration_bounds = array<i64: 10>, scalar_prefetch = 0 : i64, scratch_operands = 0 : i64, tpu.core_type = #tpu.core_type<tc>, window_params = [{transform_indices = @transform_0, window_bounds = array<i64: 1000, 128>}, {transform_indices = @transform_1, window_bounds = array<i64: 1000, 128>}, {transform_indices = @transform_2, window_bounds = array<i64: 1000, 128>}, {transform_indices = @transform_3, window_bounds = array<i64: 1000, 128>}, {transform_indices = @transform_4, window_bounds = array<i64: 1000, 1>}, {transform_indices = @transform_5, window_bounds = array<i64: 1000, 1>}, {transform_indices = @transform_6, window_bounds = array<i64: 1000, 1>}, {pipeline_mode = #tpu.pipeline_mode<synchronous>, transform_indices = @transform_7, window_bounds = array<i64: 128, 128>}, {pipeline_mode = #tpu.pipeline_mode<synchronous>, transform_indices = @transform_8, window_bounds = array<i64: 128, 128>}, {pipeline_mode = #tpu.pipeline_mode<synchronous>, transform_indices = @transform_9, window_bounds = array<i64: 128, 128>}, {pipeline_mode = #tpu.pipeline_mode<synchronous>, transform_indices = @transform_10, window_bounds = array<i64: 128, 128>}, {pipeline_mode = #tpu.pipeline_mode<synchronous>, transform_indices = @transform_11, window_bounds = array<i64: 1, 128>}, {transform_indices = @transform_12, window_bounds = array<i64: 1000, 128>}]} {
    %get3A = arith.constant 0 : index
    %get3A_0 = arith.constant 0 : index
    %get3A_1 = vector.load %arg1[%get3A, %get3A_0] : memref<1000x128xf32, #tpu.memory_space<vmem>>, vector<1000x128xf32>
    %get3A_2 = arith.constant 0 : index
    %get3A_3 = arith.constant 0 : index
    %get3A_4 = vector.load %arg11[%get3A_2, %get3A_3] : memref<128x128xf32, #tpu.memory_space<vmem>>, vector<128x128xf32>
    %dot_general3A = arith.constant dense<0.000000e+00> : vector<1000x128xf32>
    %dot_general3A_5 = tpu.matmul %get3A_1, %get3A_4, %dot_general3A {dimension_numbers = #tpu.dot_dimension_numbers<[1], [0], [0], [1], [0, 0, 1, 1], [], []>, transpose_lhs_hint = false} : vector<1000x128xf32>, vector<128x128xf32>, vector<1000x128xf32> -> vector<1000x128xf32>
    %get3A_6 = arith.constant 0 : index
    %get3A_7 = arith.constant 0 : index
    %get3A_8 = vector.load %arg2[%get3A_6, %get3A_7] : memref<1000x128xf32, #tpu.memory_space<vmem>>, vector<1000x128xf32>
    %get3A_9 = arith.constant 0 : index
    %get3A_10 = arith.constant 0 : index
    %get3A_11 = vector.load %arg5[%get3A_9, %get3A_10] : memref<1000x1xf32, #tpu.memory_space<vmem>>, vector<1000x1xf32>
    %max3A = arith.constant 1.000000e+00 : f32
    %max3A_12 = vector.broadcast %max3A : f32 to vector<1000x1xf32>
    %max3A_13 = arith.maximumf %get3A_11, %max3A_12 : vector<1000x1xf32>
    %div3A = vector.broadcast %max3A_13 : vector<1000x1xf32> to vector<1000x128xf32>
    %div3A_14 = arith.divf %get3A_8, %div3A : vector<1000x128xf32>
    %get3A_15 = arith.constant 0 : index
    %get3A_16 = arith.constant 0 : index
    %get3A_17 = vector.load %arg8[%get3A_15, %get3A_16] : memref<128x128xf32, #tpu.memory_space<vmem>>, vector<128x128xf32>
    %dot_general3A_18 = arith.constant dense<0.000000e+00> : vector<1000x128xf32>
    %dot_general3A_19 = tpu.matmul %div3A_14, %get3A_17, %dot_general3A_18 {dimension_numbers = #tpu.dot_dimension_numbers<[1], [0], [0], [1], [0, 0, 1, 1], [], []>, transpose_lhs_hint = false} : vector<1000x128xf32>, vector<128x128xf32>, vector<1000x128xf32> -> vector<1000x128xf32>
    %add3A = arith.addf %dot_general3A_5, %dot_general3A_19 : vector<1000x128xf32>
    %get3A_20 = arith.constant 0 : index
    %get3A_21 = arith.constant 0 : index
    %get3A_22 = vector.load %arg3[%get3A_20, %get3A_21] : memref<1000x128xf32, #tpu.memory_space<vmem>>, vector<1000x128xf32>
    %get3A_23 = arith.constant 0 : index
    %get3A_24 = arith.constant 0 : index
    %get3A_25 = vector.load %arg6[%get3A_23, %get3A_24] : memref<1000x1xf32, #tpu.memory_space<vmem>>, vector<1000x1xf32>
    %max3A_26 = arith.constant 1.000000e+00 : f32
    %max3A_27 = vector.broadcast %max3A_26 : f32 to vector<1000x1xf32>
    %max3A_28 = arith.maximumf %get3A_25, %max3A_27 : vector<1000x1xf32>
    %div3A_29 = vector.broadcast %max3A_28 : vector<1000x1xf32> to vector<1000x128xf32>
    %div3A_30 = arith.divf %get3A_22, %div3A_29 : vector<1000x128xf32>
    %get3A_31 = arith.constant 0 : index
    %get3A_32 = arith.constant 0 : index
    %get3A_33 = vector.load %arg9[%get3A_31, %get3A_32] : memref<128x128xf32, #tpu.memory_space<vmem>>, vector<128x128xf32>
    %dot_general3A_34 = arith.constant dense<0.000000e+00> : vector<1000x128xf32>
    %dot_general3A_35 = tpu.matmul %div3A_30, %get3A_33, %dot_general3A_34 {dimension_numbers = #tpu.dot_dimension_numbers<[1], [0], [0], [1], [0, 0, 1, 1], [], []>, transpose_lhs_hint = false} : vector<1000x128xf32>, vector<128x128xf32>, vector<1000x128xf32> -> vector<1000x128xf32>
    %add3A_36 = arith.addf %add3A, %dot_general3A_35 : vector<1000x128xf32>
    %get3A_37 = arith.constant 0 : index
    %get3A_38 = arith.constant 0 : index
    %get3A_39 = vector.load %arg4[%get3A_37, %get3A_38] : memref<1000x128xf32, #tpu.memory_space<vmem>>, vector<1000x128xf32>
    %get3A_40 = arith.constant 0 : index
    %get3A_41 = arith.constant 0 : index
    %get3A_42 = vector.load %arg7[%get3A_40, %get3A_41] : memref<1000x1xf32, #tpu.memory_space<vmem>>, vector<1000x1xf32>
    %max3A_43 = arith.constant 1.000000e+00 : f32
    %max3A_44 = vector.broadcast %max3A_43 : f32 to vector<1000x1xf32>
    %max3A_45 = arith.maximumf %get3A_42, %max3A_44 : vector<1000x1xf32>
    %div3A_46 = vector.broadcast %max3A_45 : vector<1000x1xf32> to vector<1000x128xf32>
    %div3A_47 = arith.divf %get3A_39, %div3A_46 : vector<1000x128xf32>
    %get3A_48 = arith.constant 0 : index
    %get3A_49 = arith.constant 0 : index
    %get3A_50 = vector.load %arg10[%get3A_48, %get3A_49] : memref<128x128xf32, #tpu.memory_space<vmem>>, vector<128x128xf32>
    %dot_general3A_51 = arith.constant dense<0.000000e+00> : vector<1000x128xf32>
    %dot_general3A_52 = tpu.matmul %div3A_47, %get3A_50, %dot_general3A_51 {dimension_numbers = #tpu.dot_dimension_numbers<[1], [0], [0], [1], [0, 0, 1, 1], [], []>, transpose_lhs_hint = false} : vector<1000x128xf32>, vector<128x128xf32>, vector<1000x128xf32> -> vector<1000x128xf32>
    %add3A_53 = arith.addf %add3A_36, %dot_general3A_52 : vector<1000x128xf32>
    %get3A_54 = arith.constant 0 : index
    %get3A_55 = arith.constant 0 : index
    %get3A_56 = vector.load %arg12[%get3A_54, %get3A_55] : memref<1x128xf32, #tpu.memory_space<vmem>>, vector<1x128xf32>
    %add3A_57 = vector.broadcast %get3A_56 : vector<1x128xf32> to vector<1000x128xf32>
    %add3A_58 = arith.addf %add3A_53, %add3A_57 : vector<1000x128xf32>
    %max3A_59 = arith.constant 0.000000e+00 : f32
    %max3A_60 = vector.broadcast %max3A_59 : f32 to vector<1000x128xf32>
    %max3A_61 = arith.maximumf %add3A_58, %max3A_60 : vector<1000x128xf32>
    %swap3A = arith.constant 0 : index
    %swap3A_62 = arith.constant 0 : index
    %swap3A_63 = vector.load %arg13[%swap3A, %swap3A_62] : memref<1000x128xf32, #tpu.memory_space<vmem>>, vector<1000x128xf32>
    tpu.vector_store %arg13[%swap3A, %swap3A_62], %max3A_61 {strides = array<i32>} : memref<1000x128xf32, #tpu.memory_space<vmem>>, vector<1000x128xf32>,
    return
  }
  func.func @transform_0(%arg0: i32) -> (i32, i32) {
    %c0_i32 = arith.constant 0 : i32
    %c0_i32_0 = arith.constant 0 : i32
    return %arg0, %c0_i32 : i32, i32
  }
  func.func @transform_1(%arg0: i32) -> (i32, i32) {
    %c0_i32 = arith.constant 0 : i32
    %c0_i32_0 = arith.constant 0 : i32
    return %arg0, %c0_i32 : i32, i32
  }
  func.func @transform_2(%arg0: i32) -> (i32, i32) {
    %c0_i32 = arith.constant 0 : i32
    %c0_i32_0 = arith.constant 0 : i32
    return %arg0, %c0_i32 : i32, i32
  }
  func.func @transform_3(%arg0: i32) -> (i32, i32) {
    %c0_i32 = arith.constant 0 : i32
    %c0_i32_0 = arith.constant 0 : i32
    return %arg0, %c0_i32 : i32, i32
  }
  func.func @transform_4(%arg0: i32) -> (i32, i32) {
    %c0_i32 = arith.constant 0 : i32
    %c0_i32_0 = arith.constant 0 : i32
    return %arg0, %c0_i32 : i32, i32
  }
  func.func @transform_5(%arg0: i32) -> (i32, i32) {
    %c0_i32 = arith.constant 0 : i32
    %c0_i32_0 = arith.constant 0 : i32
    return %arg0, %c0_i32 : i32, i32
  }
  func.func @transform_6(%arg0: i32) -> (i32, i32) {
    %c0_i32 = arith.constant 0 : i32
    %c0_i32_0 = arith.constant 0 : i32
    return %arg0, %c0_i32 : i32, i32
  }
  func.func @transform_7(%arg0: i32) -> (i32, i32) {
    %c0_i32 = arith.constant 0 : i32
    %c0_i32_0 = arith.constant 0 : i32
    %c0_i32_1 = arith.constant 0 : i32
    return %c0_i32, %c0_i32_0 : i32, i32
  }
  func.func @transform_8(%arg0: i32) -> (i32, i32) {
    %c0_i32 = arith.constant 0 : i32
    %c0_i32_0 = arith.constant 0 : i32
    %c0_i32_1 = arith.constant 0 : i32
    return %c0_i32, %c0_i32_0 : i32, i32
  }
  func.func @transform_9(%arg0: i32) -> (i32, i32) {
    %c0_i32 = arith.constant 0 : i32
    %c0_i32_0 = arith.constant 0 : i32
    %c0_i32_1 = arith.constant 0 : i32
    return %c0_i32, %c0_i32_0 : i32, i32
  }
  func.func @transform_10(%arg0: i32) -> (i32, i32) {
    %c0_i32 = arith.constant 0 : i32
    %c0_i32_0 = arith.constant 0 : i32
    %c0_i32_1 = arith.constant 0 : i32
    return %c0_i32, %c0_i32_0 : i32, i32
  }
  func.func @transform_11(%arg0: i32) -> (i32, i32) {
    %c0_i32 = arith.constant 0 : i32
    %c0_i32_0 = arith.constant 0 : i32
    %c0_i32_1 = arith.constant 0 : i32
    return %c0_i32, %c0_i32_0 : i32, i32
  }
  func.func @transform_12(%arg0: i32) -> (i32, i32) {
    %c0_i32 = arith.constant 0 : i32
    %c0_i32_0 = arith.constant 0 : i32
    return %arg0, %c0_i32 : i32, i32
  }
}

module attributes {stable_mosaic.version = 14 : i64} {
  func.func @body(%arg0: i32, %arg1: memref<1000x128xf32, #tpu.memory_space<vmem>>, %arg2: memref<1000x128xf32, #tpu.memory_space<vmem>>, %arg3: memref<1000x128xf32, #tpu.memory_space<vmem>>, %arg4: memref<1000x128xf32, #tpu.memory_space<vmem>>, %arg5: memref<1000x1xf32, #tpu.memory_space<vmem>>, %arg6: memref<1000x1xf32, #tpu.memory_space<vmem>>, %arg7: memref<1000x1xf32, #tpu.memory_space<vmem>>, %arg8: memref<128x128xf32, #tpu.memory_space<vmem>>, %arg9: memref<128x128xf32, #tpu.memory_space<vmem>>, %arg10: memref<128x128xf32, #tpu.memory_space<vmem>>, %arg11: memref<128x128xf32, #tpu.memory_space<vmem>>, %arg12: memref<1x128xf32, #tpu.memory_space<vmem>>, %arg13: memref<1000x128xf32, #tpu.memory_space<vmem>>) attributes {dimension_semantics = [#tpu.dimension_semantics<arbitrary>], iteration_bounds = array<i64: 10>, scalar_prefetch = 0 : i64, scratch_operands = 0 : i64, tpu.core_type = #tpu.core_type<tc>, window_params = [{transform_indices = @transform_0, window_bounds = array<i64: 1000, 128>}, {transform_indices = @transform_1, window_bounds = array<i64: 1000, 128>}, {transform_indices = @transform_2, window_bounds = array<i64: 1000, 128>}, {transform_indices = @transform_3, window_bounds = array<i64: 1000, 128>}, {transform_indices = @transform_4, window_bounds = array<i64: 1000, 1>}, {transform_indices = @transform_5, window_bounds = array<i64: 1000, 1>}, {transform_indices = @transform_6, window_bounds = array<i64: 1000, 1>}, {pipeline_mode = #tpu.pipeline_mode<synchronous>, transform_indices = @transform_7, window_bounds = array<i64: 128, 128>}, {pipeline_mode = #tpu.pipeline_mode<synchronous>, transform_indices = @transform_8, window_bounds = array<i64: 128, 128>}, {pipeline_mode = #tpu.pipeline_mode<synchronous>, transform_indices = @transform_9, window_bounds = array<i64: 128, 128>}, {pipeline_mode = #tpu.pipeline_mode<synchronous>, transform_indices = @transform_10, window_bounds = array<i64: 128, 128>}, {pipeline_mode = #tpu.pipeline_mode<synchronous>, transform_indices = @transform_11, window_bounds = array<i64: 1, 128>}, {transform_indices = @transform_12, window_bounds = array<i64: 1000, 128>}]} {
    %get3A = arith.constant 0 : index
    %get3A_0 = arith.constant 0 : index
    %get3A_1 = vector.load %arg1[%get3A, %get3A_0] : memref<1000x128xf32, #tpu.memory_space<vmem>>, vector<1000x128xf32>
    %get3A_2 = arith.constant 0 : index
    %get3A_3 = arith.constant 0 : index
    %get3A_4 = vector.load %arg11[%get3A_2, %get3A_3] : memref<128x128xf32, #tpu.memory_space<vmem>>, vector<128x128xf32>
    %dot_general3A = arith.constant dense<0.000000e+00> : vector<1000x128xf32>
    %dot_general3A_5 = tpu.matmul %get3A_1, %get3A_4, %dot_general3A {dimension_numbers = #tpu.dot_dimension_numbers<[1], [0], [0], [1], [0, 0, 1, 1], [], []>, transpose_lhs_hint = false} : vector<1000x128xf32>, vector<128x128xf32>, vector<1000x128xf32> -> vector<1000x128xf32>
    %get3A_6 = arith.constant 0 : index
    %get3A_7 = arith.constant 0 : index
    %get3A_8 = vector.load %arg2[%get3A_6, %get3A_7] : memref<1000x128xf32, #tpu.memory_space<vmem>>, vector<1000x128xf32>
    %get3A_9 = arith.constant 0 : index
    %get3A_10 = arith.constant 0 : index
    %get3A_11 = vector.load %arg5[%get3A_9, %get3A_10] : memref<1000x1xf32, #tpu.memory_space<vmem>>, vector<1000x1xf32>
    %max3A = arith.constant 1.000000e+00 : f32
    %max3A_12 = vector.broadcast %max3A : f32 to vector<1000x1xf32>
    %max3A_13 = arith.maximumf %get3A_11, %max3A_12 : vector<1000x1xf32>
    %div3A = vector.broadcast %max3A_13 : vector<1000x1xf32> to vector<1000x128xf32>
    %div3A_14 = arith.divf %get3A_8, %div3A : vector<1000x128xf32>
    %get3A_15 = arith.constant 0 : index
    %get3A_16 = arith.constant 0 : index
    %get3A_17 = vector.load %arg8[%get3A_15, %get3A_16] : memref<128x128xf32, #tpu.memory_space<vmem>>, vector<128x128xf32>
    %dot_general3A_18 = arith.constant dense<0.000000e+00> : vector<1000x128xf32>
    %dot_general3A_19 = tpu.matmul %div3A_14, %get3A_17, %dot_general3A_18 {dimension_numbers = #tpu.dot_dimension_numbers<[1], [0], [0], [1], [0, 0, 1, 1], [], []>, transpose_lhs_hint = false} : vector<1000x128xf32>, vector<128x128xf32>, vector<1000x128xf32> -> vector<1000x128xf32>
    %add3A = arith.addf %dot_general3A_5, %dot_general3A_19 : vector<1000x128xf32>
    %get3A_20 = arith.constant 0 : index
    %get3A_21 = arith.constant 0 : index
    %get3A_22 = vector.load %arg3[%get3A_20, %get3A_21] : memref<1000x128xf32, #tpu.memory_space<vmem>>, vector<1000x128xf32>
    %get3A_23 = arith.constant 0 : index
    %get3A_24 = arith.constant 0 : index
    %get3A_25 = vector.load %arg6[%get3A_23, %get3A_24] : memref<1000x1xf32, #tpu.memory_space<vmem>>, vector<1000x1xf32>
    %max3A_26 = arith.constant 1.000000e+00 : f32
    %max3A_27 = vector.broadcast %max3A_26 : f32 to vector<1000x1xf32>
    %max3A_28 = arith.maximumf %get3A_25, %max3A_27 : vector<1000x1xf32>
    %div3A_29 = vector.broadcast %max3A_28 : vector<1000x1xf32> to vector<1000x128xf32>
    %div3A_30 = arith.divf %get3A_22, %div3A_29 : vector<1000x128xf32>
    %get3A_31 = arith.constant 0 : index
    %get3A_32 = arith.constant 0 : index
    %get3A_33 = vector.load %arg9[%get3A_31, %get3A_32] : memref<128x128xf32, #tpu.memory_space<vmem>>, vector<128x128xf32>
    %dot_general3A_34 = arith.constant dense<0.000000e+00> : vector<1000x128xf32>
    %dot_general3A_35 = tpu.matmul %div3A_30, %get3A_33, %dot_general3A_34 {dimension_numbers = #tpu.dot_dimension_numbers<[1], [0], [0], [1], [0, 0, 1, 1], [], []>, transpose_lhs_hint = false} : vector<1000x128xf32>, vector<128x128xf32>, vector<1000x128xf32> -> vector<1000x128xf32>
    %add3A_36 = arith.addf %add3A, %dot_general3A_35 : vector<1000x128xf32>
    %get3A_37 = arith.constant 0 : index
    %get3A_38 = arith.constant 0 : index
    %get3A_39 = vector.load %arg4[%get3A_37, %get3A_38] : memref<1000x128xf32, #tpu.memory_space<vmem>>, vector<1000x128xf32>
    %get3A_40 = arith.constant 0 : index
    %get3A_41 = arith.constant 0 : index
    %get3A_42 = vector.load %arg7[%get3A_40, %get3A_41] : memref<1000x1xf32, #tpu.memory_space<vmem>>, vector<1000x1xf32>
    %max3A_43 = arith.constant 1.000000e+00 : f32
    %max3A_44 = vector.broadcast %max3A_43 : f32 to vector<1000x1xf32>
    %max3A_45 = arith.maximumf %get3A_42, %max3A_44 : vector<1000x1xf32>
    %div3A_46 = vector.broadcast %max3A_45 : vector<1000x1xf32> to vector<1000x128xf32>
    %div3A_47 = arith.divf %get3A_39, %div3A_46 : vector<1000x128xf32>
    %get3A_48 = arith.constant 0 : index
    %get3A_49 = arith.constant 0 : index
    %get3A_50 = vector.load %arg10[%get3A_48, %get3A_49] : memref<128x128xf32, #tpu.memory_space<vmem>>, vector<128x128xf32>
    %dot_general3A_51 = arith.constant dense<0.000000e+00> : vector<1000x128xf32>
    %dot_general3A_52 = tpu.matmul %div3A_47, %get3A_50, %dot_general3A_51 {dimension_numbers = #tpu.dot_dimension_numbers<[1], [0], [0], [1], [0, 0, 1, 1], [], []>, transpose_lhs_hint = false} : vector<1000x128xf32>, vector<128x128xf32>, vector<1000x128xf32> -> vector<1000x128xf32>
    %add3A_53 = arith.addf %add3A_36, %dot_general3A_52 : vector<1000x128xf32>
    %get3A_54 = arith.constant 0 : index
    %get3A_55 = arith.constant 0 : index
    %get3A_56 = vector.load %arg12[%get3A_54, %get3A_55] : memref<1x128xf32, #tpu.memory_space<vmem>>, vector<1x128xf32>
    %add3A_57 = vector.broadcast %get3A_56 : vector<1x128xf32> to vector<1000x128xf32>
    %add3A_58 = arith.addf %add3A_53, %add3A_57 : vector<1000x128xf32>
    %swap3A = arith.constant 0 : index
    %swap3A_59 = arith.constant 0 : index
    %swap3A_60 = vector.load %arg13[%swap3A, %swap3A_59] : memref<1000x128xf32, #tpu.memory_space<vmem>>, vector<1000x128xf32>
    tpu.vector_store %arg13[%swap3A, %swap3A_59], %add3A_58 {strides = array<i32>} : memref<1000x128xf32, #tpu.memory_space<vmem>>, vector<1000x128xf32>,
    return
  }
  func.func @transform_0(%arg0: i32) -> (i32, i32) {
    %c0_i32 = arith.constant 0 : i32
    %c0_i32_0 = arith.constant 0 : i32
    return %arg0, %c0_i32 : i32, i32
  }
  func.func @transform_1(%arg0: i32) -> (i32, i32) {
    %c0_i32 = arith.constant 0 : i32
    %c0_i32_0 = arith.constant 0 : i32
    return %arg0, %c0_i32 : i32, i32
  }
  func.func @transform_2(%arg0: i32) -> (i32, i32) {
    %c0_i32 = arith.constant 0 : i32
    %c0_i32_0 = arith.constant 0 : i32
    return %arg0, %c0_i32 : i32, i32
  }
  func.func @transform_3(%arg0: i32) -> (i32, i32) {
    %c0_i32 = arith.constant 0 : i32
    %c0_i32_0 = arith.constant 0 : i32
    return %arg0, %c0_i32 : i32, i32
  }
  func.func @transform_4(%arg0: i32) -> (i32, i32) {
    %c0_i32 = arith.constant 0 : i32
    %c0_i32_0 = arith.constant 0 : i32
    return %arg0, %c0_i32 : i32, i32
  }
  func.func @transform_5(%arg0: i32) -> (i32, i32) {
    %c0_i32 = arith.constant 0 : i32
    %c0_i32_0 = arith.constant 0 : i32
    return %arg0, %c0_i32 : i32, i32
  }
  func.func @transform_6(%arg0: i32) -> (i32, i32) {
    %c0_i32 = arith.constant 0 : i32
    %c0_i32_0 = arith.constant 0 : i32
    return %arg0, %c0_i32 : i32, i32
  }
  func.func @transform_7(%arg0: i32) -> (i32, i32) {
    %c0_i32 = arith.constant 0 : i32
    %c0_i32_0 = arith.constant 0 : i32
    %c0_i32_1 = arith.constant 0 : i32
    return %c0_i32, %c0_i32_0 : i32, i32
  }
  func.func @transform_8(%arg0: i32) -> (i32, i32) {
    %c0_i32 = arith.constant 0 : i32
    %c0_i32_0 = arith.constant 0 : i32
    %c0_i32_1 = arith.constant 0 : i32
    return %c0_i32, %c0_i32_0 : i32, i32
  }
  func.func @transform_9(%arg0: i32) -> (i32, i32) {
    %c0_i32 = arith.constant 0 : i32
    %c0_i32_0 = arith.constant 0 : i32
    %c0_i32_1 = arith.constant 0 : i32
    return %c0_i32, %c0_i32_0 : i32, i32
  }
  func.func @transform_10(%arg0: i32) -> (i32, i32) {
    %c0_i32 = arith.constant 0 : i32
    %c0_i32_0 = arith.constant 0 : i32
    %c0_i32_1 = arith.constant 0 : i32
    return %c0_i32, %c0_i32_0 : i32, i32
  }
  func.func @transform_11(%arg0: i32) -> (i32, i32) {
    %c0_i32 = arith.constant 0 : i32
    %c0_i32_0 = arith.constant 0 : i32
    %c0_i32_1 = arith.constant 0 : i32
    return %c0_i32, %c0_i32_0 : i32, i32
  }
  func.func @transform_12(%arg0: i32) -> (i32, i32) {
    %c0_i32 = arith.constant 0 : i32
    %c0_i32_0 = arith.constant 0 : i32
    return %arg0, %c0_i32 : i32, i32
  }
}

</mosaic_0001>

<sc_bundles>
// kernel: kernel.10.cloned.1.call-start
scs
__scs_entry_jumppad:
0x0: {  	(pc) =	sbr.rel $0x88, $3  }
0x1: {  	(tag) =	ssettag $0x0;
	lr =	simm.s32 $0x1  }
0x2: {  	[smem:$0x3F98] =	sst lr;
	_ =	strace $0xD0000000  }
0x3: {  	_ = 	snop  }
0x4: {  	_ = 	snop  }
0x5: {  	_ = 	snop  }
0x6: {  	_ = 	snop  }
0x7: {  	_ = 	snop  }
__scs_overlays_trampoline_lowered:
0x8: {  	[smem:$0x3FA7] =	sst s0  }
0x9: {  	[smem:$0x3FA8] =	sst s1  }
0xa: {  	[smem:$0x3FA9] =	sst s2  }
0xb: {  	[smem:$0x3FAA] =	sst s3  }
0xc: {  	[smem:$0x3FAB] =	sst s4  }
0xd: {  	[smem:$0x3FAC] =	sst s5  }
0xe: {  	[smem:$0x3FAD] =	sst s6  }
0xf: {  	[smem:$0x3FAE] =	sst s7  }
0x10: {  	[smem:$0x3FAF] =	sst s8  }
0x11: {  	[smem:$0x3FB0] =	sst s9;
	s0 =	simm.s32 @!p0 $0x0  }
0x12: {  	s1 =	sld [smem:$0x3F96];
	s0 =	simm.s32 @p0 $0x1  }
0x13: {  	[smem:$0x3FB1] =	sst s0;
	s0 =	simm.s32 @!p1 $0x0  }
0x14: {  	s2 =	sld [smem:$0x3F95];
	s0 =	simm.s32 @p1 $0x1  }
0x15: {  	[smem:$0x3FB2] =	sst s0;
	s0 =	simm.s32 @!p2 $0x0  }
0x16: {  	s3 =	sld [smem:$0x3FDB];
	s0 =	simm.s32 @p2 $0x1  }
0x17: {  	s4 =	simm.s32 $0x1BF5;
	[smem:$0x3FB4] =	sst s0  }
0x18: {  	s0 =	sld [smem:$0x3F97];
	_ =	swait.ge [sflag:s4], $0x0  }
0x19: {  	s7 =	sld [smem:$0x3F98]  }
0x1a: {  	s8 =	sadd.s32 $0xFFFFE003, lr  }
0x1b: {  	s9 =	sadd.s32 $0xFFFFFEF7, lr;
	s5 =	simm.s32 $0xFFFFFFFF;
	p2 =	slt.u32 s8, $0xFFFFF086  }
0x1c: {  	p1 =	slt.u32 s9, $0xF7A;
	s5 =	simm.s32 @!p2 $0x0  }
0x1d: {  	s5 =	simm.s32 @p1 $0x1;
	p0 =	seq.s32 s7, s2  }
0x1e: {  	s7 =	smul.u32 @!p0 $0xF7A, s2;
	p2 =	seq.s32 @!p0 s5, $0x0  }
0x1f: {  	s9 =	smul.u32 $0xF7A, s1;
	s8 =	simm.s32 @!p0 $0x1BF5;
	p2 =	por !p2, p0  }
0x20: {  	[sflag:s8] =	ssyncset.s32 @!p0 $0xFFFFF086;
	s6 =	sadd.s32 @!p0 s3, s7;
	s7 =	simm.s32 @!p0 $0x108  }
0x21: {  	s3 =	sadd.s32 s3, s9;
	s6 =	sadd.s32 @!p0 $0x88, s6;
	s7 =	simm.s32 @p2 $0x1082  }
0x22: {  	[simem:s7], [sflag:s8] =	dma.local @!p0 [hbm:s6], $0xF7A  }
0x23: {  	s9 =	sor.u32 $0xD0000000, s2;
	s6 =	simm.s32 $0x108;
	_ =	swait.ge @!p0 [sflag:s8], $0x0  }
0x24: {  	s3 =	sadd.s32 $0x88, s3;
	s6 =	simm.s32 @!p1 $0x1082;
	[sflag:s4] =	ssyncset.s32 $0xFFFFF086  }
0x25: {  	[simem:s6], [sflag:s4] =	dma.local [hbm:s3], $0xF7A  }
0x26: {  	[smem:$0x3F98] =	sst s1;
	(tag) =	ssettag s2;
	_ =	strace s9  }
0x27: {  	s1 =	sld [smem:$0x3FA8]  }
0x28: {  	s2 =	sld [smem:$0x3FA9]  }
0x29: {  	s4 =	sld [smem:$0x3FAB]  }
0x2a: {  	p0 =	seq.s32 s5, $0x0;
	s5 =	sld [smem:$0x3FAC]  }
0x2b: {  	s6 =	sld [smem:$0x3FAD]  }
0x2c: {  	s7 =	sld [smem:$0x3FAE]  }
0x2d: {  	s3 =	simm.s32 $0x108;
	s8 =	sld [smem:$0x3FAF]  }
0x2e: {  	s3 =	simm.s32 @!p0 $0x1082;
	s9 =	sld [smem:$0x3FB0]  }
0x2f: {  	lr =	sadd.s32 s0, s3;
	s0 =	sld [smem:$0x3FA7]  }
0x30: {  	s3 =	sld [smem:$0x3FAA]  }
0x31: {  	[smem:$0x3FB3] =	sst s10  }
0x32: {  	s10 =	sld [smem:$0x3FB1];
	_ =	sdelay $0x3  }
0x33: {  	p0 =	seq.s32 s10, $0x1;
	s10 =	sld [smem:$0x3FB3];
	_ =	sdelay $0x3  }
0x34: {  	[smem:$0x3FB3] =	sst s10  }
0x35: {  	s10 =	sld [smem:$0x3FB2];
	_ =	sdelay $0x3  }
0x36: {  	p1 =	seq.s32 s10, $0x1;
	s10 =	sld [smem:$0x3FB3];
	_ =	sdelay $0x3  }
0x37: {  	[smem:$0x3FB3] =	sst s10  }
0x38: {  	s10 =	sld [smem:$0x3FB4]  }
0x39: {  	_ = 	snop;
	(pc) =	sbr.ind lr, $3  }
0x3a: {  	_ = 	snop  }
0x3b: {  	_ = 	snop  }
0x3c: {  	p2 =	seq.s32 s10, $0x1;
	s10 =	sld [smem:$0x3FB3]  }
0x3d: {  	_ =	shalt  }
0x3e: {  	_ =	shalt  }
0x3f: {  	_ =	shalt  }
0x40: {  	_ =	shalt  }
0x41: {  	_ =	shalt  }
0x42: {  	_ =	shalt  }
0x43: {  	_ =	shalt  }
0x44: {  	_ =	shalt  }
0x45: {  	_ =	shalt  }
0x46: {  	_ =	shalt  }
0x47: {  	_ =	shalt  }
0x48: {  	_ =	shalt  }
0x49: {  	_ =	shalt  }
0x4a: {  	_ =	shalt  }
0x4b: {  	_ =	shalt  }
0x4c: {  	_ =	shalt  }
0x4d: {  	_ =	shalt  }
0x4e: {  	_ =	shalt  }
0x4f: {  	_ =	shalt  }
0x50: {  	_ =	shalt  }
0x51: {  	_ =	shalt  }
0x52: {  	_ =	shalt  }
0x53: {  	_ =	shalt  }
0x54: {  	_ =	shalt  }
0x55: {  	_ =	shalt  }
0x56: {  	_ =	shalt  }
0x57: {  	_ =	shalt  }
0x58: {  	_ =	shalt  }
0x59: {  	_ =	shalt  }
0x5a: {  	_ =	shalt  }
0x5b: {  	_ =	shalt  }
0x5c: {  	_ =	shalt  }
0x5d: {  	_ =	shalt  }
0x5e: {  	_ =	shalt  }
0x5f: {  	_ =	shalt  }
0x60: {  	_ =	shalt  }
0x61: {  	_ =	shalt  }
0x62: {  	_ =	shalt  }
0x63: {  	_ =	shalt  }
0x64: {  	_ =	shalt  }
0x65: {  	_ =	shalt  }
0x66: {  	_ =	shalt  }
0x67: {  	_ =	shalt  }
0x68: {  	_ =	shalt  }
0x69: {  	_ =	shalt  }
0x6a: {  	_ =	shalt  }
0x6b: {  	_ =	shalt  }
0x6c: {  	_ =	shalt  }
0x6d: {  	_ =	shalt  }
0x6e: {  	_ =	shalt  }
0x6f: {  	_ =	shalt  }
0x70: {  	_ =	shalt  }
0x71: {  	_ =	shalt  }
0x72: {  	_ =	shalt  }
0x73: {  	_ =	shalt  }
0x74: {  	_ =	shalt  }
0x75: {  	_ =	shalt  }
0x76: {  	_ =	shalt  }
0x77: {  	_ =	shalt  }
0x78: {  	_ =	shalt  }
0x79: {  	_ =	shalt  }
0x7a: {  	_ =	shalt  }
0x7b: {  	_ =	shalt  }
0x7c: {  	_ =	shalt  }
0x7d: {  	_ =	shalt  }
0x7e: {  	_ =	shalt  }
0x7f: {  	_ =	shalt  }
0x80: {  	_ =	shalt  }
0x81: {  	_ =	shalt  }
0x82: {  	_ =	shalt  }
0x83: {  	_ =	shalt  }
0x84: {  	_ =	shalt  }
0x85: {  	_ =	shalt  }
0x86: {  	_ =	shalt  }
0x87: {  	_ =	shalt  }
.Lfunc_end0:
.L_simem_size_0:
called_computation.1_lowered:
.L_overlay_start_0:
0x88: {  	s2 =	sld [smem:$0x3FD9]  }
0x89: {  	s3 =	sld [smem:$0x3FFE];
	_ =	sdelay $0x1  }
0x8a: {  	s1 =	srdreg.scid  }
0x8b: {  	s0 =	sand.u32 $0x1, s1  }
0x8c: {  	s17 =	sshll.u32 s0, $0xA;
	s2 =	sadd.s32 s3, s2  }
0x8d: {  	s2 =	sadd.s32 s2, s17  }
0x8e: {  	[smem:$0x3FBF] =	sst s2  }
0x8f: {  	_ = 	snop  }
0x90: {  	s18 =	sld [smem:$0x3FC9];
	(tm) =	ssettm $0x1  }
0x91: {  	s19 =	sld [smem:$0x3FFB];
	_ =	sdelay $0x3  }
0x92: {  	_ =	strace s19  }
0x93: {  	s2 =	sld [smem:$0x3FFC];
	_ =	sdelay $0x3  }
0x94: {  	_ =	strace s2  }
0x95: {  	s2 =	sld [smem:$0x3FFD];
	_ =	sdelay $0x3  }
0x96: {  	_ =	strace s2  }
0x97: {  	_ =	strace $0x8FFFFFFF  }
0x98: {  	s20 =	sld [smem:$0x3FDB];
	_ =	sdelay $0x1  }
0x99: {  	s4 =	simm.s32 $_scs_section_size  }
0x9a: {  	s5 =	simm.s32 $_size__tile_overlayer_lowered;
	s6 =	simm.s32 $_tile_overlayer_lowered  }
0x9b: {  	s7 =	simm.s32 $0x1BFF;
	s21 =	sshll.u32 s6, $0x1;
	s4 =	sadd.s32 s4, s20  }
0x9c: {  	s22 =	simm.s32 $0x0;
	s5 =	sshll.u32 s5, $0x1;
	s6 =	sadd.s32 s21, s4  }
0x9d: {  	[timem:s22], [sflag:s7] =	dma.local [hbm:s6], s5  }
0x9e: {  	_ =	swait.ge [sflag:s7], s5  }
0x9f: {  	s5 =	ssub.s32 $0x0, s5;
	[sflag:s7] =	ssyncset.done $0x0  }
0xa0: {  	[sflag:s7] =	ssyncadd.s32 s5;
	_ =	sdelay $0x1  }
0xa1: {  	s23 =	simm.s32 $0x1B8B  }
0xa2: {  	_ =	swait.ge [sflag:s23], $0x1  }
0xa3: {  	[sflag:s23] =	ssyncset.done $0x0  }
0xa4: {  	[sflag:s23] =	ssyncadd.s32 $0xFFFFFFFF  }
0xa5: {  	s5 =	sld [smem:$0x0]  }
0xa6: {  	s6 =	sand.u32 $0xFFFFFFFE, s1  }
0xa7: {  	p0 =	sne.s32 s1, s6  }
0xa8: {  	s6 =	sshll.u32 @p0 s6, $0xE  }
0xa9: {  	s6 =	sadd.s32 @p0 $0x11B8D, s6;
	s7 =	sshll.u32 @p0 s5, $0x11  }
0xaa: {  	s6 =	sor.u32 @p0 s7, s6  }
0xab: {  	[sflag:s6] =	ssyncadd.remote.s32 @p0 $0x1;
	_ =	sdelay $0x1  }
0xac: {  	s6 =	simm.s32 @p0 $0x1B8D  }
0xad: {  	_ =	swait.eq @p0 [sflag:s6], $0x1  }
0xae: {  	[sflag:s6] =	ssyncadd.s32 @p0 $0xFFFFFFFF  }
0xaf: {  	s7 =	sshll.u32 @!p0 s1, $0xE  }
0xb0: {  	s7 =	sor.u32 @!p0 $0x4000, s7;
	s6 =	simm.s32 @!p0 $0x1B8D  }
0xb1: {  	s5 =	sshll.u32 @!p0 s5, $0x11;
	s7 =	sadd.s32 @!p0 $0x11B8D, s7;
	_ =	swait.eq @!p0 [sflag:s6], $0x1  }
0xb2: {  	s5 =	sor.u32 @!p0 s5, s7;
	[sflag:s6] =	ssyncadd.s32 @!p0 $0xFFFFFFFF  }
0xb3: {  	s25 =	simm.s32 $0x1B8E;
	s24 =	sld [smem:$0x3FFE];
	[sflag:s5] =	ssyncadd.remote.s32 @!p0 $0x1  }
0xb4: {  	s26 =	simm.s32 $execute0_lowered;
	[smem:$0x3FD2] =	sst s25  }
0xb5: {  	s6 =	sshll.u32 s26, $0x1;
	_ =	strace $0x80000049;
	[dreg:$0x1] =	wrdreg $0xFFFFFFFF  }
0xb6: {  	s28 =	simm.s32 $_size_execute0_lowered;
	s4 =	sadd.s32 s4, s6;
	[dreg:$0x0] =	wrdreg $0x0  }
0xb7: {  	s6 =	sshll.u32 s28, $0x1;
	[dreg:$0x2] =	wrdreg s4  }
0xb8: {  	[dreg:$0x3] =	wrdreg s6  }
0xb9: {  	[dreg:$0x4] =	wrdreg $0xC0  }
0xba: {  	_ =	task [dreg:s22], $0x5FFFF  }
0xbb: {  	[dreg:$0x1] =	wrdreg $0xFFFFFFFF  }
0xbc: {  	[dreg:$0x0] =	wrdreg $0x60  }
0xbd: {  	[dreg:$0x2] =	wrdreg s24  }
0xbe: {  	[dreg:$0x3] =	wrdreg s18  }
0xbf: {  	[dreg:$0x4] =	wrdreg $0x25000  }
0xc0: {  	[dreg:$0x5] =	wrdreg $0xA  }
0xc1: {  	_ =	task.clear_ibuf [dreg:s22], $0x6FFFF;
	_ =	strace $0x90000049  }
0xc2: {  	s29 =	simm.s32 $0xA;
	_ =	strace $0x8000004B  }
0xc3: {  	_ =	swait.ge [sflag:s29], $0x1  }
0xc4: {  	[sflag:s29] =	ssyncadd.s32 $0xFFFFFFFF  }
0xc5: {  	_ =	strace $0x9000004B  }
0xc6: {  	_ =	sfence  }
0xc7: {  	s30 =	sld [smem:$0x0];
	_ =	sdelay $0x2  }
0xc8: {  	s31 =	sshll.u32 s1, $0xD;
	s1 =	sshrl.u32 s1, $0x2  }
0xc9: {  	s4 =	sand.u32 $0x4000, s31;
	s1 =	sadd.s32 s1, s30  }
0xca: {  	s0 =	sor.u32 s4, s0;
	s1 =	sshll.u32 s1, $0x11  }
0xcb: {  	s0 =	sor.u32 s1, s0  }
0xcc: {  	s0 =	sadd.s32 $0x8F2B, s0  }
0xcd: {  	[sflag:s0] =	ssyncadd.remote.s32 $0x1  }
0xce: {  	_ =	sfence.sel $0xFFFF  }
0xcf: {  	[dreg:$0x0] =	wrdreg $0xFFFFFFFF;
	(pc) =	sbr.abs _section_cstart, $3  }
0xd0: {  	[dreg:$0x1] =	wrdreg $0xFFFFFFFF  }
0xd1: {  	_ =	task.clear_ibuf [dreg:s22], $0x2FFFF;
	_ =	strace $0x9FFFFFFF  }
0xd2: {  	(tm) =	ssettm $0x7FFFFFFF  }
0xd3: {  	_ =	shalt  }
tec
execute0_lowered:
.L_overlay_start_1:
0x0: {  	(tag) =	ssettag $0x1  }
0x1: {  	s0 =	rddreg [dreg:$0x0]  }
0x2: {  	s2 =	rddreg [dreg:$0x1]  }
0x3: {  	s3 =	rddreg [dreg:$0x2];
	s7 =	stileid.u32  }
0x4: {  	s1 =	srdreg.scid;
	s4 =	simm.s32 $0x0;
	s5 =	smul.u32 $0x3B0, s7  }
0x5: {  	s1 =	sand.u32 $0x1, s1;
	[smem:$0x7FF] =	sst s4  }
0x6: {  	s7 =	sshll.u32 s7, $0x6;
	s6 =	smul.u32 $0x1D6800, s1;
	s5 =	smin.u32 s5, $0x3720  }
0x7: {  	_ =	strace $0x8000004A;
	s8 =	ssub.s32 $0x2, s1;
	s5 =	sshll.u32 s5, $0x7  }
0x8: {  	[dreg:$0x4] =	wrdreg s7;
	s9 =	sshrl.u32 s8, $0x1;
	s6 =	sadd.s32 s6, s5  }
0x9: {  	s7 =	sadd.s32 s7, s0;
	s8 =	ssub.s32 s8, s9;
	s6 =	sshrl.u32 s6, $0x3  }
0xa: {  	s24 =	smax.u32 s8, $0x1;
	s0 =	sadd.s32 s6, s0;
	s6 =	sadd.s32 s5, s3  }
0xb: {  	[dreg:$0x14] =	wrdreg s24;
	s9 =	sadd.s32 $0x1000, s6  }
0xc: {  	s10 =	sadd.s32 $0x2000, s6;
	[dreg:$0x5] =	wrdreg s9  }
0xd: {  	s11 =	sadd.s32 $0x3000, s6;
	[dreg:$0x6] =	wrdreg s10  }
0xe: {  	s12 =	sadd.s32 $0x4000, s6;
	[dreg:$0x7] =	wrdreg s11  }
0xf: {  	s13 =	sadd.s32 $0x5000, s6;
	[dreg:$0x8] =	wrdreg s12  }
0x10: {  	s14 =	sadd.s32 $0x6000, s6;
	[dreg:$0x9] =	wrdreg s13  }
0x11: {  	s15 =	sadd.s32 $0x7000, s6;
	[dreg:$0xa] =	wrdreg s14  }
0x12: {  	s16 =	sadd.s32 $0x8000, s6;
	[dreg:$0xb] =	wrdreg s15  }
0x13: {  	s18 =	sadd.s32 $0x9000, s6;
	[dreg:$0xc] =	wrdreg s16  }
0x14: {  	s17 =	smul.u32 $0x1388, s1;
	s19 =	sadd.s32 $0xA000, s6;
	[dreg:$0xd] =	wrdreg s18  }
0x15: {  	s20 =	sadd.s32 $0xB000, s6;
	[dreg:$0xe] =	wrdreg s19  }
0x16: {  	v0 =	vmov s17;
	s17 =	simm.s32 $0x1500;
	s21 =	sadd.s32 $0xC000, s6;
	[dreg:$0xf] =	wrdreg s20  }
0x17: {  	s24 =	sadd.s32 $0x9F200, s7;
	s22 =	sadd.s32 $0xD000, s6;
	[dreg:$0x10] =	wrdreg s21  }
0x18: {  	s23 =	sadd.s32 $0xE000, s6;
	s0 =	sadd.s32 $0x115000, s0;
	[dreg:$0x11] =	wrdreg s22  }
0x19: {  	s25 =	sadd.s32 $0xF000, s6;
	s26 =	sadd.s32 $0x10000, s6;
	[dreg:$0x12] =	wrdreg s23  }
0x1a: {  	s28 =	sadd.s32 $0x11000, s6;
	s29 =	sadd.s32 $0x12000, s6;
	[dreg:$0x13] =	wrdreg s0  }
0x1b: {  	s30 =	sadd.s32 $0x13000, s6;
	s31 =	sadd.s32 $0x14000, s6;
	[dreg:$0x15] =	wrdreg s25  }
0x1c: {  	s1 =	sadd.s32 $0x15000, s6;
	s8 =	sadd.s32 $0x18000, s6;
	[dreg:$0x16] =	wrdreg s26  }
0x1d: {  	s5 =	sadd.s32 $0x1C000, s6;
	s21 =	sadd.s32 $0x2E00, s7;
	[dreg:$0x17] =	wrdreg s28  }
0x1e: {  	s0 =	sadd.s32 $0x16000, s6;
	s7 =	sadd.s32 $0x17000, s6;
	s9 =	sadd.s32 $0x19000, s6  }
0x1f: {  	s10 =	sadd.s32 $0x1A000, s6;
	s11 =	sadd.s32 $0x1B000, s6;
	s12 =	sadd.s32 $0x1D000, s6  }
0x20: {  	s13 =	simm.s32 $0x500;
	s14 =	simm.s32 $0x3;
	s15 =	simm.s32 $0x20  }
0x21: {  	v3 =	vlaneseq.u32;
	s16 =	simm.s32 $0x200;
	s18 =	simm.s32 $0x1;
	s19 =	simm.s32 $0x400  }
0x22: {  	v1 =	vimm.f32 $0.0e+00;
	v2 =	vor.u32 $0x3AB0, v3;
	v3 =	vor.u32 $0x3AC0, v3;
	s20 =	simm.s32 $0x2;
	s22 =	simm.s32 $0x480;
	s23 =	simm.s32 $0x0  }
.LBB2_1:
0x23: {  	s25 =	simm.s32 $0x0;
	s26 =	simm.s32 $0x200  }
.LBB2_2:
0x24: {  	p0 =	sne.s32 s26, $0x3E00;
	[tilespmem:s25+$0x570] =	vst v1  }
0x25: {  	[tilespmem:s25+$0x500] =	vst v1  }
0x26: {  	[tilespmem:s25+$0x510] =	vst v1  }
.Ltmp0:
0x27: {  	[tilespmem:s25+$0x520] =	vst v1;
	(pc) =	sbr.rel @p0 .LBB2_2-.Ltmp0, $4  }
0x28: {  	[tilespmem:s25+$0x530] =	vst v1  }
0x29: {  	[tilespmem:s25+$0x540] =	vst v1  }
0x2a: {  	[tilespmem:s25+$0x550] =	vst v1  }
0x2b: {  	[tilespmem:s25+$0x560] =	vst v1;
	s25 =	sshra.s32 s26, $0x2;
	s26 =	sadd.s32 $0x200, s26  }
0x2c: {  	[tilespmem:s25+$0x570] =	vst v1  }
0x2d: {  	[tilespmem:s25+$0x500] =	vst v1  }
0x2e: {  	[tilespmem:s25+$0x510] =	vst v1  }
0x2f: {  	[tilespmem:s25+$0x520] =	vst v1  }
0x30: {  	[tilespmem:s25+$0x530] =	vst v1  }
0x31: {  	[tilespmem:s25+$0x540] =	vst v1  }
0x32: {  	[tilespmem:s25+$0x550] =	vst v1  }
0x33: {  	[tilespmem:s25+$0x560] =	vst v1  }
0x34: {  	[spmem:s6] =	stream.linear.scatter [tilespmem:s13], [sflag:$0x3], $0x1000, $0x38;
	[tilespmem:$0x1FB80] =	vst v63  }
0x35: {  	_ =	swait.ge [sflag:s14], $0x1000  }
0x36: {  	[sflag:s14] =	ssyncset.done $0x0  }
0x37: {  	s26 =	rddreg [dreg:$0x5];
	[sflag:s14] =	ssyncadd.s32 $0xFFFFF000  }
0x38: {  	[spmem:s26] =	stream.linear.scatter [tilespmem:s13], [sflag:$0x3], $0x1000, $0x38;
	[tilespmem:$0x1FB80] =	vst v63  }
0x39: {  	_ =	swait.ge [sflag:s14], $0x1000  }
0x3a: {  	[sflag:s14] =	ssyncset.done $0x0  }
0x3b: {  	s28 =	rddreg [dreg:$0x6];
	[sflag:s14] =	ssyncadd.s32 $0xFFFFF000  }
0x3c: {  	[spmem:s28] =	stream.linear.scatter [tilespmem:s13], [sflag:$0x3], $0x1000, $0x38;
	[tilespmem:$0x1FB80] =	vst v63  }
0x3d: {  	_ =	swait.ge [sflag:s14], $0x1000  }
0x3e: {  	[sflag:s14] =	ssyncset.done $0x0  }
0x3f: {  	s26 =	rddreg [dreg:$0x7];
	[sflag:s14] =	ssyncadd.s32 $0xFFFFF000  }
0x40: {  	[spmem:s26] =	stream.linear.scatter [tilespmem:s13], [sflag:$0x3], $0x1000, $0x38;
	[tilespmem:$0x1FB80] =	vst v63  }
0x41: {  	_ =	swait.ge [sflag:s14], $0x1000  }
0x42: {  	[sflag:s14] =	ssyncset.done $0x0  }
0x43: {  	s28 =	rddreg [dreg:$0x8];
	[sflag:s14] =	ssyncadd.s32 $0xFFFFF000  }
0x44: {  	[spmem:s28] =	stream.linear.scatter [tilespmem:s13], [sflag:$0x3], $0x1000, $0x38;
	[tilespmem:$0x1FB80] =	vst v63  }
0x45: {  	_ =	swait.ge [sflag:s14], $0x1000  }
0x46: {  	[sflag:s14] =	ssyncset.done $0x0  }
0x47: {  	s26 =	rddreg [dreg:$0x9];
	[sflag:s14] =	ssyncadd.s32 $0xFFFFF000  }
0x48: {  	[spmem:s26] =	stream.linear.scatter [tilespmem:s13], [sflag:$0x3], $0x1000, $0x38;
	[tilespmem:$0x1FB80] =	vst v63  }
0x49: {  	_ =	swait.ge [sflag:s14], $0x1000  }
0x4a: {  	[sflag:s14] =	ssyncset.done $0x0  }
0x4b: {  	s28 =	rddreg [dreg:$0xa];
	[sflag:s14] =	ssyncadd.s32 $0xFFFFF000  }
0x4c: {  	[spmem:s28] =	stream.linear.scatter [tilespmem:s13], [sflag:$0x3], $0x1000, $0x38;
	[tilespmem:$0x1FB80] =	vst v63  }
0x4d: {  	_ =	swait.ge [sflag:s14], $0x1000  }
0x4e: {  	[sflag:s14] =	ssyncset.done $0x0  }
0x4f: {  	s26 =	rddreg [dreg:$0xb];
	[sflag:s14] =	ssyncadd.s32 $0xFFFFF000  }
0x50: {  	[spmem:s26] =	stream.linear.scatter [tilespmem:s13], [sflag:$0x3], $0x1000, $0x38;
	[tilespmem:$0x1FB80] =	vst v63  }
0x51: {  	_ =	swait.ge [sflag:s14], $0x1000  }
0x52: {  	[sflag:s14] =	ssyncset.done $0x0  }
0x53: {  	s28 =	rddreg [dreg:$0xc];
	[sflag:s14] =	ssyncadd.s32 $0xFFFFF000  }
0x54: {  	[spmem:s28] =	stream.linear.scatter [tilespmem:s13], [sflag:$0x3], $0x1000, $0x38;
	[tilespmem:$0x1FB80] =	vst v63  }
0x55: {  	_ =	swait.ge [sflag:s14], $0x1000  }
0x56: {  	[sflag:s14] =	ssyncset.done $0x0  }
0x57: {  	s26 =	rddreg [dreg:$0xd];
	[sflag:s14] =	ssyncadd.s32 $0xFFFFF000  }
0x58: {  	[spmem:s26] =	stream.linear.scatter [tilespmem:s13], [sflag:$0x3], $0x1000, $0x38;
	[tilespmem:$0x1FB80] =	vst v63  }
0x59: {  	_ =	swait.ge [sflag:s14], $0x1000  }
0x5a: {  	[sflag:s14] =	ssyncset.done $0x0  }
0x5b: {  	s28 =	rddreg [dreg:$0xe];
	[sflag:s14] =	ssyncadd.s32 $0xFFFFF000  }
0x5c: {  	[spmem:s28] =	stream.linear.scatter [tilespmem:s13], [sflag:$0x3], $0x1000, $0x38;
	[tilespmem:$0x1FB80] =	vst v63  }
0x5d: {  	_ =	swait.ge [sflag:s14], $0x1000  }
0x5e: {  	[sflag:s14] =	ssyncset.done $0x0  }
0x5f: {  	s26 =	rddreg [dreg:$0xf];
	[sflag:s14] =	ssyncadd.s32 $0xFFFFF000  }
0x60: {  	[spmem:s26] =	stream.linear.scatter [tilespmem:s13], [sflag:$0x3], $0x1000, $0x38;
	[tilespmem:$0x1FB80] =	vst v63  }
0x61: {  	_ =	swait.ge [sflag:s14], $0x1000  }
0x62: {  	[sflag:s14] =	ssyncset.done $0x0  }
0x63: {  	s28 =	rddreg [dreg:$0x10];
	[sflag:s14] =	ssyncadd.s32 $0xFFFFF000  }
0x64: {  	[spmem:s28] =	stream.linear.scatter [tilespmem:s13], [sflag:$0x3], $0x1000, $0x38;
	[tilespmem:$0x1FB80] =	vst v63  }
0x65: {  	_ =	swait.ge [sflag:s14], $0x1000  }
0x66: {  	[sflag:s14] =	ssyncset.done $0x0  }
0x67: {  	s26 =	rddreg [dreg:$0x11];
	[sflag:s14] =	ssyncadd.s32 $0xFFFFF000  }
0x68: {  	[spmem:s26] =	stream.linear.scatter [tilespmem:s13], [sflag:$0x3], $0x1000, $0x38;
	[tilespmem:$0x1FB80] =	vst v63  }
0x69: {  	_ =	swait.ge [sflag:s14], $0x1000  }
0x6a: {  	[sflag:s14] =	ssyncset.done $0x0  }
0x6b: {  	s28 =	rddreg [dreg:$0x12];
	[sflag:s14] =	ssyncadd.s32 $0xFFFFF000  }
0x6c: {  	[spmem:s28] =	stream.linear.scatter [tilespmem:s13], [sflag:$0x3], $0x1000, $0x38;
	[tilespmem:$0x1FB80] =	vst v63  }
0x6d: {  	_ =	swait.ge [sflag:s14], $0x1000  }
0x6e: {  	[sflag:s14] =	ssyncset.done $0x0  }
0x6f: {  	s26 =	rddreg [dreg:$0x15];
	[sflag:s14] =	ssyncadd.s32 $0xFFFFF000  }
0x70: {  	[spmem:s26] =	stream.linear.scatter [tilespmem:s13], [sflag:$0x3], $0x1000, $0x38;
	[tilespmem:$0x1FB80] =	vst v63  }
0x71: {  	_ =	swait.ge [sflag:s14], $0x1000  }
0x72: {  	[sflag:s14] =	ssyncset.done $0x0  }
0x73: {  	s28 =	rddreg [dreg:$0x16];
	[sflag:s14] =	ssyncadd.s32 $0xFFFFF000  }
0x74: {  	[spmem:s28] =	stream.linear.scatter [tilespmem:s13], [sflag:$0x3], $0x1000, $0x38;
	[tilespmem:$0x1FB80] =	vst v63  }
0x75: {  	_ =	swait.ge [sflag:s14], $0x1000  }
0x76: {  	[sflag:s14] =	ssyncset.done $0x0  }
0x77: {  	s26 =	rddreg [dreg:$0x17];
	[sflag:s14] =	ssyncadd.s32 $0xFFFFF000  }
0x78: {  	[spmem:s26] =	stream.linear.scatter [tilespmem:s13], [sflag:$0x3], $0x1000, $0x38;
	[tilespmem:$0x1FB80] =	vst v63  }
0x79: {  	_ =	swait.ge [sflag:s14], $0x1000  }
0x7a: {  	[sflag:s14] =	ssyncset.done $0x0  }
0x7b: {  	[sflag:s14] =	ssyncadd.s32 $0xFFFFF000  }
0x7c: {  	[spmem:s29] =	stream.linear.scatter [tilespmem:s13], [sflag:$0x3], $0x1000, $0x38;
	[tilespmem:$0x1FB80] =	vst v63  }
0x7d: {  	_ =	swait.ge [sflag:s14], $0x1000  }
0x7e: {  	[sflag:s14] =	ssyncset.done $0x0  }
0x7f: {  	[sflag:s14] =	ssyncadd.s32 $0xFFFFF000  }
0x80: {  	[spmem:s30] =	stream.linear.scatter [tilespmem:s13], [sflag:$0x3], $0x1000, $0x38;
	[tilespmem:$0x1FB80] =	vst v63  }
0x81: {  	_ =	swait.ge [sflag:s14], $0x1000  }
0x82: {  	[sflag:s14] =	ssyncset.done $0x0  }
0x83: {  	[sflag:s14] =	ssyncadd.s32 $0xFFFFF000  }
0x84: {  	[spmem:s31] =	stream.linear.scatter [tilespmem:s13], [sflag:$0x3], $0x1000, $0x38;
	[tilespmem:$0x1FB80] =	vst v63  }
0x85: {  	_ =	swait.ge [sflag:s14], $0x1000  }
0x86: {  	[sflag:s14] =	ssyncset.done $0x0  }
0x87: {  	[sflag:s14] =	ssyncadd.s32 $0xFFFFF000  }
0x88: {  	[spmem:s1] =	stream.linear.scatter [tilespmem:s13], [sflag:$0x3], $0x1000, $0x38;
	[tilespmem:$0x1FB80] =	vst v63  }
0x89: {  	_ =	swait.ge [sflag:s14], $0x1000  }
0x8a: {  	[sflag:s14] =	ssyncset.done $0x0  }
0x8b: {  	[sflag:s14] =	ssyncadd.s32 $0xFFFFF000  }
0x8c: {  	[spmem:s0] =	stream.linear.scatter [tilespmem:s13], [sflag:$0x3], $0x1000, $0x38;
	[tilespmem:$0x1FB80] =	vst v63  }
0x8d: {  	_ =	swait.ge [sflag:s14], $0x1000  }
0x8e: {  	[sflag:s14] =	ssyncset.done $0x0  }
0x8f: {  	[sflag:s14] =	ssyncadd.s32 $0xFFFFF000  }
0x90: {  	[spmem:s7] =	stream.linear.scatter [tilespmem:s13], [sflag:$0x3], $0x1000, $0x38;
	[tilespmem:$0x1FB80] =	vst v63  }
0x91: {  	_ =	swait.ge [sflag:s14], $0x1000  }
0x92: {  	[sflag:s14] =	ssyncset.done $0x0  }
0x93: {  	[sflag:s14] =	ssyncadd.s32 $0xFFFFF000  }
0x94: {  	[spmem:s8] =	stream.linear.scatter [tilespmem:s13], [sflag:$0x3], $0x1000, $0x38;
	[tilespmem:$0x1FB80] =	vst v63  }
0x95: {  	_ =	swait.ge [sflag:s14], $0x1000  }
0x96: {  	[sflag:s14] =	ssyncset.done $0x0  }
0x97: {  	[sflag:s14] =	ssyncadd.s32 $0xFFFFF000  }
0x98: {  	[spmem:s9] =	stream.linear.scatter [tilespmem:s13], [sflag:$0x3], $0x1000, $0x38;
	[tilespmem:$0x1FB80] =	vst v63  }
0x99: {  	_ =	swait.ge [sflag:s14], $0x1000  }
0x9a: {  	[sflag:s14] =	ssyncset.done $0x0  }
0x9b: {  	[sflag:s14] =	ssyncadd.s32 $0xFFFFF000  }
0x9c: {  	[spmem:s10] =	stream.linear.scatter [tilespmem:s13], [sflag:$0x3], $0x1000, $0x38;
	[tilespmem:$0x1FB80] =	vst v63  }
0x9d: {  	_ =	swait.ge [sflag:s14], $0x1000  }
0x9e: {  	[sflag:s14] =	ssyncset.done $0x0  }
0x9f: {  	[sflag:s14] =	ssyncadd.s32 $0xFFFFF000  }
0xa0: {  	[spmem:s11] =	stream.linear.scatter [tilespmem:s13], [sflag:$0x3], $0x1000, $0x38;
	[tilespmem:$0x1FB80] =	vst v63  }
0xa1: {  	_ =	swait.ge [sflag:s14], $0x1000  }
0xa2: {  	[sflag:s14] =	ssyncset.done $0x0  }
0xa3: {  	[sflag:s14] =	ssyncadd.s32 $0xFFFFF000  }
0xa4: {  	[spmem:s5] =	stream.linear.scatter [tilespmem:s13], [sflag:$0x3], $0x1000, $0x38;
	[tilespmem:$0x1FB80] =	vst v63  }
0xa5: {  	_ =	swait.ge [sflag:s14], $0x1000  }
0xa6: {  	[sflag:s14] =	ssyncset.done $0x0  }
0xa7: {  	[sflag:s14] =	ssyncadd.s32 $0xFFFFF000  }
0xa8: {  	[spmem:s12] =	stream.linear.scatter [tilespmem:s13], [sflag:$0x3], $0x800, $0x38;
	[tilespmem:$0x1FB80] =	vst v63  }
0xa9: {  	_ =	swait.ge [sflag:s14], $0x800  }
0xaa: {  	[sflag:s14] =	ssyncset.done $0x0  }
0xab: {  	[sflag:s14] =	ssyncadd.s32 $0xFFFFF800  }
0xac: {  	[bflag:$0x0] =	sbarrier.arrive $0xFFFF  }
0xad: {  	[tilespmem:s4], [sflag:$0x3] =	stream.linear.gather [hbm4b:s21+s4], $0x180, $0x38;
	[tilespmem:$0x1FB80] =	vst v63  }
0xae: {  	_ =	swait.ge [sflag:s14], $0x180  }
0xaf: {  	[sflag:s14] =	ssyncset.done $0x0  }
0xb0: {  	[sflag:s14] =	ssyncadd.s32 $0xFFFFFE80  }
0xb1: {  	v4 =	vld [tilespmem:$0x80]  }
0xb2: {  	v5 =	vld [tilespmem:$0x100]  }
0xb3: {  	v6 =	vld [tilespmem:$0x110]  }
0xb4: {  	v7 =	vld [tilespmem:$0x90];
	_ =	sdelay $0x2  }
0xb5: {  	v5 =	vmul.u32 $0x1390, v5  }
0xb6: {  	v4 =	vsub.s32 v4, v0;
	v6 =	vmul.u32 $0x1390, v6  }
0xb7: {  	vm0 =	vlt.u32 v4, $0x1388;
	v4 =	vadd.s32 v4, v5;
	v5 =	vsub.s32 v7, v0  }
0xb8: {  	v4 =	vsel vm0, v4, v2;
	vm12 =	vlt.u32 v5, $0x1388;
	v5 =	vadd.s32 v5, v6  }
0xb9: {  	[tilespmem:$0x400] =	vst v4;
	v4 =	vsel vm12, v5, v3  }
0xba: {  	s28 =	sadd.s32 $0xFFF64000, s21;
	[tilespmem:$0x410] =	vst v4  }
0xbb: {  	[tilespmem:s13], [sflag:$0x1] =	stream.indirect.gather [hbm4b:s2+s15], $0x80, s4, s15, $0xb8;
	[tilespmem:$0x1FB80] =	vst v63  }
0xbc: {  	s26 =	sadd.s32 $0x9C400, s28  }
0xbd: {  	[tilespmem:s16], [sflag:$0x3] =	stream.linear.gather [hbm4b:s26+s4], $0x180, $0x38;
	[tilespmem:$0x1FB80] =	vst v63  }
0xbe: {  	_ =	swait.ge [sflag:s14], $0x180  }
0xbf: {  	[sflag:s14] =	ssyncset.done $0x0  }
0xc0: {  	[sflag:s14] =	ssyncadd.s32 $0xFFFFFE80  }
0xc1: {  	v4 =	vld [tilespmem:$0x280]  }
0xc2: {  	v5 =	vld [tilespmem:$0x300]  }
0xc3: {  	v60 =	vld [tilespmem:$0x310]  }
0xc4: {  	v61 =	vld [tilespmem:$0x290];
	_ =	sdelay $0x2  }
0xc5: {  	v5 =	vmul.u32 $0x1390, v5  }
0xc6: {  	v4 =	vsub.s32 v4, v0;
	v6 =	vmul.u32 $0x1390, v60  }
0xc7: {  	vm13 =	vlt.u32 v4, $0x1388;
	v4 =	vadd.s32 v4, v5;
	v5 =	vsub.s32 v61, v0  }
0xc8: {  	v4 =	vsel vm13, v4, v2;
	vm14 =	vlt.u32 v5, $0x1388;
	v5 =	vadd.s32 v5, v6  }
0xc9: {  	[tilespmem:$0x480] =	vst v4;
	v4 =	vsel vm14, v5, v3  }
0xca: {  	[tilespmem:$0x490] =	vst v4  }
0xcb: {  	[tilespmem:s17], [sflag:$0x2] =	stream.indirect.gather [hbm4b:s2+s15], $0x80, s16, s15, $0xb8;
	[tilespmem:$0x1FB80] =	vst v63  }
0xcc: {  	_ =	swait.ge [sflag:s18], $0x1000  }
0xcd: {  	[sflag:s18] =	ssyncset.done $0x0  }
0xce: {  	[sflag:s18] =	ssyncadd.s32 $0xFFFFF000  }
0xcf: {  	[spmem:s3] =	stream.indirect.scatter.add.f32 [tilespmem:s13], [sflag:$0x3], $0x80, s19, s15, $0xb8;
	[tilespmem:$0x1FB80] =	vst v63  }
0xd0: {  	_ =	swait.ge [sflag:s14], $0x1000  }
0xd1: {  	[sflag:s14] =	ssyncset.done $0x0  }
0xd2: {  	s25 =	sadd.s32 $0x9C800, s28;
	[sflag:s14] =	ssyncadd.s32 $0xFFFFF000  }
0xd3: {  	[tilespmem:s4], [sflag:$0x3] =	stream.linear.gather [hbm4b:s25+s4], $0x180, $0x38;
	[tilespmem:$0x1FB80] =	vst v63  }
0xd4: {  	_ =	swait.ge [sflag:s14], $0x180  }
0xd5: {  	[sflag:s14] =	ssyncset.done $0x0  }
0xd6: {  	[sflag:s14] =	ssyncadd.s32 $0xFFFFFE80  }
0xd7: {  	v4 =	vld [tilespmem:$0x90]  }
0xd8: {  	v5 =	vld [tilespmem:$0x110]  }
0xd9: {  	v62 =	vld [tilespmem:$0x100]  }
0xda: {  	v63 =	vld [tilespmem:$0x80];
	_ =	sdelay $0x2  }
0xdb: {  	v5 =	vmul.u32 $0x1390, v5  }
0xdc: {  	v6 =	vmul.u32 $0x1390, v62;
	v4 =	vsub.s32 v4, v0  }
0xdd: {  	v7 =	vsub.s32 v63, v0;
	vm15 =	vlt.u32 v4, $0x1388;
	v4 =	vadd.s32 v4, v5  }
0xde: {  	vm1 =	vlt.u32 v7, $0x1388;
	v5 =	vadd.s32 v7, v6;
	v4 =	vsel vm15, v4, v3  }
0xdf: {  	v5 =	vsel vm1, v5, v2;
	[tilespmem:$0x410] =	vst v4  }
0xe0: {  	s25 =	simm.s32 $0xFFF64800;
	[tilespmem:$0x400] =	vst v5  }
.LBB2_4:
0xe1: {  	[tilespmem:s13], [sflag:$0x1] =	stream.indirect.gather [hbm4b:s2+s15], $0x80, s4, s15, $0xb8;
	[tilespmem:$0x1FB80] =	vst v63  }
0xe2: {  	s26 =	smov.u32 s25  }
0xe3: {  	p0 =	sne.s32 s25, $0xFFFFF800;
	s25 =	sadd.s32 $0x800, s25;
	_ =	swait.ge [sflag:s20], $0x1000  }
0xe4: {  	[sflag:s20] =	ssyncset.done $0x0  }
0xe5: {  	s26 =	sadd.s32 s26, s21;
	[sflag:s20] =	ssyncadd.s32 $0xFFFFF000  }
0xe6: {  	[spmem:s3] =	stream.indirect.scatter.add.f32 [tilespmem:s17], [sflag:$0x3], $0x80, s22, s15, $0xb8;
	[tilespmem:$0x1FB80] =	vst v63  }
0xe7: {  	_ =	swait.ge [sflag:s14], $0x1000  }
0xe8: {  	[sflag:s14] =	ssyncset.done $0x0  }
0xe9: {  	s28 =	sadd.s32 $0x9C400, s26;
	[sflag:s14] =	ssyncadd.s32 $0xFFFFF000  }
0xea: {  	[tilespmem:s16], [sflag:$0x3] =	stream.linear.gather [hbm4b:s28+s4], $0x180, $0x38;
	[tilespmem:$0x1FB80] =	vst v63  }
0xeb: {  	_ =	swait.ge [sflag:s14], $0x180  }
0xec: {  	[sflag:s14] =	ssyncset.done $0x0  }
0xed: {  	[sflag:s14] =	ssyncadd.s32 $0xFFFFFE80  }
0xee: {  	v4 =	vld [tilespmem:$0x280]  }
0xef: {  	v5 =	vld [tilespmem:$0x300]  }
0xf0: {  	v6 =	vld [tilespmem:$0x310]  }
0xf1: {  	v7 =	vld [tilespmem:$0x290];
	_ =	sdelay $0x2  }
0xf2: {  	v5 =	vmul.u32 $0x1390, v5  }
0xf3: {  	v4 =	vsub.s32 v4, v0;
	v6 =	vmul.u32 $0x1390, v6  }
0xf4: {  	vm0 =	vlt.u32 v4, $0x1388;
	v4 =	vadd.s32 v4, v5;
	v5 =	vsub.s32 v7, v0  }
0xf5: {  	v4 =	vsel vm0, v4, v2;
	vm0 =	vlt.u32 v5, $0x1388;
	v5 =	vadd.s32 v5, v6  }
0xf6: {  	[tilespmem:$0x480] =	vst v4;
	v4 =	vsel vm0, v5, v3  }
0xf7: {  	[tilespmem:$0x490] =	vst v4  }
0xf8: {  	[tilespmem:s17], [sflag:$0x2] =	stream.indirect.gather [hbm4b:s2+s15], $0x80, s16, s15, $0xb8;
	[tilespmem:$0x1FB80] =	vst v63  }
0xf9: {  	_ =	swait.ge [sflag:s18], $0x1000  }
0xfa: {  	[sflag:s18] =	ssyncset.done $0x0  }
0xfb: {  	[sflag:s18] =	ssyncadd.s32 $0xFFFFF000  }
0xfc: {  	[spmem:s3] =	stream.indirect.scatter.add.f32 [tilespmem:s13], [sflag:$0x3], $0x80, s19, s15, $0xb8;
	[tilespmem:$0x1FB80] =	vst v63  }
0xfd: {  	_ =	swait.ge [sflag:s14], $0x1000  }
0xfe: {  	[sflag:s14] =	ssyncset.done $0x0  }
0xff: {  	s26 =	sadd.s32 $0x9C800, s26;
	[sflag:s14] =	ssyncadd.s32 $0xFFFFF000  }
0x100: {  	[tilespmem:s4], [sflag:$0x3] =	stream.linear.gather [hbm4b:s26+s4], $0x180, $0x38;
	[tilespmem:$0x1FB80] =	vst v63  }
0x101: {  	_ =	swait.ge [sflag:s14], $0x180  }
0x102: {  	[sflag:s14] =	ssyncset.done $0x0  }
0x103: {  	[sflag:s14] =	ssyncadd.s32 $0xFFFFFE80  }
0x104: {  	v4 =	vld [tilespmem:$0x90]  }
0x105: {  	v5 =	vld [tilespmem:$0x110]  }
0x106: {  	v6 =	vld [tilespmem:$0x100]  }
0x107: {  	v7 =	vld [tilespmem:$0x80];
	_ =	sdelay $0x2  }
0x108: {  	v5 =	vmul.u32 $0x1390, v5  }
.Ltmp1:
0x109: {  	v4 =	vsub.s32 v4, v0;
	v6 =	vmul.u32 $0x1390, v6;
	(pc) =	sbr.rel @p0 .LBB2_4-.Ltmp1, $4  }
0x10a: {  	vm0 =	vlt.u32 v4, $0x1388;
	v7 =	vsub.s32 v7, v0;
	v4 =	vadd.s32 v4, v5  }
0x10b: {  	vm1 =	vlt.u32 v7, $0x1388;
	v5 =	vadd.s32 v7, v6;
	v4 =	vsel vm0, v4, v3  }
0x10c: {  	v5 =	vsel vm1, v5, v2;
	[tilespmem:$0x410] =	vst v4  }
0x10d: {  	[tilespmem:$0x400] =	vst v5  }
0x10e: {  	[tilespmem:s13], [sflag:$0x1] =	stream.indirect.gather [hbm4b:s2+s15], $0x80, s4, s15, $0xb8;
	[tilespmem:$0x1FB80] =	vst v63  }
0x10f: {  	_ =	swait.ge [sflag:s20], $0x1000  }
0x110: {  	[sflag:s20] =	ssyncset.done $0x0  }
0x111: {  	[sflag:s20] =	ssyncadd.s32 $0xFFFFF000  }
0x112: {  	[spmem:s3] =	stream.indirect.scatter.add.f32 [tilespmem:s17], [sflag:$0x3], $0x80, s22, s15, $0xb8;
	[tilespmem:$0x1FB80] =	vst v63  }
0x113: {  	_ =	swait.ge [sflag:s14], $0x1000  }
0x114: {  	[sflag:s14] =	ssyncset.done $0x0  }
0x115: {  	[sflag:s14] =	ssyncadd.s32 $0xFFFFF000  }
0x116: {  	[tilespmem:s16], [sflag:$0x3] =	stream.linear.gather [hbm4b:s24+s4], $0x180, $0x38;
	[tilespmem:$0x1FB80] =	vst v63  }
0x117: {  	_ =	swait.ge [sflag:s14], $0x180  }
0x118: {  	[sflag:s14] =	ssyncset.done $0x0  }
0x119: {  	[sflag:s14] =	ssyncadd.s32 $0xFFFFFE80  }
0x11a: {  	v4 =	vld [tilespmem:$0x280]  }
0x11b: {  	v5 =	vld [tilespmem:$0x300]  }
0x11c: {  	v6 =	vld [tilespmem:$0x310]  }
0x11d: {  	v7 =	vld [tilespmem:$0x290];
	_ =	sdelay $0x2  }
0x11e: {  	v5 =	vmul.u32 $0x1390, v5  }
0x11f: {  	v4 =	vsub.s32 v4, v0;
	v6 =	vmul.u32 $0x1390, v6  }
0x120: {  	vm0 =	vlt.u32 v4, $0x1388;
	v4 =	vadd.s32 v4, v5;
	v5 =	vsub.s32 v7, v0  }
0x121: {  	v4 =	vsel vm0, v4, v2;
	vm13 =	vlt.u32 v5, $0x1388;
	v5 =	vadd.s32 v5, v6  }
0x122: {  	[tilespmem:$0x480] =	vst v4;
	v4 =	vsel vm13, v5, v3  }
0x123: {  	[tilespmem:$0x490] =	vst v4  }
0x124: {  	[tilespmem:s17], [sflag:$0x2] =	stream.indirect.gather [hbm4b:s2+s15], $0x80, s16, s15, $0xb8;
	[tilespmem:$0x1FB80] =	vst v63  }
0x125: {  	_ =	swait.ge [sflag:s18], $0x1000  }
0x126: {  	[sflag:s18] =	ssyncset.done $0x0  }
0x127: {  	[sflag:s18] =	ssyncadd.s32 $0xFFFFF000  }
0x128: {  	[spmem:s3] =	stream.indirect.scatter.add.f32 [tilespmem:s13], [sflag:$0x3], $0x80, s19, s15, $0xb8;
	[tilespmem:$0x1FB80] =	vst v63  }
0x129: {  	_ =	swait.ge [sflag:s14], $0x1000  }
0x12a: {  	[sflag:s14] =	ssyncset.done $0x0  }
0x12b: {  	[sflag:s14] =	ssyncadd.s32 $0xFFFFF000  }
0x12c: {  	[tilespmem:s4], [sflag:$0x3] =	stream.linear.gather [hbm4b:s24+s4], $0x180, $0x38;
	[tilespmem:$0x1FB80] =	vst v63  }
0x12d: {  	_ =	swait.ge [sflag:s14], $0x180  }
0x12e: {  	[sflag:s14] =	ssyncset.done $0x0  }
0x12f: {  	[sflag:s14] =	ssyncadd.s32 $0xFFFFFE80  }
0x130: {  	v4 =	vld [tilespmem:$0x80]  }
0x131: {  	v5 =	vld [tilespmem:$0x100]  }
0x132: {  	v62 =	vld [tilespmem:$0x110]  }
0x133: {  	v63 =	vld [tilespmem:$0x90];
	_ =	sdelay $0x2  }
0x134: {  	v5 =	vmul.u32 $0x1390, v5  }
0x135: {  	v4 =	vsub.s32 v4, v0;
	v6 =	vmul.u32 $0x1390, v62  }
0x136: {  	vm14 =	vlt.u32 v4, $0x1388;
	v4 =	vadd.s32 v4, v5;
	v5 =	vsub.s32 v63, v0  }
0x137: {  	v4 =	vsel vm14, v4, v2;
	vm15 =	vlt.u32 v5, $0x1388;
	v5 =	vadd.s32 v5, v6  }
0x138: {  	[tilespmem:$0x400] =	vst v4;
	v4 =	vsel vm15, v5, v3  }
0x139: {  	[tilespmem:$0x410] =	vst v4  }
0x13a: {  	[tilespmem:s13], [sflag:$0x1] =	stream.indirect.gather [hbm4b:s2+s15], $0x80, s4, s15, $0xb8;
	[tilespmem:$0x1FB80] =	vst v63  }
0x13b: {  	_ =	swait.ge [sflag:s20], $0x1000  }
0x13c: {  	[sflag:s20] =	ssyncset.done $0x0  }
0x13d: {  	[sflag:s20] =	ssyncadd.s32 $0xFFFFF000  }
0x13e: {  	[spmem:s3] =	stream.indirect.scatter.add.f32 [tilespmem:s17], [sflag:$0x3], $0x80, s22, s15, $0xb8;
	[tilespmem:$0x1FB80] =	vst v63  }
0x13f: {  	_ =	swait.ge [sflag:s14], $0x1000  }
0x140: {  	[sflag:s14] =	ssyncset.done $0x0  }
0x141: {  	[sflag:s14] =	ssyncadd.s32 $0xFFFFF000  }
0x142: {  	_ =	swait.ge [sflag:s18], $0x1000  }
0x143: {  	[sflag:s18] =	ssyncset.done $0x0  }
0x144: {  	[sflag:s18] =	ssyncadd.s32 $0xFFFFF000  }
0x145: {  	[bflag:$0x0] =	sbarrier.arrive $0xFFFF  }
0x146: {  	s25 =	rddreg [dreg:$0x4]  }
0x147: {  	s26 =	sshrl.u32 s6, $0x3;
	s28 =	rddreg [dreg:$0x13];
	s25 =	sor.u32 $0x1C03, s25  }
0x148: {  	[hbm:s28], [sflag:s25] =	dma.local [spmem:s26], $0x3B00  }
0x149: {  	_ =	swait.ge [sflag:s14], $0x3B00  }
0x14a: {  	s23 =	sadd.s32 $0x1, s23;
	s28 =	rddreg [dreg:$0x14]  }
0x14b: {  	p0 =	sne.s32 s23, s28  }
.Ltmp2:
0x14c: {  	_ = 	snop;
	(pc) =	sbr.rel @p0 .LBB2_1-.Ltmp2, $3  }
0x14d: {  	_ =	sdelay $0x1  }
0x14e: {  	[sflag:s14] =	ssyncset.done $0x0  }
0x14f: {  	[sflag:s14] =	ssyncadd.s32 $0xFFFFC500  }
0x150: {  	_ =	sfence.sel $0x180000  }
0x151: {  	[bflag:$0x0] =	sbarrier.arrive $0xFFFF  }
0x152: {  	_ =	strace $0x9000004A  }
0x153: {  	s0 =	stileid.u32;
	[bflag:$0x2] =	sbarrier.arrive $0xFFFF  }
0x154: {  	p0 =	sne.s32 s0, $0x0;
	s0 =	rddreg [dreg:$0x3]  }
0x155: {  	s0 =	sadd.s32 @!p0 $0x100000, s0  }
0x156: {  	[sflag:s0] =	ssyncadd.tile.s32 @!p0 $0x1;
	_ =	shalt  }
.Lfunc_end2:
_tile_overlayer_lowered:
.L_overlay_start_2:
0x157: {  	(tag) =	ssettag $0x2  }
0x158: {  	s0 =	rddreg [dreg:$0x0];
	s2 =	stileid.u32  }
0x159: {  	s1 =	rddreg [dreg:$0x1];
	p0 =	sne.s32 s2, $0x0  }
0x15a: {  	s3 =	rddreg [dreg:$0x2];
	[bflag:$0x3] =	sbarrier.arrive $0xFFFF;
	s2 =	simm.s32 @!p0 $0x1C03  }
0x15b: {  	[timem:s3], [sflag:s2] =	dma.local @!p0 [hbm:s0], s1  }
0x15c: {  	s0 =	simm.s32 @!p0 $0x3  }
0x15d: {  	_ =	swait.ge @!p0 [sflag:s0], s1  }
0x15e: {  	s1 =	ssub.s32 @!p0 $0x0, s1;
	[sflag:s0] =	ssyncset.done @!p0 $0x0  }
0x15f: {  	[sflag:s0] =	ssyncadd.s32 @!p0 s1  }
0x160: {  	[bflag:$0x3] =	sbarrier.arrive $0xFFFF  }
0x161: {  	_ =	shalt  }

// kernel: kernel.13.cloned.1.call-start
scs
__scs_entry_jumppad:
0x0: {  	(pc) =	sbr.rel $0x88, $3  }
0x1: {  	(tag) =	ssettag $0x0;
	lr =	simm.s32 $0x1  }
0x2: {  	[smem:$0x3F98] =	sst lr;
	_ =	strace $0xD0000000  }
0x3: {  	_ = 	snop  }
0x4: {  	_ = 	snop  }
0x5: {  	_ = 	snop  }
0x6: {  	_ = 	snop  }
0x7: {  	_ = 	snop  }
__scs_overlays_trampoline_lowered:
0x8: {  	[smem:$0x3FA7] =	sst s0  }
0x9: {  	[smem:$0x3FA8] =	sst s1  }
0xa: {  	[smem:$0x3FA9] =	sst s2  }
0xb: {  	[smem:$0x3FAA] =	sst s3  }
0xc: {  	[smem:$0x3FAB] =	sst s4  }
0xd: {  	[smem:$0x3FAC] =	sst s5  }
0xe: {  	[smem:$0x3FAD] =	sst s6  }
0xf: {  	[smem:$0x3FAE] =	sst s7  }
0x10: {  	[smem:$0x3FAF] =	sst s8  }
0x11: {  	[smem:$0x3FB0] =	sst s9;
	s0 =	simm.s32 @!p0 $0x0  }
0x12: {  	s1 =	sld [smem:$0x3F96];
	s0 =	simm.s32 @p0 $0x1  }
0x13: {  	[smem:$0x3FB1] =	sst s0;
	s0 =	simm.s32 @!p1 $0x0  }
0x14: {  	s2 =	sld [smem:$0x3F95];
	s0 =	simm.s32 @p1 $0x1  }
0x15: {  	[smem:$0x3FB2] =	sst s0;
	s0 =	simm.s32 @!p2 $0x0  }
0x16: {  	s3 =	sld [smem:$0x3FDB];
	s0 =	simm.s32 @p2 $0x1  }
0x17: {  	s4 =	simm.s32 $0x1BF5;
	[smem:$0x3FB4] =	sst s0  }
0x18: {  	s0 =	sld [smem:$0x3F97];
	_ =	swait.ge [sflag:s4], $0x0  }
0x19: {  	s7 =	sld [smem:$0x3F98]  }
0x1a: {  	s8 =	sadd.s32 $0xFFFFE003, lr  }
0x1b: {  	s9 =	sadd.s32 $0xFFFFFEF7, lr;
	s5 =	simm.s32 $0xFFFFFFFF;
	p2 =	slt.u32 s8, $0xFFFFF086  }
0x1c: {  	p1 =	slt.u32 s9, $0xF7A;
	s5 =	simm.s32 @!p2 $0x0  }
0x1d: {  	s5 =	simm.s32 @p1 $0x1;
	p0 =	seq.s32 s7, s2  }
0x1e: {  	s7 =	smul.u32 @!p0 $0xF7A, s2;
	p2 =	seq.s32 @!p0 s5, $0x0  }
0x1f: {  	s9 =	smul.u32 $0xF7A, s1;
	s8 =	simm.s32 @!p0 $0x1BF5;
	p2 =	por !p2, p0  }
0x20: {  	[sflag:s8] =	ssyncset.s32 @!p0 $0xFFFFF086;
	s6 =	sadd.s32 @!p0 s3, s7;
	s7 =	simm.s32 @!p0 $0x108  }
0x21: {  	s3 =	sadd.s32 s3, s9;
	s6 =	sadd.s32 @!p0 $0x88, s6;
	s7 =	simm.s32 @p2 $0x1082  }
0x22: {  	[simem:s7], [sflag:s8] =	dma.local @!p0 [hbm:s6], $0xF7A  }
0x23: {  	s9 =	sor.u32 $0xD0000000, s2;
	s6 =	simm.s32 $0x108;
	_ =	swait.ge @!p0 [sflag:s8], $0x0  }
0x24: {  	s3 =	sadd.s32 $0x88, s3;
	s6 =	simm.s32 @!p1 $0x1082;
	[sflag:s4] =	ssyncset.s32 $0xFFFFF086  }
0x25: {  	[simem:s6], [sflag:s4] =	dma.local [hbm:s3], $0xF7A  }
0x26: {  	[smem:$0x3F98] =	sst s1;
	(tag) =	ssettag s2;
	_ =	strace s9  }
0x27: {  	s1 =	sld [smem:$0x3FA8]  }
0x28: {  	s2 =	sld [smem:$0x3FA9]  }
0x29: {  	s4 =	sld [smem:$0x3FAB]  }
0x2a: {  	p0 =	seq.s32 s5, $0x0;
	s5 =	sld [smem:$0x3FAC]  }
0x2b: {  	s6 =	sld [smem:$0x3FAD]  }
0x2c: {  	s7 =	sld [smem:$0x3FAE]  }
0x2d: {  	s3 =	simm.s32 $0x108;
	s8 =	sld [smem:$0x3FAF]  }
0x2e: {  	s3 =	simm.s32 @!p0 $0x1082;
	s9 =	sld [smem:$0x3FB0]  }
0x2f: {  	lr =	sadd.s32 s0, s3;
	s0 =	sld [smem:$0x3FA7]  }
0x30: {  	s3 =	sld [smem:$0x3FAA]  }
0x31: {  	[smem:$0x3FB3] =	sst s10  }
0x32: {  	s10 =	sld [smem:$0x3FB1];
	_ =	sdelay $0x3  }
0x33: {  	p0 =	seq.s32 s10, $0x1;
	s10 =	sld [smem:$0x3FB3];
	_ =	sdelay $0x3  }
0x34: {  	[smem:$0x3FB3] =	sst s10  }
0x35: {  	s10 =	sld [smem:$0x3FB2];
	_ =	sdelay $0x3  }
0x36: {  	p1 =	seq.s32 s10, $0x1;
	s10 =	sld [smem:$0x3FB3];
	_ =	sdelay $0x3  }
0x37: {  	[smem:$0x3FB3] =	sst s10  }
0x38: {  	s10 =	sld [smem:$0x3FB4]  }
0x39: {  	_ = 	snop;
	(pc) =	sbr.ind lr, $3  }
0x3a: {  	_ = 	snop  }
0x3b: {  	_ = 	snop  }
0x3c: {  	p2 =	seq.s32 s10, $0x1;
	s10 =	sld [smem:$0x3FB3]  }
0x3d: {  	_ =	shalt  }
0x3e: {  	_ =	shalt  }
0x3f: {  	_ =	shalt  }
0x40: {  	_ =	shalt  }
0x41: {  	_ =	shalt  }
0x42: {  	_ =	shalt  }
0x43: {  	_ =	shalt  }
0x44: {  	_ =	shalt  }
0x45: {  	_ =	shalt  }
0x46: {  	_ =	shalt  }
0x47: {  	_ =	shalt  }
0x48: {  	_ =	shalt  }
0x49: {  	_ =	shalt  }
0x4a: {  	_ =	shalt  }
0x4b: {  	_ =	shalt  }
0x4c: {  	_ =	shalt  }
0x4d: {  	_ =	shalt  }
0x4e: {  	_ =	shalt  }
0x4f: {  	_ =	shalt  }
0x50: {  	_ =	shalt  }
0x51: {  	_ =	shalt  }
0x52: {  	_ =	shalt  }
0x53: {  	_ =	shalt  }
0x54: {  	_ =	shalt  }
0x55: {  	_ =	shalt  }
0x56: {  	_ =	shalt  }
0x57: {  	_ =	shalt  }
0x58: {  	_ =	shalt  }
0x59: {  	_ =	shalt  }
0x5a: {  	_ =	shalt  }
0x5b: {  	_ =	shalt  }
0x5c: {  	_ =	shalt  }
0x5d: {  	_ =	shalt  }
0x5e: {  	_ =	shalt  }
0x5f: {  	_ =	shalt  }
0x60: {  	_ =	shalt  }
0x61: {  	_ =	shalt  }
0x62: {  	_ =	shalt  }
0x63: {  	_ =	shalt  }
0x64: {  	_ =	shalt  }
0x65: {  	_ =	shalt  }
0x66: {  	_ =	shalt  }
0x67: {  	_ =	shalt  }
0x68: {  	_ =	shalt  }
0x69: {  	_ =	shalt  }
0x6a: {  	_ =	shalt  }
0x6b: {  	_ =	shalt  }
0x6c: {  	_ =	shalt  }
0x6d: {  	_ =	shalt  }
0x6e: {  	_ =	shalt  }
0x6f: {  	_ =	shalt  }
0x70: {  	_ =	shalt  }
0x71: {  	_ =	shalt  }
0x72: {  	_ =	shalt  }
0x73: {  	_ =	shalt  }
0x74: {  	_ =	shalt  }
0x75: {  	_ =	shalt  }
0x76: {  	_ =	shalt  }
0x77: {  	_ =	shalt  }
0x78: {  	_ =	shalt  }
0x79: {  	_ =	shalt  }
0x7a: {  	_ =	shalt  }
0x7b: {  	_ =	shalt  }
0x7c: {  	_ =	shalt  }
0x7d: {  	_ =	shalt  }
0x7e: {  	_ =	shalt  }
0x7f: {  	_ =	shalt  }
0x80: {  	_ =	shalt  }
0x81: {  	_ =	shalt  }
0x82: {  	_ =	shalt  }
0x83: {  	_ =	shalt  }
0x84: {  	_ =	shalt  }
0x85: {  	_ =	shalt  }
0x86: {  	_ =	shalt  }
0x87: {  	_ =	shalt  }
.Lfunc_end0:
.L_simem_size_0:
called_computation.2_lowered:
.L_overlay_start_0:
0x88: {  	s2 =	sld [smem:$0x3FD9]  }
0x89: {  	s3 =	sld [smem:$0x3FFE];
	_ =	sdelay $0x1  }
0x8a: {  	s1 =	srdreg.scid  }
0x8b: {  	s0 =	sand.u32 $0x1, s1  }
0x8c: {  	s17 =	sshll.u32 s0, $0xA;
	s2 =	sadd.s32 s3, s2  }
0x8d: {  	s2 =	sadd.s32 s2, s17  }
0x8e: {  	[smem:$0x3FBF] =	sst s2  }
0x8f: {  	_ = 	snop  }
0x90: {  	s2 =	sld [smem:$0x3FD0];
	(tm) =	ssettm $0x1  }
0x91: {  	s18 =	sld [smem:$0x3FFB];
	_ =	sdelay $0x3  }
0x92: {  	_ =	strace s18  }
0x93: {  	s3 =	sld [smem:$0x3FFC];
	_ =	sdelay $0x3  }
0x94: {  	_ =	strace s3  }
0x95: {  	s3 =	sld [smem:$0x3FFD];
	_ =	sdelay $0x3  }
0x96: {  	_ =	strace s3  }
0x97: {  	_ =	strace $0x8FFFFFFF  }
0x98: {  	s19 =	sld [smem:$0x3FDB];
	_ =	sdelay $0x1  }
0x99: {  	s4 =	simm.s32 $_scs_section_size  }
0x9a: {  	s5 =	simm.s32 $_size__tile_overlayer_lowered;
	s6 =	simm.s32 $_tile_overlayer_lowered  }
0x9b: {  	s22 =	simm.s32 $0x1BFF;
	s21 =	sshll.u32 s6, $0x1;
	s3 =	sadd.s32 s4, s19  }
0x9c: {  	s7 =	simm.s32 $0x0;
	s20 =	sshll.u32 s5, $0x1;
	s5 =	sadd.s32 s21, s3  }
0x9d: {  	[timem:s7], [sflag:s22] =	dma.local [hbm:s5], s20  }
0x9e: {  	_ =	swait.ge [sflag:s22], s20  }
0x9f: {  	s4 =	ssub.s32 $0x0, s20;
	[sflag:s22] =	ssyncset.done $0x0  }
0xa0: {  	[sflag:s22] =	ssyncadd.s32 s4;
	_ =	sdelay $0x1  }
0xa1: {  	s23 =	simm.s32 $0x1B8B  }
0xa2: {  	_ =	swait.ge [sflag:s23], $0x1  }
0xa3: {  	[sflag:s23] =	ssyncset.done $0x0  }
0xa4: {  	s25 =	simm.s32 $0x1B8E;
	s24 =	sld [smem:$0x3FFE];
	[sflag:s23] =	ssyncadd.s32 $0xFFFFFFFF  }
0xa5: {  	s26 =	simm.s32 $execute0_lowered;
	[smem:$0x3FD2] =	sst s25  }
0xa6: {  	s5 =	sshll.u32 s26, $0x1;
	_ =	strace $0x8000004C;
	[dreg:$0x1] =	wrdreg $0xFFFFFFFF  }
0xa7: {  	s28 =	simm.s32 $_size_execute0_lowered;
	s3 =	sadd.s32 s3, s5;
	[dreg:$0x0] =	wrdreg $0x0  }
0xa8: {  	s5 =	sshll.u32 s28, $0x1;
	[dreg:$0x2] =	wrdreg s3  }
0xa9: {  	[dreg:$0x3] =	wrdreg s5  }
0xaa: {  	[dreg:$0x4] =	wrdreg $0xC0  }
0xab: {  	_ =	task [dreg:s7], $0x5FFFF  }
0xac: {  	[dreg:$0x1] =	wrdreg $0xFFFFFFFF  }
0xad: {  	[dreg:$0x0] =	wrdreg $0x60  }
0xae: {  	[dreg:$0x2] =	wrdreg s24  }
0xaf: {  	[dreg:$0x3] =	wrdreg s2  }
0xb0: {  	[dreg:$0x4] =	wrdreg $0x25000  }
0xb1: {  	[dreg:$0x5] =	wrdreg $0x9  }
0xb2: {  	_ =	task.clear_ibuf [dreg:s7], $0x6FFFF;
	_ =	strace $0x9000004C  }
0xb3: {  	s29 =	simm.s32 $0x9;
	_ =	strace $0x8000004E  }
0xb4: {  	_ =	swait.ge [sflag:s29], $0x1  }
0xb5: {  	[sflag:s29] =	ssyncadd.s32 $0xFFFFFFFF  }
0xb6: {  	_ =	strace $0x9000004E  }
0xb7: {  	_ =	sfence  }
0xb8: {  	s30 =	sld [smem:$0x0];
	_ =	sdelay $0x2  }
0xb9: {  	s31 =	sshll.u32 s1, $0xD;
	s1 =	sshrl.u32 s1, $0x2  }
0xba: {  	s3 =	sand.u32 $0x4000, s31;
	s1 =	sadd.s32 s1, s30  }
0xbb: {  	s0 =	sor.u32 s3, s0;
	s1 =	sshll.u32 s1, $0x11  }
0xbc: {  	s0 =	sor.u32 s1, s0  }
0xbd: {  	s0 =	sadd.s32 $0x8F2B, s0  }
0xbe: {  	[sflag:s0] =	ssyncadd.remote.s32 $0x1  }
0xbf: {  	_ =	sfence.sel $0xFFFF  }
0xc0: {  	[dreg:$0x0] =	wrdreg $0xFFFFFFFF;
	(pc) =	sbr.abs _section_cstart, $3  }
0xc1: {  	[dreg:$0x1] =	wrdreg $0xFFFFFFFF  }
0xc2: {  	_ =	task.clear_ibuf [dreg:s7], $0x2FFFF;
	_ =	strace $0x9FFFFFFF  }
0xc3: {  	(tm) =	ssettm $0x7FFFFFFF  }
tec
execute0_lowered:
.L_overlay_start_1:
0x0: {  	(tag) =	ssettag $0x1  }
0x1: {  	s0 =	rddreg [dreg:$0x0]  }
0x2: {  	s2 =	rddreg [dreg:$0x1]  }
0x3: {  	s3 =	rddreg [dreg:$0x2];
	s7 =	stileid.u32  }
0x4: {  	s1 =	srdreg.scid;
	s4 =	simm.s32 $0x0;
	s5 =	smul.u32 $0x3B0, s7  }
0x5: {  	s1 =	sand.u32 $0x1, s1;
	[smem:$0x7FF] =	sst s4  }
0x6: {  	s7 =	sshll.u32 s7, $0x6;
	s6 =	smul.u32 $0x1D6800, s1;
	s5 =	smin.u32 s5, $0x3720  }
0x7: {  	_ =	strace $0x8000004D;
	s8 =	ssub.s32 $0x2, s1;
	s5 =	sshll.u32 s5, $0x7  }
0x8: {  	[dreg:$0x4] =	wrdreg s7;
	s9 =	sshrl.u32 s8, $0x1;
	s6 =	sadd.s32 s6, s5  }
0x9: {  	s7 =	sadd.s32 s7, s0;
	s8 =	ssub.s32 s8, s9;
	s6 =	sshrl.u32 s6, $0x3  }
0xa: {  	s24 =	smax.u32 s8, $0x1;
	s0 =	sadd.s32 s6, s0;
	s6 =	sadd.s32 s5, s3  }
0xb: {  	[dreg:$0x14] =	wrdreg s24;
	s9 =	sadd.s32 $0x1000, s6  }
0xc: {  	s10 =	sadd.s32 $0x2000, s6;
	[dreg:$0x5] =	wrdreg s9  }
0xd: {  	s11 =	sadd.s32 $0x3000, s6;
	[dreg:$0x6] =	wrdreg s10  }
0xe: {  	s12 =	sadd.s32 $0x4000, s6;
	[dreg:$0x7] =	wrdreg s11  }
0xf: {  	s13 =	sadd.s32 $0x5000, s6;
	[dreg:$0x8] =	wrdreg s12  }
0x10: {  	s14 =	sadd.s32 $0x6000, s6;
	[dreg:$0x9] =	wrdreg s13  }
0x11: {  	s15 =	sadd.s32 $0x7000, s6;
	[dreg:$0xa] =	wrdreg s14  }
0x12: {  	s16 =	sadd.s32 $0x8000, s6;
	[dreg:$0xb] =	wrdreg s15  }
0x13: {  	s18 =	sadd.s32 $0x9000, s6;
	[dreg:$0xc] =	wrdreg s16  }
0x14: {  	s17 =	smul.u32 $0x1388, s1;
	s19 =	sadd.s32 $0xA000, s6;
	[dreg:$0xd] =	wrdreg s18  }
0x15: {  	s20 =	sadd.s32 $0xB000, s6;
	[dreg:$0xe] =	wrdreg s19  }
0x16: {  	v0 =	vmov s17;
	s17 =	simm.s32 $0x1500;
	s21 =	sadd.s32 $0xC000, s6;
	[dreg:$0xf] =	wrdreg s20  }
0x17: {  	s24 =	sadd.s32 $0x9F200, s7;
	s22 =	sadd.s32 $0xD000, s6;
	[dreg:$0x10] =	wrdreg s21  }
0x18: {  	s23 =	sadd.s32 $0xE000, s6;
	s0 =	sadd.s32 $0x9F600, s0;
	[dreg:$0x11] =	wrdreg s22  }
0x19: {  	s25 =	sadd.s32 $0xF000, s6;
	s26 =	sadd.s32 $0x10000, s6;
	[dreg:$0x12] =	wrdreg s23  }
0x1a: {  	s28 =	sadd.s32 $0x11000, s6;
	s29 =	sadd.s32 $0x12000, s6;
	[dreg:$0x13] =	wrdreg s0  }
0x1b: {  	s30 =	sadd.s32 $0x13000, s6;
	s31 =	sadd.s32 $0x14000, s6;
	[dreg:$0x15] =	wrdreg s25  }
0x1c: {  	s1 =	sadd.s32 $0x15000, s6;
	s8 =	sadd.s32 $0x18000, s6;
	[dreg:$0x16] =	wrdreg s26  }
0x1d: {  	s5 =	sadd.s32 $0x1C000, s6;
	s21 =	sadd.s32 $0x2E00, s7;
	[dreg:$0x17] =	wrdreg s28  }
0x1e: {  	s0 =	sadd.s32 $0x16000, s6;
	s7 =	sadd.s32 $0x17000, s6;
	s9 =	sadd.s32 $0x19000, s6  }
0x1f: {  	s10 =	sadd.s32 $0x1A000, s6;
	s11 =	sadd.s32 $0x1B000, s6;
	s12 =	sadd.s32 $0x1D000, s6  }
0x20: {  	s13 =	simm.s32 $0x500;
	s14 =	simm.s32 $0x3;
	s15 =	simm.s32 $0x20  }
0x21: {  	v3 =	vlaneseq.u32;
	s16 =	simm.s32 $0x200;
	s18 =	simm.s32 $0x1;
	s19 =	simm.s32 $0x400  }
0x22: {  	v1 =	vimm.f32 $0.0e+00;
	v2 =	vor.u32 $0x3AB0, v3;
	v3 =	vor.u32 $0x3AC0, v3;
	s20 =	simm.s32 $0x2;
	s22 =	simm.s32 $0x480;
	s23 =	simm.s32 $0x0  }
.LBB2_1:
0x23: {  	s25 =	simm.s32 $0x0;
	s26 =	simm.s32 $0x200  }
.LBB2_2:
0x24: {  	p0 =	sne.s32 s26, $0x3E00;
	[tilespmem:s25+$0x570] =	vst v1  }
0x25: {  	[tilespmem:s25+$0x500] =	vst v1  }
0x26: {  	[tilespmem:s25+$0x510] =	vst v1  }
.Ltmp0:
0x27: {  	[tilespmem:s25+$0x520] =	vst v1;
	(pc) =	sbr.rel @p0 .LBB2_2-.Ltmp0, $4  }
0x28: {  	[tilespmem:s25+$0x530] =	vst v1  }
0x29: {  	[tilespmem:s25+$0x540] =	vst v1  }
0x2a: {  	[tilespmem:s25+$0x550] =	vst v1  }
0x2b: {  	[tilespmem:s25+$0x560] =	vst v1;
	s25 =	sshra.s32 s26, $0x2;
	s26 =	sadd.s32 $0x200, s26  }
0x2c: {  	[tilespmem:s25+$0x570] =	vst v1  }
0x2d: {  	[tilespmem:s25+$0x500] =	vst v1  }
0x2e: {  	[tilespmem:s25+$0x510] =	vst v1  }
0x2f: {  	[tilespmem:s25+$0x520] =	vst v1  }
0x30: {  	[tilespmem:s25+$0x530] =	vst v1  }
0x31: {  	[tilespmem:s25+$0x540] =	vst v1  }
0x32: {  	[tilespmem:s25+$0x550] =	vst v1  }
0x33: {  	[tilespmem:s25+$0x560] =	vst v1  }
0x34: {  	[spmem:s6] =	stream.linear.scatter [tilespmem:s13], [sflag:$0x3], $0x1000, $0x38;
	[tilespmem:$0x1FB80] =	vst v63  }
0x35: {  	_ =	swait.ge [sflag:s14], $0x1000  }
0x36: {  	[sflag:s14] =	ssyncset.done $0x0  }
0x37: {  	s26 =	rddreg [dreg:$0x5];
	[sflag:s14] =	ssyncadd.s32 $0xFFFFF000  }
0x38: {  	[spmem:s26] =	stream.linear.scatter [tilespmem:s13], [sflag:$0x3], $0x1000, $0x38;
	[tilespmem:$0x1FB80] =	vst v63  }
0x39: {  	_ =	swait.ge [sflag:s14], $0x1000  }
0x3a: {  	[sflag:s14] =	ssyncset.done $0x0  }
0x3b: {  	s28 =	rddreg [dreg:$0x6];
	[sflag:s14] =	ssyncadd.s32 $0xFFFFF000  }
0x3c: {  	[spmem:s28] =	stream.linear.scatter [tilespmem:s13], [sflag:$0x3], $0x1000, $0x38;
	[tilespmem:$0x1FB80] =	vst v63  }
0x3d: {  	_ =	swait.ge [sflag:s14], $0x1000  }
0x3e: {  	[sflag:s14] =	ssyncset.done $0x0  }
0x3f: {  	s26 =	rddreg [dreg:$0x7];
	[sflag:s14] =	ssyncadd.s32 $0xFFFFF000  }
0x40: {  	[spmem:s26] =	stream.linear.scatter [tilespmem:s13], [sflag:$0x3], $0x1000, $0x38;
	[tilespmem:$0x1FB80] =	vst v63  }
0x41: {  	_ =	swait.ge [sflag:s14], $0x1000  }
0x42: {  	[sflag:s14] =	ssyncset.done $0x0  }
0x43: {  	s28 =	rddreg [dreg:$0x8];
	[sflag:s14] =	ssyncadd.s32 $0xFFFFF000  }
0x44: {  	[spmem:s28] =	stream.linear.scatter [tilespmem:s13], [sflag:$0x3], $0x1000, $0x38;
	[tilespmem:$0x1FB80] =	vst v63  }
0x45: {  	_ =	swait.ge [sflag:s14], $0x1000  }
0x46: {  	[sflag:s14] =	ssyncset.done $0x0  }
0x47: {  	s26 =	rddreg [dreg:$0x9];
	[sflag:s14] =	ssyncadd.s32 $0xFFFFF000  }
0x48: {  	[spmem:s26] =	stream.linear.scatter [tilespmem:s13], [sflag:$0x3], $0x1000, $0x38;
	[tilespmem:$0x1FB80] =	vst v63  }
0x49: {  	_ =	swait.ge [sflag:s14], $0x1000  }
0x4a: {  	[sflag:s14] =	ssyncset.done $0x0  }
0x4b: {  	s28 =	rddreg [dreg:$0xa];
	[sflag:s14] =	ssyncadd.s32 $0xFFFFF000  }
0x4c: {  	[spmem:s28] =	stream.linear.scatter [tilespmem:s13], [sflag:$0x3], $0x1000, $0x38;
	[tilespmem:$0x1FB80] =	vst v63  }
0x4d: {  	_ =	swait.ge [sflag:s14], $0x1000  }
0x4e: {  	[sflag:s14] =	ssyncset.done $0x0  }
0x4f: {  	s26 =	rddreg [dreg:$0xb];
	[sflag:s14] =	ssyncadd.s32 $0xFFFFF000  }
0x50: {  	[spmem:s26] =	stream.linear.scatter [tilespmem:s13], [sflag:$0x3], $0x1000, $0x38;
	[tilespmem:$0x1FB80] =	vst v63  }
0x51: {  	_ =	swait.ge [sflag:s14], $0x1000  }
0x52: {  	[sflag:s14] =	ssyncset.done $0x0  }
0x53: {  	s28 =	rddreg [dreg:$0xc];
	[sflag:s14] =	ssyncadd.s32 $0xFFFFF000  }
0x54: {  	[spmem:s28] =	stream.linear.scatter [tilespmem:s13], [sflag:$0x3], $0x1000, $0x38;
	[tilespmem:$0x1FB80] =	vst v63  }
0x55: {  	_ =	swait.ge [sflag:s14], $0x1000  }
0x56: {  	[sflag:s14] =	ssyncset.done $0x0  }
0x57: {  	s26 =	rddreg [dreg:$0xd];
	[sflag:s14] =	ssyncadd.s32 $0xFFFFF000  }
0x58: {  	[spmem:s26] =	stream.linear.scatter [tilespmem:s13], [sflag:$0x3], $0x1000, $0x38;
	[tilespmem:$0x1FB80] =	vst v63  }
0x59: {  	_ =	swait.ge [sflag:s14], $0x1000  }
0x5a: {  	[sflag:s14] =	ssyncset.done $0x0  }
0x5b: {  	s28 =	rddreg [dreg:$0xe];
	[sflag:s14] =	ssyncadd.s32 $0xFFFFF000  }
0x5c: {  	[spmem:s28] =	stream.linear.scatter [tilespmem:s13], [sflag:$0x3], $0x1000, $0x38;
	[tilespmem:$0x1FB80] =	vst v63  }
0x5d: {  	_ =	swait.ge [sflag:s14], $0x1000  }
0x5e: {  	[sflag:s14] =	ssyncset.done $0x0  }
0x5f: {  	s26 =	rddreg [dreg:$0xf];
	[sflag:s14] =	ssyncadd.s32 $0xFFFFF000  }
0x60: {  	[spmem:s26] =	stream.linear.scatter [tilespmem:s13], [sflag:$0x3], $0x1000, $0x38;
	[tilespmem:$0x1FB80] =	vst v63  }
0x61: {  	_ =	swait.ge [sflag:s14], $0x1000  }
0x62: {  	[sflag:s14] =	ssyncset.done $0x0  }
0x63: {  	s28 =	rddreg [dreg:$0x10];
	[sflag:s14] =	ssyncadd.s32 $0xFFFFF000  }
0x64: {  	[spmem:s28] =	stream.linear.scatter [tilespmem:s13], [sflag:$0x3], $0x1000, $0x38;
	[tilespmem:$0x1FB80] =	vst v63  }
0x65: {  	_ =	swait.ge [sflag:s14], $0x1000  }
0x66: {  	[sflag:s14] =	ssyncset.done $0x0  }
0x67: {  	s26 =	rddreg [dreg:$0x11];
	[sflag:s14] =	ssyncadd.s32 $0xFFFFF000  }
0x68: {  	[spmem:s26] =	stream.linear.scatter [tilespmem:s13], [sflag:$0x3], $0x1000, $0x38;
	[tilespmem:$0x1FB80] =	vst v63  }
0x69: {  	_ =	swait.ge [sflag:s14], $0x1000  }
0x6a: {  	[sflag:s14] =	ssyncset.done $0x0  }
0x6b: {  	s28 =	rddreg [dreg:$0x12];
	[sflag:s14] =	ssyncadd.s32 $0xFFFFF000  }
0x6c: {  	[spmem:s28] =	stream.linear.scatter [tilespmem:s13], [sflag:$0x3], $0x1000, $0x38;
	[tilespmem:$0x1FB80] =	vst v63  }
0x6d: {  	_ =	swait.ge [sflag:s14], $0x1000  }
0x6e: {  	[sflag:s14] =	ssyncset.done $0x0  }
0x6f: {  	s26 =	rddreg [dreg:$0x15];
	[sflag:s14] =	ssyncadd.s32 $0xFFFFF000  }
0x70: {  	[spmem:s26] =	stream.linear.scatter [tilespmem:s13], [sflag:$0x3], $0x1000, $0x38;
	[tilespmem:$0x1FB80] =	vst v63  }
0x71: {  	_ =	swait.ge [sflag:s14], $0x1000  }
0x72: {  	[sflag:s14] =	ssyncset.done $0x0  }
0x73: {  	s28 =	rddreg [dreg:$0x16];
	[sflag:s14] =	ssyncadd.s32 $0xFFFFF000  }
0x74: {  	[spmem:s28] =	stream.linear.scatter [tilespmem:s13], [sflag:$0x3], $0x1000, $0x38;
	[tilespmem:$0x1FB80] =	vst v63  }
0x75: {  	_ =	swait.ge [sflag:s14], $0x1000  }
0x76: {  	[sflag:s14] =	ssyncset.done $0x0  }
0x77: {  	s26 =	rddreg [dreg:$0x17];
	[sflag:s14] =	ssyncadd.s32 $0xFFFFF000  }
0x78: {  	[spmem:s26] =	stream.linear.scatter [tilespmem:s13], [sflag:$0x3], $0x1000, $0x38;
	[tilespmem:$0x1FB80] =	vst v63  }
0x79: {  	_ =	swait.ge [sflag:s14], $0x1000  }
0x7a: {  	[sflag:s14] =	ssyncset.done $0x0  }
0x7b: {  	[sflag:s14] =	ssyncadd.s32 $0xFFFFF000  }
0x7c: {  	[spmem:s29] =	stream.linear.scatter [tilespmem:s13], [sflag:$0x3], $0x1000, $0x38;
	[tilespmem:$0x1FB80] =	vst v63  }
0x7d: {  	_ =	swait.ge [sflag:s14], $0x1000  }
0x7e: {  	[sflag:s14] =	ssyncset.done $0x0  }
0x7f: {  	[sflag:s14] =	ssyncadd.s32 $0xFFFFF000  }
0x80: {  	[spmem:s30] =	stream.linear.scatter [tilespmem:s13], [sflag:$0x3], $0x1000, $0x38;
	[tilespmem:$0x1FB80] =	vst v63  }
0x81: {  	_ =	swait.ge [sflag:s14], $0x1000  }
0x82: {  	[sflag:s14] =	ssyncset.done $0x0  }
0x83: {  	[sflag:s14] =	ssyncadd.s32 $0xFFFFF000  }
0x84: {  	[spmem:s31] =	stream.linear.scatter [tilespmem:s13], [sflag:$0x3], $0x1000, $0x38;
	[tilespmem:$0x1FB80] =	vst v63  }
0x85: {  	_ =	swait.ge [sflag:s14], $0x1000  }
0x86: {  	[sflag:s14] =	ssyncset.done $0x0  }
0x87: {  	[sflag:s14] =	ssyncadd.s32 $0xFFFFF000  }
0x88: {  	[spmem:s1] =	stream.linear.scatter [tilespmem:s13], [sflag:$0x3], $0x1000, $0x38;
	[tilespmem:$0x1FB80] =	vst v63  }
0x89: {  	_ =	swait.ge [sflag:s14], $0x1000  }
0x8a: {  	[sflag:s14] =	ssyncset.done $0x0  }
0x8b: {  	[sflag:s14] =	ssyncadd.s32 $0xFFFFF000  }
0x8c: {  	[spmem:s0] =	stream.linear.scatter [tilespmem:s13], [sflag:$0x3], $0x1000, $0x38;
	[tilespmem:$0x1FB80] =	vst v63  }
0x8d: {  	_ =	swait.ge [sflag:s14], $0x1000  }
0x8e: {  	[sflag:s14] =	ssyncset.done $0x0  }
0x8f: {  	[sflag:s14] =	ssyncadd.s32 $0xFFFFF000  }
0x90: {  	[spmem:s7] =	stream.linear.scatter [tilespmem:s13], [sflag:$0x3], $0x1000, $0x38;
	[tilespmem:$0x1FB80] =	vst v63  }
0x91: {  	_ =	swait.ge [sflag:s14], $0x1000  }
0x92: {  	[sflag:s14] =	ssyncset.done $0x0  }
0x93: {  	[sflag:s14] =	ssyncadd.s32 $0xFFFFF000  }
0x94: {  	[spmem:s8] =	stream.linear.scatter [tilespmem:s13], [sflag:$0x3], $0x1000, $0x38;
	[tilespmem:$0x1FB80] =	vst v63  }
0x95: {  	_ =	swait.ge [sflag:s14], $0x1000  }
0x96: {  	[sflag:s14] =	ssyncset.done $0x0  }
0x97: {  	[sflag:s14] =	ssyncadd.s32 $0xFFFFF000  }
0x98: {  	[spmem:s9] =	stream.linear.scatter [tilespmem:s13], [sflag:$0x3], $0x1000, $0x38;
	[tilespmem:$0x1FB80] =	vst v63  }
0x99: {  	_ =	swait.ge [sflag:s14], $0x1000  }
0x9a: {  	[sflag:s14] =	ssyncset.done $0x0  }
0x9b: {  	[sflag:s14] =	ssyncadd.s32 $0xFFFFF000  }
0x9c: {  	[spmem:s10] =	stream.linear.scatter [tilespmem:s13], [sflag:$0x3], $0x1000, $0x38;
	[tilespmem:$0x1FB80] =	vst v63  }
0x9d: {  	_ =	swait.ge [sflag:s14], $0x1000  }
0x9e: {  	[sflag:s14] =	ssyncset.done $0x0  }
0x9f: {  	[sflag:s14] =	ssyncadd.s32 $0xFFFFF000  }
0xa0: {  	[spmem:s11] =	stream.linear.scatter [tilespmem:s13], [sflag:$0x3], $0x1000, $0x38;
	[tilespmem:$0x1FB80] =	vst v63  }
0xa1: {  	_ =	swait.ge [sflag:s14], $0x1000  }
0xa2: {  	[sflag:s14] =	ssyncset.done $0x0  }
0xa3: {  	[sflag:s14] =	ssyncadd.s32 $0xFFFFF000  }
0xa4: {  	[spmem:s5] =	stream.linear.scatter [tilespmem:s13], [sflag:$0x3], $0x1000, $0x38;
	[tilespmem:$0x1FB80] =	vst v63  }
0xa5: {  	_ =	swait.ge [sflag:s14], $0x1000  }
0xa6: {  	[sflag:s14] =	ssyncset.done $0x0  }
0xa7: {  	[sflag:s14] =	ssyncadd.s32 $0xFFFFF000  }
0xa8: {  	[spmem:s12] =	stream.linear.scatter [tilespmem:s13], [sflag:$0x3], $0x800, $0x38;
	[tilespmem:$0x1FB80] =	vst v63  }
0xa9: {  	_ =	swait.ge [sflag:s14], $0x800  }
0xaa: {  	[sflag:s14] =	ssyncset.done $0x0  }
0xab: {  	[sflag:s14] =	ssyncadd.s32 $0xFFFFF800  }
0xac: {  	[bflag:$0x0] =	sbarrier.arrive $0xFFFF  }
0xad: {  	[tilespmem:s4], [sflag:$0x3] =	stream.linear.gather [hbm4b:s21+s4], $0x180, $0x38;
	[tilespmem:$0x1FB80] =	vst v63  }
0xae: {  	_ =	swait.ge [sflag:s14], $0x180  }
0xaf: {  	[sflag:s14] =	ssyncset.done $0x0  }
0xb0: {  	[sflag:s14] =	ssyncadd.s32 $0xFFFFFE80  }
0xb1: {  	v4 =	vld [tilespmem:$0x80]  }
0xb2: {  	v5 =	vld [tilespmem:$0x100]  }
0xb3: {  	v6 =	vld [tilespmem:$0x110]  }
0xb4: {  	v7 =	vld [tilespmem:$0x90];
	_ =	sdelay $0x2  }
0xb5: {  	v5 =	vmul.u32 $0x1390, v5  }
0xb6: {  	v4 =	vsub.s32 v4, v0;
	v6 =	vmul.u32 $0x1390, v6  }
0xb7: {  	vm0 =	vlt.u32 v4, $0x1388;
	v4 =	vadd.s32 v4, v5;
	v5 =	vsub.s32 v7, v0  }
0xb8: {  	v4 =	vsel vm0, v4, v2;
	vm12 =	vlt.u32 v5, $0x1388;
	v5 =	vadd.s32 v5, v6  }
0xb9: {  	[tilespmem:$0x400] =	vst v4;
	v4 =	vsel vm12, v5, v3  }
0xba: {  	s28 =	sadd.s32 $0xFFF64000, s21;
	[tilespmem:$0x410] =	vst v4  }
0xbb: {  	[tilespmem:s13], [sflag:$0x1] =	stream.indirect.gather [hbm4b:s2+s15], $0x80, s4, s15, $0xb8;
	[tilespmem:$0x1FB80] =	vst v63  }
0xbc: {  	s26 =	sadd.s32 $0x9C400, s28  }
0xbd: {  	[tilespmem:s16], [sflag:$0x3] =	stream.linear.gather [hbm4b:s26+s4], $0x180, $0x38;
	[tilespmem:$0x1FB80] =	vst v63  }
0xbe: {  	_ =	swait.ge [sflag:s14], $0x180  }
0xbf: {  	[sflag:s14] =	ssyncset.done $0x0  }
0xc0: {  	[sflag:s14] =	ssyncadd.s32 $0xFFFFFE80  }
0xc1: {  	v4 =	vld [tilespmem:$0x280]  }
0xc2: {  	v5 =	vld [tilespmem:$0x300]  }
0xc3: {  	v60 =	vld [tilespmem:$0x310]  }
0xc4: {  	v61 =	vld [tilespmem:$0x290];
	_ =	sdelay $0x2  }
0xc5: {  	v5 =	vmul.u32 $0x1390, v5  }
0xc6: {  	v4 =	vsub.s32 v4, v0;
	v6 =	vmul.u32 $0x1390, v60  }
0xc7: {  	vm13 =	vlt.u32 v4, $0x1388;
	v4 =	vadd.s32 v4, v5;
	v5 =	vsub.s32 v61, v0  }
0xc8: {  	v4 =	vsel vm13, v4, v2;
	vm14 =	vlt.u32 v5, $0x1388;
	v5 =	vadd.s32 v5, v6  }
0xc9: {  	[tilespmem:$0x480] =	vst v4;
	v4 =	vsel vm14, v5, v3  }
0xca: {  	[tilespmem:$0x490] =	vst v4  }
0xcb: {  	[tilespmem:s17], [sflag:$0x2] =	stream.indirect.gather [hbm4b:s2+s15], $0x80, s16, s15, $0xb8;
	[tilespmem:$0x1FB80] =	vst v63  }
0xcc: {  	_ =	swait.ge [sflag:s18], $0x1000  }
0xcd: {  	[sflag:s18] =	ssyncset.done $0x0  }
0xce: {  	[sflag:s18] =	ssyncadd.s32 $0xFFFFF000  }
0xcf: {  	[spmem:s3] =	stream.indirect.scatter.add.f32 [tilespmem:s13], [sflag:$0x3], $0x80, s19, s15, $0xb8;
	[tilespmem:$0x1FB80] =	vst v63  }
0xd0: {  	_ =	swait.ge [sflag:s14], $0x1000  }
0xd1: {  	[sflag:s14] =	ssyncset.done $0x0  }
0xd2: {  	s25 =	sadd.s32 $0x9C800, s28;
	[sflag:s14] =	ssyncadd.s32 $0xFFFFF000  }
0xd3: {  	[tilespmem:s4], [sflag:$0x3] =	stream.linear.gather [hbm4b:s25+s4], $0x180, $0x38;
	[tilespmem:$0x1FB80] =	vst v63  }
0xd4: {  	_ =	swait.ge [sflag:s14], $0x180  }
0xd5: {  	[sflag:s14] =	ssyncset.done $0x0  }
0xd6: {  	[sflag:s14] =	ssyncadd.s32 $0xFFFFFE80  }
0xd7: {  	v4 =	vld [tilespmem:$0x90]  }
0xd8: {  	v5 =	vld [tilespmem:$0x110]  }
0xd9: {  	v62 =	vld [tilespmem:$0x100]  }
0xda: {  	v63 =	vld [tilespmem:$0x80];
	_ =	sdelay $0x2  }
0xdb: {  	v5 =	vmul.u32 $0x1390, v5  }
0xdc: {  	v6 =	vmul.u32 $0x1390, v62;
	v4 =	vsub.s32 v4, v0  }
0xdd: {  	v7 =	vsub.s32 v63, v0;
	vm15 =	vlt.u32 v4, $0x1388;
	v4 =	vadd.s32 v4, v5  }
0xde: {  	vm1 =	vlt.u32 v7, $0x1388;
	v5 =	vadd.s32 v7, v6;
	v4 =	vsel vm15, v4, v3  }
0xdf: {  	v5 =	vsel vm1, v5, v2;
	[tilespmem:$0x410] =	vst v4  }
0xe0: {  	s25 =	simm.s32 $0xFFF64800;
	[tilespmem:$0x400] =	vst v5  }
.LBB2_4:
0xe1: {  	[tilespmem:s13], [sflag:$0x1] =	stream.indirect.gather [hbm4b:s2+s15], $0x80, s4, s15, $0xb8;
	[tilespmem:$0x1FB80] =	vst v63  }
0xe2: {  	s26 =	smov.u32 s25  }
0xe3: {  	p0 =	sne.s32 s25, $0xFFFFF800;
	s25 =	sadd.s32 $0x800, s25;
	_ =	swait.ge [sflag:s20], $0x1000  }
0xe4: {  	[sflag:s20] =	ssyncset.done $0x0  }
0xe5: {  	s26 =	sadd.s32 s26, s21;
	[sflag:s20] =	ssyncadd.s32 $0xFFFFF000  }
0xe6: {  	[spmem:s3] =	stream.indirect.scatter.add.f32 [tilespmem:s17], [sflag:$0x3], $0x80, s22, s15, $0xb8;
	[tilespmem:$0x1FB80] =	vst v63  }
0xe7: {  	_ =	swait.ge [sflag:s14], $0x1000  }
0xe8: {  	[sflag:s14] =	ssyncset.done $0x0  }
0xe9: {  	s28 =	sadd.s32 $0x9C400, s26;
	[sflag:s14] =	ssyncadd.s32 $0xFFFFF000  }
0xea: {  	[tilespmem:s16], [sflag:$0x3] =	stream.linear.gather [hbm4b:s28+s4], $0x180, $0x38;
	[tilespmem:$0x1FB80] =	vst v63  }
0xeb: {  	_ =	swait.ge [sflag:s14], $0x180  }
0xec: {  	[sflag:s14] =	ssyncset.done $0x0  }
0xed: {  	[sflag:s14] =	ssyncadd.s32 $0xFFFFFE80  }
0xee: {  	v4 =	vld [tilespmem:$0x280]  }
0xef: {  	v5 =	vld [tilespmem:$0x300]  }
0xf0: {  	v6 =	vld [tilespmem:$0x310]  }
0xf1: {  	v7 =	vld [tilespmem:$0x290];
	_ =	sdelay $0x2  }
0xf2: {  	v5 =	vmul.u32 $0x1390, v5  }
0xf3: {  	v4 =	vsub.s32 v4, v0;
	v6 =	vmul.u32 $0x1390, v6  }
0xf4: {  	vm0 =	vlt.u32 v4, $0x1388;
	v4 =	vadd.s32 v4, v5;
	v5 =	vsub.s32 v7, v0  }
0xf5: {  	v4 =	vsel vm0, v4, v2;
	vm0 =	vlt.u32 v5, $0x1388;
	v5 =	vadd.s32 v5, v6  }
0xf6: {  	[tilespmem:$0x480] =	vst v4;
	v4 =	vsel vm0, v5, v3  }
0xf7: {  	[tilespmem:$0x490] =	vst v4  }
0xf8: {  	[tilespmem:s17], [sflag:$0x2] =	stream.indirect.gather [hbm4b:s2+s15], $0x80, s16, s15, $0xb8;
	[tilespmem:$0x1FB80] =	vst v63  }
0xf9: {  	_ =	swait.ge [sflag:s18], $0x1000  }
0xfa: {  	[sflag:s18] =	ssyncset.done $0x0  }
0xfb: {  	[sflag:s18] =	ssyncadd.s32 $0xFFFFF000  }
0xfc: {  	[spmem:s3] =	stream.indirect.scatter.add.f32 [tilespmem:s13], [sflag:$0x3], $0x80, s19, s15, $0xb8;
	[tilespmem:$0x1FB80] =	vst v63  }
0xfd: {  	_ =	swait.ge [sflag:s14], $0x1000  }
0xfe: {  	[sflag:s14] =	ssyncset.done $0x0  }
0xff: {  	s26 =	sadd.s32 $0x9C800, s26;
	[sflag:s14] =	ssyncadd.s32 $0xFFFFF000  }
0x100: {  	[tilespmem:s4], [sflag:$0x3] =	stream.linear.gather [hbm4b:s26+s4], $0x180, $0x38;
	[tilespmem:$0x1FB80] =	vst v63  }
0x101: {  	_ =	swait.ge [sflag:s14], $0x180  }
0x102: {  	[sflag:s14] =	ssyncset.done $0x0  }
0x103: {  	[sflag:s14] =	ssyncadd.s32 $0xFFFFFE80  }
0x104: {  	v4 =	vld [tilespmem:$0x90]  }
0x105: {  	v5 =	vld [tilespmem:$0x110]  }
0x106: {  	v6 =	vld [tilespmem:$0x100]  }
0x107: {  	v7 =	vld [tilespmem:$0x80];
	_ =	sdelay $0x2  }
0x108: {  	v5 =	vmul.u32 $0x1390, v5  }
.Ltmp1:
0x109: {  	v4 =	vsub.s32 v4, v0;
	v6 =	vmul.u32 $0x1390, v6;
	(pc) =	sbr.rel @p0 .LBB2_4-.Ltmp1, $4  }
0x10a: {  	vm0 =	vlt.u32 v4, $0x1388;
	v7 =	vsub.s32 v7, v0;
	v4 =	vadd.s32 v4, v5  }
0x10b: {  	vm1 =	vlt.u32 v7, $0x1388;
	v5 =	vadd.s32 v7, v6;
	v4 =	vsel vm0, v4, v3  }
0x10c: {  	v5 =	vsel vm1, v5, v2;
	[tilespmem:$0x410] =	vst v4  }
0x10d: {  	[tilespmem:$0x400] =	vst v5  }
0x10e: {  	[tilespmem:s13], [sflag:$0x1] =	stream.indirect.gather [hbm4b:s2+s15], $0x80, s4, s15, $0xb8;
	[tilespmem:$0x1FB80] =	vst v63  }
0x10f: {  	_ =	swait.ge [sflag:s20], $0x1000  }
0x110: {  	[sflag:s20] =	ssyncset.done $0x0  }
0x111: {  	[sflag:s20] =	ssyncadd.s32 $0xFFFFF000  }
0x112: {  	[spmem:s3] =	stream.indirect.scatter.add.f32 [tilespmem:s17], [sflag:$0x3], $0x80, s22, s15, $0xb8;
	[tilespmem:$0x1FB80] =	vst v63  }
0x113: {  	_ =	swait.ge [sflag:s14], $0x1000  }
0x114: {  	[sflag:s14] =	ssyncset.done $0x0  }
0x115: {  	[sflag:s14] =	ssyncadd.s32 $0xFFFFF000  }
0x116: {  	[tilespmem:s16], [sflag:$0x3] =	stream.linear.gather [hbm4b:s24+s4], $0x180, $0x38;
	[tilespmem:$0x1FB80] =	vst v63  }
0x117: {  	_ =	swait.ge [sflag:s14], $0x180  }
0x118: {  	[sflag:s14] =	ssyncset.done $0x0  }
0x119: {  	[sflag:s14] =	ssyncadd.s32 $0xFFFFFE80  }
0x11a: {  	v4 =	vld [tilespmem:$0x280]  }
0x11b: {  	v5 =	vld [tilespmem:$0x300]  }
0x11c: {  	v6 =	vld [tilespmem:$0x310]  }
0x11d: {  	v7 =	vld [tilespmem:$0x290];
	_ =	sdelay $0x2  }
0x11e: {  	v5 =	vmul.u32 $0x1390, v5  }
0x11f: {  	v4 =	vsub.s32 v4, v0;
	v6 =	vmul.u32 $0x1390, v6  }
0x120: {  	vm0 =	vlt.u32 v4, $0x1388;
	v4 =	vadd.s32 v4, v5;
	v5 =	vsub.s32 v7, v0  }
0x121: {  	v4 =	vsel vm0, v4, v2;
	vm13 =	vlt.u32 v5, $0x1388;
	v5 =	vadd.s32 v5, v6  }
0x122: {  	[tilespmem:$0x480] =	vst v4;
	v4 =	vsel vm13, v5, v3  }
0x123: {  	[tilespmem:$0x490] =	vst v4  }
0x124: {  	[tilespmem:s17], [sflag:$0x2] =	stream.indirect.gather [hbm4b:s2+s15], $0x80, s16, s15, $0xb8;
	[tilespmem:$0x1FB80] =	vst v63  }
0x125: {  	_ =	swait.ge [sflag:s18], $0x1000  }
0x126: {  	[sflag:s18] =	ssyncset.done $0x0  }
0x127: {  	[sflag:s18] =	ssyncadd.s32 $0xFFFFF000  }
0x128: {  	[spmem:s3] =	stream.indirect.scatter.add.f32 [tilespmem:s13], [sflag:$0x3], $0x80, s19, s15, $0xb8;
	[tilespmem:$0x1FB80] =	vst v63  }
0x129: {  	_ =	swait.ge [sflag:s14], $0x1000  }
0x12a: {  	[sflag:s14] =	ssyncset.done $0x0  }
0x12b: {  	[sflag:s14] =	ssyncadd.s32 $0xFFFFF000  }
0x12c: {  	[tilespmem:s4], [sflag:$0x3] =	stream.linear.gather [hbm4b:s24+s4], $0x180, $0x38;
	[tilespmem:$0x1FB80] =	vst v63  }
0x12d: {  	_ =	swait.ge [sflag:s14], $0x180  }
0x12e: {  	[sflag:s14] =	ssyncset.done $0x0  }
0x12f: {  	[sflag:s14] =	ssyncadd.s32 $0xFFFFFE80  }
0x130: {  	v4 =	vld [tilespmem:$0x80]  }
0x131: {  	v5 =	vld [tilespmem:$0x100]  }
0x132: {  	v62 =	vld [tilespmem:$0x110]  }
0x133: {  	v63 =	vld [tilespmem:$0x90];
	_ =	sdelay $0x2  }
0x134: {  	v5 =	vmul.u32 $0x1390, v5  }
0x135: {  	v4 =	vsub.s32 v4, v0;
	v6 =	vmul.u32 $0x1390, v62  }
0x136: {  	vm14 =	vlt.u32 v4, $0x1388;
	v4 =	vadd.s32 v4, v5;
	v5 =	vsub.s32 v63, v0  }
0x137: {  	v4 =	vsel vm14, v4, v2;
	vm15 =	vlt.u32 v5, $0x1388;
	v5 =	vadd.s32 v5, v6  }
0x138: {  	[tilespmem:$0x400] =	vst v4;
	v4 =	vsel vm15, v5, v3  }
0x139: {  	[tilespmem:$0x410] =	vst v4  }
0x13a: {  	[tilespmem:s13], [sflag:$0x1] =	stream.indirect.gather [hbm4b:s2+s15], $0x80, s4, s15, $0xb8;
	[tilespmem:$0x1FB80] =	vst v63  }
0x13b: {  	_ =	swait.ge [sflag:s20], $0x1000  }
0x13c: {  	[sflag:s20] =	ssyncset.done $0x0  }
0x13d: {  	[sflag:s20] =	ssyncadd.s32 $0xFFFFF000  }
0x13e: {  	[spmem:s3] =	stream.indirect.scatter.add.f32 [tilespmem:s17], [sflag:$0x3], $0x80, s22, s15, $0xb8;
	[tilespmem:$0x1FB80] =	vst v63  }
0x13f: {  	_ =	swait.ge [sflag:s14], $0x1000  }
0x140: {  	[sflag:s14] =	ssyncset.done $0x0  }
0x141: {  	[sflag:s14] =	ssyncadd.s32 $0xFFFFF000  }
0x142: {  	_ =	swait.ge [sflag:s18], $0x1000  }
0x143: {  	[sflag:s18] =	ssyncset.done $0x0  }
0x144: {  	[sflag:s18] =	ssyncadd.s32 $0xFFFFF000  }
0x145: {  	[bflag:$0x0] =	sbarrier.arrive $0xFFFF  }
0x146: {  	s25 =	rddreg [dreg:$0x4]  }
0x147: {  	s26 =	sshrl.u32 s6, $0x3;
	s28 =	rddreg [dreg:$0x13];
	s25 =	sor.u32 $0x1C03, s25  }
0x148: {  	[hbm:s28], [sflag:s25] =	dma.local [spmem:s26], $0x3B00  }
0x149: {  	_ =	swait.ge [sflag:s14], $0x3B00  }
0x14a: {  	s23 =	sadd.s32 $0x1, s23;
	s28 =	rddreg [dreg:$0x14]  }
0x14b: {  	p0 =	sne.s32 s23, s28  }
.Ltmp2:
0x14c: {  	_ = 	snop;
	(pc) =	sbr.rel @p0 .LBB2_1-.Ltmp2, $3  }
0x14d: {  	_ =	sdelay $0x1  }
0x14e: {  	[sflag:s14] =	ssyncset.done $0x0  }
0x14f: {  	[sflag:s14] =	ssyncadd.s32 $0xFFFFC500  }
0x150: {  	_ =	sfence.sel $0x180000  }
0x151: {  	[bflag:$0x0] =	sbarrier.arrive $0xFFFF  }
0x152: {  	_ =	strace $0x9000004D  }
0x153: {  	s0 =	stileid.u32;
	[bflag:$0x2] =	sbarrier.arrive $0xFFFF  }
0x154: {  	p0 =	sne.s32 s0, $0x0;
	s0 =	rddreg [dreg:$0x3]  }
0x155: {  	s0 =	sadd.s32 @!p0 $0x100000, s0  }
0x156: {  	[sflag:s0] =	ssyncadd.tile.s32 @!p0 $0x1;
	_ =	shalt  }
.Lfunc_end2:
_tile_overlayer_lowered:
.L_overlay_start_2:
0x157: {  	(tag) =	ssettag $0x2  }
0x158: {  	s0 =	rddreg [dreg:$0x0];
	s2 =	stileid.u32  }
0x159: {  	s1 =	rddreg [dreg:$0x1];
	p0 =	sne.s32 s2, $0x0  }
0x15a: {  	s3 =	rddreg [dreg:$0x2];
	[bflag:$0x3] =	sbarrier.arrive $0xFFFF;
	s2 =	simm.s32 @!p0 $0x1C03  }
0x15b: {  	[timem:s3], [sflag:s2] =	dma.local @!p0 [hbm:s0], s1  }
0x15c: {  	s0 =	simm.s32 @!p0 $0x3  }
0x15d: {  	_ =	swait.ge @!p0 [sflag:s0], s1  }
0x15e: {  	s1 =	ssub.s32 @!p0 $0x0, s1;
	[sflag:s0] =	ssyncset.done @!p0 $0x0  }
0x15f: {  	[sflag:s0] =	ssyncadd.s32 @!p0 s1  }
0x160: {  	[bflag:$0x3] =	sbarrier.arrive $0xFFFF  }
0x161: {  	_ =	shalt  }

// kernel: kernel.7.cloned.1.call-start
scs
__scs_entry_jumppad:
0x0: {  	(pc) =	sbr.rel $0x88, $3  }
0x1: {  	(tag) =	ssettag $0x0;
	lr =	simm.s32 $0x1  }
0x2: {  	[smem:$0x3F98] =	sst lr;
	_ =	strace $0xD0000000  }
0x3: {  	_ = 	snop  }
0x4: {  	_ = 	snop  }
0x5: {  	_ = 	snop  }
0x6: {  	_ = 	snop  }
0x7: {  	_ = 	snop  }
__scs_overlays_trampoline_lowered:
0x8: {  	[smem:$0x3FA7] =	sst s0  }
0x9: {  	[smem:$0x3FA8] =	sst s1  }
0xa: {  	[smem:$0x3FA9] =	sst s2  }
0xb: {  	[smem:$0x3FAA] =	sst s3  }
0xc: {  	[smem:$0x3FAB] =	sst s4  }
0xd: {  	[smem:$0x3FAC] =	sst s5  }
0xe: {  	[smem:$0x3FAD] =	sst s6  }
0xf: {  	[smem:$0x3FAE] =	sst s7  }
0x10: {  	[smem:$0x3FAF] =	sst s8  }
0x11: {  	[smem:$0x3FB0] =	sst s9;
	s0 =	simm.s32 @!p0 $0x0  }
0x12: {  	s1 =	sld [smem:$0x3F96];
	s0 =	simm.s32 @p0 $0x1  }
0x13: {  	[smem:$0x3FB1] =	sst s0;
	s0 =	simm.s32 @!p1 $0x0  }
0x14: {  	s2 =	sld [smem:$0x3F95];
	s0 =	simm.s32 @p1 $0x1  }
0x15: {  	[smem:$0x3FB2] =	sst s0;
	s0 =	simm.s32 @!p2 $0x0  }
0x16: {  	s3 =	sld [smem:$0x3FDB];
	s0 =	simm.s32 @p2 $0x1  }
0x17: {  	s4 =	simm.s32 $0x1BF5;
	[smem:$0x3FB4] =	sst s0  }
0x18: {  	s0 =	sld [smem:$0x3F97];
	_ =	swait.ge [sflag:s4], $0x0  }
0x19: {  	s7 =	sld [smem:$0x3F98]  }
0x1a: {  	s8 =	sadd.s32 $0xFFFFE003, lr  }
0x1b: {  	s9 =	sadd.s32 $0xFFFFFEF7, lr;
	s5 =	simm.s32 $0xFFFFFFFF;
	p2 =	slt.u32 s8, $0xFFFFF086  }
0x1c: {  	p1 =	slt.u32 s9, $0xF7A;
	s5 =	simm.s32 @!p2 $0x0  }
0x1d: {  	s5 =	simm.s32 @p1 $0x1;
	p0 =	seq.s32 s7, s2  }
0x1e: {  	s7 =	smul.u32 @!p0 $0xF7A, s2;
	p2 =	seq.s32 @!p0 s5, $0x0  }
0x1f: {  	s9 =	smul.u32 $0xF7A, s1;
	s8 =	simm.s32 @!p0 $0x1BF5;
	p2 =	por !p2, p0  }
0x20: {  	[sflag:s8] =	ssyncset.s32 @!p0 $0xFFFFF086;
	s6 =	sadd.s32 @!p0 s3, s7;
	s7 =	simm.s32 @!p0 $0x108  }
0x21: {  	s3 =	sadd.s32 s3, s9;
	s6 =	sadd.s32 @!p0 $0x88, s6;
	s7 =	simm.s32 @p2 $0x1082  }
0x22: {  	[simem:s7], [sflag:s8] =	dma.local @!p0 [hbm:s6], $0xF7A  }
0x23: {  	s9 =	sor.u32 $0xD0000000, s2;
	s6 =	simm.s32 $0x108;
	_ =	swait.ge @!p0 [sflag:s8], $0x0  }
0x24: {  	s3 =	sadd.s32 $0x88, s3;
	s6 =	simm.s32 @!p1 $0x1082;
	[sflag:s4] =	ssyncset.s32 $0xFFFFF086  }
0x25: {  	[simem:s6], [sflag:s4] =	dma.local [hbm:s3], $0xF7A  }
0x26: {  	[smem:$0x3F98] =	sst s1;
	(tag) =	ssettag s2;
	_ =	strace s9  }
0x27: {  	s1 =	sld [smem:$0x3FA8]  }
0x28: {  	s2 =	sld [smem:$0x3FA9]  }
0x29: {  	s4 =	sld [smem:$0x3FAB]  }
0x2a: {  	p0 =	seq.s32 s5, $0x0;
	s5 =	sld [smem:$0x3FAC]  }
0x2b: {  	s6 =	sld [smem:$0x3FAD]  }
0x2c: {  	s7 =	sld [smem:$0x3FAE]  }
0x2d: {  	s3 =	simm.s32 $0x108;
	s8 =	sld [smem:$0x3FAF]  }
0x2e: {  	s3 =	simm.s32 @!p0 $0x1082;
	s9 =	sld [smem:$0x3FB0]  }
0x2f: {  	lr =	sadd.s32 s0, s3;
	s0 =	sld [smem:$0x3FA7]  }
0x30: {  	s3 =	sld [smem:$0x3FAA]  }
0x31: {  	[smem:$0x3FB3] =	sst s10  }
0x32: {  	s10 =	sld [smem:$0x3FB1];
	_ =	sdelay $0x3  }
0x33: {  	p0 =	seq.s32 s10, $0x1;
	s10 =	sld [smem:$0x3FB3];
	_ =	sdelay $0x3  }
0x34: {  	[smem:$0x3FB3] =	sst s10  }
0x35: {  	s10 =	sld [smem:$0x3FB2];
	_ =	sdelay $0x3  }
0x36: {  	p1 =	seq.s32 s10, $0x1;
	s10 =	sld [smem:$0x3FB3];
	_ =	sdelay $0x3  }
0x37: {  	[smem:$0x3FB3] =	sst s10  }
0x38: {  	s10 =	sld [smem:$0x3FB4]  }
0x39: {  	_ = 	snop;
	(pc) =	sbr.ind lr, $3  }
0x3a: {  	_ = 	snop  }
0x3b: {  	_ = 	snop  }
0x3c: {  	p2 =	seq.s32 s10, $0x1;
	s10 =	sld [smem:$0x3FB3]  }
0x3d: {  	_ =	shalt  }
0x3e: {  	_ =	shalt  }
0x3f: {  	_ =	shalt  }
0x40: {  	_ =	shalt  }
0x41: {  	_ =	shalt  }
0x42: {  	_ =	shalt  }
0x43: {  	_ =	shalt  }
0x44: {  	_ =	shalt  }
0x45: {  	_ =	shalt  }
0x46: {  	_ =	shalt  }
0x47: {  	_ =	shalt  }
0x48: {  	_ =	shalt  }
0x49: {  	_ =	shalt  }
0x4a: {  	_ =	shalt  }
0x4b: {  	_ =	shalt  }
0x4c: {  	_ =	shalt  }
0x4d: {  	_ =	shalt  }
0x4e: {  	_ =	shalt  }
0x4f: {  	_ =	shalt  }
0x50: {  	_ =	shalt  }
0x51: {  	_ =	shalt  }
0x52: {  	_ =	shalt  }
0x53: {  	_ =	shalt  }
0x54: {  	_ =	shalt  }
0x55: {  	_ =	shalt  }
0x56: {  	_ =	shalt  }
0x57: {  	_ =	shalt  }
0x58: {  	_ =	shalt  }
0x59: {  	_ =	shalt  }
0x5a: {  	_ =	shalt  }
0x5b: {  	_ =	shalt  }
0x5c: {  	_ =	shalt  }
0x5d: {  	_ =	shalt  }
0x5e: {  	_ =	shalt  }
0x5f: {  	_ =	shalt  }
0x60: {  	_ =	shalt  }
0x61: {  	_ =	shalt  }
0x62: {  	_ =	shalt  }
0x63: {  	_ =	shalt  }
0x64: {  	_ =	shalt  }
0x65: {  	_ =	shalt  }
0x66: {  	_ =	shalt  }
0x67: {  	_ =	shalt  }
0x68: {  	_ =	shalt  }
0x69: {  	_ =	shalt  }
0x6a: {  	_ =	shalt  }
0x6b: {  	_ =	shalt  }
0x6c: {  	_ =	shalt  }
0x6d: {  	_ =	shalt  }
0x6e: {  	_ =	shalt  }
0x6f: {  	_ =	shalt  }
0x70: {  	_ =	shalt  }
0x71: {  	_ =	shalt  }
0x72: {  	_ =	shalt  }
0x73: {  	_ =	shalt  }
0x74: {  	_ =	shalt  }
0x75: {  	_ =	shalt  }
0x76: {  	_ =	shalt  }
0x77: {  	_ =	shalt  }
0x78: {  	_ =	shalt  }
0x79: {  	_ =	shalt  }
0x7a: {  	_ =	shalt  }
0x7b: {  	_ =	shalt  }
0x7c: {  	_ =	shalt  }
0x7d: {  	_ =	shalt  }
0x7e: {  	_ =	shalt  }
0x7f: {  	_ =	shalt  }
0x80: {  	_ =	shalt  }
0x81: {  	_ =	shalt  }
0x82: {  	_ =	shalt  }
0x83: {  	_ =	shalt  }
0x84: {  	_ =	shalt  }
0x85: {  	_ =	shalt  }
0x86: {  	_ =	shalt  }
0x87: {  	_ =	shalt  }
.Lfunc_end0:
.L_simem_size_0:
called_computation_lowered:
.L_overlay_start_0:
0x88: {  	s2 =	sld [smem:$0x3FD9]  }
0x89: {  	s3 =	sld [smem:$0x3FFE];
	_ =	sdelay $0x1  }
0x8a: {  	s1 =	srdreg.scid  }
0x8b: {  	s0 =	sand.u32 $0x1, s1  }
0x8c: {  	s16 =	sshll.u32 s0, $0xA;
	s2 =	sadd.s32 s3, s2  }
0x8d: {  	s2 =	sadd.s32 s2, s16  }
0x8e: {  	[smem:$0x3FBF] =	sst s2  }
0x8f: {  	_ = 	snop  }
0x90: {  	(tm) =	ssettm $0x1  }
0x91: {  	s17 =	sld [smem:$0x3FFB];
	_ =	sdelay $0x3  }
0x92: {  	_ =	strace s17  }
0x93: {  	s2 =	sld [smem:$0x3FFC];
	_ =	sdelay $0x3  }
0x94: {  	_ =	strace s2  }
0x95: {  	s2 =	sld [smem:$0x3FFD];
	_ =	sdelay $0x3  }
0x96: {  	_ =	strace s2  }
0x97: {  	_ =	strace $0x8FFFFFFF  }
0x98: {  	s18 =	sld [smem:$0x3FDB];
	_ =	sdelay $0x1  }
0x99: {  	s19 =	simm.s32 $_scs_section_size  }
0x9a: {  	s4 =	simm.s32 $_size__tile_overlayer_lowered;
	s5 =	simm.s32 $_tile_overlayer_lowered  }
0x9b: {  	s22 =	simm.s32 $0x1BFF;
	s21 =	sshll.u32 s5, $0x1;
	s2 =	sadd.s32 s19, s18  }
0x9c: {  	s6 =	simm.s32 $0x0;
	s20 =	sshll.u32 s4, $0x1;
	s4 =	sadd.s32 s21, s2  }
0x9d: {  	[timem:s6], [sflag:s22] =	dma.local [hbm:s4], s20  }
0x9e: {  	_ =	swait.ge [sflag:s22], s20  }
0x9f: {  	s3 =	ssub.s32 $0x0, s20;
	[sflag:s22] =	ssyncset.done $0x0  }
0xa0: {  	[sflag:s22] =	ssyncadd.s32 s3;
	_ =	sdelay $0x1  }
0xa1: {  	s23 =	simm.s32 $0x1B8B  }
0xa2: {  	_ =	swait.ge [sflag:s23], $0x1  }
0xa3: {  	[sflag:s23] =	ssyncset.done $0x0  }
0xa4: {  	s25 =	simm.s32 $0x1B8E;
	s24 =	sld [smem:$0x3FFE];
	[sflag:s23] =	ssyncadd.s32 $0xFFFFFFFF  }
0xa5: {  	s26 =	simm.s32 $execute0_lowered;
	[smem:$0x3FD2] =	sst s25  }
0xa6: {  	s4 =	sshll.u32 s26, $0x1;
	_ =	strace $0x80000046;
	[dreg:$0x1] =	wrdreg $0xFFFFFFFF  }
0xa7: {  	s28 =	simm.s32 $_size_execute0_lowered;
	s2 =	sadd.s32 s2, s4;
	[dreg:$0x0] =	wrdreg $0x0  }
0xa8: {  	s4 =	sshll.u32 s28, $0x1;
	[dreg:$0x2] =	wrdreg s2  }
0xa9: {  	[dreg:$0x3] =	wrdreg s4  }
0xaa: {  	[dreg:$0x4] =	wrdreg $0xC0  }
0xab: {  	_ =	task [dreg:s6], $0x5FFFF  }
0xac: {  	[dreg:$0x1] =	wrdreg $0xFFFFFFFF  }
0xad: {  	[dreg:$0x0] =	wrdreg $0x60  }
0xae: {  	[dreg:$0x2] =	wrdreg s24  }
0xaf: {  	[dreg:$0x3] =	wrdreg $0x15000  }
0xb0: {  	[dreg:$0x4] =	wrdreg $0x9  }
0xb1: {  	_ =	task.clear_ibuf [dreg:s6], $0x5FFFF;
	_ =	strace $0x90000046  }
0xb2: {  	s29 =	simm.s32 $0x9;
	_ =	strace $0x80000048  }
0xb3: {  	_ =	swait.ge [sflag:s29], $0x1  }
0xb4: {  	[sflag:s29] =	ssyncadd.s32 $0xFFFFFFFF  }
0xb5: {  	_ =	strace $0x90000048  }
0xb6: {  	_ =	sfence  }
0xb7: {  	s30 =	sld [smem:$0x0];
	_ =	sdelay $0x2  }
0xb8: {  	s31 =	sshll.u32 s1, $0xD;
	s1 =	sshrl.u32 s1, $0x2  }
0xb9: {  	s3 =	sand.u32 $0x4000, s31;
	s1 =	sadd.s32 s1, s30  }
0xba: {  	s0 =	sor.u32 s3, s0;
	s1 =	sshll.u32 s1, $0x11  }
0xbb: {  	s0 =	sor.u32 s1, s0  }
0xbc: {  	s0 =	sadd.s32 $0x8F2B, s0  }
0xbd: {  	[sflag:s0] =	ssyncadd.remote.s32 $0x1  }
0xbe: {  	_ =	sfence.sel $0xFFFF  }
0xbf: {  	[dreg:$0x0] =	wrdreg $0xFFFFFFFF;
	(pc) =	sbr.abs _section_cstart, $3  }
0xc0: {  	[dreg:$0x1] =	wrdreg $0xFFFFFFFF  }
0xc1: {  	_ =	task.clear_ibuf [dreg:s6], $0x2FFFF;
	_ =	strace $0x9FFFFFFF  }
0xc2: {  	(tm) =	ssettm $0x7FFFFFFF  }
0xc3: {  	_ =	shalt  }
tec
execute0_lowered:
.L_overlay_start_1:
0x0: {  	(tag) =	ssettag $0x1  }
0x1: {  	s0 =	rddreg [dreg:$0x0]  }
0x2: {  	s2 =	rddreg [dreg:$0x1];
	s6 =	stileid.u32  }
0x3: {  	s1 =	srdreg.scid;
	s3 =	simm.s32 $0x0;
	s4 =	smul.u32 $0x3B0, s6  }
0x4: {  	s1 =	sand.u32 $0x1, s1;
	[smem:$0x7FF] =	sst s3  }
0x5: {  	s7 =	sshll.u32 s6, $0x6;
	s5 =	smul.u32 $0x1D6800, s1;
	s4 =	smin.u32 s4, $0x3720  }
0x6: {  	_ =	strace $0x80000047;
	s8 =	ssub.s32 $0x2, s1;
	s4 =	sshll.u32 s4, $0x7  }
0x7: {  	[dreg:$0x3] =	wrdreg s7;
	s9 =	sshrl.u32 s8, $0x1;
	s5 =	sadd.s32 s5, s4  }
0x8: {  	s7 =	sadd.s32 s7, s0;
	s6 =	ssub.s32 s8, s9;
	s5 =	sshrl.u32 s5, $0x3  }
0x9: {  	s26 =	smax.u32 s6, $0x1;
	s0 =	sadd.s32 s5, s0;
	s5 =	sadd.s32 s4, s2  }
0xa: {  	[dreg:$0x14] =	wrdreg s26;
	s10 =	sadd.s32 $0x1000, s5  }
0xb: {  	s11 =	sadd.s32 $0x2000, s5;
	[dreg:$0x4] =	wrdreg s10  }
0xc: {  	s12 =	sadd.s32 $0x3000, s5;
	[dreg:$0x5] =	wrdreg s11  }
0xd: {  	s14 =	smul.u32 $0x1388, s1;
	s13 =	sadd.s32 $0x4000, s5;
	[dreg:$0x6] =	wrdreg s12  }
0xe: {  	s15 =	sadd.s32 $0x5000, s5;
	[dreg:$0x7] =	wrdreg s13  }
0xf: {  	v0 =	vmov s14;
	s14 =	simm.s32 $0x1;
	s16 =	sadd.s32 $0x6000, s5;
	[dreg:$0x8] =	wrdreg s15  }
0x10: {  	s4 =	simm.s32 $0x200;
	s17 =	sadd.s32 $0x7000, s5;
	[dreg:$0x9] =	wrdreg s16  }
0x11: {  	s18 =	sadd.s32 $0x8000, s5;
	s19 =	sadd.s32 $0x9000, s5;
	[dreg:$0xa] =	wrdreg s17  }
0x12: {  	s20 =	sadd.s32 $0xA000, s5;
	s21 =	sadd.s32 $0xB000, s5;
	[dreg:$0xb] =	wrdreg s18  }
0x13: {  	s22 =	sadd.s32 $0xC000, s5;
	s23 =	sadd.s32 $0xD000, s5;
	[dreg:$0xc] =	wrdreg s19  }
0x14: {  	s24 =	sadd.s32 $0xE000, s5;
	s25 =	sadd.s32 $0xF000, s5;
	[dreg:$0xd] =	wrdreg s20  }
0x15: {  	s0 =	sadd.s32 $0x9F600, s0;
	s26 =	sadd.s32 $0x11000, s5;
	[dreg:$0xe] =	wrdreg s21  }
0x16: {  	s28 =	sadd.s32 $0x12000, s5;
	s29 =	sadd.s32 $0x13000, s5;
	[dreg:$0xf] =	wrdreg s22  }
0x17: {  	s30 =	sadd.s32 $0x14000, s5;
	s31 =	sadd.s32 $0x15000, s5;
	[dreg:$0x10] =	wrdreg s23  }
0x18: {  	s1 =	sadd.s32 $0x16000, s5;
	s6 =	sadd.s32 $0x18000, s5;
	[dreg:$0x11] =	wrdreg s24  }
0x19: {  	s8 =	sadd.s32 $0x1A000, s5;
	s9 =	sadd.s32 $0x1B000, s5;
	[dreg:$0x12] =	wrdreg s25  }
0x1a: {  	s21 =	sadd.s32 $0x2E00, s7;
	[dreg:$0x13] =	wrdreg s0;
	s24 =	sadd.s32 $0x9F200, s7  }
0x1b: {  	s25 =	sadd.s32 $0x10000, s5;
	s0 =	sadd.s32 $0x17000, s5;
	s7 =	sadd.s32 $0x19000, s5  }
0x1c: {  	s10 =	sadd.s32 $0x1C000, s5;
	s11 =	sadd.s32 $0x1D000, s5;
	s12 =	simm.s32 $0x500  }
0x1d: {  	v1 =	vimm.f32 $0.0e+00;
	v4 =	vlaneseq.u32;
	s13 =	simm.s32 $0x3;
	s15 =	simm.s32 $0x20;
	s16 =	simm.s32 $0x400  }
0x1e: {  	v2 =	vimm.f32 $1.000000000e+00;
	v3 =	vor.u32 $0x3AB0, v4;
	v4 =	vor.u32 $0x3AC0, v4;
	s17 =	simm.s32 $0x2;
	s18 =	simm.s32 $0x480;
	s19 =	simm.s32 $0x0  }
.LBB2_1:
0x1f: {  	[tilespmem:$0x500] =	vst v1  }
0x20: {  	[tilespmem:$0x510] =	vst v1  }
0x21: {  	[tilespmem:$0x580] =	vst v1  }
0x22: {  	[tilespmem:$0x590] =	vst v1  }
0x23: {  	[tilespmem:$0x600] =	vst v1  }
0x24: {  	[tilespmem:$0x610] =	vst v1  }
0x25: {  	[tilespmem:$0x680] =	vst v1  }
0x26: {  	[tilespmem:$0x690] =	vst v1  }
0x27: {  	[tilespmem:$0x700] =	vst v1  }
0x28: {  	[tilespmem:$0x710] =	vst v1  }
0x29: {  	[tilespmem:$0x780] =	vst v1  }
0x2a: {  	[tilespmem:$0x790] =	vst v1  }
0x2b: {  	[tilespmem:$0x800] =	vst v1  }
0x2c: {  	[tilespmem:$0x810] =	vst v1  }
0x2d: {  	[tilespmem:$0x880] =	vst v1  }
0x2e: {  	[tilespmem:$0x890] =	vst v1  }
0x2f: {  	[tilespmem:$0x900] =	vst v1  }
0x30: {  	[tilespmem:$0x910] =	vst v1  }
0x31: {  	[tilespmem:$0x980] =	vst v1  }
0x32: {  	[tilespmem:$0x990] =	vst v1  }
0x33: {  	[tilespmem:$0xA00] =	vst v1  }
0x34: {  	[tilespmem:$0xA10] =	vst v1  }
0x35: {  	[tilespmem:$0xA80] =	vst v1  }
0x36: {  	[tilespmem:$0xA90] =	vst v1  }
0x37: {  	[tilespmem:$0xB00] =	vst v1  }
0x38: {  	[tilespmem:$0xB10] =	vst v1  }
0x39: {  	[tilespmem:$0xB80] =	vst v1  }
0x3a: {  	[tilespmem:$0xB90] =	vst v1  }
0x3b: {  	[tilespmem:$0xC00] =	vst v1  }
0x3c: {  	[tilespmem:$0xC10] =	vst v1  }
0x3d: {  	[tilespmem:$0xC80] =	vst v1  }
0x3e: {  	[tilespmem:$0xC90] =	vst v1  }
0x3f: {  	[tilespmem:$0xD00] =	vst v1  }
0x40: {  	[tilespmem:$0xD10] =	vst v1  }
0x41: {  	[tilespmem:$0xD80] =	vst v1  }
0x42: {  	[tilespmem:$0xD90] =	vst v1  }
0x43: {  	[tilespmem:$0xE00] =	vst v1  }
0x44: {  	[tilespmem:$0xE10] =	vst v1  }
0x45: {  	[tilespmem:$0xE80] =	vst v1  }
0x46: {  	[tilespmem:$0xE90] =	vst v1  }
0x47: {  	[tilespmem:$0xF00] =	vst v1  }
0x48: {  	[tilespmem:$0xF10] =	vst v1  }
0x49: {  	[tilespmem:$0xF80] =	vst v1  }
0x4a: {  	[tilespmem:$0xF90] =	vst v1  }
0x4b: {  	[tilespmem:$0x1000] =	vst v1  }
0x4c: {  	[tilespmem:$0x1010] =	vst v1  }
0x4d: {  	[tilespmem:$0x1080] =	vst v1  }
0x4e: {  	[tilespmem:$0x1090] =	vst v1  }
0x4f: {  	[tilespmem:$0x1100] =	vst v1  }
0x50: {  	[tilespmem:$0x1110] =	vst v1  }
0x51: {  	[tilespmem:$0x1180] =	vst v1  }
0x52: {  	[tilespmem:$0x1190] =	vst v1  }
0x53: {  	[tilespmem:$0x1200] =	vst v1  }
0x54: {  	[tilespmem:$0x1210] =	vst v1  }
0x55: {  	[tilespmem:$0x1280] =	vst v1  }
0x56: {  	[tilespmem:$0x1290] =	vst v1  }
0x57: {  	[tilespmem:$0x1300] =	vst v1  }
0x58: {  	[tilespmem:$0x1310] =	vst v1  }
0x59: {  	[tilespmem:$0x1380] =	vst v1  }
0x5a: {  	[tilespmem:$0x1390] =	vst v1  }
0x5b: {  	[tilespmem:$0x1400] =	vst v1  }
0x5c: {  	[tilespmem:$0x1410] =	vst v1  }
0x5d: {  	[tilespmem:$0x1480] =	vst v1  }
0x5e: {  	[tilespmem:$0x1490] =	vst v1  }
0x5f: {  	[spmem:s5] =	stream.linear.scatter [tilespmem:s12], [sflag:$0x3], $0x1000, $0x38;
	[tilespmem:$0x8AA0] =	vst v63  }
0x60: {  	_ =	swait.ge [sflag:s13], $0x1000  }
0x61: {  	[sflag:s13] =	ssyncset.done $0x0  }
0x62: {  	s20 =	rddreg [dreg:$0x4];
	[sflag:s13] =	ssyncadd.s32 $0xFFFFF000  }
0x63: {  	[spmem:s20] =	stream.linear.scatter [tilespmem:s12], [sflag:$0x3], $0x1000, $0x38;
	[tilespmem:$0x8AA0] =	vst v63  }
0x64: {  	_ =	swait.ge [sflag:s13], $0x1000  }
0x65: {  	[sflag:s13] =	ssyncset.done $0x0  }
0x66: {  	s23 =	rddreg [dreg:$0x5];
	[sflag:s13] =	ssyncadd.s32 $0xFFFFF000  }
0x67: {  	[spmem:s23] =	stream.linear.scatter [tilespmem:s12], [sflag:$0x3], $0x1000, $0x38;
	[tilespmem:$0x8AA0] =	vst v63  }
0x68: {  	_ =	swait.ge [sflag:s13], $0x1000  }
0x69: {  	[sflag:s13] =	ssyncset.done $0x0  }
0x6a: {  	s22 =	rddreg [dreg:$0x6];
	[sflag:s13] =	ssyncadd.s32 $0xFFFFF000  }
0x6b: {  	[spmem:s22] =	stream.linear.scatter [tilespmem:s12], [sflag:$0x3], $0x1000, $0x38;
	[tilespmem:$0x8AA0] =	vst v63  }
0x6c: {  	_ =	swait.ge [sflag:s13], $0x1000  }
0x6d: {  	[sflag:s13] =	ssyncset.done $0x0  }
0x6e: {  	s23 =	rddreg [dreg:$0x7];
	[sflag:s13] =	ssyncadd.s32 $0xFFFFF000  }
0x6f: {  	[spmem:s23] =	stream.linear.scatter [tilespmem:s12], [sflag:$0x3], $0x1000, $0x38;
	[tilespmem:$0x8AA0] =	vst v63  }
0x70: {  	_ =	swait.ge [sflag:s13], $0x1000  }
0x71: {  	[sflag:s13] =	ssyncset.done $0x0  }
0x72: {  	s22 =	rddreg [dreg:$0x8];
	[sflag:s13] =	ssyncadd.s32 $0xFFFFF000  }
0x73: {  	[spmem:s22] =	stream.linear.scatter [tilespmem:s12], [sflag:$0x3], $0x1000, $0x38;
	[tilespmem:$0x8AA0] =	vst v63  }
0x74: {  	_ =	swait.ge [sflag:s13], $0x1000  }
0x75: {  	[sflag:s13] =	ssyncset.done $0x0  }
0x76: {  	s23 =	rddreg [dreg:$0x9];
	[sflag:s13] =	ssyncadd.s32 $0xFFFFF000  }
0x77: {  	[spmem:s23] =	stream.linear.scatter [tilespmem:s12], [sflag:$0x3], $0x1000, $0x38;
	[tilespmem:$0x8AA0] =	vst v63  }
0x78: {  	_ =	swait.ge [sflag:s13], $0x1000  }
0x79: {  	[sflag:s13] =	ssyncset.done $0x0  }
0x7a: {  	s22 =	rddreg [dreg:$0xa];
	[sflag:s13] =	ssyncadd.s32 $0xFFFFF000  }
0x7b: {  	[spmem:s22] =	stream.linear.scatter [tilespmem:s12], [sflag:$0x3], $0x1000, $0x38;
	[tilespmem:$0x8AA0] =	vst v63  }
0x7c: {  	_ =	swait.ge [sflag:s13], $0x1000  }
0x7d: {  	[sflag:s13] =	ssyncset.done $0x0  }
0x7e: {  	s23 =	rddreg [dreg:$0xb];
	[sflag:s13] =	ssyncadd.s32 $0xFFFFF000  }
0x7f: {  	[spmem:s23] =	stream.linear.scatter [tilespmem:s12], [sflag:$0x3], $0x1000, $0x38;
	[tilespmem:$0x8AA0] =	vst v63  }
0x80: {  	_ =	swait.ge [sflag:s13], $0x1000  }
0x81: {  	[sflag:s13] =	ssyncset.done $0x0  }
0x82: {  	s22 =	rddreg [dreg:$0xc];
	[sflag:s13] =	ssyncadd.s32 $0xFFFFF000  }
0x83: {  	[spmem:s22] =	stream.linear.scatter [tilespmem:s12], [sflag:$0x3], $0x1000, $0x38;
	[tilespmem:$0x8AA0] =	vst v63  }
0x84: {  	_ =	swait.ge [sflag:s13], $0x1000  }
0x85: {  	[sflag:s13] =	ssyncset.done $0x0  }
0x86: {  	s23 =	rddreg [dreg:$0xd];
	[sflag:s13] =	ssyncadd.s32 $0xFFFFF000  }
0x87: {  	[spmem:s23] =	stream.linear.scatter [tilespmem:s12], [sflag:$0x3], $0x1000, $0x38;
	[tilespmem:$0x8AA0] =	vst v63  }
0x88: {  	_ =	swait.ge [sflag:s13], $0x1000  }
0x89: {  	[sflag:s13] =	ssyncset.done $0x0  }
0x8a: {  	s22 =	rddreg [dreg:$0xe];
	[sflag:s13] =	ssyncadd.s32 $0xFFFFF000  }
0x8b: {  	[spmem:s22] =	stream.linear.scatter [tilespmem:s12], [sflag:$0x3], $0x1000, $0x38;
	[tilespmem:$0x8AA0] =	vst v63  }
0x8c: {  	_ =	swait.ge [sflag:s13], $0x1000  }
0x8d: {  	[sflag:s13] =	ssyncset.done $0x0  }
0x8e: {  	s23 =	rddreg [dreg:$0xf];
	[sflag:s13] =	ssyncadd.s32 $0xFFFFF000  }
0x8f: {  	[spmem:s23] =	stream.linear.scatter [tilespmem:s12], [sflag:$0x3], $0x1000, $0x38;
	[tilespmem:$0x8AA0] =	vst v63  }
0x90: {  	_ =	swait.ge [sflag:s13], $0x1000  }
0x91: {  	[sflag:s13] =	ssyncset.done $0x0  }
0x92: {  	s22 =	rddreg [dreg:$0x10];
	[sflag:s13] =	ssyncadd.s32 $0xFFFFF000  }
0x93: {  	[spmem:s22] =	stream.linear.scatter [tilespmem:s12], [sflag:$0x3], $0x1000, $0x38;
	[tilespmem:$0x8AA0] =	vst v63  }
0x94: {  	_ =	swait.ge [sflag:s13], $0x1000  }
0x95: {  	[sflag:s13] =	ssyncset.done $0x0  }
0x96: {  	s23 =	rddreg [dreg:$0x11];
	[sflag:s13] =	ssyncadd.s32 $0xFFFFF000  }
0x97: {  	[spmem:s23] =	stream.linear.scatter [tilespmem:s12], [sflag:$0x3], $0x1000, $0x38;
	[tilespmem:$0x8AA0] =	vst v63  }
0x98: {  	_ =	swait.ge [sflag:s13], $0x1000  }
0x99: {  	[sflag:s13] =	ssyncset.done $0x0  }
0x9a: {  	s22 =	rddreg [dreg:$0x12];
	[sflag:s13] =	ssyncadd.s32 $0xFFFFF000  }
0x9b: {  	[spmem:s22] =	stream.linear.scatter [tilespmem:s12], [sflag:$0x3], $0x1000, $0x38;
	[tilespmem:$0x8AA0] =	vst v63  }
0x9c: {  	_ =	swait.ge [sflag:s13], $0x1000  }
0x9d: {  	[sflag:s13] =	ssyncset.done $0x0  }
0x9e: {  	[sflag:s13] =	ssyncadd.s32 $0xFFFFF000  }
0x9f: {  	[spmem:s25] =	stream.linear.scatter [tilespmem:s12], [sflag:$0x3], $0x1000, $0x38;
	[tilespmem:$0x8AA0] =	vst v63  }
0xa0: {  	_ =	swait.ge [sflag:s13], $0x1000  }
0xa1: {  	[sflag:s13] =	ssyncset.done $0x0  }
0xa2: {  	[sflag:s13] =	ssyncadd.s32 $0xFFFFF000  }
0xa3: {  	[spmem:s26] =	stream.linear.scatter [tilespmem:s12], [sflag:$0x3], $0x1000, $0x38;
	[tilespmem:$0x8AA0] =	vst v63  }
0xa4: {  	_ =	swait.ge [sflag:s13], $0x1000  }
0xa5: {  	[sflag:s13] =	ssyncset.done $0x0  }
0xa6: {  	[sflag:s13] =	ssyncadd.s32 $0xFFFFF000  }
0xa7: {  	[spmem:s28] =	stream.linear.scatter [tilespmem:s12], [sflag:$0x3], $0x1000, $0x38;
	[tilespmem:$0x8AA0] =	vst v63  }
0xa8: {  	_ =	swait.ge [sflag:s13], $0x1000  }
0xa9: {  	[sflag:s13] =	ssyncset.done $0x0  }
0xaa: {  	[sflag:s13] =	ssyncadd.s32 $0xFFFFF000  }
0xab: {  	[spmem:s29] =	stream.linear.scatter [tilespmem:s12], [sflag:$0x3], $0x1000, $0x38;
	[tilespmem:$0x8AA0] =	vst v63  }
0xac: {  	_ =	swait.ge [sflag:s13], $0x1000  }
0xad: {  	[sflag:s13] =	ssyncset.done $0x0  }
0xae: {  	[sflag:s13] =	ssyncadd.s32 $0xFFFFF000  }
0xaf: {  	[spmem:s30] =	stream.linear.scatter [tilespmem:s12], [sflag:$0x3], $0x1000, $0x38;
	[tilespmem:$0x8AA0] =	vst v63  }
0xb0: {  	_ =	swait.ge [sflag:s13], $0x1000  }
0xb1: {  	[sflag:s13] =	ssyncset.done $0x0  }
0xb2: {  	[sflag:s13] =	ssyncadd.s32 $0xFFFFF000  }
0xb3: {  	[spmem:s31] =	stream.linear.scatter [tilespmem:s12], [sflag:$0x3], $0x1000, $0x38;
	[tilespmem:$0x8AA0] =	vst v63  }
0xb4: {  	_ =	swait.ge [sflag:s13], $0x1000  }
0xb5: {  	[sflag:s13] =	ssyncset.done $0x0  }
0xb6: {  	[sflag:s13] =	ssyncadd.s32 $0xFFFFF000  }
0xb7: {  	[spmem:s1] =	stream.linear.scatter [tilespmem:s12], [sflag:$0x3], $0x1000, $0x38;
	[tilespmem:$0x8AA0] =	vst v63  }
0xb8: {  	_ =	swait.ge [sflag:s13], $0x1000  }
0xb9: {  	[sflag:s13] =	ssyncset.done $0x0  }
0xba: {  	[sflag:s13] =	ssyncadd.s32 $0xFFFFF000  }
0xbb: {  	[spmem:s0] =	stream.linear.scatter [tilespmem:s12], [sflag:$0x3], $0x1000, $0x38;
	[tilespmem:$0x8AA0] =	vst v63  }
0xbc: {  	_ =	swait.ge [sflag:s13], $0x1000  }
0xbd: {  	[sflag:s13] =	ssyncset.done $0x0  }
0xbe: {  	[sflag:s13] =	ssyncadd.s32 $0xFFFFF000  }
0xbf: {  	[spmem:s6] =	stream.linear.scatter [tilespmem:s12], [sflag:$0x3], $0x1000, $0x38;
	[tilespmem:$0x8AA0] =	vst v63  }
0xc0: {  	_ =	swait.ge [sflag:s13], $0x1000  }
0xc1: {  	[sflag:s13] =	ssyncset.done $0x0  }
0xc2: {  	[sflag:s13] =	ssyncadd.s32 $0xFFFFF000  }
0xc3: {  	[spmem:s7] =	stream.linear.scatter [tilespmem:s12], [sflag:$0x3], $0x1000, $0x38;
	[tilespmem:$0x8AA0] =	vst v63  }
0xc4: {  	_ =	swait.ge [sflag:s13], $0x1000  }
0xc5: {  	[sflag:s13] =	ssyncset.done $0x0  }
0xc6: {  	[sflag:s13] =	ssyncadd.s32 $0xFFFFF000  }
0xc7: {  	[spmem:s8] =	stream.linear.scatter [tilespmem:s12], [sflag:$0x3], $0x1000, $0x38;
	[tilespmem:$0x8AA0] =	vst v63  }
0xc8: {  	_ =	swait.ge [sflag:s13], $0x1000  }
0xc9: {  	[sflag:s13] =	ssyncset.done $0x0  }
0xca: {  	[sflag:s13] =	ssyncadd.s32 $0xFFFFF000  }
0xcb: {  	[spmem:s9] =	stream.linear.scatter [tilespmem:s12], [sflag:$0x3], $0x1000, $0x38;
	[tilespmem:$0x8AA0] =	vst v63  }
0xcc: {  	_ =	swait.ge [sflag:s13], $0x1000  }
0xcd: {  	[sflag:s13] =	ssyncset.done $0x0  }
0xce: {  	[sflag:s13] =	ssyncadd.s32 $0xFFFFF000  }
0xcf: {  	[spmem:s10] =	stream.linear.scatter [tilespmem:s12], [sflag:$0x3], $0x1000, $0x38;
	[tilespmem:$0x8AA0] =	vst v63  }
0xd0: {  	_ =	swait.ge [sflag:s13], $0x1000  }
0xd1: {  	[sflag:s13] =	ssyncset.done $0x0  }
0xd2: {  	[sflag:s13] =	ssyncadd.s32 $0xFFFFF000  }
0xd3: {  	[spmem:s11] =	stream.linear.scatter [tilespmem:s12], [sflag:$0x3], $0x800, $0x38;
	[tilespmem:$0x8AA0] =	vst v63  }
0xd4: {  	_ =	swait.ge [sflag:s13], $0x800  }
0xd5: {  	[sflag:s13] =	ssyncset.done $0x0  }
0xd6: {  	[sflag:s13] =	ssyncadd.s32 $0xFFFFF800  }
0xd7: {  	[tilespmem:$0x500] =	vst v2  }
0xd8: {  	[tilespmem:$0x510] =	vst v2  }
0xd9: {  	[tilespmem:$0x580] =	vst v2  }
0xda: {  	[tilespmem:$0x590] =	vst v2  }
0xdb: {  	[tilespmem:$0x600] =	vst v2  }
0xdc: {  	[tilespmem:$0x610] =	vst v2  }
0xdd: {  	[tilespmem:$0x680] =	vst v2  }
0xde: {  	[tilespmem:$0x690] =	vst v2  }
0xdf: {  	[tilespmem:$0x700] =	vst v2  }
0xe0: {  	[tilespmem:$0x710] =	vst v2  }
0xe1: {  	[tilespmem:$0x780] =	vst v2  }
0xe2: {  	[tilespmem:$0x790] =	vst v2  }
0xe3: {  	[tilespmem:$0x800] =	vst v2  }
0xe4: {  	[tilespmem:$0x810] =	vst v2  }
0xe5: {  	[tilespmem:$0x880] =	vst v2  }
0xe6: {  	[tilespmem:$0x890] =	vst v2  }
0xe7: {  	[tilespmem:$0x900] =	vst v2  }
0xe8: {  	[tilespmem:$0x910] =	vst v2  }
0xe9: {  	[tilespmem:$0x980] =	vst v2  }
0xea: {  	[tilespmem:$0x990] =	vst v2  }
0xeb: {  	[tilespmem:$0xA00] =	vst v2  }
0xec: {  	[tilespmem:$0xA10] =	vst v2  }
0xed: {  	[tilespmem:$0xA80] =	vst v2  }
0xee: {  	[tilespmem:$0xA90] =	vst v2  }
0xef: {  	[tilespmem:$0xB00] =	vst v2  }
0xf0: {  	[tilespmem:$0xB10] =	vst v2  }
0xf1: {  	[tilespmem:$0xB80] =	vst v2  }
0xf2: {  	[tilespmem:$0xB90] =	vst v2  }
0xf3: {  	[tilespmem:$0xC00] =	vst v2  }
0xf4: {  	[tilespmem:$0xC10] =	vst v2  }
0xf5: {  	[tilespmem:$0xC80] =	vst v2  }
0xf6: {  	[tilespmem:$0xC90] =	vst v2  }
0xf7: {  	[tilespmem:$0xD00] =	vst v2  }
0xf8: {  	[tilespmem:$0xD10] =	vst v2  }
0xf9: {  	[tilespmem:$0xD80] =	vst v2  }
0xfa: {  	[tilespmem:$0xD90] =	vst v2  }
0xfb: {  	[tilespmem:$0xE00] =	vst v2  }
0xfc: {  	[tilespmem:$0xE10] =	vst v2  }
0xfd: {  	[tilespmem:$0xE80] =	vst v2  }
0xfe: {  	[tilespmem:$0xE90] =	vst v2  }
0xff: {  	[tilespmem:$0xF00] =	vst v2  }
0x100: {  	[tilespmem:$0xF10] =	vst v2  }
0x101: {  	[tilespmem:$0xF80] =	vst v2  }
0x102: {  	[tilespmem:$0xF90] =	vst v2  }
0x103: {  	[tilespmem:$0x1000] =	vst v2  }
0x104: {  	[tilespmem:$0x1010] =	vst v2  }
0x105: {  	[tilespmem:$0x1080] =	vst v2  }
0x106: {  	[tilespmem:$0x1090] =	vst v2  }
0x107: {  	[tilespmem:$0x1100] =	vst v2  }
0x108: {  	[tilespmem:$0x1110] =	vst v2  }
0x109: {  	[tilespmem:$0x1180] =	vst v2  }
0x10a: {  	[tilespmem:$0x1190] =	vst v2  }
0x10b: {  	[tilespmem:$0x1200] =	vst v2  }
0x10c: {  	[tilespmem:$0x1210] =	vst v2  }
0x10d: {  	[tilespmem:$0x1280] =	vst v2  }
0x10e: {  	[tilespmem:$0x1290] =	vst v2  }
0x10f: {  	[tilespmem:$0x1300] =	vst v2  }
0x110: {  	[tilespmem:$0x1310] =	vst v2  }
0x111: {  	[tilespmem:$0x1380] =	vst v2  }
0x112: {  	[tilespmem:$0x1390] =	vst v2  }
0x113: {  	[tilespmem:$0x1400] =	vst v2  }
0x114: {  	[tilespmem:$0x1410] =	vst v2  }
0x115: {  	[tilespmem:$0x1480] =	vst v2  }
0x116: {  	[tilespmem:$0x1490] =	vst v2  }
0x117: {  	s23 =	sadd.s32 $0xFFF64000, s21;
	[bflag:$0x0] =	sbarrier.arrive $0xFFFF  }
0x118: {  	[tilespmem:s3], [sflag:$0x1] =	stream.linear.gather [hbm4b:s21+s3], $0x180, $0x38;
	[tilespmem:$0x8AA0] =	vst v63  }
0x119: {  	s22 =	sadd.s32 $0x9C400, s23  }
0x11a: {  	[tilespmem:s4], [sflag:$0x2] =	stream.linear.gather [hbm4b:s22+s3], $0x180, $0x38;
	[tilespmem:$0x8AA0] =	vst v63  }
0x11b: {  	_ =	swait.ge [sflag:s14], $0x180  }
0x11c: {  	[sflag:s14] =	ssyncset.done $0x0  }
0x11d: {  	[sflag:s14] =	ssyncadd.s32 $0xFFFFFE80  }
0x11e: {  	v5 =	vld [tilespmem:$0x80]  }
0x11f: {  	v6 =	vld [tilespmem:$0x100]  }
0x120: {  	v7 =	vld [tilespmem:$0x110]  }
0x121: {  	v8 =	vld [tilespmem:$0x90];
	_ =	sdelay $0x2  }
0x122: {  	v6 =	vmul.u32 $0x1390, v6  }
0x123: {  	v5 =	vsub.s32 v5, v0;
	v7 =	vmul.u32 $0x1390, v7  }
0x124: {  	vm0 =	vlt.u32 v5, $0x1388;
	v5 =	vadd.s32 v5, v6;
	v6 =	vsub.s32 v8, v0  }
0x125: {  	v5 =	vsel vm0, v5, v3;
	vm15 =	vlt.u32 v6, $0x1388;
	v6 =	vadd.s32 v6, v7  }
0x126: {  	[tilespmem:$0x400] =	vst v5;
	v5 =	vsel vm15, v6, v4  }
0x127: {  	[tilespmem:$0x410] =	vst v5  }
0x128: {  	[spmem:s2] =	stream.indirect.scatter.add.f32 [tilespmem:s12], [sflag:$0x3], $0x20, s16, s15, $0xb8;
	[tilespmem:$0x8AA0] =	vst v63  }
0x129: {  	_ =	swait.ge [sflag:s13], $0x400  }
0x12a: {  	[sflag:s13] =	ssyncset.done $0x0  }
0x12b: {  	s20 =	sadd.s32 $0x9C800, s23;
	[sflag:s13] =	ssyncadd.s32 $0xFFFFFC00  }
0x12c: {  	[tilespmem:s3], [sflag:$0x1] =	stream.linear.gather [hbm4b:s20+s3], $0x180, $0x38;
	[tilespmem:$0x8AA0] =	vst v63  }
0x12d: {  	_ =	swait.ge [sflag:s17], $0x180  }
0x12e: {  	[sflag:s17] =	ssyncset.done $0x0  }
0x12f: {  	[sflag:s17] =	ssyncadd.s32 $0xFFFFFE80  }
0x130: {  	v5 =	vld [tilespmem:$0x290]  }
0x131: {  	v8 =	vld [tilespmem:$0x310]  }
0x132: {  	v7 =	vld [tilespmem:$0x300]  }
0x133: {  	s20 =	simm.s32 $0xFFF64800;
	v6 =	vld [tilespmem:$0x280]  }
.LBB2_2:
0x134: {  	p0 =	sne.s32 s20, $0xFFFFF800;
	s22 =	smov.u32 s20;
	s20 =	sadd.s32 $0x800, s20  }
0x135: {  	_ = 	snop  }
0x136: {  	v8 =	vmul.u32 $0x1390, v8  }
0x137: {  	s22 =	sadd.s32 s22, s21;
	v5 =	vsub.s32 v5, v0;
	v7 =	vmul.u32 $0x1390, v7  }
0x138: {  	vm0 =	vlt.u32 v5, $0x1388;
	v6 =	vsub.s32 v6, v0;
	v5 =	vadd.s32 v5, v8  }
0x139: {  	vm1 =	vlt.u32 v6, $0x1388;
	v6 =	vadd.s32 v6, v7;
	v5 =	vsel vm0, v5, v4  }
0x13a: {  	v6 =	vsel vm1, v6, v3;
	[tilespmem:$0x490] =	vst v5  }
0x13b: {  	[tilespmem:$0x480] =	vst v6  }
0x13c: {  	[spmem:s2] =	stream.indirect.scatter.add.f32 [tilespmem:s12], [sflag:$0x3], $0x20, s18, s15, $0xb8;
	[tilespmem:$0x8AA0] =	vst v63  }
0x13d: {  	_ =	swait.ge [sflag:s13], $0x400  }
0x13e: {  	[sflag:s13] =	ssyncset.done $0x0  }
0x13f: {  	s23 =	sadd.s32 $0x9C400, s22;
	[sflag:s13] =	ssyncadd.s32 $0xFFFFFC00  }
0x140: {  	[tilespmem:s4], [sflag:$0x2] =	stream.linear.gather [hbm4b:s23+s3], $0x180, $0x38;
	[tilespmem:$0x8AA0] =	vst v63  }
0x141: {  	_ =	swait.ge [sflag:s14], $0x180  }
0x142: {  	[sflag:s14] =	ssyncset.done $0x0  }
0x143: {  	[sflag:s14] =	ssyncadd.s32 $0xFFFFFE80  }
0x144: {  	v5 =	vld [tilespmem:$0x80]  }
0x145: {  	v6 =	vld [tilespmem:$0x100]  }
0x146: {  	v7 =	vld [tilespmem:$0x110]  }
0x147: {  	v8 =	vld [tilespmem:$0x90];
	_ =	sdelay $0x2  }
0x148: {  	v6 =	vmul.u32 $0x1390, v6  }
0x149: {  	v5 =	vsub.s32 v5, v0;
	v7 =	vmul.u32 $0x1390, v7  }
0x14a: {  	vm0 =	vlt.u32 v5, $0x1388;
	v5 =	vadd.s32 v5, v6;
	v6 =	vsub.s32 v8, v0  }
0x14b: {  	v5 =	vsel vm0, v5, v3;
	vm0 =	vlt.u32 v6, $0x1388;
	v6 =	vadd.s32 v6, v7  }
0x14c: {  	[tilespmem:$0x400] =	vst v5;
	v5 =	vsel vm0, v6, v4  }
0x14d: {  	[tilespmem:$0x410] =	vst v5  }
0x14e: {  	[spmem:s2] =	stream.indirect.scatter.add.f32 [tilespmem:s12], [sflag:$0x3], $0x20, s16, s15, $0xb8;
	[tilespmem:$0x8AA0] =	vst v63  }
0x14f: {  	_ =	swait.ge [sflag:s13], $0x400  }
0x150: {  	[sflag:s13] =	ssyncset.done $0x0  }
0x151: {  	s22 =	sadd.s32 $0x9C800, s22;
	[sflag:s13] =	ssyncadd.s32 $0xFFFFFC00  }
0x152: {  	[tilespmem:s3], [sflag:$0x1] =	stream.linear.gather [hbm4b:s22+s3], $0x180, $0x38;
	[tilespmem:$0x8AA0] =	vst v63  }
0x153: {  	_ =	swait.ge [sflag:s17], $0x180  }
0x154: {  	[sflag:s17] =	ssyncset.done $0x0  }
.Ltmp0:
0x155: {  	[sflag:s17] =	ssyncadd.s32 $0xFFFFFE80;
	(pc) =	sbr.rel @p0 .LBB2_2-.Ltmp0, $4  }
0x156: {  	v5 =	vld [tilespmem:$0x290]  }
0x157: {  	v8 =	vld [tilespmem:$0x310]  }
0x158: {  	v7 =	vld [tilespmem:$0x300]  }
0x159: {  	v6 =	vld [tilespmem:$0x280]  }
0x15a: {  	_ =	sdelay $0x1  }
0x15b: {  	v8 =	vmul.u32 $0x1390, v8  }
0x15c: {  	v5 =	vsub.s32 v5, v0;
	v7 =	vmul.u32 $0x1390, v7  }
0x15d: {  	vm0 =	vlt.u32 v5, $0x1388;
	v6 =	vsub.s32 v6, v0;
	v5 =	vadd.s32 v5, v8  }
0x15e: {  	vm1 =	vlt.u32 v6, $0x1388;
	v6 =	vadd.s32 v6, v7;
	v5 =	vsel vm0, v5, v4  }
0x15f: {  	v6 =	vsel vm1, v6, v3;
	[tilespmem:$0x490] =	vst v5  }
0x160: {  	[tilespmem:$0x480] =	vst v6  }
0x161: {  	[spmem:s2] =	stream.indirect.scatter.add.f32 [tilespmem:s12], [sflag:$0x3], $0x20, s18, s15, $0xb8;
	[tilespmem:$0x8AA0] =	vst v63  }
0x162: {  	_ =	swait.ge [sflag:s13], $0x400  }
0x163: {  	[sflag:s13] =	ssyncset.done $0x0  }
0x164: {  	[sflag:s13] =	ssyncadd.s32 $0xFFFFFC00  }
0x165: {  	[tilespmem:s4], [sflag:$0x2] =	stream.linear.gather [hbm4b:s24+s3], $0x180, $0x38;
	[tilespmem:$0x8AA0] =	vst v63  }
0x166: {  	_ =	swait.ge [sflag:s14], $0x180  }
0x167: {  	[sflag:s14] =	ssyncset.done $0x0  }
0x168: {  	[sflag:s14] =	ssyncadd.s32 $0xFFFFFE80  }
0x169: {  	v5 =	vld [tilespmem:$0x80]  }
0x16a: {  	v6 =	vld [tilespmem:$0x100]  }
0x16b: {  	v7 =	vld [tilespmem:$0x110]  }
0x16c: {  	v62 =	vld [tilespmem:$0x90];
	_ =	sdelay $0x2  }
0x16d: {  	v6 =	vmul.u32 $0x1390, v6  }
0x16e: {  	v5 =	vsub.s32 v5, v0;
	v7 =	vmul.u32 $0x1390, v7  }
0x16f: {  	vm12 =	vlt.u32 v5, $0x1388;
	v5 =	vadd.s32 v5, v6;
	v6 =	vsub.s32 v62, v0  }
0x170: {  	v5 =	vsel vm12, v5, v3;
	vm13 =	vlt.u32 v6, $0x1388;
	v6 =	vadd.s32 v6, v7  }
0x171: {  	[tilespmem:$0x400] =	vst v5;
	v5 =	vsel vm13, v6, v4  }
0x172: {  	[tilespmem:$0x410] =	vst v5  }
0x173: {  	[spmem:s2] =	stream.indirect.scatter.add.f32 [tilespmem:s12], [sflag:$0x3], $0x20, s16, s15, $0xb8;
	[tilespmem:$0x8AA0] =	vst v63  }
0x174: {  	_ =	swait.ge [sflag:s13], $0x400  }
0x175: {  	[sflag:s13] =	ssyncset.done $0x0  }
0x176: {  	[sflag:s13] =	ssyncadd.s32 $0xFFFFFC00  }
0x177: {  	[tilespmem:s3], [sflag:$0x1] =	stream.linear.gather [hbm4b:s24+s3], $0x180, $0x38;
	[tilespmem:$0x8AA0] =	vst v63  }
0x178: {  	_ =	swait.ge [sflag:s17], $0x180  }
0x179: {  	[sflag:s17] =	ssyncset.done $0x0  }
0x17a: {  	[sflag:s17] =	ssyncadd.s32 $0xFFFFFE80  }
0x17b: {  	v5 =	vld [tilespmem:$0x280]  }
0x17c: {  	v6 =	vld [tilespmem:$0x300]  }
0x17d: {  	v7 =	vld [tilespmem:$0x310]  }
0x17e: {  	v63 =	vld [tilespmem:$0x290];
	_ =	sdelay $0x2  }
0x17f: {  	v6 =	vmul.u32 $0x1390, v6  }
0x180: {  	v5 =	vsub.s32 v5, v0;
	v7 =	vmul.u32 $0x1390, v7  }
0x181: {  	vm14 =	vlt.u32 v5, $0x1388;
	v5 =	vadd.s32 v5, v6;
	v6 =	vsub.s32 v63, v0  }
0x182: {  	v5 =	vsel vm14, v5, v3;
	vm15 =	vlt.u32 v6, $0x1388;
	v6 =	vadd.s32 v6, v7  }
0x183: {  	[tilespmem:$0x480] =	vst v5;
	v5 =	vsel vm15, v6, v4  }
0x184: {  	[tilespmem:$0x490] =	vst v5  }
0x185: {  	[spmem:s2] =	stream.indirect.scatter.add.f32 [tilespmem:s12], [sflag:$0x3], $0x20, s18, s15, $0xb8;
	[tilespmem:$0x8AA0] =	vst v63  }
0x186: {  	_ =	swait.ge [sflag:s13], $0x400  }
0x187: {  	[sflag:s13] =	ssyncset.done $0x0  }
0x188: {  	[sflag:s13] =	ssyncadd.s32 $0xFFFFFC00  }
0x189: {  	_ =	swait.ge [sflag:s14], $0x180  }
0x18a: {  	[sflag:s14] =	ssyncset.done $0x0  }
0x18b: {  	[sflag:s14] =	ssyncadd.s32 $0xFFFFFE80  }
0x18c: {  	[bflag:$0x0] =	sbarrier.arrive $0xFFFF  }
0x18d: {  	s20 =	rddreg [dreg:$0x3]  }
0x18e: {  	s22 =	sshrl.u32 s5, $0x3;
	s23 =	rddreg [dreg:$0x13];
	s20 =	sor.u32 $0x1C03, s20  }
0x18f: {  	[hbm:s23], [sflag:s20] =	dma.local [spmem:s22], $0x3B00  }
0x190: {  	_ =	swait.ge [sflag:s13], $0x3B00  }
0x191: {  	s19 =	sadd.s32 $0x1, s19;
	s23 =	rddreg [dreg:$0x14]  }
0x192: {  	p0 =	sne.s32 s19, s23  }
.Ltmp1:
0x193: {  	_ = 	snop;
	(pc) =	sbr.rel @p0 .LBB2_1-.Ltmp1, $3  }
0x194: {  	_ =	sdelay $0x1  }
0x195: {  	[sflag:s13] =	ssyncset.done $0x0  }
0x196: {  	[sflag:s13] =	ssyncadd.s32 $0xFFFFC500  }
0x197: {  	_ =	sfence.sel $0x180000  }
0x198: {  	[bflag:$0x0] =	sbarrier.arrive $0xFFFF  }
0x199: {  	_ =	strace $0x90000047  }
0x19a: {  	s0 =	stileid.u32;
	[bflag:$0x2] =	sbarrier.arrive $0xFFFF  }
0x19b: {  	p0 =	sne.s32 s0, $0x0;
	s0 =	rddreg [dreg:$0x2]  }
0x19c: {  	s0 =	sadd.s32 @!p0 $0x100000, s0  }
0x19d: {  	[sflag:s0] =	ssyncadd.tile.s32 @!p0 $0x1;
	_ =	shalt  }
.Lfunc_end2:
_tile_overlayer_lowered:
.L_overlay_start_2:
0x19e: {  	(tag) =	ssettag $0x2  }
0x19f: {  	s0 =	rddreg [dreg:$0x0];
	s2 =	stileid.u32  }
0x1a0: {  	s1 =	rddreg [dreg:$0x1];
	p0 =	sne.s32 s2, $0x0  }
0x1a1: {  	s3 =	rddreg [dreg:$0x2];
	[bflag:$0x3] =	sbarrier.arrive $0xFFFF;
	s2 =	simm.s32 @!p0 $0x1C03  }
0x1a2: {  	[timem:s3], [sflag:s2] =	dma.local @!p0 [hbm:s0], s1  }
0x1a3: {  	s0 =	simm.s32 @!p0 $0x3  }
0x1a4: {  	_ =	swait.ge @!p0 [sflag:s0], s1  }
0x1a5: {  	s1 =	ssub.s32 @!p0 $0x0, s1;
	[sflag:s0] =	ssyncset.done @!p0 $0x0  }
0x1a6: {  	[sflag:s0] =	ssyncadd.s32 @!p0 s1  }
0x1a7: {  	[bflag:$0x3] =	sbarrier.arrive $0xFFFF  }
0x1a8: {  	_ =	shalt  }

</sc_bundles>
